<compile_context>
chip_gen: v7x
topology: tpu7x:2x2x1
jax: 0.10.2.dev20260603
libtpu: 0.0.44.dev20260713+nightly
codegen_flags: <defaults>
</compile_context>

<pallas_src>
import jax
import jax.numpy as jnp
from jax import lax
from jax.experimental import pallas as pl
from jax.experimental.pallas import tpu as pltpu
from jax.experimental.pallas import tpu_sc as plsc

D = 64
PD = 128
NEGS = 20
NW = 32
C = 16
NCH = 32
BPW = C * NCH
LANES = 16


def _sc_body(wc_hbm, wx_hbm, cen_hbm, ctx_hbm, neg_hbm, pos_hbm, negd_hbm,
             ci_v, xi_v, ni_v, vbuf, ubuf, nbuf, posb, negb, sem0, sem1):
  wid = lax.axis_index("s") * 2 + lax.axis_index("c")
  sems = (sem0, sem1)

  pltpu.sync_copy(cen_hbm.at[wid], ci_v)
  pltpu.sync_copy(ctx_hbm.at[wid], xi_v)
  pltpu.sync_copy(neg_hbm.at[wid], ni_v)

  def fire(c, s):
    sem = sems[s]
    g = c // 8
    off = (c % 8) * C
    pltpu.async_copy(wc_hbm.at[ci_v.at[g, pl.ds(off, C)]], vbuf.at[s], sem)
    pltpu.async_copy(wx_hbm.at[xi_v.at[g, pl.ds(off, C)]], ubuf.at[s], sem)
    for n in range(NEGS):
      pltpu.async_copy(wx_hbm.at[ni_v.at[n, g, pl.ds(off, C)]], nbuf.at[s, n], sem)

  def drain(s):
    sem = sems[s]
    dummy = wc_hbm.at[pl.ds(0, C)]
    pltpu.make_async_copy(dummy, vbuf.at[s], sem).wait()
    pltpu.make_async_copy(dummy, ubuf.at[s], sem).wait()
    for n in range(NEGS):
      pltpu.make_async_copy(dummy, nbuf.at[s, n], sem).wait()

  def compute(c, s):
    def bbody(b, carry):
      accp = jnp.zeros((LANES,), jnp.float32)
      accn = jnp.zeros((LANES,), jnp.float32)
      for j in range(D // LANES):
        sl = pl.ds(j * LANES, LANES)
        vj = vbuf[s, b, sl]
        accp = accp + vj * ubuf[s, b, sl]
        sn = nbuf[s, 0, b, sl]
        for n in range(1, NEGS):
          sn = sn + nbuf[s, n, b, sl]
        accn = accn + vj * sn
      p = c * C + b
      row = p // 8
      col = (p % 8) * LANES
      posb[row, pl.ds(col, LANES)] = accp
      negb[row, pl.ds(col, LANES)] = accn
      return carry
    lax.fori_loop(0, C, bbody, 0)

  fire(0, 0)

  def outer(g, carry):
    for s in (0, 1):
      c = 2 * g + s

      @pl.when(c + 1 < NCH)
      def _():
        fire(c + 1, 1 - s)

      drain(s)
      compute(c, s)
    return carry

  lax.fori_loop(0, NCH // 2, outer, 0)

  pltpu.sync_copy(posb, pos_hbm.at[wid])
  pltpu.sync_copy(negb, negd_hbm.at[wid])


def _make_sc():
  return pl.kernel(
      _sc_body,
      out_type=(
          jax.ShapeDtypeStruct((NW, BPW // 8, 128), jnp.float32),
          jax.ShapeDtypeStruct((NW, BPW // 8, 128), jnp.float32),
      ),
      mesh=plsc.VectorSubcoreMesh(
          core_axis_name="c", subcore_axis_name="s",
          num_cores=2, num_subcores=16),
      compiler_params=pltpu.CompilerParams(use_tc_tiling_on_sc=True),
      scratch_types=[
          pltpu.VMEM((4, 128), jnp.int32),
          pltpu.VMEM((4, 128), jnp.int32),
          pltpu.VMEM((NEGS, 4, 128), jnp.int32),
          pltpu.VMEM((2, C, PD), jnp.float32),
          pltpu.VMEM((2, C, PD), jnp.float32),
          pltpu.VMEM((2, NEGS, C, PD), jnp.float32),
          pltpu.VMEM((BPW // 8, 128), jnp.float32),
          pltpu.VMEM((BPW // 8, 128), jnp.float32),
          pltpu.SemaphoreType.DMA,
          pltpu.SemaphoreType.DMA,
      ],
  )


def _logsig(x):
  return jnp.minimum(x, 0.0) - jnp.log1p(jnp.exp(-jnp.abs(x)))


def _tc_body(p_ref, n_ref, o_ref):
  p = jnp.sum(p_ref[...], axis=1, keepdims=True)
  n = jnp.sum(n_ref[...], axis=1, keepdims=True)
  loss = _logsig(p) + _logsig(-n)
  o_ref[0, 0] = -jnp.sum(loss) / float(loss.size)


def kernel(center_input, context_output, negative_samples, W_center, W_context):
  B = center_input.shape[0]
  cen = center_input.astype(jnp.int32).reshape(NW, 4, 128)
  ctx = context_output.astype(jnp.int32).reshape(NW, 4, 128)
  neg = negative_samples.astype(jnp.int32).reshape(NW, 4, 128, NEGS)
  neg = neg.transpose(0, 3, 1, 2)

  wc2 = jnp.pad(W_center, ((0, 0), (0, 128 - D)))
  wx2 = jnp.pad(W_context, ((0, 0), (0, 128 - D)))
  pos_d, neg_d = _make_sc()(wc2, wx2, cen, ctx, neg)

  out = pl.pallas_call(
      _tc_body,
      out_shape=jax.ShapeDtypeStruct((1, 1), jnp.float32),
      out_specs=pl.BlockSpec(memory_space=pltpu.SMEM),
  )(pos_d.reshape(B, LANES), neg_d.reshape(B, LANES))
  return out[0, 0]

# --- scband reference (transcript-rebuilt; emitter-appended) ---
"""Pipeline reference for scband-skip-gram-69415261438071 (READ-ONLY COPY).

The authoritative reference and input builder live on the scoring server;
editing this copy changes nothing except your own understanding.
"""

import jax, jax.numpy as jnp
import numpy as np

VOCAB = 1000000
DIM = 64
BATCH = 16384
NEG = 20


def setup_inputs(seed: int = 0) -> dict:
    key = jax.random.key(seed)
    k1, k2, k3, k4, k5 = jax.random.split(key, 5)
    center_input = jax.random.randint(k1, (BATCH,), 0, VOCAB, dtype=jnp.int64) if jax.config.jax_enable_x64 else jax.random.randint(k1, (BATCH,), 0, VOCAB).astype(jnp.int32)
    context_output = jax.random.randint(k2, (BATCH,), 0, VOCAB).astype(center_input.dtype)
    negative_samples = jax.random.randint(k3, (BATCH, NEG), 0, VOCAB).astype(center_input.dtype)
    initrange = 0.5 / DIM
    W_center = jax.random.uniform(k4, (VOCAB, DIM), dtype=jnp.float32, minval=-initrange, maxval=initrange)
    W_context = jax.random.uniform(k5, (VOCAB, DIM), dtype=jnp.float32, minval=-initrange, maxval=initrange)
    return {
        "center_input": center_input,
        "context_output": context_output,
        "negative_samples": negative_samples,
        "W_center": W_center,
        "W_context": W_context,
    }


def reference(center_input, context_output, negative_samples, W_center, W_context):
    # v = center_embeddings(center_input)  -> gather rows
    v = jnp.take(W_center, center_input, axis=0)            # [B, D]
    # u = context_embeddings(context_output)
    u = jnp.take(W_context, context_output, axis=0)         # [B, D]
    pos_val = jax.nn.log_sigmoid(jnp.sum(u * v, axis=1))    # [B]
    # u_negative = context_embeddings(negative_samples)
    u_neg = jnp.take(W_context, negative_samples, axis=0)   # [B, N, D]
    # bmm(u_neg, v.unsqueeze(2)).squeeze(2)
    neg_vals = jnp.einsum("bnd,bd->bn", u_neg, v)           # [B, N]
    neg_val = jax.nn.log_sigmoid(-jnp.sum(neg_vals, axis=1))  # [B]
    loss = pos_val + neg_val
    return -jnp.mean(loss)

if __name__ == "__main__":
    import jax
    _d = setup_inputs()
    print(jax.jit(kernel)(*tuple(_d.values())))

</pallas_src>

<mosaic_0001>
#map = affine_map<(d0, d1) -> (0, 0)>
#map1 = affine_map<(d0, d1) -> (0, 0, 0)>
#map2 = affine_map<(d0, d1) -> (0, 0, 0, 0)>
module attributes {stable_mosaic.version = 14 : i64} {
  func.func @_sc_body(%arg0: i32, %arg1: i32, %arg2: memref<1000000x128xf32, #tpu.memory_space<hbm>>, %arg3: memref<1000000x128xf32, #tpu.memory_space<hbm>>, %arg4: memref<32x4x128xi32, #tpu.memory_space<hbm>>, %arg5: memref<32x4x128xi32, #tpu.memory_space<hbm>>, %arg6: memref<32x20x4x128xi32, #tpu.memory_space<hbm>>, %arg7: memref<32x64x128xf32, #tpu.memory_space<hbm>>, %arg8: memref<32x64x128xf32, #tpu.memory_space<hbm>>, %arg9: memref<4x128xi32, #tpu.memory_space<vmem>>, %arg10: memref<4x128xi32, #tpu.memory_space<vmem>>, %arg11: memref<20x4x128xi32, #tpu.memory_space<vmem>>, %arg12: memref<2x16x128xf32, #tpu.memory_space<vmem>>, %arg13: memref<2x16x128xf32, #tpu.memory_space<vmem>>, %arg14: memref<2x20x16x128xf32, #tpu.memory_space<vmem>>, %arg15: memref<64x128xf32, #tpu.memory_space<vmem>>, %arg16: memref<64x128xf32, #tpu.memory_space<vmem>>, %arg17: memref<!tpu.dma_semaphore, #tpu.memory_space<semaphore_mem>>, %arg18: memref<!tpu.dma_semaphore, #tpu.memory_space<semaphore_mem>>) attributes {dimension_semantics = [#tpu.dimension_semantics<core_parallel>, #tpu.dimension_semantics<subcore_parallel>], iteration_bounds = array<i64: 2, 16>, scalar_prefetch = 0 : i64, scratch_operands = 10 : i64, tpu.core_type = #tpu.core_type<sc_vector_subcore>, window_params = [{transform_indices = #map}, {transform_indices = #map}, {transform_indices = #map1}, {transform_indices = #map1}, {transform_indices = #map2}, {transform_indices = #map1}, {transform_indices = #map1}]} {
    %mul3A = arith.constant 2 : i32
    %mul3A_0 = arith.muli %arg1, %mul3A : i32
    %add3A = arith.addi %mul3A_0, %arg0 : i32
    "tpu.region"() ({
      %run_scoped3A = tpu.sem_alloc : memref<!tpu.dma_semaphore, #tpu.memory_space<semaphore_mem>>
      %dma_start3A_309 = arith.constant 0 : i32
      %dma_start3A_310 = arith.constant 0 : i32
      %dma_start3A_311 = tpu.memref_slice %arg4[%add3A, %dma_start3A_309, %dma_start3A_310] : memref<32x4x128xi32, #tpu.memory_space<hbm>> -> memref<1x4x128xi32, #tpu.memory_space<hbm>>
      %dma_start3A_312 = tpu.memref_squeeze %dma_start3A_311 : memref<1x4x128xi32, #tpu.memory_space<hbm>> -> memref<4x128xi32, #tpu.memory_space<hbm>>
      %dma_start3A_313 = arith.constant 0 : i32
      %dma_start3A_314 = arith.constant 0 : i32
      %dma_start3A_315 = tpu.memref_slice %arg4[%add3A, %dma_start3A_313, %dma_start3A_314] : memref<32x4x128xi32, #tpu.memory_space<hbm>> -> memref<1x4x128xi32, #tpu.memory_space<hbm>>
      %dma_start3A_316 = tpu.memref_squeeze %dma_start3A_315 : memref<1x4x128xi32, #tpu.memory_space<hbm>> -> memref<4x128xi32, #tpu.memory_space<hbm>>
      tpu.enqueue_dma source(%dma_start3A_316 : memref<4x128xi32, #tpu.memory_space<hbm>>) target(%arg9 : memref<4x128xi32, #tpu.memory_space<vmem>>) target_semaphore(%run_scoped3A : memref<!tpu.dma_semaphore, #tpu.memory_space<semaphore_mem>>)
      %dma_wait3A = arith.constant 0 : i32
      %dma_wait3A_317 = arith.constant 0 : i32
      %dma_wait3A_318 = tpu.memref_slice %arg4[%add3A, %dma_wait3A, %dma_wait3A_317] : memref<32x4x128xi32, #tpu.memory_space<hbm>> -> memref<1x4x128xi32, #tpu.memory_space<hbm>>
      %dma_wait3A_319 = tpu.memref_squeeze %dma_wait3A_318 : memref<1x4x128xi32, #tpu.memory_space<hbm>> -> memref<4x128xi32, #tpu.memory_space<hbm>>
      %dma_wait3A_320 = arith.constant 0 : i32
      %dma_wait3A_321 = arith.constant 0 : i32
      %dma_wait3A_322 = tpu.memref_slice %arg4[%add3A, %dma_wait3A_320, %dma_wait3A_321] : memref<32x4x128xi32, #tpu.memory_space<hbm>> -> memref<1x4x128xi32, #tpu.memory_space<hbm>>
      %dma_wait3A_323 = tpu.memref_squeeze %dma_wait3A_322 : memref<1x4x128xi32, #tpu.memory_space<hbm>> -> memref<4x128xi32, #tpu.memory_space<hbm>>
      tpu.wait_dma2 semaphore(%run_scoped3A : memref<!tpu.dma_semaphore, #tpu.memory_space<semaphore_mem>>) src(%dma_wait3A_323 : memref<4x128xi32, #tpu.memory_space<hbm>>) dst(%arg9 : memref<4x128xi32, #tpu.memory_space<vmem>>)
      tpu.yield
    }) : () -> ()
    "tpu.region"() ({
      %run_scoped3A = tpu.sem_alloc : memref<!tpu.dma_semaphore, #tpu.memory_space<semaphore_mem>>
      %dma_start3A_309 = arith.constant 0 : i32
      %dma_start3A_310 = arith.constant 0 : i32
      %dma_start3A_311 = tpu.memref_slice %arg5[%add3A, %dma_start3A_309, %dma_start3A_310] : memref<32x4x128xi32, #tpu.memory_space<hbm>> -> memref<1x4x128xi32, #tpu.memory_space<hbm>>
      %dma_start3A_312 = tpu.memref_squeeze %dma_start3A_311 : memref<1x4x128xi32, #tpu.memory_space<hbm>> -> memref<4x128xi32, #tpu.memory_space<hbm>>
      %dma_start3A_313 = arith.constant 0 : i32
      %dma_start3A_314 = arith.constant 0 : i32
      %dma_start3A_315 = tpu.memref_slice %arg5[%add3A, %dma_start3A_313, %dma_start3A_314] : memref<32x4x128xi32, #tpu.memory_space<hbm>> -> memref<1x4x128xi32, #tpu.memory_space<hbm>>
      %dma_start3A_316 = tpu.memref_squeeze %dma_start3A_315 : memref<1x4x128xi32, #tpu.memory_space<hbm>> -> memref<4x128xi32, #tpu.memory_space<hbm>>
      tpu.enqueue_dma source(%dma_start3A_316 : memref<4x128xi32, #tpu.memory_space<hbm>>) target(%arg10 : memref<4x128xi32, #tpu.memory_space<vmem>>) target_semaphore(%run_scoped3A : memref<!tpu.dma_semaphore, #tpu.memory_space<semaphore_mem>>)
      %dma_wait3A = arith.constant 0 : i32
      %dma_wait3A_317 = arith.constant 0 : i32
      %dma_wait3A_318 = tpu.memref_slice %arg5[%add3A, %dma_wait3A, %dma_wait3A_317] : memref<32x4x128xi32, #tpu.memory_space<hbm>> -> memref<1x4x128xi32, #tpu.memory_space<hbm>>
      %dma_wait3A_319 = tpu.memref_squeeze %dma_wait3A_318 : memref<1x4x128xi32, #tpu.memory_space<hbm>> -> memref<4x128xi32, #tpu.memory_space<hbm>>
      %dma_wait3A_320 = arith.constant 0 : i32
      %dma_wait3A_321 = arith.constant 0 : i32
      %dma_wait3A_322 = tpu.memref_slice %arg5[%add3A, %dma_wait3A_320, %dma_wait3A_321] : memref<32x4x128xi32, #tpu.memory_space<hbm>> -> memref<1x4x128xi32, #tpu.memory_space<hbm>>
      %dma_wait3A_323 = tpu.memref_squeeze %dma_wait3A_322 : memref<1x4x128xi32, #tpu.memory_space<hbm>> -> memref<4x128xi32, #tpu.memory_space<hbm>>
      tpu.wait_dma2 semaphore(%run_scoped3A : memref<!tpu.dma_semaphore, #tpu.memory_space<semaphore_mem>>) src(%dma_wait3A_323 : memref<4x128xi32, #tpu.memory_space<hbm>>) dst(%arg10 : memref<4x128xi32, #tpu.memory_space<vmem>>)
      tpu.yield
    }) : () -> ()
    "tpu.region"() ({
      %run_scoped3A = tpu.sem_alloc : memref<!tpu.dma_semaphore, #tpu.memory_space<semaphore_mem>>
      %dma_start3A_309 = arith.constant 0 : i32
      %dma_start3A_310 = arith.constant 0 : i32
      %dma_start3A_311 = arith.constant 0 : i32
      %dma_start3A_312 = tpu.memref_slice %arg6[%add3A, %dma_start3A_309, %dma_start3A_310, %dma_start3A_311] : memref<32x20x4x128xi32, #tpu.memory_space<hbm>> -> memref<1x20x4x128xi32, #tpu.memory_space<hbm>>
      %dma_start3A_313 = tpu.memref_squeeze %dma_start3A_312 : memref<1x20x4x128xi32, #tpu.memory_space<hbm>> -> memref<20x4x128xi32, #tpu.memory_space<hbm>>
      %dma_start3A_314 = arith.constant 0 : i32
      %dma_start3A_315 = arith.constant 0 : i32
      %dma_start3A_316 = arith.constant 0 : i32
      %dma_start3A_317 = tpu.memref_slice %arg6[%add3A, %dma_start3A_314, %dma_start3A_315, %dma_start3A_316] : memref<32x20x4x128xi32, #tpu.memory_space<hbm>> -> memref<1x20x4x128xi32, #tpu.memory_space<hbm>>
      %dma_start3A_318 = tpu.memref_squeeze %dma_start3A_317 : memref<1x20x4x128xi32, #tpu.memory_space<hbm>> -> memref<20x4x128xi32, #tpu.memory_space<hbm>>
      tpu.enqueue_dma source(%dma_start3A_318 : memref<20x4x128xi32, #tpu.memory_space<hbm>>) target(%arg11 : memref<20x4x128xi32, #tpu.memory_space<vmem>>) target_semaphore(%run_scoped3A : memref<!tpu.dma_semaphore, #tpu.memory_space<semaphore_mem>>)
      %dma_wait3A = arith.constant 0 : i32
      %dma_wait3A_319 = arith.constant 0 : i32
      %dma_wait3A_320 = arith.constant 0 : i32
      %dma_wait3A_321 = tpu.memref_slice %arg6[%add3A, %dma_wait3A, %dma_wait3A_319, %dma_wait3A_320] : memref<32x20x4x128xi32, #tpu.memory_space<hbm>> -> memref<1x20x4x128xi32, #tpu.memory_space<hbm>>
      %dma_wait3A_322 = tpu.memref_squeeze %dma_wait3A_321 : memref<1x20x4x128xi32, #tpu.memory_space<hbm>> -> memref<20x4x128xi32, #tpu.memory_space<hbm>>
      %dma_wait3A_323 = arith.constant 0 : i32
      %dma_wait3A_324 = arith.constant 0 : i32
      %dma_wait3A_325 = arith.constant 0 : i32
      %dma_wait3A_326 = tpu.memref_slice %arg6[%add3A, %dma_wait3A_323, %dma_wait3A_324, %dma_wait3A_325] : memref<32x20x4x128xi32, #tpu.memory_space<hbm>> -> memref<1x20x4x128xi32, #tpu.memory_space<hbm>>
      %dma_wait3A_327 = tpu.memref_squeeze %dma_wait3A_326 : memref<1x20x4x128xi32, #tpu.memory_space<hbm>> -> memref<20x4x128xi32, #tpu.memory_space<hbm>>
      tpu.wait_dma2 semaphore(%run_scoped3A : memref<!tpu.dma_semaphore, #tpu.memory_space<semaphore_mem>>) src(%dma_wait3A_327 : memref<20x4x128xi32, #tpu.memory_space<hbm>>) dst(%arg11 : memref<20x4x128xi32, #tpu.memory_space<vmem>>)
      tpu.yield
    }) : () -> ()
    %dma_start3A = arith.constant 0 : i32
    %dma_start3A_1 = arith.constant 0 : i32
    %dma_start3A_2 = arith.constant 0 : i32
    %dma_start3A_3 = arith.constant 0 : i32
    %dma_start3A_4 = tpu.memref_slice %arg12[%dma_start3A_1, %dma_start3A_2, %dma_start3A_3] : memref<2x16x128xf32, #tpu.memory_space<vmem>> -> memref<1x16x128xf32, #tpu.memory_space<vmem>>
    %dma_start3A_5 = tpu.memref_squeeze %dma_start3A_4 : memref<1x16x128xf32, #tpu.memory_space<vmem>> -> memref<16x128xf32, #tpu.memory_space<vmem>>
    %dma_start3A_6 = arith.constant 0 : i32
    %dma_start3A_7 = tpu.memref_slice %arg9[%dma_start3A, %dma_start3A_6] : memref<4x128xi32, #tpu.memory_space<vmem>> -> memref<1x16xi32, #tpu.memory_space<vmem>>
    %dma_start3A_8 = tpu.memref_squeeze %dma_start3A_7 : memref<1x16xi32, #tpu.memory_space<vmem>> -> memref<16xi32, #tpu.memory_space<vmem>>
    %dma_start3A_9 = arith.constant 0 : i32
    %dma_start3A_10 = arith.constant 0 : i32
    %dma_start3A_11 = tpu.memref_slice %arg2[%dma_start3A_9, %dma_start3A_10] : memref<1000000x128xf32, #tpu.memory_space<hbm>> -> memref<1000000x128xf32, #tpu.memory_space<hbm>>
    tpu.enqueue_indirect_dma source(%dma_start3A_11 : memref<1000000x128xf32, #tpu.memory_space<hbm>>) target(%dma_start3A_5 : memref<16x128xf32, #tpu.memory_space<vmem>>) offsets(%dma_start3A_8 : memref<16xi32, #tpu.memory_space<vmem>>) semaphore(%arg17 : memref<!tpu.dma_semaphore, #tpu.memory_space<semaphore_mem>>)
    %dma_start3A_12 = arith.constant 0 : i32
    %dma_start3A_13 = arith.constant 0 : i32
    %dma_start3A_14 = arith.constant 0 : i32
    %dma_start3A_15 = arith.constant 0 : i32
    %dma_start3A_16 = tpu.memref_slice %arg13[%dma_start3A_13, %dma_start3A_14, %dma_start3A_15] : memref<2x16x128xf32, #tpu.memory_space<vmem>> -> memref<1x16x128xf32, #tpu.memory_space<vmem>>
    %dma_start3A_17 = tpu.memref_squeeze %dma_start3A_16 : memref<1x16x128xf32, #tpu.memory_space<vmem>> -> memref<16x128xf32, #tpu.memory_space<vmem>>
    %dma_start3A_18 = arith.constant 0 : i32
    %dma_start3A_19 = tpu.memref_slice %arg10[%dma_start3A_12, %dma_start3A_18] : memref<4x128xi32, #tpu.memory_space<vmem>> -> memref<1x16xi32, #tpu.memory_space<vmem>>
    %dma_start3A_20 = tpu.memref_squeeze %dma_start3A_19 : memref<1x16xi32, #tpu.memory_space<vmem>> -> memref<16xi32, #tpu.memory_space<vmem>>
    %dma_start3A_21 = arith.constant 0 : i32
    %dma_start3A_22 = arith.constant 0 : i32
    %dma_start3A_23 = tpu.memref_slice %arg3[%dma_start3A_21, %dma_start3A_22] : memref<1000000x128xf32, #tpu.memory_space<hbm>> -> memref<1000000x128xf32, #tpu.memory_space<hbm>>
    tpu.enqueue_indirect_dma source(%dma_start3A_23 : memref<1000000x128xf32, #tpu.memory_space<hbm>>) target(%dma_start3A_17 : memref<16x128xf32, #tpu.memory_space<vmem>>) offsets(%dma_start3A_20 : memref<16xi32, #tpu.memory_space<vmem>>) semaphore(%arg17 : memref<!tpu.dma_semaphore, #tpu.memory_space<semaphore_mem>>)
    %dma_start3A_24 = arith.constant 0 : i32
    %dma_start3A_25 = arith.constant 0 : i32
    %dma_start3A_26 = arith.constant 0 : i32
    %dma_start3A_27 = arith.constant 0 : i32
    %dma_start3A_28 = arith.constant 0 : i32
    %dma_start3A_29 = arith.constant 0 : i32
    %dma_start3A_30 = tpu.memref_slice %arg14[%dma_start3A_26, %dma_start3A_27, %dma_start3A_28, %dma_start3A_29] : memref<2x20x16x128xf32, #tpu.memory_space<vmem>> -> memref<1x1x16x128xf32, #tpu.memory_space<vmem>>
    %dma_start3A_31 = tpu.memref_squeeze %dma_start3A_30 : memref<1x1x16x128xf32, #tpu.memory_space<vmem>> -> memref<16x128xf32, #tpu.memory_space<vmem>>
    %dma_start3A_32 = arith.constant 0 : i32
    %dma_start3A_33 = tpu.memref_slice %arg11[%dma_start3A_24, %dma_start3A_25, %dma_start3A_32] : memref<20x4x128xi32, #tpu.memory_space<vmem>> -> memref<1x1x16xi32, #tpu.memory_space<vmem>>
    %dma_start3A_34 = tpu.memref_squeeze %dma_start3A_33 : memref<1x1x16xi32, #tpu.memory_space<vmem>> -> memref<16xi32, #tpu.memory_space<vmem>>
    %dma_start3A_35 = arith.constant 0 : i32
    %dma_start3A_36 = arith.constant 0 : i32
    %dma_start3A_37 = tpu.memref_slice %arg3[%dma_start3A_35, %dma_start3A_36] : memref<1000000x128xf32, #tpu.memory_space<hbm>> -> memref<1000000x128xf32, #tpu.memory_space<hbm>>
    tpu.enqueue_indirect_dma source(%dma_start3A_37 : memref<1000000x128xf32, #tpu.memory_space<hbm>>) target(%dma_start3A_31 : memref<16x128xf32, #tpu.memory_space<vmem>>) offsets(%dma_start3A_34 : memref<16xi32, #tpu.memory_space<vmem>>) semaphore(%arg17 : memref<!tpu.dma_semaphore, #tpu.memory_space<semaphore_mem>>)
    %dma_start3A_38 = arith.constant 1 : i32
    %dma_start3A_39 = arith.constant 0 : i32
    %dma_start3A_40 = arith.constant 0 : i32
    %dma_start3A_41 = arith.constant 1 : i32
    %dma_start3A_42 = arith.constant 0 : i32
    %dma_start3A_43 = arith.constant 0 : i32
    %dma_start3A_44 = tpu.memref_slice %arg14[%dma_start3A_40, %dma_start3A_41, %dma_start3A_42, %dma_start3A_43] : memref<2x20x16x128xf32, #tpu.memory_space<vmem>> -> memref<1x1x16x128xf32, #tpu.memory_space<vmem>>
    %dma_start3A_45 = tpu.memref_squeeze %dma_start3A_44 : memref<1x1x16x128xf32, #tpu.memory_space<vmem>> -> memref<16x128xf32, #tpu.memory_space<vmem>>
    %dma_start3A_46 = arith.constant 0 : i32
    %dma_start3A_47 = tpu.memref_slice %arg11[%dma_start3A_38, %dma_start3A_39, %dma_start3A_46] : memref<20x4x128xi32, #tpu.memory_space<vmem>> -> memref<1x1x16xi32, #tpu.memory_space<vmem>>
    %dma_start3A_48 = tpu.memref_squeeze %dma_start3A_47 : memref<1x1x16xi32, #tpu.memory_space<vmem>> -> memref<16xi32, #tpu.memory_space<vmem>>
    %dma_start3A_49 = arith.constant 0 : i32
    %dma_start3A_50 = arith.constant 0 : i32
    %dma_start3A_51 = tpu.memref_slice %arg3[%dma_start3A_49, %dma_start3A_50] : memref<1000000x128xf32, #tpu.memory_space<hbm>> -> memref<1000000x128xf32, #tpu.memory_space<hbm>>
    tpu.enqueue_indirect_dma source(%dma_start3A_51 : memref<1000000x128xf32, #tpu.memory_space<hbm>>) target(%dma_start3A_45 : memref<16x128xf32, #tpu.memory_space<vmem>>) offsets(%dma_start3A_48 : memref<16xi32, #tpu.memory_space<vmem>>) semaphore(%arg17 : memref<!tpu.dma_semaphore, #tpu.memory_space<semaphore_mem>>)
    %dma_start3A_52 = arith.constant 2 : i32
    %dma_start3A_53 = arith.constant 0 : i32
    %dma_start3A_54 = arith.constant 0 : i32
    %dma_start3A_55 = arith.constant 2 : i32
    %dma_start3A_56 = arith.constant 0 : i32
    %dma_start3A_57 = arith.constant 0 : i32
    %dma_start3A_58 = tpu.memref_slice %arg14[%dma_start3A_54, %dma_start3A_55, %dma_start3A_56, %dma_start3A_57] : memref<2x20x16x128xf32, #tpu.memory_space<vmem>> -> memref<1x1x16x128xf32, #tpu.memory_space<vmem>>
    %dma_start3A_59 = tpu.memref_squeeze %dma_start3A_58 : memref<1x1x16x128xf32, #tpu.memory_space<vmem>> -> memref<16x128xf32, #tpu.memory_space<vmem>>
    %dma_start3A_60 = arith.constant 0 : i32
    %dma_start3A_61 = tpu.memref_slice %arg11[%dma_start3A_52, %dma_start3A_53, %dma_start3A_60] : memref<20x4x128xi32, #tpu.memory_space<vmem>> -> memref<1x1x16xi32, #tpu.memory_space<vmem>>
    %dma_start3A_62 = tpu.memref_squeeze %dma_start3A_61 : memref<1x1x16xi32, #tpu.memory_space<vmem>> -> memref<16xi32, #tpu.memory_space<vmem>>
    %dma_start3A_63 = arith.constant 0 : i32
    %dma_start3A_64 = arith.constant 0 : i32
    %dma_start3A_65 = tpu.memref_slice %arg3[%dma_start3A_63, %dma_start3A_64] : memref<1000000x128xf32, #tpu.memory_space<hbm>> -> memref<1000000x128xf32, #tpu.memory_space<hbm>>
    tpu.enqueue_indirect_dma source(%dma_start3A_65 : memref<1000000x128xf32, #tpu.memory_space<hbm>>) target(%dma_start3A_59 : memref<16x128xf32, #tpu.memory_space<vmem>>) offsets(%dma_start3A_62 : memref<16xi32, #tpu.memory_space<vmem>>) semaphore(%arg17 : memref<!tpu.dma_semaphore, #tpu.memory_space<semaphore_mem>>)
    %dma_start3A_66 = arith.constant 3 : i32
    %dma_start3A_67 = arith.constant 0 : i32
    %dma_start3A_68 = arith.constant 0 : i32
    %dma_start3A_69 = arith.constant 3 : i32
    %dma_start3A_70 = arith.constant 0 : i32
    %dma_start3A_71 = arith.constant 0 : i32
    %dma_start3A_72 = tpu.memref_slice %arg14[%dma_start3A_68, %dma_start3A_69, %dma_start3A_70, %dma_start3A_71] : memref<2x20x16x128xf32, #tpu.memory_space<vmem>> -> memref<1x1x16x128xf32, #tpu.memory_space<vmem>>
    %dma_start3A_73 = tpu.memref_squeeze %dma_start3A_72 : memref<1x1x16x128xf32, #tpu.memory_space<vmem>> -> memref<16x128xf32, #tpu.memory_space<vmem>>
    %dma_start3A_74 = arith.constant 0 : i32
    %dma_start3A_75 = tpu.memref_slice %arg11[%dma_start3A_66, %dma_start3A_67, %dma_start3A_74] : memref<20x4x128xi32, #tpu.memory_space<vmem>> -> memref<1x1x16xi32, #tpu.memory_space<vmem>>
    %dma_start3A_76 = tpu.memref_squeeze %dma_start3A_75 : memref<1x1x16xi32, #tpu.memory_space<vmem>> -> memref<16xi32, #tpu.memory_space<vmem>>
    %dma_start3A_77 = arith.constant 0 : i32
    %dma_start3A_78 = arith.constant 0 : i32
    %dma_start3A_79 = tpu.memref_slice %arg3[%dma_start3A_77, %dma_start3A_78] : memref<1000000x128xf32, #tpu.memory_space<hbm>> -> memref<1000000x128xf32, #tpu.memory_space<hbm>>
    tpu.enqueue_indirect_dma source(%dma_start3A_79 : memref<1000000x128xf32, #tpu.memory_space<hbm>>) target(%dma_start3A_73 : memref<16x128xf32, #tpu.memory_space<vmem>>) offsets(%dma_start3A_76 : memref<16xi32, #tpu.memory_space<vmem>>) semaphore(%arg17 : memref<!tpu.dma_semaphore, #tpu.memory_space<semaphore_mem>>)
    %dma_start3A_80 = arith.constant 4 : i32
    %dma_start3A_81 = arith.constant 0 : i32
    %dma_start3A_82 = arith.constant 0 : i32
    %dma_start3A_83 = arith.constant 4 : i32
    %dma_start3A_84 = arith.constant 0 : i32
    %dma_start3A_85 = arith.constant 0 : i32
    %dma_start3A_86 = tpu.memref_slice %arg14[%dma_start3A_82, %dma_start3A_83, %dma_start3A_84, %dma_start3A_85] : memref<2x20x16x128xf32, #tpu.memory_space<vmem>> -> memref<1x1x16x128xf32, #tpu.memory_space<vmem>>
    %dma_start3A_87 = tpu.memref_squeeze %dma_start3A_86 : memref<1x1x16x128xf32, #tpu.memory_space<vmem>> -> memref<16x128xf32, #tpu.memory_space<vmem>>
    %dma_start3A_88 = arith.constant 0 : i32
    %dma_start3A_89 = tpu.memref_slice %arg11[%dma_start3A_80, %dma_start3A_81, %dma_start3A_88] : memref<20x4x128xi32, #tpu.memory_space<vmem>> -> memref<1x1x16xi32, #tpu.memory_space<vmem>>
    %dma_start3A_90 = tpu.memref_squeeze %dma_start3A_89 : memref<1x1x16xi32, #tpu.memory_space<vmem>> -> memref<16xi32, #tpu.memory_space<vmem>>
    %dma_start3A_91 = arith.constant 0 : i32
    %dma_start3A_92 = arith.constant 0 : i32
    %dma_start3A_93 = tpu.memref_slice %arg3[%dma_start3A_91, %dma_start3A_92] : memref<1000000x128xf32, #tpu.memory_space<hbm>> -> memref<1000000x128xf32, #tpu.memory_space<hbm>>
    tpu.enqueue_indirect_dma source(%dma_start3A_93 : memref<1000000x128xf32, #tpu.memory_space<hbm>>) target(%dma_start3A_87 : memref<16x128xf32, #tpu.memory_space<vmem>>) offsets(%dma_start3A_90 : memref<16xi32, #tpu.memory_space<vmem>>) semaphore(%arg17 : memref<!tpu.dma_semaphore, #tpu.memory_space<semaphore_mem>>)
    %dma_start3A_94 = arith.constant 5 : i32
    %dma_start3A_95 = arith.constant 0 : i32
    %dma_start3A_96 = arith.constant 0 : i32
    %dma_start3A_97 = arith.constant 5 : i32
    %dma_start3A_98 = arith.constant 0 : i32
    %dma_start3A_99 = arith.constant 0 : i32
    %dma_start3A_100 = tpu.memref_slice %arg14[%dma_start3A_96, %dma_start3A_97, %dma_start3A_98, %dma_start3A_99] : memref<2x20x16x128xf32, #tpu.memory_space<vmem>> -> memref<1x1x16x128xf32, #tpu.memory_space<vmem>>
    %dma_start3A_101 = tpu.memref_squeeze %dma_start3A_100 : memref<1x1x16x128xf32, #tpu.memory_space<vmem>> -> memref<16x128xf32, #tpu.memory_space<vmem>>
    %dma_start3A_102 = arith.constant 0 : i32
    %dma_start3A_103 = tpu.memref_slice %arg11[%dma_start3A_94, %dma_start3A_95, %dma_start3A_102] : memref<20x4x128xi32, #tpu.memory_space<vmem>> -> memref<1x1x16xi32, #tpu.memory_space<vmem>>
    %dma_start3A_104 = tpu.memref_squeeze %dma_start3A_103 : memref<1x1x16xi32, #tpu.memory_space<vmem>> -> memref<16xi32, #tpu.memory_space<vmem>>
    %dma_start3A_105 = arith.constant 0 : i32
    %dma_start3A_106 = arith.constant 0 : i32
    %dma_start3A_107 = tpu.memref_slice %arg3[%dma_start3A_105, %dma_start3A_106] : memref<1000000x128xf32, #tpu.memory_space<hbm>> -> memref<1000000x128xf32, #tpu.memory_space<hbm>>
    tpu.enqueue_indirect_dma source(%dma_start3A_107 : memref<1000000x128xf32, #tpu.memory_space<hbm>>) target(%dma_start3A_101 : memref<16x128xf32, #tpu.memory_space<vmem>>) offsets(%dma_start3A_104 : memref<16xi32, #tpu.memory_space<vmem>>) semaphore(%arg17 : memref<!tpu.dma_semaphore, #tpu.memory_space<semaphore_mem>>)
    %dma_start3A_108 = arith.constant 6 : i32
    %dma_start3A_109 = arith.constant 0 : i32
    %dma_start3A_110 = arith.constant 0 : i32
    %dma_start3A_111 = arith.constant 6 : i32
    %dma_start3A_112 = arith.constant 0 : i32
    %dma_start3A_113 = arith.constant 0 : i32
    %dma_start3A_114 = tpu.memref_slice %arg14[%dma_start3A_110, %dma_start3A_111, %dma_start3A_112, %dma_start3A_113] : memref<2x20x16x128xf32, #tpu.memory_space<vmem>> -> memref<1x1x16x128xf32, #tpu.memory_space<vmem>>
    %dma_start3A_115 = tpu.memref_squeeze %dma_start3A_114 : memref<1x1x16x128xf32, #tpu.memory_space<vmem>> -> memref<16x128xf32, #tpu.memory_space<vmem>>
    %dma_start3A_116 = arith.constant 0 : i32
    %dma_start3A_117 = tpu.memref_slice %arg11[%dma_start3A_108, %dma_start3A_109, %dma_start3A_116] : memref<20x4x128xi32, #tpu.memory_space<vmem>> -> memref<1x1x16xi32, #tpu.memory_space<vmem>>
    %dma_start3A_118 = tpu.memref_squeeze %dma_start3A_117 : memref<1x1x16xi32, #tpu.memory_space<vmem>> -> memref<16xi32, #tpu.memory_space<vmem>>
    %dma_start3A_119 = arith.constant 0 : i32
    %dma_start3A_120 = arith.constant 0 : i32
    %dma_start3A_121 = tpu.memref_slice %arg3[%dma_start3A_119, %dma_start3A_120] : memref<1000000x128xf32, #tpu.memory_space<hbm>> -> memref<1000000x128xf32, #tpu.memory_space<hbm>>
    tpu.enqueue_indirect_dma source(%dma_start3A_121 : memref<1000000x128xf32, #tpu.memory_space<hbm>>) target(%dma_start3A_115 : memref<16x128xf32, #tpu.memory_space<vmem>>) offsets(%dma_start3A_118 : memref<16xi32, #tpu.memory_space<vmem>>) semaphore(%arg17 : memref<!tpu.dma_semaphore, #tpu.memory_space<semaphore_mem>>)
    %dma_start3A_122 = arith.constant 7 : i32
    %dma_start3A_123 = arith.constant 0 : i32
    %dma_start3A_124 = arith.constant 0 : i32
    %dma_start3A_125 = arith.constant 7 : i32
    %dma_start3A_126 = arith.constant 0 : i32
    %dma_start3A_127 = arith.constant 0 : i32
    %dma_start3A_128 = tpu.memref_slice %arg14[%dma_start3A_124, %dma_start3A_125, %dma_start3A_126, %dma_start3A_127] : memref<2x20x16x128xf32, #tpu.memory_space<vmem>> -> memref<1x1x16x128xf32, #tpu.memory_space<vmem>>
    %dma_start3A_129 = tpu.memref_squeeze %dma_start3A_128 : memref<1x1x16x128xf32, #tpu.memory_space<vmem>> -> memref<16x128xf32, #tpu.memory_space<vmem>>
    %dma_start3A_130 = arith.constant 0 : i32
    %dma_start3A_131 = tpu.memref_slice %arg11[%dma_start3A_122, %dma_start3A_123, %dma_start3A_130] : memref<20x4x128xi32, #tpu.memory_space<vmem>> -> memref<1x1x16xi32, #tpu.memory_space<vmem>>
    %dma_start3A_132 = tpu.memref_squeeze %dma_start3A_131 : memref<1x1x16xi32, #tpu.memory_space<vmem>> -> memref<16xi32, #tpu.memory_space<vmem>>
    %dma_start3A_133 = arith.constant 0 : i32
    %dma_start3A_134 = arith.constant 0 : i32
    %dma_start3A_135 = tpu.memref_slice %arg3[%dma_start3A_133, %dma_start3A_134] : memref<1000000x128xf32, #tpu.memory_space<hbm>> -> memref<1000000x128xf32, #tpu.memory_space<hbm>>
    tpu.enqueue_indirect_dma source(%dma_start3A_135 : memref<1000000x128xf32, #tpu.memory_space<hbm>>) target(%dma_start3A_129 : memref<16x128xf32, #tpu.memory_space<vmem>>) offsets(%dma_start3A_132 : memref<16xi32, #tpu.memory_space<vmem>>) semaphore(%arg17 : memref<!tpu.dma_semaphore, #tpu.memory_space<semaphore_mem>>)
    %dma_start3A_136 = arith.constant 8 : i32
    %dma_start3A_137 = arith.constant 0 : i32
    %dma_start3A_138 = arith.constant 0 : i32
    %dma_start3A_139 = arith.constant 8 : i32
    %dma_start3A_140 = arith.constant 0 : i32
    %dma_start3A_141 = arith.constant 0 : i32
    %dma_start3A_142 = tpu.memref_slice %arg14[%dma_start3A_138, %dma_start3A_139, %dma_start3A_140, %dma_start3A_141] : memref<2x20x16x128xf32, #tpu.memory_space<vmem>> -> memref<1x1x16x128xf32, #tpu.memory_space<vmem>>
    %dma_start3A_143 = tpu.memref_squeeze %dma_start3A_142 : memref<1x1x16x128xf32, #tpu.memory_space<vmem>> -> memref<16x128xf32, #tpu.memory_space<vmem>>
    %dma_start3A_144 = arith.constant 0 : i32
    %dma_start3A_145 = tpu.memref_slice %arg11[%dma_start3A_136, %dma_start3A_137, %dma_start3A_144] : memref<20x4x128xi32, #tpu.memory_space<vmem>> -> memref<1x1x16xi32, #tpu.memory_space<vmem>>
    %dma_start3A_146 = tpu.memref_squeeze %dma_start3A_145 : memref<1x1x16xi32, #tpu.memory_space<vmem>> -> memref<16xi32, #tpu.memory_space<vmem>>
    %dma_start3A_147 = arith.constant 0 : i32
    %dma_start3A_148 = arith.constant 0 : i32
    %dma_start3A_149 = tpu.memref_slice %arg3[%dma_start3A_147, %dma_start3A_148] : memref<1000000x128xf32, #tpu.memory_space<hbm>> -> memref<1000000x128xf32, #tpu.memory_space<hbm>>
    tpu.enqueue_indirect_dma source(%dma_start3A_149 : memref<1000000x128xf32, #tpu.memory_space<hbm>>) target(%dma_start3A_143 : memref<16x128xf32, #tpu.memory_space<vmem>>) offsets(%dma_start3A_146 : memref<16xi32, #tpu.memory_space<vmem>>) semaphore(%arg17 : memref<!tpu.dma_semaphore, #tpu.memory_space<semaphore_mem>>)
    %dma_start3A_150 = arith.constant 9 : i32
    %dma_start3A_151 = arith.constant 0 : i32
    %dma_start3A_152 = arith.constant 0 : i32
    %dma_start3A_153 = arith.constant 9 : i32
    %dma_start3A_154 = arith.constant 0 : i32
    %dma_start3A_155 = arith.constant 0 : i32
    %dma_start3A_156 = tpu.memref_slice %arg14[%dma_start3A_152, %dma_start3A_153, %dma_start3A_154, %dma_start3A_155] : memref<2x20x16x128xf32, #tpu.memory_space<vmem>> -> memref<1x1x16x128xf32, #tpu.memory_space<vmem>>
    %dma_start3A_157 = tpu.memref_squeeze %dma_start3A_156 : memref<1x1x16x128xf32, #tpu.memory_space<vmem>> -> memref<16x128xf32, #tpu.memory_space<vmem>>
    %dma_start3A_158 = arith.constant 0 : i32
    %dma_start3A_159 = tpu.memref_slice %arg11[%dma_start3A_150, %dma_start3A_151, %dma_start3A_158] : memref<20x4x128xi32, #tpu.memory_space<vmem>> -> memref<1x1x16xi32, #tpu.memory_space<vmem>>
    %dma_start3A_160 = tpu.memref_squeeze %dma_start3A_159 : memref<1x1x16xi32, #tpu.memory_space<vmem>> -> memref<16xi32, #tpu.memory_space<vmem>>
    %dma_start3A_161 = arith.constant 0 : i32
    %dma_start3A_162 = arith.constant 0 : i32
    %dma_start3A_163 = tpu.memref_slice %arg3[%dma_start3A_161, %dma_start3A_162] : memref<1000000x128xf32, #tpu.memory_space<hbm>> -> memref<1000000x128xf32, #tpu.memory_space<hbm>>
    tpu.enqueue_indirect_dma source(%dma_start3A_163 : memref<1000000x128xf32, #tpu.memory_space<hbm>>) target(%dma_start3A_157 : memref<16x128xf32, #tpu.memory_space<vmem>>) offsets(%dma_start3A_160 : memref<16xi32, #tpu.memory_space<vmem>>) semaphore(%arg17 : memref<!tpu.dma_semaphore, #tpu.memory_space<semaphore_mem>>)
    %dma_start3A_164 = arith.constant 10 : i32
    %dma_start3A_165 = arith.constant 0 : i32
    %dma_start3A_166 = arith.constant 0 : i32
    %dma_start3A_167 = arith.constant 10 : i32
    %dma_start3A_168 = arith.constant 0 : i32
    %dma_start3A_169 = arith.constant 0 : i32
    %dma_start3A_170 = tpu.memref_slice %arg14[%dma_start3A_166, %dma_start3A_167, %dma_start3A_168, %dma_start3A_169] : memref<2x20x16x128xf32, #tpu.memory_space<vmem>> -> memref<1x1x16x128xf32, #tpu.memory_space<vmem>>
    %dma_start3A_171 = tpu.memref_squeeze %dma_start3A_170 : memref<1x1x16x128xf32, #tpu.memory_space<vmem>> -> memref<16x128xf32, #tpu.memory_space<vmem>>
    %dma_start3A_172 = arith.constant 0 : i32
    %dma_start3A_173 = tpu.memref_slice %arg11[%dma_start3A_164, %dma_start3A_165, %dma_start3A_172] : memref<20x4x128xi32, #tpu.memory_space<vmem>> -> memref<1x1x16xi32, #tpu.memory_space<vmem>>
    %dma_start3A_174 = tpu.memref_squeeze %dma_start3A_173 : memref<1x1x16xi32, #tpu.memory_space<vmem>> -> memref<16xi32, #tpu.memory_space<vmem>>
    %dma_start3A_175 = arith.constant 0 : i32
    %dma_start3A_176 = arith.constant 0 : i32
    %dma_start3A_177 = tpu.memref_slice %arg3[%dma_start3A_175, %dma_start3A_176] : memref<1000000x128xf32, #tpu.memory_space<hbm>> -> memref<1000000x128xf32, #tpu.memory_space<hbm>>
    tpu.enqueue_indirect_dma source(%dma_start3A_177 : memref<1000000x128xf32, #tpu.memory_space<hbm>>) target(%dma_start3A_171 : memref<16x128xf32, #tpu.memory_space<vmem>>) offsets(%dma_start3A_174 : memref<16xi32, #tpu.memory_space<vmem>>) semaphore(%arg17 : memref<!tpu.dma_semaphore, #tpu.memory_space<semaphore_mem>>)
    %dma_start3A_178 = arith.constant 11 : i32
    %dma_start3A_179 = arith.constant 0 : i32
    %dma_start3A_180 = arith.constant 0 : i32
    %dma_start3A_181 = arith.constant 11 : i32
    %dma_start3A_182 = arith.constant 0 : i32
    %dma_start3A_183 = arith.constant 0 : i32
    %dma_start3A_184 = tpu.memref_slice %arg14[%dma_start3A_180, %dma_start3A_181, %dma_start3A_182, %dma_start3A_183] : memref<2x20x16x128xf32, #tpu.memory_space<vmem>> -> memref<1x1x16x128xf32, #tpu.memory_space<vmem>>
    %dma_start3A_185 = tpu.memref_squeeze %dma_start3A_184 : memref<1x1x16x128xf32, #tpu.memory_space<vmem>> -> memref<16x128xf32, #tpu.memory_space<vmem>>
    %dma_start3A_186 = arith.constant 0 : i32
    %dma_start3A_187 = tpu.memref_slice %arg11[%dma_start3A_178, %dma_start3A_179, %dma_start3A_186] : memref<20x4x128xi32, #tpu.memory_space<vmem>> -> memref<1x1x16xi32, #tpu.memory_space<vmem>>
    %dma_start3A_188 = tpu.memref_squeeze %dma_start3A_187 : memref<1x1x16xi32, #tpu.memory_space<vmem>> -> memref<16xi32, #tpu.memory_space<vmem>>
    %dma_start3A_189 = arith.constant 0 : i32
    %dma_start3A_190 = arith.constant 0 : i32
    %dma_start3A_191 = tpu.memref_slice %arg3[%dma_start3A_189, %dma_start3A_190] : memref<1000000x128xf32, #tpu.memory_space<hbm>> -> memref<1000000x128xf32, #tpu.memory_space<hbm>>
    tpu.enqueue_indirect_dma source(%dma_start3A_191 : memref<1000000x128xf32, #tpu.memory_space<hbm>>) target(%dma_start3A_185 : memref<16x128xf32, #tpu.memory_space<vmem>>) offsets(%dma_start3A_188 : memref<16xi32, #tpu.memory_space<vmem>>) semaphore(%arg17 : memref<!tpu.dma_semaphore, #tpu.memory_space<semaphore_mem>>)
    %dma_start3A_192 = arith.constant 12 : i32
    %dma_start3A_193 = arith.constant 0 : i32
    %dma_start3A_194 = arith.constant 0 : i32
    %dma_start3A_195 = arith.constant 12 : i32
    %dma_start3A_196 = arith.constant 0 : i32
    %dma_start3A_197 = arith.constant 0 : i32
    %dma_start3A_198 = tpu.memref_slice %arg14[%dma_start3A_194, %dma_start3A_195, %dma_start3A_196, %dma_start3A_197] : memref<2x20x16x128xf32, #tpu.memory_space<vmem>> -> memref<1x1x16x128xf32, #tpu.memory_space<vmem>>
    %dma_start3A_199 = tpu.memref_squeeze %dma_start3A_198 : memref<1x1x16x128xf32, #tpu.memory_space<vmem>> -> memref<16x128xf32, #tpu.memory_space<vmem>>
    %dma_start3A_200 = arith.constant 0 : i32
    %dma_start3A_201 = tpu.memref_slice %arg11[%dma_start3A_192, %dma_start3A_193, %dma_start3A_200] : memref<20x4x128xi32, #tpu.memory_space<vmem>> -> memref<1x1x16xi32, #tpu.memory_space<vmem>>
    %dma_start3A_202 = tpu.memref_squeeze %dma_start3A_201 : memref<1x1x16xi32, #tpu.memory_space<vmem>> -> memref<16xi32, #tpu.memory_space<vmem>>
    %dma_start3A_203 = arith.constant 0 : i32
    %dma_start3A_204 = arith.constant 0 : i32
    %dma_start3A_205 = tpu.memref_slice %arg3[%dma_start3A_203, %dma_start3A_204] : memref<1000000x128xf32, #tpu.memory_space<hbm>> -> memref<1000000x128xf32, #tpu.memory_space<hbm>>
    tpu.enqueue_indirect_dma source(%dma_start3A_205 : memref<1000000x128xf32, #tpu.memory_space<hbm>>) target(%dma_start3A_199 : memref<16x128xf32, #tpu.memory_space<vmem>>) offsets(%dma_start3A_202 : memref<16xi32, #tpu.memory_space<vmem>>) semaphore(%arg17 : memref<!tpu.dma_semaphore, #tpu.memory_space<semaphore_mem>>)
    %dma_start3A_206 = arith.constant 13 : i32
    %dma_start3A_207 = arith.constant 0 : i32
    %dma_start3A_208 = arith.constant 0 : i32
    %dma_start3A_209 = arith.constant 13 : i32
    %dma_start3A_210 = arith.constant 0 : i32
    %dma_start3A_211 = arith.constant 0 : i32
    %dma_start3A_212 = tpu.memref_slice %arg14[%dma_start3A_208, %dma_start3A_209, %dma_start3A_210, %dma_start3A_211] : memref<2x20x16x128xf32, #tpu.memory_space<vmem>> -> memref<1x1x16x128xf32, #tpu.memory_space<vmem>>
    %dma_start3A_213 = tpu.memref_squeeze %dma_start3A_212 : memref<1x1x16x128xf32, #tpu.memory_space<vmem>> -> memref<16x128xf32, #tpu.memory_space<vmem>>
    %dma_start3A_214 = arith.constant 0 : i32
    %dma_start3A_215 = tpu.memref_slice %arg11[%dma_start3A_206, %dma_start3A_207, %dma_start3A_214] : memref<20x4x128xi32, #tpu.memory_space<vmem>> -> memref<1x1x16xi32, #tpu.memory_space<vmem>>
    %dma_start3A_216 = tpu.memref_squeeze %dma_start3A_215 : memref<1x1x16xi32, #tpu.memory_space<vmem>> -> memref<16xi32, #tpu.memory_space<vmem>>
    %dma_start3A_217 = arith.constant 0 : i32
    %dma_start3A_218 = arith.constant 0 : i32
    %dma_start3A_219 = tpu.memref_slice %arg3[%dma_start3A_217, %dma_start3A_218] : memref<1000000x128xf32, #tpu.memory_space<hbm>> -> memref<1000000x128xf32, #tpu.memory_space<hbm>>
    tpu.enqueue_indirect_dma source(%dma_start3A_219 : memref<1000000x128xf32, #tpu.memory_space<hbm>>) target(%dma_start3A_213 : memref<16x128xf32, #tpu.memory_space<vmem>>) offsets(%dma_start3A_216 : memref<16xi32, #tpu.memory_space<vmem>>) semaphore(%arg17 : memref<!tpu.dma_semaphore, #tpu.memory_space<semaphore_mem>>)
    %dma_start3A_220 = arith.constant 14 : i32
    %dma_start3A_221 = arith.constant 0 : i32
    %dma_start3A_222 = arith.constant 0 : i32
    %dma_start3A_223 = arith.constant 14 : i32
    %dma_start3A_224 = arith.constant 0 : i32
    %dma_start3A_225 = arith.constant 0 : i32
    %dma_start3A_226 = tpu.memref_slice %arg14[%dma_start3A_222, %dma_start3A_223, %dma_start3A_224, %dma_start3A_225] : memref<2x20x16x128xf32, #tpu.memory_space<vmem>> -> memref<1x1x16x128xf32, #tpu.memory_space<vmem>>
    %dma_start3A_227 = tpu.memref_squeeze %dma_start3A_226 : memref<1x1x16x128xf32, #tpu.memory_space<vmem>> -> memref<16x128xf32, #tpu.memory_space<vmem>>
    %dma_start3A_228 = arith.constant 0 : i32
    %dma_start3A_229 = tpu.memref_slice %arg11[%dma_start3A_220, %dma_start3A_221, %dma_start3A_228] : memref<20x4x128xi32, #tpu.memory_space<vmem>> -> memref<1x1x16xi32, #tpu.memory_space<vmem>>
    %dma_start3A_230 = tpu.memref_squeeze %dma_start3A_229 : memref<1x1x16xi32, #tpu.memory_space<vmem>> -> memref<16xi32, #tpu.memory_space<vmem>>
    %dma_start3A_231 = arith.constant 0 : i32
    %dma_start3A_232 = arith.constant 0 : i32
    %dma_start3A_233 = tpu.memref_slice %arg3[%dma_start3A_231, %dma_start3A_232] : memref<1000000x128xf32, #tpu.memory_space<hbm>> -> memref<1000000x128xf32, #tpu.memory_space<hbm>>
    tpu.enqueue_indirect_dma source(%dma_start3A_233 : memref<1000000x128xf32, #tpu.memory_space<hbm>>) target(%dma_start3A_227 : memref<16x128xf32, #tpu.memory_space<vmem>>) offsets(%dma_start3A_230 : memref<16xi32, #tpu.memory_space<vmem>>) semaphore(%arg17 : memref<!tpu.dma_semaphore, #tpu.memory_space<semaphore_mem>>)
    %dma_start3A_234 = arith.constant 15 : i32
    %dma_start3A_235 = arith.constant 0 : i32
    %dma_start3A_236 = arith.constant 0 : i32
    %dma_start3A_237 = arith.constant 15 : i32
    %dma_start3A_238 = arith.constant 0 : i32
    %dma_start3A_239 = arith.constant 0 : i32
    %dma_start3A_240 = tpu.memref_slice %arg14[%dma_start3A_236, %dma_start3A_237, %dma_start3A_238, %dma_start3A_239] : memref<2x20x16x128xf32, #tpu.memory_space<vmem>> -> memref<1x1x16x128xf32, #tpu.memory_space<vmem>>
    %dma_start3A_241 = tpu.memref_squeeze %dma_start3A_240 : memref<1x1x16x128xf32, #tpu.memory_space<vmem>> -> memref<16x128xf32, #tpu.memory_space<vmem>>
    %dma_start3A_242 = arith.constant 0 : i32
    %dma_start3A_243 = tpu.memref_slice %arg11[%dma_start3A_234, %dma_start3A_235, %dma_start3A_242] : memref<20x4x128xi32, #tpu.memory_space<vmem>> -> memref<1x1x16xi32, #tpu.memory_space<vmem>>
    %dma_start3A_244 = tpu.memref_squeeze %dma_start3A_243 : memref<1x1x16xi32, #tpu.memory_space<vmem>> -> memref<16xi32, #tpu.memory_space<vmem>>
    %dma_start3A_245 = arith.constant 0 : i32
    %dma_start3A_246 = arith.constant 0 : i32
    %dma_start3A_247 = tpu.memref_slice %arg3[%dma_start3A_245, %dma_start3A_246] : memref<1000000x128xf32, #tpu.memory_space<hbm>> -> memref<1000000x128xf32, #tpu.memory_space<hbm>>
    tpu.enqueue_indirect_dma source(%dma_start3A_247 : memref<1000000x128xf32, #tpu.memory_space<hbm>>) target(%dma_start3A_241 : memref<16x128xf32, #tpu.memory_space<vmem>>) offsets(%dma_start3A_244 : memref<16xi32, #tpu.memory_space<vmem>>) semaphore(%arg17 : memref<!tpu.dma_semaphore, #tpu.memory_space<semaphore_mem>>)
    %dma_start3A_248 = arith.constant 16 : i32
    %dma_start3A_249 = arith.constant 0 : i32
    %dma_start3A_250 = arith.constant 0 : i32
    %dma_start3A_251 = arith.constant 16 : i32
    %dma_start3A_252 = arith.constant 0 : i32
    %dma_start3A_253 = arith.constant 0 : i32
    %dma_start3A_254 = tpu.memref_slice %arg14[%dma_start3A_250, %dma_start3A_251, %dma_start3A_252, %dma_start3A_253] : memref<2x20x16x128xf32, #tpu.memory_space<vmem>> -> memref<1x1x16x128xf32, #tpu.memory_space<vmem>>
    %dma_start3A_255 = tpu.memref_squeeze %dma_start3A_254 : memref<1x1x16x128xf32, #tpu.memory_space<vmem>> -> memref<16x128xf32, #tpu.memory_space<vmem>>
    %dma_start3A_256 = arith.constant 0 : i32
    %dma_start3A_257 = tpu.memref_slice %arg11[%dma_start3A_248, %dma_start3A_249, %dma_start3A_256] : memref<20x4x128xi32, #tpu.memory_space<vmem>> -> memref<1x1x16xi32, #tpu.memory_space<vmem>>
    %dma_start3A_258 = tpu.memref_squeeze %dma_start3A_257 : memref<1x1x16xi32, #tpu.memory_space<vmem>> -> memref<16xi32, #tpu.memory_space<vmem>>
    %dma_start3A_259 = arith.constant 0 : i32
    %dma_start3A_260 = arith.constant 0 : i32
    %dma_start3A_261 = tpu.memref_slice %arg3[%dma_start3A_259, %dma_start3A_260] : memref<1000000x128xf32, #tpu.memory_space<hbm>> -> memref<1000000x128xf32, #tpu.memory_space<hbm>>
    tpu.enqueue_indirect_dma source(%dma_start3A_261 : memref<1000000x128xf32, #tpu.memory_space<hbm>>) target(%dma_start3A_255 : memref<16x128xf32, #tpu.memory_space<vmem>>) offsets(%dma_start3A_258 : memref<16xi32, #tpu.memory_space<vmem>>) semaphore(%arg17 : memref<!tpu.dma_semaphore, #tpu.memory_space<semaphore_mem>>)
    %dma_start3A_262 = arith.constant 17 : i32
    %dma_start3A_263 = arith.constant 0 : i32
    %dma_start3A_264 = arith.constant 0 : i32
    %dma_start3A_265 = arith.constant 17 : i32
    %dma_start3A_266 = arith.constant 0 : i32
    %dma_start3A_267 = arith.constant 0 : i32
    %dma_start3A_268 = tpu.memref_slice %arg14[%dma_start3A_264, %dma_start3A_265, %dma_start3A_266, %dma_start3A_267] : memref<2x20x16x128xf32, #tpu.memory_space<vmem>> -> memref<1x1x16x128xf32, #tpu.memory_space<vmem>>
    %dma_start3A_269 = tpu.memref_squeeze %dma_start3A_268 : memref<1x1x16x128xf32, #tpu.memory_space<vmem>> -> memref<16x128xf32, #tpu.memory_space<vmem>>
    %dma_start3A_270 = arith.constant 0 : i32
    %dma_start3A_271 = tpu.memref_slice %arg11[%dma_start3A_262, %dma_start3A_263, %dma_start3A_270] : memref<20x4x128xi32, #tpu.memory_space<vmem>> -> memref<1x1x16xi32, #tpu.memory_space<vmem>>
    %dma_start3A_272 = tpu.memref_squeeze %dma_start3A_271 : memref<1x1x16xi32, #tpu.memory_space<vmem>> -> memref<16xi32, #tpu.memory_space<vmem>>
    %dma_start3A_273 = arith.constant 0 : i32
    %dma_start3A_274 = arith.constant 0 : i32
    %dma_start3A_275 = tpu.memref_slice %arg3[%dma_start3A_273, %dma_start3A_274] : memref<1000000x128xf32, #tpu.memory_space<hbm>> -> memref<1000000x128xf32, #tpu.memory_space<hbm>>
    tpu.enqueue_indirect_dma source(%dma_start3A_275 : memref<1000000x128xf32, #tpu.memory_space<hbm>>) target(%dma_start3A_269 : memref<16x128xf32, #tpu.memory_space<vmem>>) offsets(%dma_start3A_272 : memref<16xi32, #tpu.memory_space<vmem>>) semaphore(%arg17 : memref<!tpu.dma_semaphore, #tpu.memory_space<semaphore_mem>>)
    %dma_start3A_276 = arith.constant 18 : i32
    %dma_start3A_277 = arith.constant 0 : i32
    %dma_start3A_278 = arith.constant 0 : i32
    %dma_start3A_279 = arith.constant 18 : i32
    %dma_start3A_280 = arith.constant 0 : i32
    %dma_start3A_281 = arith.constant 0 : i32
    %dma_start3A_282 = tpu.memref_slice %arg14[%dma_start3A_278, %dma_start3A_279, %dma_start3A_280, %dma_start3A_281] : memref<2x20x16x128xf32, #tpu.memory_space<vmem>> -> memref<1x1x16x128xf32, #tpu.memory_space<vmem>>
    %dma_start3A_283 = tpu.memref_squeeze %dma_start3A_282 : memref<1x1x16x128xf32, #tpu.memory_space<vmem>> -> memref<16x128xf32, #tpu.memory_space<vmem>>
    %dma_start3A_284 = arith.constant 0 : i32
    %dma_start3A_285 = tpu.memref_slice %arg11[%dma_start3A_276, %dma_start3A_277, %dma_start3A_284] : memref<20x4x128xi32, #tpu.memory_space<vmem>> -> memref<1x1x16xi32, #tpu.memory_space<vmem>>
    %dma_start3A_286 = tpu.memref_squeeze %dma_start3A_285 : memref<1x1x16xi32, #tpu.memory_space<vmem>> -> memref<16xi32, #tpu.memory_space<vmem>>
    %dma_start3A_287 = arith.constant 0 : i32
    %dma_start3A_288 = arith.constant 0 : i32
    %dma_start3A_289 = tpu.memref_slice %arg3[%dma_start3A_287, %dma_start3A_288] : memref<1000000x128xf32, #tpu.memory_space<hbm>> -> memref<1000000x128xf32, #tpu.memory_space<hbm>>
    tpu.enqueue_indirect_dma source(%dma_start3A_289 : memref<1000000x128xf32, #tpu.memory_space<hbm>>) target(%dma_start3A_283 : memref<16x128xf32, #tpu.memory_space<vmem>>) offsets(%dma_start3A_286 : memref<16xi32, #tpu.memory_space<vmem>>) semaphore(%arg17 : memref<!tpu.dma_semaphore, #tpu.memory_space<semaphore_mem>>)
    %dma_start3A_290 = arith.constant 19 : i32
    %dma_start3A_291 = arith.constant 0 : i32
    %dma_start3A_292 = arith.constant 0 : i32
    %dma_start3A_293 = arith.constant 19 : i32
    %dma_start3A_294 = arith.constant 0 : i32
    %dma_start3A_295 = arith.constant 0 : i32
    %dma_start3A_296 = tpu.memref_slice %arg14[%dma_start3A_292, %dma_start3A_293, %dma_start3A_294, %dma_start3A_295] : memref<2x20x16x128xf32, #tpu.memory_space<vmem>> -> memref<1x1x16x128xf32, #tpu.memory_space<vmem>>
    %dma_start3A_297 = tpu.memref_squeeze %dma_start3A_296 : memref<1x1x16x128xf32, #tpu.memory_space<vmem>> -> memref<16x128xf32, #tpu.memory_space<vmem>>
    %dma_start3A_298 = arith.constant 0 : i32
    %dma_start3A_299 = tpu.memref_slice %arg11[%dma_start3A_290, %dma_start3A_291, %dma_start3A_298] : memref<20x4x128xi32, #tpu.memory_space<vmem>> -> memref<1x1x16xi32, #tpu.memory_space<vmem>>
    %dma_start3A_300 = tpu.memref_squeeze %dma_start3A_299 : memref<1x1x16xi32, #tpu.memory_space<vmem>> -> memref<16xi32, #tpu.memory_space<vmem>>
    %dma_start3A_301 = arith.constant 0 : i32
    %dma_start3A_302 = arith.constant 0 : i32
    %dma_start3A_303 = tpu.memref_slice %arg3[%dma_start3A_301, %dma_start3A_302] : memref<1000000x128xf32, #tpu.memory_space<hbm>> -> memref<1000000x128xf32, #tpu.memory_space<hbm>>
    tpu.enqueue_indirect_dma source(%dma_start3A_303 : memref<1000000x128xf32, #tpu.memory_space<hbm>>) target(%dma_start3A_297 : memref<16x128xf32, #tpu.memory_space<vmem>>) offsets(%dma_start3A_300 : memref<16xi32, #tpu.memory_space<vmem>>) semaphore(%arg17 : memref<!tpu.dma_semaphore, #tpu.memory_space<semaphore_mem>>)
    %scan3A = arith.constant 0 : i32
    %scan3A_304 = arith.constant 0 : i32
    %scan3A_305 = arith.constant 16 : i32
    %scan3A_306 = arith.addi %scan3A_304, %scan3A_305 : i32
    %scan3A_307 = arith.constant 1 : i32
    scf.for %scan3A_309 = %scan3A_304 to %scan3A_306 step %scan3A_307  : i32 {
      %mul3A_310 = arith.constant 2 : i32
      %mul3A_311 = arith.muli %mul3A_310, %scan3A_309 : i32
      %add3A_312 = arith.constant 0 : i32
      %add3A_313 = arith.addi %mul3A_311, %add3A_312 : i32
      %add3A_314 = arith.constant 1 : i32
      %add3A_315 = arith.addi %add3A_313, %add3A_314 : i32
      %lt3A = arith.constant 32 : i32
      %lt3A_316 = arith.cmpi slt, %add3A_315, %lt3A : i32
      %convert_element_type3A = arith.extui %lt3A_316 : i1 to i32
      %cond3A = arith.constant 0 : i32
      %cond3A_317 = arith.cmpi ne, %convert_element_type3A, %cond3A : i32
      scf.if %cond3A_317 {
        %add3A_1040 = arith.constant 1 : i32
        %add3A_1041 = arith.addi %add3A_313, %add3A_1040 : i32
        %jit3A = arith.constant 8 : i32
        %div3A = arith.divsi %add3A_1041, %jit3A : i32
        %sign3A = arith.constant 0 : i32
        %sign3A_1042 = arith.cmpi sgt, %add3A_1041, %sign3A : i32
        %sign3A_1043 = arith.extui %sign3A_1042 : i1 to i32
        %sign3A_1044 = arith.constant 0 : i32
        %sign3A_1045 = arith.cmpi slt, %add3A_1041, %sign3A_1044 : i32
        %sign3A_1046 = arith.extui %sign3A_1045 : i1 to i32
        %sign3A_1047 = arith.subi %sign3A_1043, %sign3A_1046 : i32
        %sign3A_1048 = arith.constant 0 : i32
        %sign3A_1049 = arith.cmpi sgt, %jit3A, %sign3A_1048 : i32
        %sign3A_1050 = arith.extui %sign3A_1049 : i1 to i32
        %sign3A_1051 = arith.constant 0 : i32
        %sign3A_1052 = arith.cmpi slt, %jit3A, %sign3A_1051 : i32
        %sign3A_1053 = arith.extui %sign3A_1052 : i1 to i32
        %sign3A_1054 = arith.subi %sign3A_1050, %sign3A_1053 : i32
        %ne3A = arith.cmpi ne, %sign3A_1047, %sign3A_1054 : i32
        %rem3A = arith.remsi %add3A_1041, %jit3A : i32
        %ne3A_1055 = arith.constant 0 : i32
        %ne3A_1056 = arith.cmpi ne, %rem3A, %ne3A_1055 : i32
        %and3A = arith.andi %ne3A, %ne3A_1056 : i1
        %sub3A = arith.constant 1 : i32
        %sub3A_1057 = arith.subi %div3A, %sub3A : i32
        %select_n3A = arith.select %and3A, %sub3A_1057, %div3A : i32
        %jit3A_1058 = arith.constant 8 : i32
        %eq3A = arith.constant 0 : i32
        %eq3A_1059 = arith.cmpi eq, %jit3A_1058, %eq3A : i32
        %jit3A_1060 = arith.constant 1 : i32
        %select_n3A_1061 = arith.select %eq3A_1059, %jit3A_1060, %jit3A_1058 : i32
        %rem3A_1062 = arith.remsi %add3A_1041, %select_n3A_1061 : i32
        %ne3A_1063 = arith.constant 0 : i32
        %ne3A_1064 = arith.cmpi ne, %rem3A_1062, %ne3A_1063 : i32
        %lt3A_1065 = arith.constant 0 : i32
        %lt3A_1066 = arith.cmpi slt, %rem3A_1062, %lt3A_1065 : i32
        %lt3A_1067 = arith.constant 0 : i32
        %lt3A_1068 = arith.cmpi slt, %select_n3A_1061, %lt3A_1067 : i32
        %ne3A_1069 = arith.xori %lt3A_1066, %lt3A_1068 : i1
        %and3A_1070 = arith.andi %ne3A_1069, %ne3A_1064 : i1
        %add3A_1071 = arith.addi %rem3A_1062, %select_n3A_1061 : i32
        %select_n3A_1072 = arith.select %and3A_1070, %add3A_1071, %rem3A_1062 : i32
        %mul3A_1073 = arith.constant 16 : i32
        %mul3A_1074 = arith.muli %select_n3A_1072, %mul3A_1073 : i32
        %dma_start3A_1075 = arith.constant 1 : i32
        %dma_start3A_1076 = arith.constant 0 : i32
        %dma_start3A_1077 = arith.constant 0 : i32
        %dma_start3A_1078 = tpu.memref_slice %arg12[%dma_start3A_1075, %dma_start3A_1076, %dma_start3A_1077] : memref<2x16x128xf32, #tpu.memory_space<vmem>> -> memref<1x16x128xf32, #tpu.memory_space<vmem>>
        %dma_start3A_1079 = tpu.memref_squeeze %dma_start3A_1078 : memref<1x16x128xf32, #tpu.memory_space<vmem>> -> memref<16x128xf32, #tpu.memory_space<vmem>>
        %dma_start3A_1080 = tpu.memref_slice %arg9[%select_n3A, %mul3A_1074] : memref<4x128xi32, #tpu.memory_space<vmem>> -> memref<1x16xi32, #tpu.memory_space<vmem>>
        %dma_start3A_1081 = tpu.memref_squeeze %dma_start3A_1080 : memref<1x16xi32, #tpu.memory_space<vmem>> -> memref<16xi32, #tpu.memory_space<vmem>>
        %dma_start3A_1082 = arith.constant 0 : i32
        %dma_start3A_1083 = arith.constant 0 : i32
        %dma_start3A_1084 = tpu.memref_slice %arg2[%dma_start3A_1082, %dma_start3A_1083] : memref<1000000x128xf32, #tpu.memory_space<hbm>> -> memref<1000000x128xf32, #tpu.memory_space<hbm>>
        tpu.enqueue_indirect_dma source(%dma_start3A_1084 : memref<1000000x128xf32, #tpu.memory_space<hbm>>) target(%dma_start3A_1079 : memref<16x128xf32, #tpu.memory_space<vmem>>) offsets(%dma_start3A_1081 : memref<16xi32, #tpu.memory_space<vmem>>) semaphore(%arg18 : memref<!tpu.dma_semaphore, #tpu.memory_space<semaphore_mem>>)
        %dma_start3A_1085 = arith.constant 1 : i32
        %dma_start3A_1086 = arith.constant 0 : i32
        %dma_start3A_1087 = arith.constant 0 : i32
        %dma_start3A_1088 = tpu.memref_slice %arg13[%dma_start3A_1085, %dma_start3A_1086, %dma_start3A_1087] : memref<2x16x128xf32, #tpu.memory_space<vmem>> -> memref<1x16x128xf32, #tpu.memory_space<vmem>>
        %dma_start3A_1089 = tpu.memref_squeeze %dma_start3A_1088 : memref<1x16x128xf32, #tpu.memory_space<vmem>> -> memref<16x128xf32, #tpu.memory_space<vmem>>
        %dma_start3A_1090 = tpu.memref_slice %arg10[%select_n3A, %mul3A_1074] : memref<4x128xi32, #tpu.memory_space<vmem>> -> memref<1x16xi32, #tpu.memory_space<vmem>>
        %dma_start3A_1091 = tpu.memref_squeeze %dma_start3A_1090 : memref<1x16xi32, #tpu.memory_space<vmem>> -> memref<16xi32, #tpu.memory_space<vmem>>
        %dma_start3A_1092 = arith.constant 0 : i32
        %dma_start3A_1093 = arith.constant 0 : i32
        %dma_start3A_1094 = tpu.memref_slice %arg3[%dma_start3A_1092, %dma_start3A_1093] : memref<1000000x128xf32, #tpu.memory_space<hbm>> -> memref<1000000x128xf32, #tpu.memory_space<hbm>>
        tpu.enqueue_indirect_dma source(%dma_start3A_1094 : memref<1000000x128xf32, #tpu.memory_space<hbm>>) target(%dma_start3A_1089 : memref<16x128xf32, #tpu.memory_space<vmem>>) offsets(%dma_start3A_1091 : memref<16xi32, #tpu.memory_space<vmem>>) semaphore(%arg18 : memref<!tpu.dma_semaphore, #tpu.memory_space<semaphore_mem>>)
        %dma_start3A_1095 = arith.constant 0 : i32
        %dma_start3A_1096 = arith.constant 1 : i32
        %dma_start3A_1097 = arith.constant 0 : i32
        %dma_start3A_1098 = arith.constant 0 : i32
        %dma_start3A_1099 = arith.constant 0 : i32
        %dma_start3A_1100 = tpu.memref_slice %arg14[%dma_start3A_1096, %dma_start3A_1097, %dma_start3A_1098, %dma_start3A_1099] : memref<2x20x16x128xf32, #tpu.memory_space<vmem>> -> memref<1x1x16x128xf32, #tpu.memory_space<vmem>>
        %dma_start3A_1101 = tpu.memref_squeeze %dma_start3A_1100 : memref<1x1x16x128xf32, #tpu.memory_space<vmem>> -> memref<16x128xf32, #tpu.memory_space<vmem>>
        %dma_start3A_1102 = tpu.memref_slice %arg11[%dma_start3A_1095, %select_n3A, %mul3A_1074] : memref<20x4x128xi32, #tpu.memory_space<vmem>> -> memref<1x1x16xi32, #tpu.memory_space<vmem>>
        %dma_start3A_1103 = tpu.memref_squeeze %dma_start3A_1102 : memref<1x1x16xi32, #tpu.memory_space<vmem>> -> memref<16xi32, #tpu.memory_space<vmem>>
        %dma_start3A_1104 = arith.constant 0 : i32
        %dma_start3A_1105 = arith.constant 0 : i32
        %dma_start3A_1106 = tpu.memref_slice %arg3[%dma_start3A_1104, %dma_start3A_1105] : memref<1000000x128xf32, #tpu.memory_space<hbm>> -> memref<1000000x128xf32, #tpu.memory_space<hbm>>
        tpu.enqueue_indirect_dma source(%dma_start3A_1106 : memref<1000000x128xf32, #tpu.memory_space<hbm>>) target(%dma_start3A_1101 : memref<16x128xf32, #tpu.memory_space<vmem>>) offsets(%dma_start3A_1103 : memref<16xi32, #tpu.memory_space<vmem>>) semaphore(%arg18 : memref<!tpu.dma_semaphore, #tpu.memory_space<semaphore_mem>>)
        %dma_start3A_1107 = arith.constant 1 : i32
        %dma_start3A_1108 = arith.constant 1 : i32
        %dma_start3A_1109 = arith.constant 1 : i32
        %dma_start3A_1110 = arith.constant 0 : i32
        %dma_start3A_1111 = arith.constant 0 : i32
        %dma_start3A_1112 = tpu.memref_slice %arg14[%dma_start3A_1108, %dma_start3A_1109, %dma_start3A_1110, %dma_start3A_1111] : memref<2x20x16x128xf32, #tpu.memory_space<vmem>> -> memref<1x1x16x128xf32, #tpu.memory_space<vmem>>
        %dma_start3A_1113 = tpu.memref_squeeze %dma_start3A_1112 : memref<1x1x16x128xf32, #tpu.memory_space<vmem>> -> memref<16x128xf32, #tpu.memory_space<vmem>>
        %dma_start3A_1114 = tpu.memref_slice %arg11[%dma_start3A_1107, %select_n3A, %mul3A_1074] : memref<20x4x128xi32, #tpu.memory_space<vmem>> -> memref<1x1x16xi32, #tpu.memory_space<vmem>>
        %dma_start3A_1115 = tpu.memref_squeeze %dma_start3A_1114 : memref<1x1x16xi32, #tpu.memory_space<vmem>> -> memref<16xi32, #tpu.memory_space<vmem>>
        %dma_start3A_1116 = arith.constant 0 : i32
        %dma_start3A_1117 = arith.constant 0 : i32
        %dma_start3A_1118 = tpu.memref_slice %arg3[%dma_start3A_1116, %dma_start3A_1117] : memref<1000000x128xf32, #tpu.memory_space<hbm>> -> memref<1000000x128xf32, #tpu.memory_space<hbm>>
        tpu.enqueue_indirect_dma source(%dma_start3A_1118 : memref<1000000x128xf32, #tpu.memory_space<hbm>>) target(%dma_start3A_1113 : memref<16x128xf32, #tpu.memory_space<vmem>>) offsets(%dma_start3A_1115 : memref<16xi32, #tpu.memory_space<vmem>>) semaphore(%arg18 : memref<!tpu.dma_semaphore, #tpu.memory_space<semaphore_mem>>)
        %dma_start3A_1119 = arith.constant 2 : i32
        %dma_start3A_1120 = arith.constant 1 : i32
        %dma_start3A_1121 = arith.constant 2 : i32
        %dma_start3A_1122 = arith.constant 0 : i32
        %dma_start3A_1123 = arith.constant 0 : i32
        %dma_start3A_1124 = tpu.memref_slice %arg14[%dma_start3A_1120, %dma_start3A_1121, %dma_start3A_1122, %dma_start3A_1123] : memref<2x20x16x128xf32, #tpu.memory_space<vmem>> -> memref<1x1x16x128xf32, #tpu.memory_space<vmem>>
        %dma_start3A_1125 = tpu.memref_squeeze %dma_start3A_1124 : memref<1x1x16x128xf32, #tpu.memory_space<vmem>> -> memref<16x128xf32, #tpu.memory_space<vmem>>
        %dma_start3A_1126 = tpu.memref_slice %arg11[%dma_start3A_1119, %select_n3A, %mul3A_1074] : memref<20x4x128xi32, #tpu.memory_space<vmem>> -> memref<1x1x16xi32, #tpu.memory_space<vmem>>
        %dma_start3A_1127 = tpu.memref_squeeze %dma_start3A_1126 : memref<1x1x16xi32, #tpu.memory_space<vmem>> -> memref<16xi32, #tpu.memory_space<vmem>>
        %dma_start3A_1128 = arith.constant 0 : i32
        %dma_start3A_1129 = arith.constant 0 : i32
        %dma_start3A_1130 = tpu.memref_slice %arg3[%dma_start3A_1128, %dma_start3A_1129] : memref<1000000x128xf32, #tpu.memory_space<hbm>> -> memref<1000000x128xf32, #tpu.memory_space<hbm>>
        tpu.enqueue_indirect_dma source(%dma_start3A_1130 : memref<1000000x128xf32, #tpu.memory_space<hbm>>) target(%dma_start3A_1125 : memref<16x128xf32, #tpu.memory_space<vmem>>) offsets(%dma_start3A_1127 : memref<16xi32, #tpu.memory_space<vmem>>) semaphore(%arg18 : memref<!tpu.dma_semaphore, #tpu.memory_space<semaphore_mem>>)
        %dma_start3A_1131 = arith.constant 3 : i32
        %dma_start3A_1132 = arith.constant 1 : i32
        %dma_start3A_1133 = arith.constant 3 : i32
        %dma_start3A_1134 = arith.constant 0 : i32
        %dma_start3A_1135 = arith.constant 0 : i32
        %dma_start3A_1136 = tpu.memref_slice %arg14[%dma_start3A_1132, %dma_start3A_1133, %dma_start3A_1134, %dma_start3A_1135] : memref<2x20x16x128xf32, #tpu.memory_space<vmem>> -> memref<1x1x16x128xf32, #tpu.memory_space<vmem>>
        %dma_start3A_1137 = tpu.memref_squeeze %dma_start3A_1136 : memref<1x1x16x128xf32, #tpu.memory_space<vmem>> -> memref<16x128xf32, #tpu.memory_space<vmem>>
        %dma_start3A_1138 = tpu.memref_slice %arg11[%dma_start3A_1131, %select_n3A, %mul3A_1074] : memref<20x4x128xi32, #tpu.memory_space<vmem>> -> memref<1x1x16xi32, #tpu.memory_space<vmem>>
        %dma_start3A_1139 = tpu.memref_squeeze %dma_start3A_1138 : memref<1x1x16xi32, #tpu.memory_space<vmem>> -> memref<16xi32, #tpu.memory_space<vmem>>
        %dma_start3A_1140 = arith.constant 0 : i32
        %dma_start3A_1141 = arith.constant 0 : i32
        %dma_start3A_1142 = tpu.memref_slice %arg3[%dma_start3A_1140, %dma_start3A_1141] : memref<1000000x128xf32, #tpu.memory_space<hbm>> -> memref<1000000x128xf32, #tpu.memory_space<hbm>>
        tpu.enqueue_indirect_dma source(%dma_start3A_1142 : memref<1000000x128xf32, #tpu.memory_space<hbm>>) target(%dma_start3A_1137 : memref<16x128xf32, #tpu.memory_space<vmem>>) offsets(%dma_start3A_1139 : memref<16xi32, #tpu.memory_space<vmem>>) semaphore(%arg18 : memref<!tpu.dma_semaphore, #tpu.memory_space<semaphore_mem>>)
        %dma_start3A_1143 = arith.constant 4 : i32
        %dma_start3A_1144 = arith.constant 1 : i32
        %dma_start3A_1145 = arith.constant 4 : i32
        %dma_start3A_1146 = arith.constant 0 : i32
        %dma_start3A_1147 = arith.constant 0 : i32
        %dma_start3A_1148 = tpu.memref_slice %arg14[%dma_start3A_1144, %dma_start3A_1145, %dma_start3A_1146, %dma_start3A_1147] : memref<2x20x16x128xf32, #tpu.memory_space<vmem>> -> memref<1x1x16x128xf32, #tpu.memory_space<vmem>>
        %dma_start3A_1149 = tpu.memref_squeeze %dma_start3A_1148 : memref<1x1x16x128xf32, #tpu.memory_space<vmem>> -> memref<16x128xf32, #tpu.memory_space<vmem>>
        %dma_start3A_1150 = tpu.memref_slice %arg11[%dma_start3A_1143, %select_n3A, %mul3A_1074] : memref<20x4x128xi32, #tpu.memory_space<vmem>> -> memref<1x1x16xi32, #tpu.memory_space<vmem>>
        %dma_start3A_1151 = tpu.memref_squeeze %dma_start3A_1150 : memref<1x1x16xi32, #tpu.memory_space<vmem>> -> memref<16xi32, #tpu.memory_space<vmem>>
        %dma_start3A_1152 = arith.constant 0 : i32
        %dma_start3A_1153 = arith.constant 0 : i32
        %dma_start3A_1154 = tpu.memref_slice %arg3[%dma_start3A_1152, %dma_start3A_1153] : memref<1000000x128xf32, #tpu.memory_space<hbm>> -> memref<1000000x128xf32, #tpu.memory_space<hbm>>
        tpu.enqueue_indirect_dma source(%dma_start3A_1154 : memref<1000000x128xf32, #tpu.memory_space<hbm>>) target(%dma_start3A_1149 : memref<16x128xf32, #tpu.memory_space<vmem>>) offsets(%dma_start3A_1151 : memref<16xi32, #tpu.memory_space<vmem>>) semaphore(%arg18 : memref<!tpu.dma_semaphore, #tpu.memory_space<semaphore_mem>>)
        %dma_start3A_1155 = arith.constant 5 : i32
        %dma_start3A_1156 = arith.constant 1 : i32
        %dma_start3A_1157 = arith.constant 5 : i32
        %dma_start3A_1158 = arith.constant 0 : i32
        %dma_start3A_1159 = arith.constant 0 : i32
        %dma_start3A_1160 = tpu.memref_slice %arg14[%dma_start3A_1156, %dma_start3A_1157, %dma_start3A_1158, %dma_start3A_1159] : memref<2x20x16x128xf32, #tpu.memory_space<vmem>> -> memref<1x1x16x128xf32, #tpu.memory_space<vmem>>
        %dma_start3A_1161 = tpu.memref_squeeze %dma_start3A_1160 : memref<1x1x16x128xf32, #tpu.memory_space<vmem>> -> memref<16x128xf32, #tpu.memory_space<vmem>>
        %dma_start3A_1162 = tpu.memref_slice %arg11[%dma_start3A_1155, %select_n3A, %mul3A_1074] : memref<20x4x128xi32, #tpu.memory_space<vmem>> -> memref<1x1x16xi32, #tpu.memory_space<vmem>>
        %dma_start3A_1163 = tpu.memref_squeeze %dma_start3A_1162 : memref<1x1x16xi32, #tpu.memory_space<vmem>> -> memref<16xi32, #tpu.memory_space<vmem>>
        %dma_start3A_1164 = arith.constant 0 : i32
        %dma_start3A_1165 = arith.constant 0 : i32
        %dma_start3A_1166 = tpu.memref_slice %arg3[%dma_start3A_1164, %dma_start3A_1165] : memref<1000000x128xf32, #tpu.memory_space<hbm>> -> memref<1000000x128xf32, #tpu.memory_space<hbm>>
        tpu.enqueue_indirect_dma source(%dma_start3A_1166 : memref<1000000x128xf32, #tpu.memory_space<hbm>>) target(%dma_start3A_1161 : memref<16x128xf32, #tpu.memory_space<vmem>>) offsets(%dma_start3A_1163 : memref<16xi32, #tpu.memory_space<vmem>>) semaphore(%arg18 : memref<!tpu.dma_semaphore, #tpu.memory_space<semaphore_mem>>)
        %dma_start3A_1167 = arith.constant 6 : i32
        %dma_start3A_1168 = arith.constant 1 : i32
        %dma_start3A_1169 = arith.constant 6 : i32
        %dma_start3A_1170 = arith.constant 0 : i32
        %dma_start3A_1171 = arith.constant 0 : i32
        %dma_start3A_1172 = tpu.memref_slice %arg14[%dma_start3A_1168, %dma_start3A_1169, %dma_start3A_1170, %dma_start3A_1171] : memref<2x20x16x128xf32, #tpu.memory_space<vmem>> -> memref<1x1x16x128xf32, #tpu.memory_space<vmem>>
        %dma_start3A_1173 = tpu.memref_squeeze %dma_start3A_1172 : memref<1x1x16x128xf32, #tpu.memory_space<vmem>> -> memref<16x128xf32, #tpu.memory_space<vmem>>
        %dma_start3A_1174 = tpu.memref_slice %arg11[%dma_start3A_1167, %select_n3A, %mul3A_1074] : memref<20x4x128xi32, #tpu.memory_space<vmem>> -> memref<1x1x16xi32, #tpu.memory_space<vmem>>
        %dma_start3A_1175 = tpu.memref_squeeze %dma_start3A_1174 : memref<1x1x16xi32, #tpu.memory_space<vmem>> -> memref<16xi32, #tpu.memory_space<vmem>>
        %dma_start3A_1176 = arith.constant 0 : i32
        %dma_start3A_1177 = arith.constant 0 : i32
        %dma_start3A_1178 = tpu.memref_slice %arg3[%dma_start3A_1176, %dma_start3A_1177] : memref<1000000x128xf32, #tpu.memory_space<hbm>> -> memref<1000000x128xf32, #tpu.memory_space<hbm>>
        tpu.enqueue_indirect_dma source(%dma_start3A_1178 : memref<1000000x128xf32, #tpu.memory_space<hbm>>) target(%dma_start3A_1173 : memref<16x128xf32, #tpu.memory_space<vmem>>) offsets(%dma_start3A_1175 : memref<16xi32, #tpu.memory_space<vmem>>) semaphore(%arg18 : memref<!tpu.dma_semaphore, #tpu.memory_space<semaphore_mem>>)
        %dma_start3A_1179 = arith.constant 7 : i32
        %dma_start3A_1180 = arith.constant 1 : i32
        %dma_start3A_1181 = arith.constant 7 : i32
        %dma_start3A_1182 = arith.constant 0 : i32
        %dma_start3A_1183 = arith.constant 0 : i32
        %dma_start3A_1184 = tpu.memref_slice %arg14[%dma_start3A_1180, %dma_start3A_1181, %dma_start3A_1182, %dma_start3A_1183] : memref<2x20x16x128xf32, #tpu.memory_space<vmem>> -> memref<1x1x16x128xf32, #tpu.memory_space<vmem>>
        %dma_start3A_1185 = tpu.memref_squeeze %dma_start3A_1184 : memref<1x1x16x128xf32, #tpu.memory_space<vmem>> -> memref<16x128xf32, #tpu.memory_space<vmem>>
        %dma_start3A_1186 = tpu.memref_slice %arg11[%dma_start3A_1179, %select_n3A, %mul3A_1074] : memref<20x4x128xi32, #tpu.memory_space<vmem>> -> memref<1x1x16xi32, #tpu.memory_space<vmem>>
        %dma_start3A_1187 = tpu.memref_squeeze %dma_start3A_1186 : memref<1x1x16xi32, #tpu.memory_space<vmem>> -> memref<16xi32, #tpu.memory_space<vmem>>
        %dma_start3A_1188 = arith.constant 0 : i32
        %dma_start3A_1189 = arith.constant 0 : i32
        %dma_start3A_1190 = tpu.memref_slice %arg3[%dma_start3A_1188, %dma_start3A_1189] : memref<1000000x128xf32, #tpu.memory_space<hbm>> -> memref<1000000x128xf32, #tpu.memory_space<hbm>>
        tpu.enqueue_indirect_dma source(%dma_start3A_1190 : memref<1000000x128xf32, #tpu.memory_space<hbm>>) target(%dma_start3A_1185 : memref<16x128xf32, #tpu.memory_space<vmem>>) offsets(%dma_start3A_1187 : memref<16xi32, #tpu.memory_space<vmem>>) semaphore(%arg18 : memref<!tpu.dma_semaphore, #tpu.memory_space<semaphore_mem>>)
        %dma_start3A_1191 = arith.constant 8 : i32
        %dma_start3A_1192 = arith.constant 1 : i32
        %dma_start3A_1193 = arith.constant 8 : i32
        %dma_start3A_1194 = arith.constant 0 : i32
        %dma_start3A_1195 = arith.constant 0 : i32
        %dma_start3A_1196 = tpu.memref_slice %arg14[%dma_start3A_1192, %dma_start3A_1193, %dma_start3A_1194, %dma_start3A_1195] : memref<2x20x16x128xf32, #tpu.memory_space<vmem>> -> memref<1x1x16x128xf32, #tpu.memory_space<vmem>>
        %dma_start3A_1197 = tpu.memref_squeeze %dma_start3A_1196 : memref<1x1x16x128xf32, #tpu.memory_space<vmem>> -> memref<16x128xf32, #tpu.memory_space<vmem>>
        %dma_start3A_1198 = tpu.memref_slice %arg11[%dma_start3A_1191, %select_n3A, %mul3A_1074] : memref<20x4x128xi32, #tpu.memory_space<vmem>> -> memref<1x1x16xi32, #tpu.memory_space<vmem>>
        %dma_start3A_1199 = tpu.memref_squeeze %dma_start3A_1198 : memref<1x1x16xi32, #tpu.memory_space<vmem>> -> memref<16xi32, #tpu.memory_space<vmem>>
        %dma_start3A_1200 = arith.constant 0 : i32
        %dma_start3A_1201 = arith.constant 0 : i32
        %dma_start3A_1202 = tpu.memref_slice %arg3[%dma_start3A_1200, %dma_start3A_1201] : memref<1000000x128xf32, #tpu.memory_space<hbm>> -> memref<1000000x128xf32, #tpu.memory_space<hbm>>
        tpu.enqueue_indirect_dma source(%dma_start3A_1202 : memref<1000000x128xf32, #tpu.memory_space<hbm>>) target(%dma_start3A_1197 : memref<16x128xf32, #tpu.memory_space<vmem>>) offsets(%dma_start3A_1199 : memref<16xi32, #tpu.memory_space<vmem>>) semaphore(%arg18 : memref<!tpu.dma_semaphore, #tpu.memory_space<semaphore_mem>>)
        %dma_start3A_1203 = arith.constant 9 : i32
        %dma_start3A_1204 = arith.constant 1 : i32
        %dma_start3A_1205 = arith.constant 9 : i32
        %dma_start3A_1206 = arith.constant 0 : i32
        %dma_start3A_1207 = arith.constant 0 : i32
        %dma_start3A_1208 = tpu.memref_slice %arg14[%dma_start3A_1204, %dma_start3A_1205, %dma_start3A_1206, %dma_start3A_1207] : memref<2x20x16x128xf32, #tpu.memory_space<vmem>> -> memref<1x1x16x128xf32, #tpu.memory_space<vmem>>
        %dma_start3A_1209 = tpu.memref_squeeze %dma_start3A_1208 : memref<1x1x16x128xf32, #tpu.memory_space<vmem>> -> memref<16x128xf32, #tpu.memory_space<vmem>>
        %dma_start3A_1210 = tpu.memref_slice %arg11[%dma_start3A_1203, %select_n3A, %mul3A_1074] : memref<20x4x128xi32, #tpu.memory_space<vmem>> -> memref<1x1x16xi32, #tpu.memory_space<vmem>>
        %dma_start3A_1211 = tpu.memref_squeeze %dma_start3A_1210 : memref<1x1x16xi32, #tpu.memory_space<vmem>> -> memref<16xi32, #tpu.memory_space<vmem>>
        %dma_start3A_1212 = arith.constant 0 : i32
        %dma_start3A_1213 = arith.constant 0 : i32
        %dma_start3A_1214 = tpu.memref_slice %arg3[%dma_start3A_1212, %dma_start3A_1213] : memref<1000000x128xf32, #tpu.memory_space<hbm>> -> memref<1000000x128xf32, #tpu.memory_space<hbm>>
        tpu.enqueue_indirect_dma source(%dma_start3A_1214 : memref<1000000x128xf32, #tpu.memory_space<hbm>>) target(%dma_start3A_1209 : memref<16x128xf32, #tpu.memory_space<vmem>>) offsets(%dma_start3A_1211 : memref<16xi32, #tpu.memory_space<vmem>>) semaphore(%arg18 : memref<!tpu.dma_semaphore, #tpu.memory_space<semaphore_mem>>)
        %dma_start3A_1215 = arith.constant 10 : i32
        %dma_start3A_1216 = arith.constant 1 : i32
        %dma_start3A_1217 = arith.constant 10 : i32
        %dma_start3A_1218 = arith.constant 0 : i32
        %dma_start3A_1219 = arith.constant 0 : i32
        %dma_start3A_1220 = tpu.memref_slice %arg14[%dma_start3A_1216, %dma_start3A_1217, %dma_start3A_1218, %dma_start3A_1219] : memref<2x20x16x128xf32, #tpu.memory_space<vmem>> -> memref<1x1x16x128xf32, #tpu.memory_space<vmem>>
        %dma_start3A_1221 = tpu.memref_squeeze %dma_start3A_1220 : memref<1x1x16x128xf32, #tpu.memory_space<vmem>> -> memref<16x128xf32, #tpu.memory_space<vmem>>
        %dma_start3A_1222 = tpu.memref_slice %arg11[%dma_start3A_1215, %select_n3A, %mul3A_1074] : memref<20x4x128xi32, #tpu.memory_space<vmem>> -> memref<1x1x16xi32, #tpu.memory_space<vmem>>
        %dma_start3A_1223 = tpu.memref_squeeze %dma_start3A_1222 : memref<1x1x16xi32, #tpu.memory_space<vmem>> -> memref<16xi32, #tpu.memory_space<vmem>>
        %dma_start3A_1224 = arith.constant 0 : i32
        %dma_start3A_1225 = arith.constant 0 : i32
        %dma_start3A_1226 = tpu.memref_slice %arg3[%dma_start3A_1224, %dma_start3A_1225] : memref<1000000x128xf32, #tpu.memory_space<hbm>> -> memref<1000000x128xf32, #tpu.memory_space<hbm>>
        tpu.enqueue_indirect_dma source(%dma_start3A_1226 : memref<1000000x128xf32, #tpu.memory_space<hbm>>) target(%dma_start3A_1221 : memref<16x128xf32, #tpu.memory_space<vmem>>) offsets(%dma_start3A_1223 : memref<16xi32, #tpu.memory_space<vmem>>) semaphore(%arg18 : memref<!tpu.dma_semaphore, #tpu.memory_space<semaphore_mem>>)
        %dma_start3A_1227 = arith.constant 11 : i32
        %dma_start3A_1228 = arith.constant 1 : i32
        %dma_start3A_1229 = arith.constant 11 : i32
        %dma_start3A_1230 = arith.constant 0 : i32
        %dma_start3A_1231 = arith.constant 0 : i32
        %dma_start3A_1232 = tpu.memref_slice %arg14[%dma_start3A_1228, %dma_start3A_1229, %dma_start3A_1230, %dma_start3A_1231] : memref<2x20x16x128xf32, #tpu.memory_space<vmem>> -> memref<1x1x16x128xf32, #tpu.memory_space<vmem>>
        %dma_start3A_1233 = tpu.memref_squeeze %dma_start3A_1232 : memref<1x1x16x128xf32, #tpu.memory_space<vmem>> -> memref<16x128xf32, #tpu.memory_space<vmem>>
        %dma_start3A_1234 = tpu.memref_slice %arg11[%dma_start3A_1227, %select_n3A, %mul3A_1074] : memref<20x4x128xi32, #tpu.memory_space<vmem>> -> memref<1x1x16xi32, #tpu.memory_space<vmem>>
        %dma_start3A_1235 = tpu.memref_squeeze %dma_start3A_1234 : memref<1x1x16xi32, #tpu.memory_space<vmem>> -> memref<16xi32, #tpu.memory_space<vmem>>
        %dma_start3A_1236 = arith.constant 0 : i32
        %dma_start3A_1237 = arith.constant 0 : i32
        %dma_start3A_1238 = tpu.memref_slice %arg3[%dma_start3A_1236, %dma_start3A_1237] : memref<1000000x128xf32, #tpu.memory_space<hbm>> -> memref<1000000x128xf32, #tpu.memory_space<hbm>>
        tpu.enqueue_indirect_dma source(%dma_start3A_1238 : memref<1000000x128xf32, #tpu.memory_space<hbm>>) target(%dma_start3A_1233 : memref<16x128xf32, #tpu.memory_space<vmem>>) offsets(%dma_start3A_1235 : memref<16xi32, #tpu.memory_space<vmem>>) semaphore(%arg18 : memref<!tpu.dma_semaphore, #tpu.memory_space<semaphore_mem>>)
        %dma_start3A_1239 = arith.constant 12 : i32
        %dma_start3A_1240 = arith.constant 1 : i32
        %dma_start3A_1241 = arith.constant 12 : i32
        %dma_start3A_1242 = arith.constant 0 : i32
        %dma_start3A_1243 = arith.constant 0 : i32
        %dma_start3A_1244 = tpu.memref_slice %arg14[%dma_start3A_1240, %dma_start3A_1241, %dma_start3A_1242, %dma_start3A_1243] : memref<2x20x16x128xf32, #tpu.memory_space<vmem>> -> memref<1x1x16x128xf32, #tpu.memory_space<vmem>>
        %dma_start3A_1245 = tpu.memref_squeeze %dma_start3A_1244 : memref<1x1x16x128xf32, #tpu.memory_space<vmem>> -> memref<16x128xf32, #tpu.memory_space<vmem>>
        %dma_start3A_1246 = tpu.memref_slice %arg11[%dma_start3A_1239, %select_n3A, %mul3A_1074] : memref<20x4x128xi32, #tpu.memory_space<vmem>> -> memref<1x1x16xi32, #tpu.memory_space<vmem>>
        %dma_start3A_1247 = tpu.memref_squeeze %dma_start3A_1246 : memref<1x1x16xi32, #tpu.memory_space<vmem>> -> memref<16xi32, #tpu.memory_space<vmem>>
        %dma_start3A_1248 = arith.constant 0 : i32
        %dma_start3A_1249 = arith.constant 0 : i32
        %dma_start3A_1250 = tpu.memref_slice %arg3[%dma_start3A_1248, %dma_start3A_1249] : memref<1000000x128xf32, #tpu.memory_space<hbm>> -> memref<1000000x128xf32, #tpu.memory_space<hbm>>
        tpu.enqueue_indirect_dma source(%dma_start3A_1250 : memref<1000000x128xf32, #tpu.memory_space<hbm>>) target(%dma_start3A_1245 : memref<16x128xf32, #tpu.memory_space<vmem>>) offsets(%dma_start3A_1247 : memref<16xi32, #tpu.memory_space<vmem>>) semaphore(%arg18 : memref<!tpu.dma_semaphore, #tpu.memory_space<semaphore_mem>>)
        %dma_start3A_1251 = arith.constant 13 : i32
        %dma_start3A_1252 = arith.constant 1 : i32
        %dma_start3A_1253 = arith.constant 13 : i32
        %dma_start3A_1254 = arith.constant 0 : i32
        %dma_start3A_1255 = arith.constant 0 : i32
        %dma_start3A_1256 = tpu.memref_slice %arg14[%dma_start3A_1252, %dma_start3A_1253, %dma_start3A_1254, %dma_start3A_1255] : memref<2x20x16x128xf32, #tpu.memory_space<vmem>> -> memref<1x1x16x128xf32, #tpu.memory_space<vmem>>
        %dma_start3A_1257 = tpu.memref_squeeze %dma_start3A_1256 : memref<1x1x16x128xf32, #tpu.memory_space<vmem>> -> memref<16x128xf32, #tpu.memory_space<vmem>>
        %dma_start3A_1258 = tpu.memref_slice %arg11[%dma_start3A_1251, %select_n3A, %mul3A_1074] : memref<20x4x128xi32, #tpu.memory_space<vmem>> -> memref<1x1x16xi32, #tpu.memory_space<vmem>>
        %dma_start3A_1259 = tpu.memref_squeeze %dma_start3A_1258 : memref<1x1x16xi32, #tpu.memory_space<vmem>> -> memref<16xi32, #tpu.memory_space<vmem>>
        %dma_start3A_1260 = arith.constant 0 : i32
        %dma_start3A_1261 = arith.constant 0 : i32
        %dma_start3A_1262 = tpu.memref_slice %arg3[%dma_start3A_1260, %dma_start3A_1261] : memref<1000000x128xf32, #tpu.memory_space<hbm>> -> memref<1000000x128xf32, #tpu.memory_space<hbm>>
        tpu.enqueue_indirect_dma source(%dma_start3A_1262 : memref<1000000x128xf32, #tpu.memory_space<hbm>>) target(%dma_start3A_1257 : memref<16x128xf32, #tpu.memory_space<vmem>>) offsets(%dma_start3A_1259 : memref<16xi32, #tpu.memory_space<vmem>>) semaphore(%arg18 : memref<!tpu.dma_semaphore, #tpu.memory_space<semaphore_mem>>)
        %dma_start3A_1263 = arith.constant 14 : i32
        %dma_start3A_1264 = arith.constant 1 : i32
        %dma_start3A_1265 = arith.constant 14 : i32
        %dma_start3A_1266 = arith.constant 0 : i32
        %dma_start3A_1267 = arith.constant 0 : i32
        %dma_start3A_1268 = tpu.memref_slice %arg14[%dma_start3A_1264, %dma_start3A_1265, %dma_start3A_1266, %dma_start3A_1267] : memref<2x20x16x128xf32, #tpu.memory_space<vmem>> -> memref<1x1x16x128xf32, #tpu.memory_space<vmem>>
        %dma_start3A_1269 = tpu.memref_squeeze %dma_start3A_1268 : memref<1x1x16x128xf32, #tpu.memory_space<vmem>> -> memref<16x128xf32, #tpu.memory_space<vmem>>
        %dma_start3A_1270 = tpu.memref_slice %arg11[%dma_start3A_1263, %select_n3A, %mul3A_1074] : memref<20x4x128xi32, #tpu.memory_space<vmem>> -> memref<1x1x16xi32, #tpu.memory_space<vmem>>
        %dma_start3A_1271 = tpu.memref_squeeze %dma_start3A_1270 : memref<1x1x16xi32, #tpu.memory_space<vmem>> -> memref<16xi32, #tpu.memory_space<vmem>>
        %dma_start3A_1272 = arith.constant 0 : i32
        %dma_start3A_1273 = arith.constant 0 : i32
        %dma_start3A_1274 = tpu.memref_slice %arg3[%dma_start3A_1272, %dma_start3A_1273] : memref<1000000x128xf32, #tpu.memory_space<hbm>> -> memref<1000000x128xf32, #tpu.memory_space<hbm>>
        tpu.enqueue_indirect_dma source(%dma_start3A_1274 : memref<1000000x128xf32, #tpu.memory_space<hbm>>) target(%dma_start3A_1269 : memref<16x128xf32, #tpu.memory_space<vmem>>) offsets(%dma_start3A_1271 : memref<16xi32, #tpu.memory_space<vmem>>) semaphore(%arg18 : memref<!tpu.dma_semaphore, #tpu.memory_space<semaphore_mem>>)
        %dma_start3A_1275 = arith.constant 15 : i32
        %dma_start3A_1276 = arith.constant 1 : i32
        %dma_start3A_1277 = arith.constant 15 : i32
        %dma_start3A_1278 = arith.constant 0 : i32
        %dma_start3A_1279 = arith.constant 0 : i32
        %dma_start3A_1280 = tpu.memref_slice %arg14[%dma_start3A_1276, %dma_start3A_1277, %dma_start3A_1278, %dma_start3A_1279] : memref<2x20x16x128xf32, #tpu.memory_space<vmem>> -> memref<1x1x16x128xf32, #tpu.memory_space<vmem>>
        %dma_start3A_1281 = tpu.memref_squeeze %dma_start3A_1280 : memref<1x1x16x128xf32, #tpu.memory_space<vmem>> -> memref<16x128xf32, #tpu.memory_space<vmem>>
        %dma_start3A_1282 = tpu.memref_slice %arg11[%dma_start3A_1275, %select_n3A, %mul3A_1074] : memref<20x4x128xi32, #tpu.memory_space<vmem>> -> memref<1x1x16xi32, #tpu.memory_space<vmem>>
        %dma_start3A_1283 = tpu.memref_squeeze %dma_start3A_1282 : memref<1x1x16xi32, #tpu.memory_space<vmem>> -> memref<16xi32, #tpu.memory_space<vmem>>
        %dma_start3A_1284 = arith.constant 0 : i32
        %dma_start3A_1285 = arith.constant 0 : i32
        %dma_start3A_1286 = tpu.memref_slice %arg3[%dma_start3A_1284, %dma_start3A_1285] : memref<1000000x128xf32, #tpu.memory_space<hbm>> -> memref<1000000x128xf32, #tpu.memory_space<hbm>>
        tpu.enqueue_indirect_dma source(%dma_start3A_1286 : memref<1000000x128xf32, #tpu.memory_space<hbm>>) target(%dma_start3A_1281 : memref<16x128xf32, #tpu.memory_space<vmem>>) offsets(%dma_start3A_1283 : memref<16xi32, #tpu.memory_space<vmem>>) semaphore(%arg18 : memref<!tpu.dma_semaphore, #tpu.memory_space<semaphore_mem>>)
        %dma_start3A_1287 = arith.constant 16 : i32
        %dma_start3A_1288 = arith.constant 1 : i32
        %dma_start3A_1289 = arith.constant 16 : i32
        %dma_start3A_1290 = arith.constant 0 : i32
        %dma_start3A_1291 = arith.constant 0 : i32
        %dma_start3A_1292 = tpu.memref_slice %arg14[%dma_start3A_1288, %dma_start3A_1289, %dma_start3A_1290, %dma_start3A_1291] : memref<2x20x16x128xf32, #tpu.memory_space<vmem>> -> memref<1x1x16x128xf32, #tpu.memory_space<vmem>>
        %dma_start3A_1293 = tpu.memref_squeeze %dma_start3A_1292 : memref<1x1x16x128xf32, #tpu.memory_space<vmem>> -> memref<16x128xf32, #tpu.memory_space<vmem>>
        %dma_start3A_1294 = tpu.memref_slice %arg11[%dma_start3A_1287, %select_n3A, %mul3A_1074] : memref<20x4x128xi32, #tpu.memory_space<vmem>> -> memref<1x1x16xi32, #tpu.memory_space<vmem>>
        %dma_start3A_1295 = tpu.memref_squeeze %dma_start3A_1294 : memref<1x1x16xi32, #tpu.memory_space<vmem>> -> memref<16xi32, #tpu.memory_space<vmem>>
        %dma_start3A_1296 = arith.constant 0 : i32
        %dma_start3A_1297 = arith.constant 0 : i32
        %dma_start3A_1298 = tpu.memref_slice %arg3[%dma_start3A_1296, %dma_start3A_1297] : memref<1000000x128xf32, #tpu.memory_space<hbm>> -> memref<1000000x128xf32, #tpu.memory_space<hbm>>
        tpu.enqueue_indirect_dma source(%dma_start3A_1298 : memref<1000000x128xf32, #tpu.memory_space<hbm>>) target(%dma_start3A_1293 : memref<16x128xf32, #tpu.memory_space<vmem>>) offsets(%dma_start3A_1295 : memref<16xi32, #tpu.memory_space<vmem>>) semaphore(%arg18 : memref<!tpu.dma_semaphore, #tpu.memory_space<semaphore_mem>>)
        %dma_start3A_1299 = arith.constant 17 : i32
        %dma_start3A_1300 = arith.constant 1 : i32
        %dma_start3A_1301 = arith.constant 17 : i32
        %dma_start3A_1302 = arith.constant 0 : i32
        %dma_start3A_1303 = arith.constant 0 : i32
        %dma_start3A_1304 = tpu.memref_slice %arg14[%dma_start3A_1300, %dma_start3A_1301, %dma_start3A_1302, %dma_start3A_1303] : memref<2x20x16x128xf32, #tpu.memory_space<vmem>> -> memref<1x1x16x128xf32, #tpu.memory_space<vmem>>
        %dma_start3A_1305 = tpu.memref_squeeze %dma_start3A_1304 : memref<1x1x16x128xf32, #tpu.memory_space<vmem>> -> memref<16x128xf32, #tpu.memory_space<vmem>>
        %dma_start3A_1306 = tpu.memref_slice %arg11[%dma_start3A_1299, %select_n3A, %mul3A_1074] : memref<20x4x128xi32, #tpu.memory_space<vmem>> -> memref<1x1x16xi32, #tpu.memory_space<vmem>>
        %dma_start3A_1307 = tpu.memref_squeeze %dma_start3A_1306 : memref<1x1x16xi32, #tpu.memory_space<vmem>> -> memref<16xi32, #tpu.memory_space<vmem>>
        %dma_start3A_1308 = arith.constant 0 : i32
        %dma_start3A_1309 = arith.constant 0 : i32
        %dma_start3A_1310 = tpu.memref_slice %arg3[%dma_start3A_1308, %dma_start3A_1309] : memref<1000000x128xf32, #tpu.memory_space<hbm>> -> memref<1000000x128xf32, #tpu.memory_space<hbm>>
        tpu.enqueue_indirect_dma source(%dma_start3A_1310 : memref<1000000x128xf32, #tpu.memory_space<hbm>>) target(%dma_start3A_1305 : memref<16x128xf32, #tpu.memory_space<vmem>>) offsets(%dma_start3A_1307 : memref<16xi32, #tpu.memory_space<vmem>>) semaphore(%arg18 : memref<!tpu.dma_semaphore, #tpu.memory_space<semaphore_mem>>)
        %dma_start3A_1311 = arith.constant 18 : i32
        %dma_start3A_1312 = arith.constant 1 : i32
        %dma_start3A_1313 = arith.constant 18 : i32
        %dma_start3A_1314 = arith.constant 0 : i32
        %dma_start3A_1315 = arith.constant 0 : i32
        %dma_start3A_1316 = tpu.memref_slice %arg14[%dma_start3A_1312, %dma_start3A_1313, %dma_start3A_1314, %dma_start3A_1315] : memref<2x20x16x128xf32, #tpu.memory_space<vmem>> -> memref<1x1x16x128xf32, #tpu.memory_space<vmem>>
        %dma_start3A_1317 = tpu.memref_squeeze %dma_start3A_1316 : memref<1x1x16x128xf32, #tpu.memory_space<vmem>> -> memref<16x128xf32, #tpu.memory_space<vmem>>
        %dma_start3A_1318 = tpu.memref_slice %arg11[%dma_start3A_1311, %select_n3A, %mul3A_1074] : memref<20x4x128xi32, #tpu.memory_space<vmem>> -> memref<1x1x16xi32, #tpu.memory_space<vmem>>
        %dma_start3A_1319 = tpu.memref_squeeze %dma_start3A_1318 : memref<1x1x16xi32, #tpu.memory_space<vmem>> -> memref<16xi32, #tpu.memory_space<vmem>>
        %dma_start3A_1320 = arith.constant 0 : i32
        %dma_start3A_1321 = arith.constant 0 : i32
        %dma_start3A_1322 = tpu.memref_slice %arg3[%dma_start3A_1320, %dma_start3A_1321] : memref<1000000x128xf32, #tpu.memory_space<hbm>> -> memref<1000000x128xf32, #tpu.memory_space<hbm>>
        tpu.enqueue_indirect_dma source(%dma_start3A_1322 : memref<1000000x128xf32, #tpu.memory_space<hbm>>) target(%dma_start3A_1317 : memref<16x128xf32, #tpu.memory_space<vmem>>) offsets(%dma_start3A_1319 : memref<16xi32, #tpu.memory_space<vmem>>) semaphore(%arg18 : memref<!tpu.dma_semaphore, #tpu.memory_space<semaphore_mem>>)
        %dma_start3A_1323 = arith.constant 19 : i32
        %dma_start3A_1324 = arith.constant 1 : i32
        %dma_start3A_1325 = arith.constant 19 : i32
        %dma_start3A_1326 = arith.constant 0 : i32
        %dma_start3A_1327 = arith.constant 0 : i32
        %dma_start3A_1328 = tpu.memref_slice %arg14[%dma_start3A_1324, %dma_start3A_1325, %dma_start3A_1326, %dma_start3A_1327] : memref<2x20x16x128xf32, #tpu.memory_space<vmem>> -> memref<1x1x16x128xf32, #tpu.memory_space<vmem>>
        %dma_start3A_1329 = tpu.memref_squeeze %dma_start3A_1328 : memref<1x1x16x128xf32, #tpu.memory_space<vmem>> -> memref<16x128xf32, #tpu.memory_space<vmem>>
        %dma_start3A_1330 = tpu.memref_slice %arg11[%dma_start3A_1323, %select_n3A, %mul3A_1074] : memref<20x4x128xi32, #tpu.memory_space<vmem>> -> memref<1x1x16xi32, #tpu.memory_space<vmem>>
        %dma_start3A_1331 = tpu.memref_squeeze %dma_start3A_1330 : memref<1x1x16xi32, #tpu.memory_space<vmem>> -> memref<16xi32, #tpu.memory_space<vmem>>
        %dma_start3A_1332 = arith.constant 0 : i32
        %dma_start3A_1333 = arith.constant 0 : i32
        %dma_start3A_1334 = tpu.memref_slice %arg3[%dma_start3A_1332, %dma_start3A_1333] : memref<1000000x128xf32, #tpu.memory_space<hbm>> -> memref<1000000x128xf32, #tpu.memory_space<hbm>>
        tpu.enqueue_indirect_dma source(%dma_start3A_1334 : memref<1000000x128xf32, #tpu.memory_space<hbm>>) target(%dma_start3A_1329 : memref<16x128xf32, #tpu.memory_space<vmem>>) offsets(%dma_start3A_1331 : memref<16xi32, #tpu.memory_space<vmem>>) semaphore(%arg18 : memref<!tpu.dma_semaphore, #tpu.memory_space<semaphore_mem>>)
      } else {
      }
      %dma_wait3A = arith.constant 0 : i32
      %dma_wait3A_318 = arith.constant 0 : i32
      %dma_wait3A_319 = arith.constant 0 : i32
      %dma_wait3A_320 = tpu.memref_slice %arg12[%dma_wait3A, %dma_wait3A_318, %dma_wait3A_319] : memref<2x16x128xf32, #tpu.memory_space<vmem>> -> memref<1x16x128xf32, #tpu.memory_space<vmem>>
      %dma_wait3A_321 = tpu.memref_squeeze %dma_wait3A_320 : memref<1x16x128xf32, #tpu.memory_space<vmem>> -> memref<16x128xf32, #tpu.memory_space<vmem>>
      %dma_wait3A_322 = arith.constant 0 : i32
      %dma_wait3A_323 = arith.constant 0 : i32
      %dma_wait3A_324 = tpu.memref_slice %arg2[%dma_wait3A_322, %dma_wait3A_323] : memref<1000000x128xf32, #tpu.memory_space<hbm>> -> memref<16x128xf32, #tpu.memory_space<hbm>>
      %dma_wait3A_325 = arith.constant 0 : i32
      %dma_wait3A_326 = arith.constant 0 : i32
      %dma_wait3A_327 = tpu.memref_slice %arg12[%dma_wait3A, %dma_wait3A_325, %dma_wait3A_326] : memref<2x16x128xf32, #tpu.memory_space<vmem>> -> memref<1x16x128xf32, #tpu.memory_space<vmem>>
      %dma_wait3A_328 = tpu.memref_squeeze %dma_wait3A_327 : memref<1x16x128xf32, #tpu.memory_space<vmem>> -> memref<16x128xf32, #tpu.memory_space<vmem>>
      %dma_wait3A_329 = arith.constant 0 : i32
      %dma_wait3A_330 = arith.constant 0 : i32
      %dma_wait3A_331 = tpu.memref_slice %arg2[%dma_wait3A_329, %dma_wait3A_330] : memref<1000000x128xf32, #tpu.memory_space<hbm>> -> memref<16x128xf32, #tpu.memory_space<hbm>>
      tpu.wait_dma2 semaphore(%arg17 : memref<!tpu.dma_semaphore, #tpu.memory_space<semaphore_mem>>) src(%dma_wait3A_331 : memref<16x128xf32, #tpu.memory_space<hbm>>) dst(%dma_wait3A_328 : memref<16x128xf32, #tpu.memory_space<vmem>>)
      %dma_wait3A_332 = arith.constant 0 : i32
      %dma_wait3A_333 = arith.constant 0 : i32
      %dma_wait3A_334 = arith.constant 0 : i32
      %dma_wait3A_335 = tpu.memref_slice %arg13[%dma_wait3A_332, %dma_wait3A_333, %dma_wait3A_334] : memref<2x16x128xf32, #tpu.memory_space<vmem>> -> memref<1x16x128xf32, #tpu.memory_space<vmem>>
      %dma_wait3A_336 = tpu.memref_squeeze %dma_wait3A_335 : memref<1x16x128xf32, #tpu.memory_space<vmem>> -> memref<16x128xf32, #tpu.memory_space<vmem>>
      %dma_wait3A_337 = arith.constant 0 : i32
      %dma_wait3A_338 = arith.constant 0 : i32
      %dma_wait3A_339 = tpu.memref_slice %arg2[%dma_wait3A_337, %dma_wait3A_338] : memref<1000000x128xf32, #tpu.memory_space<hbm>> -> memref<16x128xf32, #tpu.memory_space<hbm>>
      %dma_wait3A_340 = arith.constant 0 : i32
      %dma_wait3A_341 = arith.constant 0 : i32
      %dma_wait3A_342 = tpu.memref_slice %arg13[%dma_wait3A_332, %dma_wait3A_340, %dma_wait3A_341] : memref<2x16x128xf32, #tpu.memory_space<vmem>> -> memref<1x16x128xf32, #tpu.memory_space<vmem>>
      %dma_wait3A_343 = tpu.memref_squeeze %dma_wait3A_342 : memref<1x16x128xf32, #tpu.memory_space<vmem>> -> memref<16x128xf32, #tpu.memory_space<vmem>>
      %dma_wait3A_344 = arith.constant 0 : i32
      %dma_wait3A_345 = arith.constant 0 : i32
      %dma_wait3A_346 = tpu.memref_slice %arg2[%dma_wait3A_344, %dma_wait3A_345] : memref<1000000x128xf32, #tpu.memory_space<hbm>> -> memref<16x128xf32, #tpu.memory_space<hbm>>
      tpu.wait_dma2 semaphore(%arg17 : memref<!tpu.dma_semaphore, #tpu.memory_space<semaphore_mem>>) src(%dma_wait3A_346 : memref<16x128xf32, #tpu.memory_space<hbm>>) dst(%dma_wait3A_343 : memref<16x128xf32, #tpu.memory_space<vmem>>)
      %dma_wait3A_347 = arith.constant 0 : i32
      %dma_wait3A_348 = arith.constant 0 : i32
      %dma_wait3A_349 = arith.constant 0 : i32
      %dma_wait3A_350 = arith.constant 0 : i32
      %dma_wait3A_351 = tpu.memref_slice %arg14[%dma_wait3A_347, %dma_wait3A_348, %dma_wait3A_349, %dma_wait3A_350] : memref<2x20x16x128xf32, #tpu.memory_space<vmem>> -> memref<1x1x16x128xf32, #tpu.memory_space<vmem>>
      %dma_wait3A_352 = tpu.memref_squeeze %dma_wait3A_351 : memref<1x1x16x128xf32, #tpu.memory_space<vmem>> -> memref<16x128xf32, #tpu.memory_space<vmem>>
      %dma_wait3A_353 = arith.constant 0 : i32
      %dma_wait3A_354 = arith.constant 0 : i32
      %dma_wait3A_355 = tpu.memref_slice %arg2[%dma_wait3A_353, %dma_wait3A_354] : memref<1000000x128xf32, #tpu.memory_space<hbm>> -> memref<16x128xf32, #tpu.memory_space<hbm>>
      %dma_wait3A_356 = arith.constant 0 : i32
      %dma_wait3A_357 = arith.constant 0 : i32
      %dma_wait3A_358 = tpu.memref_slice %arg14[%dma_wait3A_347, %dma_wait3A_348, %dma_wait3A_356, %dma_wait3A_357] : memref<2x20x16x128xf32, #tpu.memory_space<vmem>> -> memref<1x1x16x128xf32, #tpu.memory_space<vmem>>
      %dma_wait3A_359 = tpu.memref_squeeze %dma_wait3A_358 : memref<1x1x16x128xf32, #tpu.memory_space<vmem>> -> memref<16x128xf32, #tpu.memory_space<vmem>>
      %dma_wait3A_360 = arith.constant 0 : i32
      %dma_wait3A_361 = arith.constant 0 : i32
      %dma_wait3A_362 = tpu.memref_slice %arg2[%dma_wait3A_360, %dma_wait3A_361] : memref<1000000x128xf32, #tpu.memory_space<hbm>> -> memref<16x128xf32, #tpu.memory_space<hbm>>
      tpu.wait_dma2 semaphore(%arg17 : memref<!tpu.dma_semaphore, #tpu.memory_space<semaphore_mem>>) src(%dma_wait3A_362 : memref<16x128xf32, #tpu.memory_space<hbm>>) dst(%dma_wait3A_359 : memref<16x128xf32, #tpu.memory_space<vmem>>)
      %dma_wait3A_363 = arith.constant 0 : i32
      %dma_wait3A_364 = arith.constant 1 : i32
      %dma_wait3A_365 = arith.constant 0 : i32
      %dma_wait3A_366 = arith.constant 0 : i32
      %dma_wait3A_367 = tpu.memref_slice %arg14[%dma_wait3A_363, %dma_wait3A_364, %dma_wait3A_365, %dma_wait3A_366] : memref<2x20x16x128xf32, #tpu.memory_space<vmem>> -> memref<1x1x16x128xf32, #tpu.memory_space<vmem>>
      %dma_wait3A_368 = tpu.memref_squeeze %dma_wait3A_367 : memref<1x1x16x128xf32, #tpu.memory_space<vmem>> -> memref<16x128xf32, #tpu.memory_space<vmem>>
      %dma_wait3A_369 = arith.constant 0 : i32
      %dma_wait3A_370 = arith.constant 0 : i32
      %dma_wait3A_371 = tpu.memref_slice %arg2[%dma_wait3A_369, %dma_wait3A_370] : memref<1000000x128xf32, #tpu.memory_space<hbm>> -> memref<16x128xf32, #tpu.memory_space<hbm>>
      %dma_wait3A_372 = arith.constant 0 : i32
      %dma_wait3A_373 = arith.constant 0 : i32
      %dma_wait3A_374 = tpu.memref_slice %arg14[%dma_wait3A_363, %dma_wait3A_364, %dma_wait3A_372, %dma_wait3A_373] : memref<2x20x16x128xf32, #tpu.memory_space<vmem>> -> memref<1x1x16x128xf32, #tpu.memory_space<vmem>>
      %dma_wait3A_375 = tpu.memref_squeeze %dma_wait3A_374 : memref<1x1x16x128xf32, #tpu.memory_space<vmem>> -> memref<16x128xf32, #tpu.memory_space<vmem>>
      %dma_wait3A_376 = arith.constant 0 : i32
      %dma_wait3A_377 = arith.constant 0 : i32
      %dma_wait3A_378 = tpu.memref_slice %arg2[%dma_wait3A_376, %dma_wait3A_377] : memref<1000000x128xf32, #tpu.memory_space<hbm>> -> memref<16x128xf32, #tpu.memory_space<hbm>>
      tpu.wait_dma2 semaphore(%arg17 : memref<!tpu.dma_semaphore, #tpu.memory_space<semaphore_mem>>) src(%dma_wait3A_378 : memref<16x128xf32, #tpu.memory_space<hbm>>) dst(%dma_wait3A_375 : memref<16x128xf32, #tpu.memory_space<vmem>>)
      %dma_wait3A_379 = arith.constant 0 : i32
      %dma_wait3A_380 = arith.constant 2 : i32
      %dma_wait3A_381 = arith.constant 0 : i32
      %dma_wait3A_382 = arith.constant 0 : i32
      %dma_wait3A_383 = tpu.memref_slice %arg14[%dma_wait3A_379, %dma_wait3A_380, %dma_wait3A_381, %dma_wait3A_382] : memref<2x20x16x128xf32, #tpu.memory_space<vmem>> -> memref<1x1x16x128xf32, #tpu.memory_space<vmem>>
      %dma_wait3A_384 = tpu.memref_squeeze %dma_wait3A_383 : memref<1x1x16x128xf32, #tpu.memory_space<vmem>> -> memref<16x128xf32, #tpu.memory_space<vmem>>
      %dma_wait3A_385 = arith.constant 0 : i32
      %dma_wait3A_386 = arith.constant 0 : i32
      %dma_wait3A_387 = tpu.memref_slice %arg2[%dma_wait3A_385, %dma_wait3A_386] : memref<1000000x128xf32, #tpu.memory_space<hbm>> -> memref<16x128xf32, #tpu.memory_space<hbm>>
      %dma_wait3A_388 = arith.constant 0 : i32
      %dma_wait3A_389 = arith.constant 0 : i32
      %dma_wait3A_390 = tpu.memref_slice %arg14[%dma_wait3A_379, %dma_wait3A_380, %dma_wait3A_388, %dma_wait3A_389] : memref<2x20x16x128xf32, #tpu.memory_space<vmem>> -> memref<1x1x16x128xf32, #tpu.memory_space<vmem>>
      %dma_wait3A_391 = tpu.memref_squeeze %dma_wait3A_390 : memref<1x1x16x128xf32, #tpu.memory_space<vmem>> -> memref<16x128xf32, #tpu.memory_space<vmem>>
      %dma_wait3A_392 = arith.constant 0 : i32
      %dma_wait3A_393 = arith.constant 0 : i32
      %dma_wait3A_394 = tpu.memref_slice %arg2[%dma_wait3A_392, %dma_wait3A_393] : memref<1000000x128xf32, #tpu.memory_space<hbm>> -> memref<16x128xf32, #tpu.memory_space<hbm>>
      tpu.wait_dma2 semaphore(%arg17 : memref<!tpu.dma_semaphore, #tpu.memory_space<semaphore_mem>>) src(%dma_wait3A_394 : memref<16x128xf32, #tpu.memory_space<hbm>>) dst(%dma_wait3A_391 : memref<16x128xf32, #tpu.memory_space<vmem>>)
      %dma_wait3A_395 = arith.constant 0 : i32
      %dma_wait3A_396 = arith.constant 3 : i32
      %dma_wait3A_397 = arith.constant 0 : i32
      %dma_wait3A_398 = arith.constant 0 : i32
      %dma_wait3A_399 = tpu.memref_slice %arg14[%dma_wait3A_395, %dma_wait3A_396, %dma_wait3A_397, %dma_wait3A_398] : memref<2x20x16x128xf32, #tpu.memory_space<vmem>> -> memref<1x1x16x128xf32, #tpu.memory_space<vmem>>
      %dma_wait3A_400 = tpu.memref_squeeze %dma_wait3A_399 : memref<1x1x16x128xf32, #tpu.memory_space<vmem>> -> memref<16x128xf32, #tpu.memory_space<vmem>>
      %dma_wait3A_401 = arith.constant 0 : i32
      %dma_wait3A_402 = arith.constant 0 : i32
      %dma_wait3A_403 = tpu.memref_slice %arg2[%dma_wait3A_401, %dma_wait3A_402] : memref<1000000x128xf32, #tpu.memory_space<hbm>> -> memref<16x128xf32, #tpu.memory_space<hbm>>
      %dma_wait3A_404 = arith.constant 0 : i32
      %dma_wait3A_405 = arith.constant 0 : i32
      %dma_wait3A_406 = tpu.memref_slice %arg14[%dma_wait3A_395, %dma_wait3A_396, %dma_wait3A_404, %dma_wait3A_405] : memref<2x20x16x128xf32, #tpu.memory_space<vmem>> -> memref<1x1x16x128xf32, #tpu.memory_space<vmem>>
      %dma_wait3A_407 = tpu.memref_squeeze %dma_wait3A_406 : memref<1x1x16x128xf32, #tpu.memory_space<vmem>> -> memref<16x128xf32, #tpu.memory_space<vmem>>
      %dma_wait3A_408 = arith.constant 0 : i32
      %dma_wait3A_409 = arith.constant 0 : i32
      %dma_wait3A_410 = tpu.memref_slice %arg2[%dma_wait3A_408, %dma_wait3A_409] : memref<1000000x128xf32, #tpu.memory_space<hbm>> -> memref<16x128xf32, #tpu.memory_space<hbm>>
      tpu.wait_dma2 semaphore(%arg17 : memref<!tpu.dma_semaphore, #tpu.memory_space<semaphore_mem>>) src(%dma_wait3A_410 : memref<16x128xf32, #tpu.memory_space<hbm>>) dst(%dma_wait3A_407 : memref<16x128xf32, #tpu.memory_space<vmem>>)
      %dma_wait3A_411 = arith.constant 0 : i32
      %dma_wait3A_412 = arith.constant 4 : i32
      %dma_wait3A_413 = arith.constant 0 : i32
      %dma_wait3A_414 = arith.constant 0 : i32
      %dma_wait3A_415 = tpu.memref_slice %arg14[%dma_wait3A_411, %dma_wait3A_412, %dma_wait3A_413, %dma_wait3A_414] : memref<2x20x16x128xf32, #tpu.memory_space<vmem>> -> memref<1x1x16x128xf32, #tpu.memory_space<vmem>>
      %dma_wait3A_416 = tpu.memref_squeeze %dma_wait3A_415 : memref<1x1x16x128xf32, #tpu.memory_space<vmem>> -> memref<16x128xf32, #tpu.memory_space<vmem>>
      %dma_wait3A_417 = arith.constant 0 : i32
      %dma_wait3A_418 = arith.constant 0 : i32
      %dma_wait3A_419 = tpu.memref_slice %arg2[%dma_wait3A_417, %dma_wait3A_418] : memref<1000000x128xf32, #tpu.memory_space<hbm>> -> memref<16x128xf32, #tpu.memory_space<hbm>>
      %dma_wait3A_420 = arith.constant 0 : i32
      %dma_wait3A_421 = arith.constant 0 : i32
      %dma_wait3A_422 = tpu.memref_slice %arg14[%dma_wait3A_411, %dma_wait3A_412, %dma_wait3A_420, %dma_wait3A_421] : memref<2x20x16x128xf32, #tpu.memory_space<vmem>> -> memref<1x1x16x128xf32, #tpu.memory_space<vmem>>
      %dma_wait3A_423 = tpu.memref_squeeze %dma_wait3A_422 : memref<1x1x16x128xf32, #tpu.memory_space<vmem>> -> memref<16x128xf32, #tpu.memory_space<vmem>>
      %dma_wait3A_424 = arith.constant 0 : i32
      %dma_wait3A_425 = arith.constant 0 : i32
      %dma_wait3A_426 = tpu.memref_slice %arg2[%dma_wait3A_424, %dma_wait3A_425] : memref<1000000x128xf32, #tpu.memory_space<hbm>> -> memref<16x128xf32, #tpu.memory_space<hbm>>
      tpu.wait_dma2 semaphore(%arg17 : memref<!tpu.dma_semaphore, #tpu.memory_space<semaphore_mem>>) src(%dma_wait3A_426 : memref<16x128xf32, #tpu.memory_space<hbm>>) dst(%dma_wait3A_423 : memref<16x128xf32, #tpu.memory_space<vmem>>)
      %dma_wait3A_427 = arith.constant 0 : i32
      %dma_wait3A_428 = arith.constant 5 : i32
      %dma_wait3A_429 = arith.constant 0 : i32
      %dma_wait3A_430 = arith.constant 0 : i32
      %dma_wait3A_431 = tpu.memref_slice %arg14[%dma_wait3A_427, %dma_wait3A_428, %dma_wait3A_429, %dma_wait3A_430] : memref<2x20x16x128xf32, #tpu.memory_space<vmem>> -> memref<1x1x16x128xf32, #tpu.memory_space<vmem>>
      %dma_wait3A_432 = tpu.memref_squeeze %dma_wait3A_431 : memref<1x1x16x128xf32, #tpu.memory_space<vmem>> -> memref<16x128xf32, #tpu.memory_space<vmem>>
      %dma_wait3A_433 = arith.constant 0 : i32
      %dma_wait3A_434 = arith.constant 0 : i32
      %dma_wait3A_435 = tpu.memref_slice %arg2[%dma_wait3A_433, %dma_wait3A_434] : memref<1000000x128xf32, #tpu.memory_space<hbm>> -> memref<16x128xf32, #tpu.memory_space<hbm>>
      %dma_wait3A_436 = arith.constant 0 : i32
      %dma_wait3A_437 = arith.constant 0 : i32
      %dma_wait3A_438 = tpu.memref_slice %arg14[%dma_wait3A_427, %dma_wait3A_428, %dma_wait3A_436, %dma_wait3A_437] : memref<2x20x16x128xf32, #tpu.memory_space<vmem>> -> memref<1x1x16x128xf32, #tpu.memory_space<vmem>>
      %dma_wait3A_439 = tpu.memref_squeeze %dma_wait3A_438 : memref<1x1x16x128xf32, #tpu.memory_space<vmem>> -> memref<16x128xf32, #tpu.memory_space<vmem>>
      %dma_wait3A_440 = arith.constant 0 : i32
      %dma_wait3A_441 = arith.constant 0 : i32
      %dma_wait3A_442 = tpu.memref_slice %arg2[%dma_wait3A_440, %dma_wait3A_441] : memref<1000000x128xf32, #tpu.memory_space<hbm>> -> memref<16x128xf32, #tpu.memory_space<hbm>>
      tpu.wait_dma2 semaphore(%arg17 : memref<!tpu.dma_semaphore, #tpu.memory_space<semaphore_mem>>) src(%dma_wait3A_442 : memref<16x128xf32, #tpu.memory_space<hbm>>) dst(%dma_wait3A_439 : memref<16x128xf32, #tpu.memory_space<vmem>>)
      %dma_wait3A_443 = arith.constant 0 : i32
      %dma_wait3A_444 = arith.constant 6 : i32
      %dma_wait3A_445 = arith.constant 0 : i32
      %dma_wait3A_446 = arith.constant 0 : i32
      %dma_wait3A_447 = tpu.memref_slice %arg14[%dma_wait3A_443, %dma_wait3A_444, %dma_wait3A_445, %dma_wait3A_446] : memref<2x20x16x128xf32, #tpu.memory_space<vmem>> -> memref<1x1x16x128xf32, #tpu.memory_space<vmem>>
      %dma_wait3A_448 = tpu.memref_squeeze %dma_wait3A_447 : memref<1x1x16x128xf32, #tpu.memory_space<vmem>> -> memref<16x128xf32, #tpu.memory_space<vmem>>
      %dma_wait3A_449 = arith.constant 0 : i32
      %dma_wait3A_450 = arith.constant 0 : i32
      %dma_wait3A_451 = tpu.memref_slice %arg2[%dma_wait3A_449, %dma_wait3A_450] : memref<1000000x128xf32, #tpu.memory_space<hbm>> -> memref<16x128xf32, #tpu.memory_space<hbm>>
      %dma_wait3A_452 = arith.constant 0 : i32
      %dma_wait3A_453 = arith.constant 0 : i32
      %dma_wait3A_454 = tpu.memref_slice %arg14[%dma_wait3A_443, %dma_wait3A_444, %dma_wait3A_452, %dma_wait3A_453] : memref<2x20x16x128xf32, #tpu.memory_space<vmem>> -> memref<1x1x16x128xf32, #tpu.memory_space<vmem>>
      %dma_wait3A_455 = tpu.memref_squeeze %dma_wait3A_454 : memref<1x1x16x128xf32, #tpu.memory_space<vmem>> -> memref<16x128xf32, #tpu.memory_space<vmem>>
      %dma_wait3A_456 = arith.constant 0 : i32
      %dma_wait3A_457 = arith.constant 0 : i32
      %dma_wait3A_458 = tpu.memref_slice %arg2[%dma_wait3A_456, %dma_wait3A_457] : memref<1000000x128xf32, #tpu.memory_space<hbm>> -> memref<16x128xf32, #tpu.memory_space<hbm>>
      tpu.wait_dma2 semaphore(%arg17 : memref<!tpu.dma_semaphore, #tpu.memory_space<semaphore_mem>>) src(%dma_wait3A_458 : memref<16x128xf32, #tpu.memory_space<hbm>>) dst(%dma_wait3A_455 : memref<16x128xf32, #tpu.memory_space<vmem>>)
      %dma_wait3A_459 = arith.constant 0 : i32
      %dma_wait3A_460 = arith.constant 7 : i32
      %dma_wait3A_461 = arith.constant 0 : i32
      %dma_wait3A_462 = arith.constant 0 : i32
      %dma_wait3A_463 = tpu.memref_slice %arg14[%dma_wait3A_459, %dma_wait3A_460, %dma_wait3A_461, %dma_wait3A_462] : memref<2x20x16x128xf32, #tpu.memory_space<vmem>> -> memref<1x1x16x128xf32, #tpu.memory_space<vmem>>
      %dma_wait3A_464 = tpu.memref_squeeze %dma_wait3A_463 : memref<1x1x16x128xf32, #tpu.memory_space<vmem>> -> memref<16x128xf32, #tpu.memory_space<vmem>>
      %dma_wait3A_465 = arith.constant 0 : i32
      %dma_wait3A_466 = arith.constant 0 : i32
      %dma_wait3A_467 = tpu.memref_slice %arg2[%dma_wait3A_465, %dma_wait3A_466] : memref<1000000x128xf32, #tpu.memory_space<hbm>> -> memref<16x128xf32, #tpu.memory_space<hbm>>
      %dma_wait3A_468 = arith.constant 0 : i32
      %dma_wait3A_469 = arith.constant 0 : i32
      %dma_wait3A_470 = tpu.memref_slice %arg14[%dma_wait3A_459, %dma_wait3A_460, %dma_wait3A_468, %dma_wait3A_469] : memref<2x20x16x128xf32, #tpu.memory_space<vmem>> -> memref<1x1x16x128xf32, #tpu.memory_space<vmem>>
      %dma_wait3A_471 = tpu.memref_squeeze %dma_wait3A_470 : memref<1x1x16x128xf32, #tpu.memory_space<vmem>> -> memref<16x128xf32, #tpu.memory_space<vmem>>
      %dma_wait3A_472 = arith.constant 0 : i32
      %dma_wait3A_473 = arith.constant 0 : i32
      %dma_wait3A_474 = tpu.memref_slice %arg2[%dma_wait3A_472, %dma_wait3A_473] : memref<1000000x128xf32, #tpu.memory_space<hbm>> -> memref<16x128xf32, #tpu.memory_space<hbm>>
      tpu.wait_dma2 semaphore(%arg17 : memref<!tpu.dma_semaphore, #tpu.memory_space<semaphore_mem>>) src(%dma_wait3A_474 : memref<16x128xf32, #tpu.memory_space<hbm>>) dst(%dma_wait3A_471 : memref<16x128xf32, #tpu.memory_space<vmem>>)
      %dma_wait3A_475 = arith.constant 0 : i32
      %dma_wait3A_476 = arith.constant 8 : i32
      %dma_wait3A_477 = arith.constant 0 : i32
      %dma_wait3A_478 = arith.constant 0 : i32
      %dma_wait3A_479 = tpu.memref_slice %arg14[%dma_wait3A_475, %dma_wait3A_476, %dma_wait3A_477, %dma_wait3A_478] : memref<2x20x16x128xf32, #tpu.memory_space<vmem>> -> memref<1x1x16x128xf32, #tpu.memory_space<vmem>>
      %dma_wait3A_480 = tpu.memref_squeeze %dma_wait3A_479 : memref<1x1x16x128xf32, #tpu.memory_space<vmem>> -> memref<16x128xf32, #tpu.memory_space<vmem>>
      %dma_wait3A_481 = arith.constant 0 : i32
      %dma_wait3A_482 = arith.constant 0 : i32
      %dma_wait3A_483 = tpu.memref_slice %arg2[%dma_wait3A_481, %dma_wait3A_482] : memref<1000000x128xf32, #tpu.memory_space<hbm>> -> memref<16x128xf32, #tpu.memory_space<hbm>>
      %dma_wait3A_484 = arith.constant 0 : i32
      %dma_wait3A_485 = arith.constant 0 : i32
      %dma_wait3A_486 = tpu.memref_slice %arg14[%dma_wait3A_475, %dma_wait3A_476, %dma_wait3A_484, %dma_wait3A_485] : memref<2x20x16x128xf32, #tpu.memory_space<vmem>> -> memref<1x1x16x128xf32, #tpu.memory_space<vmem>>
      %dma_wait3A_487 = tpu.memref_squeeze %dma_wait3A_486 : memref<1x1x16x128xf32, #tpu.memory_space<vmem>> -> memref<16x128xf32, #tpu.memory_space<vmem>>
      %dma_wait3A_488 = arith.constant 0 : i32
      %dma_wait3A_489 = arith.constant 0 : i32
      %dma_wait3A_490 = tpu.memref_slice %arg2[%dma_wait3A_488, %dma_wait3A_489] : memref<1000000x128xf32, #tpu.memory_space<hbm>> -> memref<16x128xf32, #tpu.memory_space<hbm>>
      tpu.wait_dma2 semaphore(%arg17 : memref<!tpu.dma_semaphore, #tpu.memory_space<semaphore_mem>>) src(%dma_wait3A_490 : memref<16x128xf32, #tpu.memory_space<hbm>>) dst(%dma_wait3A_487 : memref<16x128xf32, #tpu.memory_space<vmem>>)
      %dma_wait3A_491 = arith.constant 0 : i32
      %dma_wait3A_492 = arith.constant 9 : i32
      %dma_wait3A_493 = arith.constant 0 : i32
      %dma_wait3A_494 = arith.constant 0 : i32
      %dma_wait3A_495 = tpu.memref_slice %arg14[%dma_wait3A_491, %dma_wait3A_492, %dma_wait3A_493, %dma_wait3A_494] : memref<2x20x16x128xf32, #tpu.memory_space<vmem>> -> memref<1x1x16x128xf32, #tpu.memory_space<vmem>>
      %dma_wait3A_496 = tpu.memref_squeeze %dma_wait3A_495 : memref<1x1x16x128xf32, #tpu.memory_space<vmem>> -> memref<16x128xf32, #tpu.memory_space<vmem>>
      %dma_wait3A_497 = arith.constant 0 : i32
      %dma_wait3A_498 = arith.constant 0 : i32
      %dma_wait3A_499 = tpu.memref_slice %arg2[%dma_wait3A_497, %dma_wait3A_498] : memref<1000000x128xf32, #tpu.memory_space<hbm>> -> memref<16x128xf32, #tpu.memory_space<hbm>>
      %dma_wait3A_500 = arith.constant 0 : i32
      %dma_wait3A_501 = arith.constant 0 : i32
      %dma_wait3A_502 = tpu.memref_slice %arg14[%dma_wait3A_491, %dma_wait3A_492, %dma_wait3A_500, %dma_wait3A_501] : memref<2x20x16x128xf32, #tpu.memory_space<vmem>> -> memref<1x1x16x128xf32, #tpu.memory_space<vmem>>
      %dma_wait3A_503 = tpu.memref_squeeze %dma_wait3A_502 : memref<1x1x16x128xf32, #tpu.memory_space<vmem>> -> memref<16x128xf32, #tpu.memory_space<vmem>>
      %dma_wait3A_504 = arith.constant 0 : i32
      %dma_wait3A_505 = arith.constant 0 : i32
      %dma_wait3A_506 = tpu.memref_slice %arg2[%dma_wait3A_504, %dma_wait3A_505] : memref<1000000x128xf32, #tpu.memory_space<hbm>> -> memref<16x128xf32, #tpu.memory_space<hbm>>
      tpu.wait_dma2 semaphore(%arg17 : memref<!tpu.dma_semaphore, #tpu.memory_space<semaphore_mem>>) src(%dma_wait3A_506 : memref<16x128xf32, #tpu.memory_space<hbm>>) dst(%dma_wait3A_503 : memref<16x128xf32, #tpu.memory_space<vmem>>)
      %dma_wait3A_507 = arith.constant 0 : i32
      %dma_wait3A_508 = arith.constant 10 : i32
      %dma_wait3A_509 = arith.constant 0 : i32
      %dma_wait3A_510 = arith.constant 0 : i32
      %dma_wait3A_511 = tpu.memref_slice %arg14[%dma_wait3A_507, %dma_wait3A_508, %dma_wait3A_509, %dma_wait3A_510] : memref<2x20x16x128xf32, #tpu.memory_space<vmem>> -> memref<1x1x16x128xf32, #tpu.memory_space<vmem>>
      %dma_wait3A_512 = tpu.memref_squeeze %dma_wait3A_511 : memref<1x1x16x128xf32, #tpu.memory_space<vmem>> -> memref<16x128xf32, #tpu.memory_space<vmem>>
      %dma_wait3A_513 = arith.constant 0 : i32
      %dma_wait3A_514 = arith.constant 0 : i32
      %dma_wait3A_515 = tpu.memref_slice %arg2[%dma_wait3A_513, %dma_wait3A_514] : memref<1000000x128xf32, #tpu.memory_space<hbm>> -> memref<16x128xf32, #tpu.memory_space<hbm>>
      %dma_wait3A_516 = arith.constant 0 : i32
      %dma_wait3A_517 = arith.constant 0 : i32
      %dma_wait3A_518 = tpu.memref_slice %arg14[%dma_wait3A_507, %dma_wait3A_508, %dma_wait3A_516, %dma_wait3A_517] : memref<2x20x16x128xf32, #tpu.memory_space<vmem>> -> memref<1x1x16x128xf32, #tpu.memory_space<vmem>>
      %dma_wait3A_519 = tpu.memref_squeeze %dma_wait3A_518 : memref<1x1x16x128xf32, #tpu.memory_space<vmem>> -> memref<16x128xf32, #tpu.memory_space<vmem>>
      %dma_wait3A_520 = arith.constant 0 : i32
      %dma_wait3A_521 = arith.constant 0 : i32
      %dma_wait3A_522 = tpu.memref_slice %arg2[%dma_wait3A_520, %dma_wait3A_521] : memref<1000000x128xf32, #tpu.memory_space<hbm>> -> memref<16x128xf32, #tpu.memory_space<hbm>>
      tpu.wait_dma2 semaphore(%arg17 : memref<!tpu.dma_semaphore, #tpu.memory_space<semaphore_mem>>) src(%dma_wait3A_522 : memref<16x128xf32, #tpu.memory_space<hbm>>) dst(%dma_wait3A_519 : memref<16x128xf32, #tpu.memory_space<vmem>>)
      %dma_wait3A_523 = arith.constant 0 : i32
      %dma_wait3A_524 = arith.constant 11 : i32
      %dma_wait3A_525 = arith.constant 0 : i32
      %dma_wait3A_526 = arith.constant 0 : i32
      %dma_wait3A_527 = tpu.memref_slice %arg14[%dma_wait3A_523, %dma_wait3A_524, %dma_wait3A_525, %dma_wait3A_526] : memref<2x20x16x128xf32, #tpu.memory_space<vmem>> -> memref<1x1x16x128xf32, #tpu.memory_space<vmem>>
      %dma_wait3A_528 = tpu.memref_squeeze %dma_wait3A_527 : memref<1x1x16x128xf32, #tpu.memory_space<vmem>> -> memref<16x128xf32, #tpu.memory_space<vmem>>
      %dma_wait3A_529 = arith.constant 0 : i32
      %dma_wait3A_530 = arith.constant 0 : i32
      %dma_wait3A_531 = tpu.memref_slice %arg2[%dma_wait3A_529, %dma_wait3A_530] : memref<1000000x128xf32, #tpu.memory_space<hbm>> -> memref<16x128xf32, #tpu.memory_space<hbm>>
      %dma_wait3A_532 = arith.constant 0 : i32
      %dma_wait3A_533 = arith.constant 0 : i32
      %dma_wait3A_534 = tpu.memref_slice %arg14[%dma_wait3A_523, %dma_wait3A_524, %dma_wait3A_532, %dma_wait3A_533] : memref<2x20x16x128xf32, #tpu.memory_space<vmem>> -> memref<1x1x16x128xf32, #tpu.memory_space<vmem>>
      %dma_wait3A_535 = tpu.memref_squeeze %dma_wait3A_534 : memref<1x1x16x128xf32, #tpu.memory_space<vmem>> -> memref<16x128xf32, #tpu.memory_space<vmem>>
      %dma_wait3A_536 = arith.constant 0 : i32
      %dma_wait3A_537 = arith.constant 0 : i32
      %dma_wait3A_538 = tpu.memref_slice %arg2[%dma_wait3A_536, %dma_wait3A_537] : memref<1000000x128xf32, #tpu.memory_space<hbm>> -> memref<16x128xf32, #tpu.memory_space<hbm>>
      tpu.wait_dma2 semaphore(%arg17 : memref<!tpu.dma_semaphore, #tpu.memory_space<semaphore_mem>>) src(%dma_wait3A_538 : memref<16x128xf32, #tpu.memory_space<hbm>>) dst(%dma_wait3A_535 : memref<16x128xf32, #tpu.memory_space<vmem>>)
      %dma_wait3A_539 = arith.constant 0 : i32
      %dma_wait3A_540 = arith.constant 12 : i32
      %dma_wait3A_541 = arith.constant 0 : i32
      %dma_wait3A_542 = arith.constant 0 : i32
      %dma_wait3A_543 = tpu.memref_slice %arg14[%dma_wait3A_539, %dma_wait3A_540, %dma_wait3A_541, %dma_wait3A_542] : memref<2x20x16x128xf32, #tpu.memory_space<vmem>> -> memref<1x1x16x128xf32, #tpu.memory_space<vmem>>
      %dma_wait3A_544 = tpu.memref_squeeze %dma_wait3A_543 : memref<1x1x16x128xf32, #tpu.memory_space<vmem>> -> memref<16x128xf32, #tpu.memory_space<vmem>>
      %dma_wait3A_545 = arith.constant 0 : i32
      %dma_wait3A_546 = arith.constant 0 : i32
      %dma_wait3A_547 = tpu.memref_slice %arg2[%dma_wait3A_545, %dma_wait3A_546] : memref<1000000x128xf32, #tpu.memory_space<hbm>> -> memref<16x128xf32, #tpu.memory_space<hbm>>
      %dma_wait3A_548 = arith.constant 0 : i32
      %dma_wait3A_549 = arith.constant 0 : i32
      %dma_wait3A_550 = tpu.memref_slice %arg14[%dma_wait3A_539, %dma_wait3A_540, %dma_wait3A_548, %dma_wait3A_549] : memref<2x20x16x128xf32, #tpu.memory_space<vmem>> -> memref<1x1x16x128xf32, #tpu.memory_space<vmem>>
      %dma_wait3A_551 = tpu.memref_squeeze %dma_wait3A_550 : memref<1x1x16x128xf32, #tpu.memory_space<vmem>> -> memref<16x128xf32, #tpu.memory_space<vmem>>
      %dma_wait3A_552 = arith.constant 0 : i32
      %dma_wait3A_553 = arith.constant 0 : i32
      %dma_wait3A_554 = tpu.memref_slice %arg2[%dma_wait3A_552, %dma_wait3A_553] : memref<1000000x128xf32, #tpu.memory_space<hbm>> -> memref<16x128xf32, #tpu.memory_space<hbm>>
      tpu.wait_dma2 semaphore(%arg17 : memref<!tpu.dma_semaphore, #tpu.memory_space<semaphore_mem>>) src(%dma_wait3A_554 : memref<16x128xf32, #tpu.memory_space<hbm>>) dst(%dma_wait3A_551 : memref<16x128xf32, #tpu.memory_space<vmem>>)
      %dma_wait3A_555 = arith.constant 0 : i32
      %dma_wait3A_556 = arith.constant 13 : i32
      %dma_wait3A_557 = arith.constant 0 : i32
      %dma_wait3A_558 = arith.constant 0 : i32
      %dma_wait3A_559 = tpu.memref_slice %arg14[%dma_wait3A_555, %dma_wait3A_556, %dma_wait3A_557, %dma_wait3A_558] : memref<2x20x16x128xf32, #tpu.memory_space<vmem>> -> memref<1x1x16x128xf32, #tpu.memory_space<vmem>>
      %dma_wait3A_560 = tpu.memref_squeeze %dma_wait3A_559 : memref<1x1x16x128xf32, #tpu.memory_space<vmem>> -> memref<16x128xf32, #tpu.memory_space<vmem>>
      %dma_wait3A_561 = arith.constant 0 : i32
      %dma_wait3A_562 = arith.constant 0 : i32
      %dma_wait3A_563 = tpu.memref_slice %arg2[%dma_wait3A_561, %dma_wait3A_562] : memref<1000000x128xf32, #tpu.memory_space<hbm>> -> memref<16x128xf32, #tpu.memory_space<hbm>>
      %dma_wait3A_564 = arith.constant 0 : i32
      %dma_wait3A_565 = arith.constant 0 : i32
      %dma_wait3A_566 = tpu.memref_slice %arg14[%dma_wait3A_555, %dma_wait3A_556, %dma_wait3A_564, %dma_wait3A_565] : memref<2x20x16x128xf32, #tpu.memory_space<vmem>> -> memref<1x1x16x128xf32, #tpu.memory_space<vmem>>
      %dma_wait3A_567 = tpu.memref_squeeze %dma_wait3A_566 : memref<1x1x16x128xf32, #tpu.memory_space<vmem>> -> memref<16x128xf32, #tpu.memory_space<vmem>>
      %dma_wait3A_568 = arith.constant 0 : i32
      %dma_wait3A_569 = arith.constant 0 : i32
      %dma_wait3A_570 = tpu.memref_slice %arg2[%dma_wait3A_568, %dma_wait3A_569] : memref<1000000x128xf32, #tpu.memory_space<hbm>> -> memref<16x128xf32, #tpu.memory_space<hbm>>
      tpu.wait_dma2 semaphore(%arg17 : memref<!tpu.dma_semaphore, #tpu.memory_space<semaphore_mem>>) src(%dma_wait3A_570 : memref<16x128xf32, #tpu.memory_space<hbm>>) dst(%dma_wait3A_567 : memref<16x128xf32, #tpu.memory_space<vmem>>)
      %dma_wait3A_571 = arith.constant 0 : i32
      %dma_wait3A_572 = arith.constant 14 : i32
      %dma_wait3A_573 = arith.constant 0 : i32
      %dma_wait3A_574 = arith.constant 0 : i32
      %dma_wait3A_575 = tpu.memref_slice %arg14[%dma_wait3A_571, %dma_wait3A_572, %dma_wait3A_573, %dma_wait3A_574] : memref<2x20x16x128xf32, #tpu.memory_space<vmem>> -> memref<1x1x16x128xf32, #tpu.memory_space<vmem>>
      %dma_wait3A_576 = tpu.memref_squeeze %dma_wait3A_575 : memref<1x1x16x128xf32, #tpu.memory_space<vmem>> -> memref<16x128xf32, #tpu.memory_space<vmem>>
      %dma_wait3A_577 = arith.constant 0 : i32
      %dma_wait3A_578 = arith.constant 0 : i32
      %dma_wait3A_579 = tpu.memref_slice %arg2[%dma_wait3A_577, %dma_wait3A_578] : memref<1000000x128xf32, #tpu.memory_space<hbm>> -> memref<16x128xf32, #tpu.memory_space<hbm>>
      %dma_wait3A_580 = arith.constant 0 : i32
      %dma_wait3A_581 = arith.constant 0 : i32
      %dma_wait3A_582 = tpu.memref_slice %arg14[%dma_wait3A_571, %dma_wait3A_572, %dma_wait3A_580, %dma_wait3A_581] : memref<2x20x16x128xf32, #tpu.memory_space<vmem>> -> memref<1x1x16x128xf32, #tpu.memory_space<vmem>>
      %dma_wait3A_583 = tpu.memref_squeeze %dma_wait3A_582 : memref<1x1x16x128xf32, #tpu.memory_space<vmem>> -> memref<16x128xf32, #tpu.memory_space<vmem>>
      %dma_wait3A_584 = arith.constant 0 : i32
      %dma_wait3A_585 = arith.constant 0 : i32
      %dma_wait3A_586 = tpu.memref_slice %arg2[%dma_wait3A_584, %dma_wait3A_585] : memref<1000000x128xf32, #tpu.memory_space<hbm>> -> memref<16x128xf32, #tpu.memory_space<hbm>>
      tpu.wait_dma2 semaphore(%arg17 : memref<!tpu.dma_semaphore, #tpu.memory_space<semaphore_mem>>) src(%dma_wait3A_586 : memref<16x128xf32, #tpu.memory_space<hbm>>) dst(%dma_wait3A_583 : memref<16x128xf32, #tpu.memory_space<vmem>>)
      %dma_wait3A_587 = arith.constant 0 : i32
      %dma_wait3A_588 = arith.constant 15 : i32
      %dma_wait3A_589 = arith.constant 0 : i32
      %dma_wait3A_590 = arith.constant 0 : i32
      %dma_wait3A_591 = tpu.memref_slice %arg14[%dma_wait3A_587, %dma_wait3A_588, %dma_wait3A_589, %dma_wait3A_590] : memref<2x20x16x128xf32, #tpu.memory_space<vmem>> -> memref<1x1x16x128xf32, #tpu.memory_space<vmem>>
      %dma_wait3A_592 = tpu.memref_squeeze %dma_wait3A_591 : memref<1x1x16x128xf32, #tpu.memory_space<vmem>> -> memref<16x128xf32, #tpu.memory_space<vmem>>
      %dma_wait3A_593 = arith.constant 0 : i32
      %dma_wait3A_594 = arith.constant 0 : i32
      %dma_wait3A_595 = tpu.memref_slice %arg2[%dma_wait3A_593, %dma_wait3A_594] : memref<1000000x128xf32, #tpu.memory_space<hbm>> -> memref<16x128xf32, #tpu.memory_space<hbm>>
      %dma_wait3A_596 = arith.constant 0 : i32
      %dma_wait3A_597 = arith.constant 0 : i32
      %dma_wait3A_598 = tpu.memref_slice %arg14[%dma_wait3A_587, %dma_wait3A_588, %dma_wait3A_596, %dma_wait3A_597] : memref<2x20x16x128xf32, #tpu.memory_space<vmem>> -> memref<1x1x16x128xf32, #tpu.memory_space<vmem>>
      %dma_wait3A_599 = tpu.memref_squeeze %dma_wait3A_598 : memref<1x1x16x128xf32, #tpu.memory_space<vmem>> -> memref<16x128xf32, #tpu.memory_space<vmem>>
      %dma_wait3A_600 = arith.constant 0 : i32
      %dma_wait3A_601 = arith.constant 0 : i32
      %dma_wait3A_602 = tpu.memref_slice %arg2[%dma_wait3A_600, %dma_wait3A_601] : memref<1000000x128xf32, #tpu.memory_space<hbm>> -> memref<16x128xf32, #tpu.memory_space<hbm>>
      tpu.wait_dma2 semaphore(%arg17 : memref<!tpu.dma_semaphore, #tpu.memory_space<semaphore_mem>>) src(%dma_wait3A_602 : memref<16x128xf32, #tpu.memory_space<hbm>>) dst(%dma_wait3A_599 : memref<16x128xf32, #tpu.memory_space<vmem>>)
      %dma_wait3A_603 = arith.constant 0 : i32
      %dma_wait3A_604 = arith.constant 16 : i32
      %dma_wait3A_605 = arith.constant 0 : i32
      %dma_wait3A_606 = arith.constant 0 : i32
      %dma_wait3A_607 = tpu.memref_slice %arg14[%dma_wait3A_603, %dma_wait3A_604, %dma_wait3A_605, %dma_wait3A_606] : memref<2x20x16x128xf32, #tpu.memory_space<vmem>> -> memref<1x1x16x128xf32, #tpu.memory_space<vmem>>
      %dma_wait3A_608 = tpu.memref_squeeze %dma_wait3A_607 : memref<1x1x16x128xf32, #tpu.memory_space<vmem>> -> memref<16x128xf32, #tpu.memory_space<vmem>>
      %dma_wait3A_609 = arith.constant 0 : i32
      %dma_wait3A_610 = arith.constant 0 : i32
      %dma_wait3A_611 = tpu.memref_slice %arg2[%dma_wait3A_609, %dma_wait3A_610] : memref<1000000x128xf32, #tpu.memory_space<hbm>> -> memref<16x128xf32, #tpu.memory_space<hbm>>
      %dma_wait3A_612 = arith.constant 0 : i32
      %dma_wait3A_613 = arith.constant 0 : i32
      %dma_wait3A_614 = tpu.memref_slice %arg14[%dma_wait3A_603, %dma_wait3A_604, %dma_wait3A_612, %dma_wait3A_613] : memref<2x20x16x128xf32, #tpu.memory_space<vmem>> -> memref<1x1x16x128xf32, #tpu.memory_space<vmem>>
      %dma_wait3A_615 = tpu.memref_squeeze %dma_wait3A_614 : memref<1x1x16x128xf32, #tpu.memory_space<vmem>> -> memref<16x128xf32, #tpu.memory_space<vmem>>
      %dma_wait3A_616 = arith.constant 0 : i32
      %dma_wait3A_617 = arith.constant 0 : i32
      %dma_wait3A_618 = tpu.memref_slice %arg2[%dma_wait3A_616, %dma_wait3A_617] : memref<1000000x128xf32, #tpu.memory_space<hbm>> -> memref<16x128xf32, #tpu.memory_space<hbm>>
      tpu.wait_dma2 semaphore(%arg17 : memref<!tpu.dma_semaphore, #tpu.memory_space<semaphore_mem>>) src(%dma_wait3A_618 : memref<16x128xf32, #tpu.memory_space<hbm>>) dst(%dma_wait3A_615 : memref<16x128xf32, #tpu.memory_space<vmem>>)
      %dma_wait3A_619 = arith.constant 0 : i32
      %dma_wait3A_620 = arith.constant 17 : i32
      %dma_wait3A_621 = arith.constant 0 : i32
      %dma_wait3A_622 = arith.constant 0 : i32
      %dma_wait3A_623 = tpu.memref_slice %arg14[%dma_wait3A_619, %dma_wait3A_620, %dma_wait3A_621, %dma_wait3A_622] : memref<2x20x16x128xf32, #tpu.memory_space<vmem>> -> memref<1x1x16x128xf32, #tpu.memory_space<vmem>>
      %dma_wait3A_624 = tpu.memref_squeeze %dma_wait3A_623 : memref<1x1x16x128xf32, #tpu.memory_space<vmem>> -> memref<16x128xf32, #tpu.memory_space<vmem>>
      %dma_wait3A_625 = arith.constant 0 : i32
      %dma_wait3A_626 = arith.constant 0 : i32
      %dma_wait3A_627 = tpu.memref_slice %arg2[%dma_wait3A_625, %dma_wait3A_626] : memref<1000000x128xf32, #tpu.memory_space<hbm>> -> memref<16x128xf32, #tpu.memory_space<hbm>>
      %dma_wait3A_628 = arith.constant 0 : i32
      %dma_wait3A_629 = arith.constant 0 : i32
      %dma_wait3A_630 = tpu.memref_slice %arg14[%dma_wait3A_619, %dma_wait3A_620, %dma_wait3A_628, %dma_wait3A_629] : memref<2x20x16x128xf32, #tpu.memory_space<vmem>> -> memref<1x1x16x128xf32, #tpu.memory_space<vmem>>
      %dma_wait3A_631 = tpu.memref_squeeze %dma_wait3A_630 : memref<1x1x16x128xf32, #tpu.memory_space<vmem>> -> memref<16x128xf32, #tpu.memory_space<vmem>>
      %dma_wait3A_632 = arith.constant 0 : i32
      %dma_wait3A_633 = arith.constant 0 : i32
      %dma_wait3A_634 = tpu.memref_slice %arg2[%dma_wait3A_632, %dma_wait3A_633] : memref<1000000x128xf32, #tpu.memory_space<hbm>> -> memref<16x128xf32, #tpu.memory_space<hbm>>
      tpu.wait_dma2 semaphore(%arg17 : memref<!tpu.dma_semaphore, #tpu.memory_space<semaphore_mem>>) src(%dma_wait3A_634 : memref<16x128xf32, #tpu.memory_space<hbm>>) dst(%dma_wait3A_631 : memref<16x128xf32, #tpu.memory_space<vmem>>)
      %dma_wait3A_635 = arith.constant 0 : i32
      %dma_wait3A_636 = arith.constant 18 : i32
      %dma_wait3A_637 = arith.constant 0 : i32
      %dma_wait3A_638 = arith.constant 0 : i32
      %dma_wait3A_639 = tpu.memref_slice %arg14[%dma_wait3A_635, %dma_wait3A_636, %dma_wait3A_637, %dma_wait3A_638] : memref<2x20x16x128xf32, #tpu.memory_space<vmem>> -> memref<1x1x16x128xf32, #tpu.memory_space<vmem>>
      %dma_wait3A_640 = tpu.memref_squeeze %dma_wait3A_639 : memref<1x1x16x128xf32, #tpu.memory_space<vmem>> -> memref<16x128xf32, #tpu.memory_space<vmem>>
      %dma_wait3A_641 = arith.constant 0 : i32
      %dma_wait3A_642 = arith.constant 0 : i32
      %dma_wait3A_643 = tpu.memref_slice %arg2[%dma_wait3A_641, %dma_wait3A_642] : memref<1000000x128xf32, #tpu.memory_space<hbm>> -> memref<16x128xf32, #tpu.memory_space<hbm>>
      %dma_wait3A_644 = arith.constant 0 : i32
      %dma_wait3A_645 = arith.constant 0 : i32
      %dma_wait3A_646 = tpu.memref_slice %arg14[%dma_wait3A_635, %dma_wait3A_636, %dma_wait3A_644, %dma_wait3A_645] : memref<2x20x16x128xf32, #tpu.memory_space<vmem>> -> memref<1x1x16x128xf32, #tpu.memory_space<vmem>>
      %dma_wait3A_647 = tpu.memref_squeeze %dma_wait3A_646 : memref<1x1x16x128xf32, #tpu.memory_space<vmem>> -> memref<16x128xf32, #tpu.memory_space<vmem>>
      %dma_wait3A_648 = arith.constant 0 : i32
      %dma_wait3A_649 = arith.constant 0 : i32
      %dma_wait3A_650 = tpu.memref_slice %arg2[%dma_wait3A_648, %dma_wait3A_649] : memref<1000000x128xf32, #tpu.memory_space<hbm>> -> memref<16x128xf32, #tpu.memory_space<hbm>>
      tpu.wait_dma2 semaphore(%arg17 : memref<!tpu.dma_semaphore, #tpu.memory_space<semaphore_mem>>) src(%dma_wait3A_650 : memref<16x128xf32, #tpu.memory_space<hbm>>) dst(%dma_wait3A_647 : memref<16x128xf32, #tpu.memory_space<vmem>>)
      %dma_wait3A_651 = arith.constant 0 : i32
      %dma_wait3A_652 = arith.constant 19 : i32
      %dma_wait3A_653 = arith.constant 0 : i32
      %dma_wait3A_654 = arith.constant 0 : i32
      %dma_wait3A_655 = tpu.memref_slice %arg14[%dma_wait3A_651, %dma_wait3A_652, %dma_wait3A_653, %dma_wait3A_654] : memref<2x20x16x128xf32, #tpu.memory_space<vmem>> -> memref<1x1x16x128xf32, #tpu.memory_space<vmem>>
      %dma_wait3A_656 = tpu.memref_squeeze %dma_wait3A_655 : memref<1x1x16x128xf32, #tpu.memory_space<vmem>> -> memref<16x128xf32, #tpu.memory_space<vmem>>
      %dma_wait3A_657 = arith.constant 0 : i32
      %dma_wait3A_658 = arith.constant 0 : i32
      %dma_wait3A_659 = tpu.memref_slice %arg2[%dma_wait3A_657, %dma_wait3A_658] : memref<1000000x128xf32, #tpu.memory_space<hbm>> -> memref<16x128xf32, #tpu.memory_space<hbm>>
      %dma_wait3A_660 = arith.constant 0 : i32
      %dma_wait3A_661 = arith.constant 0 : i32
      %dma_wait3A_662 = tpu.memref_slice %arg14[%dma_wait3A_651, %dma_wait3A_652, %dma_wait3A_660, %dma_wait3A_661] : memref<2x20x16x128xf32, #tpu.memory_space<vmem>> -> memref<1x1x16x128xf32, #tpu.memory_space<vmem>>
      %dma_wait3A_663 = tpu.memref_squeeze %dma_wait3A_662 : memref<1x1x16x128xf32, #tpu.memory_space<vmem>> -> memref<16x128xf32, #tpu.memory_space<vmem>>
      %dma_wait3A_664 = arith.constant 0 : i32
      %dma_wait3A_665 = arith.constant 0 : i32
      %dma_wait3A_666 = tpu.memref_slice %arg2[%dma_wait3A_664, %dma_wait3A_665] : memref<1000000x128xf32, #tpu.memory_space<hbm>> -> memref<16x128xf32, #tpu.memory_space<hbm>>
      tpu.wait_dma2 semaphore(%arg17 : memref<!tpu.dma_semaphore, #tpu.memory_space<semaphore_mem>>) src(%dma_wait3A_666 : memref<16x128xf32, #tpu.memory_space<hbm>>) dst(%dma_wait3A_663 : memref<16x128xf32, #tpu.memory_space<vmem>>)
      %scan3A_667 = arith.constant 0 : i32
      %scan3A_668 = arith.constant 0 : i32
      %scan3A_669 = arith.constant 16 : i32
      %scan3A_670 = arith.addi %scan3A_668, %scan3A_669 : i32
      %scan3A_671 = arith.constant 1 : i32
      scf.for %scan3A_1040 = %scan3A_668 to %scan3A_670 step %scan3A_671  : i32 {
        %broadcast_in_dim3A = arith.constant 0.000000e+00 : f32
        %broadcast_in_dim3A_1041 = vector.broadcast %broadcast_in_dim3A : f32 to vector<16xf32>
        %broadcast_in_dim3A_1042 = arith.constant 0.000000e+00 : f32
        %broadcast_in_dim3A_1043 = vector.broadcast %broadcast_in_dim3A_1042 : f32 to vector<16xf32>
        %get3A = arith.constant 0 : i32
        %get3A_1044 = arith.index_cast %get3A : i32 to index
        %get3A_1045 = arith.index_cast %scan3A_1040 : i32 to index
        %get3A_1046 = arith.constant 0 : index
        %get3A_1047 = tpu.vector_load %arg12[%get3A_1044, %get3A_1045, %get3A_1046] {strides = array<i32>} : memref<2x16x128xf32, #tpu.memory_space<vmem>>, vector<1x1x16xf32>,
        %get3A_1048 = vector.shape_cast %get3A_1047 : vector<1x1x16xf32> to vector<16xf32>
        %get3A_1049 = arith.constant 0 : i32
        %get3A_1050 = arith.index_cast %get3A_1049 : i32 to index
        %get3A_1051 = arith.index_cast %scan3A_1040 : i32 to index
        %get3A_1052 = arith.constant 0 : index
        %get3A_1053 = tpu.vector_load %arg13[%get3A_1050, %get3A_1051, %get3A_1052] {strides = array<i32>} : memref<2x16x128xf32, #tpu.memory_space<vmem>>, vector<1x1x16xf32>,
        %get3A_1054 = vector.shape_cast %get3A_1053 : vector<1x1x16xf32> to vector<16xf32>
        %mul3A_1055 = arith.mulf %get3A_1048, %get3A_1054 : vector<16xf32>
        %add3A_1056 = arith.addf %broadcast_in_dim3A_1041, %mul3A_1055 : vector<16xf32>
        %get3A_1057 = arith.constant 0 : i32
        %get3A_1058 = arith.constant 0 : i32
        %get3A_1059 = arith.index_cast %get3A_1057 : i32 to index
        %get3A_1060 = arith.index_cast %get3A_1058 : i32 to index
        %get3A_1061 = arith.index_cast %scan3A_1040 : i32 to index
        %get3A_1062 = arith.constant 0 : index
        %get3A_1063 = tpu.vector_load %arg14[%get3A_1059, %get3A_1060, %get3A_1061, %get3A_1062] {strides = array<i32>} : memref<2x20x16x128xf32, #tpu.memory_space<vmem>>, vector<1x1x1x16xf32>,
        %get3A_1064 = vector.shape_cast %get3A_1063 : vector<1x1x1x16xf32> to vector<16xf32>
        %get3A_1065 = arith.constant 0 : i32
        %get3A_1066 = arith.constant 1 : i32
        %get3A_1067 = arith.index_cast %get3A_1065 : i32 to index
        %get3A_1068 = arith.index_cast %get3A_1066 : i32 to index
        %get3A_1069 = arith.index_cast %scan3A_1040 : i32 to index
        %get3A_1070 = arith.constant 0 : index
        %get3A_1071 = tpu.vector_load %arg14[%get3A_1067, %get3A_1068, %get3A_1069, %get3A_1070] {strides = array<i32>} : memref<2x20x16x128xf32, #tpu.memory_space<vmem>>, vector<1x1x1x16xf32>,
        %get3A_1072 = vector.shape_cast %get3A_1071 : vector<1x1x1x16xf32> to vector<16xf32>
        %add3A_1073 = arith.addf %get3A_1064, %get3A_1072 : vector<16xf32>
        %get3A_1074 = arith.constant 0 : i32
        %get3A_1075 = arith.constant 2 : i32
        %get3A_1076 = arith.index_cast %get3A_1074 : i32 to index
        %get3A_1077 = arith.index_cast %get3A_1075 : i32 to index
        %get3A_1078 = arith.index_cast %scan3A_1040 : i32 to index
        %get3A_1079 = arith.constant 0 : index
        %get3A_1080 = tpu.vector_load %arg14[%get3A_1076, %get3A_1077, %get3A_1078, %get3A_1079] {strides = array<i32>} : memref<2x20x16x128xf32, #tpu.memory_space<vmem>>, vector<1x1x1x16xf32>,
        %get3A_1081 = vector.shape_cast %get3A_1080 : vector<1x1x1x16xf32> to vector<16xf32>
        %add3A_1082 = arith.addf %add3A_1073, %get3A_1081 : vector<16xf32>
        %get3A_1083 = arith.constant 0 : i32
        %get3A_1084 = arith.constant 3 : i32
        %get3A_1085 = arith.index_cast %get3A_1083 : i32 to index
        %get3A_1086 = arith.index_cast %get3A_1084 : i32 to index
        %get3A_1087 = arith.index_cast %scan3A_1040 : i32 to index
        %get3A_1088 = arith.constant 0 : index
        %get3A_1089 = tpu.vector_load %arg14[%get3A_1085, %get3A_1086, %get3A_1087, %get3A_1088] {strides = array<i32>} : memref<2x20x16x128xf32, #tpu.memory_space<vmem>>, vector<1x1x1x16xf32>,
        %get3A_1090 = vector.shape_cast %get3A_1089 : vector<1x1x1x16xf32> to vector<16xf32>
        %add3A_1091 = arith.addf %add3A_1082, %get3A_1090 : vector<16xf32>
        %get3A_1092 = arith.constant 0 : i32
        %get3A_1093 = arith.constant 4 : i32
        %get3A_1094 = arith.index_cast %get3A_1092 : i32 to index
        %get3A_1095 = arith.index_cast %get3A_1093 : i32 to index
        %get3A_1096 = arith.index_cast %scan3A_1040 : i32 to index
        %get3A_1097 = arith.constant 0 : index
        %get3A_1098 = tpu.vector_load %arg14[%get3A_1094, %get3A_1095, %get3A_1096, %get3A_1097] {strides = array<i32>} : memref<2x20x16x128xf32, #tpu.memory_space<vmem>>, vector<1x1x1x16xf32>,
        %get3A_1099 = vector.shape_cast %get3A_1098 : vector<1x1x1x16xf32> to vector<16xf32>
        %add3A_1100 = arith.addf %add3A_1091, %get3A_1099 : vector<16xf32>
        %get3A_1101 = arith.constant 0 : i32
        %get3A_1102 = arith.constant 5 : i32
        %get3A_1103 = arith.index_cast %get3A_1101 : i32 to index
        %get3A_1104 = arith.index_cast %get3A_1102 : i32 to index
        %get3A_1105 = arith.index_cast %scan3A_1040 : i32 to index
        %get3A_1106 = arith.constant 0 : index
        %get3A_1107 = tpu.vector_load %arg14[%get3A_1103, %get3A_1104, %get3A_1105, %get3A_1106] {strides = array<i32>} : memref<2x20x16x128xf32, #tpu.memory_space<vmem>>, vector<1x1x1x16xf32>,
        %get3A_1108 = vector.shape_cast %get3A_1107 : vector<1x1x1x16xf32> to vector<16xf32>
        %add3A_1109 = arith.addf %add3A_1100, %get3A_1108 : vector<16xf32>
        %get3A_1110 = arith.constant 0 : i32
        %get3A_1111 = arith.constant 6 : i32
        %get3A_1112 = arith.index_cast %get3A_1110 : i32 to index
        %get3A_1113 = arith.index_cast %get3A_1111 : i32 to index
        %get3A_1114 = arith.index_cast %scan3A_1040 : i32 to index
        %get3A_1115 = arith.constant 0 : index
        %get3A_1116 = tpu.vector_load %arg14[%get3A_1112, %get3A_1113, %get3A_1114, %get3A_1115] {strides = array<i32>} : memref<2x20x16x128xf32, #tpu.memory_space<vmem>>, vector<1x1x1x16xf32>,
        %get3A_1117 = vector.shape_cast %get3A_1116 : vector<1x1x1x16xf32> to vector<16xf32>
        %add3A_1118 = arith.addf %add3A_1109, %get3A_1117 : vector<16xf32>
        %get3A_1119 = arith.constant 0 : i32
        %get3A_1120 = arith.constant 7 : i32
        %get3A_1121 = arith.index_cast %get3A_1119 : i32 to index
        %get3A_1122 = arith.index_cast %get3A_1120 : i32 to index
        %get3A_1123 = arith.index_cast %scan3A_1040 : i32 to index
        %get3A_1124 = arith.constant 0 : index
        %get3A_1125 = tpu.vector_load %arg14[%get3A_1121, %get3A_1122, %get3A_1123, %get3A_1124] {strides = array<i32>} : memref<2x20x16x128xf32, #tpu.memory_space<vmem>>, vector<1x1x1x16xf32>,
        %get3A_1126 = vector.shape_cast %get3A_1125 : vector<1x1x1x16xf32> to vector<16xf32>
        %add3A_1127 = arith.addf %add3A_1118, %get3A_1126 : vector<16xf32>
        %get3A_1128 = arith.constant 0 : i32
        %get3A_1129 = arith.constant 8 : i32
        %get3A_1130 = arith.index_cast %get3A_1128 : i32 to index
        %get3A_1131 = arith.index_cast %get3A_1129 : i32 to index
        %get3A_1132 = arith.index_cast %scan3A_1040 : i32 to index
        %get3A_1133 = arith.constant 0 : index
        %get3A_1134 = tpu.vector_load %arg14[%get3A_1130, %get3A_1131, %get3A_1132, %get3A_1133] {strides = array<i32>} : memref<2x20x16x128xf32, #tpu.memory_space<vmem>>, vector<1x1x1x16xf32>,
        %get3A_1135 = vector.shape_cast %get3A_1134 : vector<1x1x1x16xf32> to vector<16xf32>
        %add3A_1136 = arith.addf %add3A_1127, %get3A_1135 : vector<16xf32>
        %get3A_1137 = arith.constant 0 : i32
        %get3A_1138 = arith.constant 9 : i32
        %get3A_1139 = arith.index_cast %get3A_1137 : i32 to index
        %get3A_1140 = arith.index_cast %get3A_1138 : i32 to index
        %get3A_1141 = arith.index_cast %scan3A_1040 : i32 to index
        %get3A_1142 = arith.constant 0 : index
        %get3A_1143 = tpu.vector_load %arg14[%get3A_1139, %get3A_1140, %get3A_1141, %get3A_1142] {strides = array<i32>} : memref<2x20x16x128xf32, #tpu.memory_space<vmem>>, vector<1x1x1x16xf32>,
        %get3A_1144 = vector.shape_cast %get3A_1143 : vector<1x1x1x16xf32> to vector<16xf32>
        %add3A_1145 = arith.addf %add3A_1136, %get3A_1144 : vector<16xf32>
        %get3A_1146 = arith.constant 0 : i32
        %get3A_1147 = arith.constant 10 : i32
        %get3A_1148 = arith.index_cast %get3A_1146 : i32 to index
        %get3A_1149 = arith.index_cast %get3A_1147 : i32 to index
        %get3A_1150 = arith.index_cast %scan3A_1040 : i32 to index
        %get3A_1151 = arith.constant 0 : index
        %get3A_1152 = tpu.vector_load %arg14[%get3A_1148, %get3A_1149, %get3A_1150, %get3A_1151] {strides = array<i32>} : memref<2x20x16x128xf32, #tpu.memory_space<vmem>>, vector<1x1x1x16xf32>,
        %get3A_1153 = vector.shape_cast %get3A_1152 : vector<1x1x1x16xf32> to vector<16xf32>
        %add3A_1154 = arith.addf %add3A_1145, %get3A_1153 : vector<16xf32>
        %get3A_1155 = arith.constant 0 : i32
        %get3A_1156 = arith.constant 11 : i32
        %get3A_1157 = arith.index_cast %get3A_1155 : i32 to index
        %get3A_1158 = arith.index_cast %get3A_1156 : i32 to index
        %get3A_1159 = arith.index_cast %scan3A_1040 : i32 to index
        %get3A_1160 = arith.constant 0 : index
        %get3A_1161 = tpu.vector_load %arg14[%get3A_1157, %get3A_1158, %get3A_1159, %get3A_1160] {strides = array<i32>} : memref<2x20x16x128xf32, #tpu.memory_space<vmem>>, vector<1x1x1x16xf32>,
        %get3A_1162 = vector.shape_cast %get3A_1161 : vector<1x1x1x16xf32> to vector<16xf32>
        %add3A_1163 = arith.addf %add3A_1154, %get3A_1162 : vector<16xf32>
        %get3A_1164 = arith.constant 0 : i32
        %get3A_1165 = arith.constant 12 : i32
        %get3A_1166 = arith.index_cast %get3A_1164 : i32 to index
        %get3A_1167 = arith.index_cast %get3A_1165 : i32 to index
        %get3A_1168 = arith.index_cast %scan3A_1040 : i32 to index
        %get3A_1169 = arith.constant 0 : index
        %get3A_1170 = tpu.vector_load %arg14[%get3A_1166, %get3A_1167, %get3A_1168, %get3A_1169] {strides = array<i32>} : memref<2x20x16x128xf32, #tpu.memory_space<vmem>>, vector<1x1x1x16xf32>,
        %get3A_1171 = vector.shape_cast %get3A_1170 : vector<1x1x1x16xf32> to vector<16xf32>
        %add3A_1172 = arith.addf %add3A_1163, %get3A_1171 : vector<16xf32>
        %get3A_1173 = arith.constant 0 : i32
        %get3A_1174 = arith.constant 13 : i32
        %get3A_1175 = arith.index_cast %get3A_1173 : i32 to index
        %get3A_1176 = arith.index_cast %get3A_1174 : i32 to index
        %get3A_1177 = arith.index_cast %scan3A_1040 : i32 to index
        %get3A_1178 = arith.constant 0 : index
        %get3A_1179 = tpu.vector_load %arg14[%get3A_1175, %get3A_1176, %get3A_1177, %get3A_1178] {strides = array<i32>} : memref<2x20x16x128xf32, #tpu.memory_space<vmem>>, vector<1x1x1x16xf32>,
        %get3A_1180 = vector.shape_cast %get3A_1179 : vector<1x1x1x16xf32> to vector<16xf32>
        %add3A_1181 = arith.addf %add3A_1172, %get3A_1180 : vector<16xf32>
        %get3A_1182 = arith.constant 0 : i32
        %get3A_1183 = arith.constant 14 : i32
        %get3A_1184 = arith.index_cast %get3A_1182 : i32 to index
        %get3A_1185 = arith.index_cast %get3A_1183 : i32 to index
        %get3A_1186 = arith.index_cast %scan3A_1040 : i32 to index
        %get3A_1187 = arith.constant 0 : index
        %get3A_1188 = tpu.vector_load %arg14[%get3A_1184, %get3A_1185, %get3A_1186, %get3A_1187] {strides = array<i32>} : memref<2x20x16x128xf32, #tpu.memory_space<vmem>>, vector<1x1x1x16xf32>,
        %get3A_1189 = vector.shape_cast %get3A_1188 : vector<1x1x1x16xf32> to vector<16xf32>
        %add3A_1190 = arith.addf %add3A_1181, %get3A_1189 : vector<16xf32>
        %get3A_1191 = arith.constant 0 : i32
        %get3A_1192 = arith.constant 15 : i32
        %get3A_1193 = arith.index_cast %get3A_1191 : i32 to index
        %get3A_1194 = arith.index_cast %get3A_1192 : i32 to index
        %get3A_1195 = arith.index_cast %scan3A_1040 : i32 to index
        %get3A_1196 = arith.constant 0 : index
        %get3A_1197 = tpu.vector_load %arg14[%get3A_1193, %get3A_1194, %get3A_1195, %get3A_1196] {strides = array<i32>} : memref<2x20x16x128xf32, #tpu.memory_space<vmem>>, vector<1x1x1x16xf32>,
        %get3A_1198 = vector.shape_cast %get3A_1197 : vector<1x1x1x16xf32> to vector<16xf32>
        %add3A_1199 = arith.addf %add3A_1190, %get3A_1198 : vector<16xf32>
        %get3A_1200 = arith.constant 0 : i32
        %get3A_1201 = arith.constant 16 : i32
        %get3A_1202 = arith.index_cast %get3A_1200 : i32 to index
        %get3A_1203 = arith.index_cast %get3A_1201 : i32 to index
        %get3A_1204 = arith.index_cast %scan3A_1040 : i32 to index
        %get3A_1205 = arith.constant 0 : index
        %get3A_1206 = tpu.vector_load %arg14[%get3A_1202, %get3A_1203, %get3A_1204, %get3A_1205] {strides = array<i32>} : memref<2x20x16x128xf32, #tpu.memory_space<vmem>>, vector<1x1x1x16xf32>,
        %get3A_1207 = vector.shape_cast %get3A_1206 : vector<1x1x1x16xf32> to vector<16xf32>
        %add3A_1208 = arith.addf %add3A_1199, %get3A_1207 : vector<16xf32>
        %get3A_1209 = arith.constant 0 : i32
        %get3A_1210 = arith.constant 17 : i32
        %get3A_1211 = arith.index_cast %get3A_1209 : i32 to index
        %get3A_1212 = arith.index_cast %get3A_1210 : i32 to index
        %get3A_1213 = arith.index_cast %scan3A_1040 : i32 to index
        %get3A_1214 = arith.constant 0 : index
        %get3A_1215 = tpu.vector_load %arg14[%get3A_1211, %get3A_1212, %get3A_1213, %get3A_1214] {strides = array<i32>} : memref<2x20x16x128xf32, #tpu.memory_space<vmem>>, vector<1x1x1x16xf32>,
        %get3A_1216 = vector.shape_cast %get3A_1215 : vector<1x1x1x16xf32> to vector<16xf32>
        %add3A_1217 = arith.addf %add3A_1208, %get3A_1216 : vector<16xf32>
        %get3A_1218 = arith.constant 0 : i32
        %get3A_1219 = arith.constant 18 : i32
        %get3A_1220 = arith.index_cast %get3A_1218 : i32 to index
        %get3A_1221 = arith.index_cast %get3A_1219 : i32 to index
        %get3A_1222 = arith.index_cast %scan3A_1040 : i32 to index
        %get3A_1223 = arith.constant 0 : index
        %get3A_1224 = tpu.vector_load %arg14[%get3A_1220, %get3A_1221, %get3A_1222, %get3A_1223] {strides = array<i32>} : memref<2x20x16x128xf32, #tpu.memory_space<vmem>>, vector<1x1x1x16xf32>,
        %get3A_1225 = vector.shape_cast %get3A_1224 : vector<1x1x1x16xf32> to vector<16xf32>
        %add3A_1226 = arith.addf %add3A_1217, %get3A_1225 : vector<16xf32>
        %get3A_1227 = arith.constant 0 : i32
        %get3A_1228 = arith.constant 19 : i32
        %get3A_1229 = arith.index_cast %get3A_1227 : i32 to index
        %get3A_1230 = arith.index_cast %get3A_1228 : i32 to index
        %get3A_1231 = arith.index_cast %scan3A_1040 : i32 to index
        %get3A_1232 = arith.constant 0 : index
        %get3A_1233 = tpu.vector_load %arg14[%get3A_1229, %get3A_1230, %get3A_1231, %get3A_1232] {strides = array<i32>} : memref<2x20x16x128xf32, #tpu.memory_space<vmem>>, vector<1x1x1x16xf32>,
        %get3A_1234 = vector.shape_cast %get3A_1233 : vector<1x1x1x16xf32> to vector<16xf32>
        %add3A_1235 = arith.addf %add3A_1226, %get3A_1234 : vector<16xf32>
        %mul3A_1236 = arith.mulf %get3A_1048, %add3A_1235 : vector<16xf32>
        %add3A_1237 = arith.addf %broadcast_in_dim3A_1043, %mul3A_1236 : vector<16xf32>
        %get3A_1238 = arith.constant 0 : i32
        %get3A_1239 = arith.index_cast %get3A_1238 : i32 to index
        %get3A_1240 = arith.index_cast %scan3A_1040 : i32 to index
        %get3A_1241 = arith.constant 16 : index
        %get3A_1242 = tpu.vector_load %arg12[%get3A_1239, %get3A_1240, %get3A_1241] {strides = array<i32>} : memref<2x16x128xf32, #tpu.memory_space<vmem>>, vector<1x1x16xf32>,
        %get3A_1243 = vector.shape_cast %get3A_1242 : vector<1x1x16xf32> to vector<16xf32>
        %get3A_1244 = arith.constant 0 : i32
        %get3A_1245 = arith.index_cast %get3A_1244 : i32 to index
        %get3A_1246 = arith.index_cast %scan3A_1040 : i32 to index
        %get3A_1247 = arith.constant 16 : index
        %get3A_1248 = tpu.vector_load %arg13[%get3A_1245, %get3A_1246, %get3A_1247] {strides = array<i32>} : memref<2x16x128xf32, #tpu.memory_space<vmem>>, vector<1x1x16xf32>,
        %get3A_1249 = vector.shape_cast %get3A_1248 : vector<1x1x16xf32> to vector<16xf32>
        %mul3A_1250 = arith.mulf %get3A_1243, %get3A_1249 : vector<16xf32>
        %add3A_1251 = arith.addf %add3A_1056, %mul3A_1250 : vector<16xf32>
        %get3A_1252 = arith.constant 0 : i32
        %get3A_1253 = arith.constant 0 : i32
        %get3A_1254 = arith.index_cast %get3A_1252 : i32 to index
        %get3A_1255 = arith.index_cast %get3A_1253 : i32 to index
        %get3A_1256 = arith.index_cast %scan3A_1040 : i32 to index
        %get3A_1257 = arith.constant 16 : index
        %get3A_1258 = tpu.vector_load %arg14[%get3A_1254, %get3A_1255, %get3A_1256, %get3A_1257] {strides = array<i32>} : memref<2x20x16x128xf32, #tpu.memory_space<vmem>>, vector<1x1x1x16xf32>,
        %get3A_1259 = vector.shape_cast %get3A_1258 : vector<1x1x1x16xf32> to vector<16xf32>
        %get3A_1260 = arith.constant 0 : i32
        %get3A_1261 = arith.constant 1 : i32
        %get3A_1262 = arith.index_cast %get3A_1260 : i32 to index
        %get3A_1263 = arith.index_cast %get3A_1261 : i32 to index
        %get3A_1264 = arith.index_cast %scan3A_1040 : i32 to index
        %get3A_1265 = arith.constant 16 : index
        %get3A_1266 = tpu.vector_load %arg14[%get3A_1262, %get3A_1263, %get3A_1264, %get3A_1265] {strides = array<i32>} : memref<2x20x16x128xf32, #tpu.memory_space<vmem>>, vector<1x1x1x16xf32>,
        %get3A_1267 = vector.shape_cast %get3A_1266 : vector<1x1x1x16xf32> to vector<16xf32>
        %add3A_1268 = arith.addf %get3A_1259, %get3A_1267 : vector<16xf32>
        %get3A_1269 = arith.constant 0 : i32
        %get3A_1270 = arith.constant 2 : i32
        %get3A_1271 = arith.index_cast %get3A_1269 : i32 to index
        %get3A_1272 = arith.index_cast %get3A_1270 : i32 to index
        %get3A_1273 = arith.index_cast %scan3A_1040 : i32 to index
        %get3A_1274 = arith.constant 16 : index
        %get3A_1275 = tpu.vector_load %arg14[%get3A_1271, %get3A_1272, %get3A_1273, %get3A_1274] {strides = array<i32>} : memref<2x20x16x128xf32, #tpu.memory_space<vmem>>, vector<1x1x1x16xf32>,
        %get3A_1276 = vector.shape_cast %get3A_1275 : vector<1x1x1x16xf32> to vector<16xf32>
        %add3A_1277 = arith.addf %add3A_1268, %get3A_1276 : vector<16xf32>
        %get3A_1278 = arith.constant 0 : i32
        %get3A_1279 = arith.constant 3 : i32
        %get3A_1280 = arith.index_cast %get3A_1278 : i32 to index
        %get3A_1281 = arith.index_cast %get3A_1279 : i32 to index
        %get3A_1282 = arith.index_cast %scan3A_1040 : i32 to index
        %get3A_1283 = arith.constant 16 : index
        %get3A_1284 = tpu.vector_load %arg14[%get3A_1280, %get3A_1281, %get3A_1282, %get3A_1283] {strides = array<i32>} : memref<2x20x16x128xf32, #tpu.memory_space<vmem>>, vector<1x1x1x16xf32>,
        %get3A_1285 = vector.shape_cast %get3A_1284 : vector<1x1x1x16xf32> to vector<16xf32>
        %add3A_1286 = arith.addf %add3A_1277, %get3A_1285 : vector<16xf32>
        %get3A_1287 = arith.constant 0 : i32
        %get3A_1288 = arith.constant 4 : i32
        %get3A_1289 = arith.index_cast %get3A_1287 : i32 to index
        %get3A_1290 = arith.index_cast %get3A_1288 : i32 to index
        %get3A_1291 = arith.index_cast %scan3A_1040 : i32 to index
        %get3A_1292 = arith.constant 16 : index
        %get3A_1293 = tpu.vector_load %arg14[%get3A_1289, %get3A_1290, %get3A_1291, %get3A_1292] {strides = array<i32>} : memref<2x20x16x128xf32, #tpu.memory_space<vmem>>, vector<1x1x1x16xf32>,
        %get3A_1294 = vector.shape_cast %get3A_1293 : vector<1x1x1x16xf32> to vector<16xf32>
        %add3A_1295 = arith.addf %add3A_1286, %get3A_1294 : vector<16xf32>
        %get3A_1296 = arith.constant 0 : i32
        %get3A_1297 = arith.constant 5 : i32
        %get3A_1298 = arith.index_cast %get3A_1296 : i32 to index
        %get3A_1299 = arith.index_cast %get3A_1297 : i32 to index
        %get3A_1300 = arith.index_cast %scan3A_1040 : i32 to index
        %get3A_1301 = arith.constant 16 : index
        %get3A_1302 = tpu.vector_load %arg14[%get3A_1298, %get3A_1299, %get3A_1300, %get3A_1301] {strides = array<i32>} : memref<2x20x16x128xf32, #tpu.memory_space<vmem>>, vector<1x1x1x16xf32>,
        %get3A_1303 = vector.shape_cast %get3A_1302 : vector<1x1x1x16xf32> to vector<16xf32>
        %add3A_1304 = arith.addf %add3A_1295, %get3A_1303 : vector<16xf32>
        %get3A_1305 = arith.constant 0 : i32
        %get3A_1306 = arith.constant 6 : i32
        %get3A_1307 = arith.index_cast %get3A_1305 : i32 to index
        %get3A_1308 = arith.index_cast %get3A_1306 : i32 to index
        %get3A_1309 = arith.index_cast %scan3A_1040 : i32 to index
        %get3A_1310 = arith.constant 16 : index
        %get3A_1311 = tpu.vector_load %arg14[%get3A_1307, %get3A_1308, %get3A_1309, %get3A_1310] {strides = array<i32>} : memref<2x20x16x128xf32, #tpu.memory_space<vmem>>, vector<1x1x1x16xf32>,
        %get3A_1312 = vector.shape_cast %get3A_1311 : vector<1x1x1x16xf32> to vector<16xf32>
        %add3A_1313 = arith.addf %add3A_1304, %get3A_1312 : vector<16xf32>
        %get3A_1314 = arith.constant 0 : i32
        %get3A_1315 = arith.constant 7 : i32
        %get3A_1316 = arith.index_cast %get3A_1314 : i32 to index
        %get3A_1317 = arith.index_cast %get3A_1315 : i32 to index
        %get3A_1318 = arith.index_cast %scan3A_1040 : i32 to index
        %get3A_1319 = arith.constant 16 : index
        %get3A_1320 = tpu.vector_load %arg14[%get3A_1316, %get3A_1317, %get3A_1318, %get3A_1319] {strides = array<i32>} : memref<2x20x16x128xf32, #tpu.memory_space<vmem>>, vector<1x1x1x16xf32>,
        %get3A_1321 = vector.shape_cast %get3A_1320 : vector<1x1x1x16xf32> to vector<16xf32>
        %add3A_1322 = arith.addf %add3A_1313, %get3A_1321 : vector<16xf32>
        %get3A_1323 = arith.constant 0 : i32
        %get3A_1324 = arith.constant 8 : i32
        %get3A_1325 = arith.index_cast %get3A_1323 : i32 to index
        %get3A_1326 = arith.index_cast %get3A_1324 : i32 to index
        %get3A_1327 = arith.index_cast %scan3A_1040 : i32 to index
        %get3A_1328 = arith.constant 16 : index
        %get3A_1329 = tpu.vector_load %arg14[%get3A_1325, %get3A_1326, %get3A_1327, %get3A_1328] {strides = array<i32>} : memref<2x20x16x128xf32, #tpu.memory_space<vmem>>, vector<1x1x1x16xf32>,
        %get3A_1330 = vector.shape_cast %get3A_1329 : vector<1x1x1x16xf32> to vector<16xf32>
        %add3A_1331 = arith.addf %add3A_1322, %get3A_1330 : vector<16xf32>
        %get3A_1332 = arith.constant 0 : i32
        %get3A_1333 = arith.constant 9 : i32
        %get3A_1334 = arith.index_cast %get3A_1332 : i32 to index
        %get3A_1335 = arith.index_cast %get3A_1333 : i32 to index
        %get3A_1336 = arith.index_cast %scan3A_1040 : i32 to index
        %get3A_1337 = arith.constant 16 : index
        %get3A_1338 = tpu.vector_load %arg14[%get3A_1334, %get3A_1335, %get3A_1336, %get3A_1337] {strides = array<i32>} : memref<2x20x16x128xf32, #tpu.memory_space<vmem>>, vector<1x1x1x16xf32>,
        %get3A_1339 = vector.shape_cast %get3A_1338 : vector<1x1x1x16xf32> to vector<16xf32>
        %add3A_1340 = arith.addf %add3A_1331, %get3A_1339 : vector<16xf32>
        %get3A_1341 = arith.constant 0 : i32
        %get3A_1342 = arith.constant 10 : i32
        %get3A_1343 = arith.index_cast %get3A_1341 : i32 to index
        %get3A_1344 = arith.index_cast %get3A_1342 : i32 to index
        %get3A_1345 = arith.index_cast %scan3A_1040 : i32 to index
        %get3A_1346 = arith.constant 16 : index
        %get3A_1347 = tpu.vector_load %arg14[%get3A_1343, %get3A_1344, %get3A_1345, %get3A_1346] {strides = array<i32>} : memref<2x20x16x128xf32, #tpu.memory_space<vmem>>, vector<1x1x1x16xf32>,
        %get3A_1348 = vector.shape_cast %get3A_1347 : vector<1x1x1x16xf32> to vector<16xf32>
        %add3A_1349 = arith.addf %add3A_1340, %get3A_1348 : vector<16xf32>
        %get3A_1350 = arith.constant 0 : i32
        %get3A_1351 = arith.constant 11 : i32
        %get3A_1352 = arith.index_cast %get3A_1350 : i32 to index
        %get3A_1353 = arith.index_cast %get3A_1351 : i32 to index
        %get3A_1354 = arith.index_cast %scan3A_1040 : i32 to index
        %get3A_1355 = arith.constant 16 : index
        %get3A_1356 = tpu.vector_load %arg14[%get3A_1352, %get3A_1353, %get3A_1354, %get3A_1355] {strides = array<i32>} : memref<2x20x16x128xf32, #tpu.memory_space<vmem>>, vector<1x1x1x16xf32>,
        %get3A_1357 = vector.shape_cast %get3A_1356 : vector<1x1x1x16xf32> to vector<16xf32>
        %add3A_1358 = arith.addf %add3A_1349, %get3A_1357 : vector<16xf32>
        %get3A_1359 = arith.constant 0 : i32
        %get3A_1360 = arith.constant 12 : i32
        %get3A_1361 = arith.index_cast %get3A_1359 : i32 to index
        %get3A_1362 = arith.index_cast %get3A_1360 : i32 to index
        %get3A_1363 = arith.index_cast %scan3A_1040 : i32 to index
        %get3A_1364 = arith.constant 16 : index
        %get3A_1365 = tpu.vector_load %arg14[%get3A_1361, %get3A_1362, %get3A_1363, %get3A_1364] {strides = array<i32>} : memref<2x20x16x128xf32, #tpu.memory_space<vmem>>, vector<1x1x1x16xf32>,
        %get3A_1366 = vector.shape_cast %get3A_1365 : vector<1x1x1x16xf32> to vector<16xf32>
        %add3A_1367 = arith.addf %add3A_1358, %get3A_1366 : vector<16xf32>
        %get3A_1368 = arith.constant 0 : i32
        %get3A_1369 = arith.constant 13 : i32
        %get3A_1370 = arith.index_cast %get3A_1368 : i32 to index
        %get3A_1371 = arith.index_cast %get3A_1369 : i32 to index
        %get3A_1372 = arith.index_cast %scan3A_1040 : i32 to index
        %get3A_1373 = arith.constant 16 : index
        %get3A_1374 = tpu.vector_load %arg14[%get3A_1370, %get3A_1371, %get3A_1372, %get3A_1373] {strides = array<i32>} : memref<2x20x16x128xf32, #tpu.memory_space<vmem>>, vector<1x1x1x16xf32>,
        %get3A_1375 = vector.shape_cast %get3A_1374 : vector<1x1x1x16xf32> to vector<16xf32>
        %add3A_1376 = arith.addf %add3A_1367, %get3A_1375 : vector<16xf32>
        %get3A_1377 = arith.constant 0 : i32
        %get3A_1378 = arith.constant 14 : i32
        %get3A_1379 = arith.index_cast %get3A_1377 : i32 to index
        %get3A_1380 = arith.index_cast %get3A_1378 : i32 to index
        %get3A_1381 = arith.index_cast %scan3A_1040 : i32 to index
        %get3A_1382 = arith.constant 16 : index
        %get3A_1383 = tpu.vector_load %arg14[%get3A_1379, %get3A_1380, %get3A_1381, %get3A_1382] {strides = array<i32>} : memref<2x20x16x128xf32, #tpu.memory_space<vmem>>, vector<1x1x1x16xf32>,
        %get3A_1384 = vector.shape_cast %get3A_1383 : vector<1x1x1x16xf32> to vector<16xf32>
        %add3A_1385 = arith.addf %add3A_1376, %get3A_1384 : vector<16xf32>
        %get3A_1386 = arith.constant 0 : i32
        %get3A_1387 = arith.constant 15 : i32
        %get3A_1388 = arith.index_cast %get3A_1386 : i32 to index
        %get3A_1389 = arith.index_cast %get3A_1387 : i32 to index
        %get3A_1390 = arith.index_cast %scan3A_1040 : i32 to index
        %get3A_1391 = arith.constant 16 : index
        %get3A_1392 = tpu.vector_load %arg14[%get3A_1388, %get3A_1389, %get3A_1390, %get3A_1391] {strides = array<i32>} : memref<2x20x16x128xf32, #tpu.memory_space<vmem>>, vector<1x1x1x16xf32>,
        %get3A_1393 = vector.shape_cast %get3A_1392 : vector<1x1x1x16xf32> to vector<16xf32>
        %add3A_1394 = arith.addf %add3A_1385, %get3A_1393 : vector<16xf32>
        %get3A_1395 = arith.constant 0 : i32
        %get3A_1396 = arith.constant 16 : i32
        %get3A_1397 = arith.index_cast %get3A_1395 : i32 to index
        %get3A_1398 = arith.index_cast %get3A_1396 : i32 to index
        %get3A_1399 = arith.index_cast %scan3A_1040 : i32 to index
        %get3A_1400 = arith.constant 16 : index
        %get3A_1401 = tpu.vector_load %arg14[%get3A_1397, %get3A_1398, %get3A_1399, %get3A_1400] {strides = array<i32>} : memref<2x20x16x128xf32, #tpu.memory_space<vmem>>, vector<1x1x1x16xf32>,
        %get3A_1402 = vector.shape_cast %get3A_1401 : vector<1x1x1x16xf32> to vector<16xf32>
        %add3A_1403 = arith.addf %add3A_1394, %get3A_1402 : vector<16xf32>
        %get3A_1404 = arith.constant 0 : i32
        %get3A_1405 = arith.constant 17 : i32
        %get3A_1406 = arith.index_cast %get3A_1404 : i32 to index
        %get3A_1407 = arith.index_cast %get3A_1405 : i32 to index
        %get3A_1408 = arith.index_cast %scan3A_1040 : i32 to index
        %get3A_1409 = arith.constant 16 : index
        %get3A_1410 = tpu.vector_load %arg14[%get3A_1406, %get3A_1407, %get3A_1408, %get3A_1409] {strides = array<i32>} : memref<2x20x16x128xf32, #tpu.memory_space<vmem>>, vector<1x1x1x16xf32>,
        %get3A_1411 = vector.shape_cast %get3A_1410 : vector<1x1x1x16xf32> to vector<16xf32>
        %add3A_1412 = arith.addf %add3A_1403, %get3A_1411 : vector<16xf32>
        %get3A_1413 = arith.constant 0 : i32
        %get3A_1414 = arith.constant 18 : i32
        %get3A_1415 = arith.index_cast %get3A_1413 : i32 to index
        %get3A_1416 = arith.index_cast %get3A_1414 : i32 to index
        %get3A_1417 = arith.index_cast %scan3A_1040 : i32 to index
        %get3A_1418 = arith.constant 16 : index
        %get3A_1419 = tpu.vector_load %arg14[%get3A_1415, %get3A_1416, %get3A_1417, %get3A_1418] {strides = array<i32>} : memref<2x20x16x128xf32, #tpu.memory_space<vmem>>, vector<1x1x1x16xf32>,
        %get3A_1420 = vector.shape_cast %get3A_1419 : vector<1x1x1x16xf32> to vector<16xf32>
        %add3A_1421 = arith.addf %add3A_1412, %get3A_1420 : vector<16xf32>
        %get3A_1422 = arith.constant 0 : i32
        %get3A_1423 = arith.constant 19 : i32
        %get3A_1424 = arith.index_cast %get3A_1422 : i32 to index
        %get3A_1425 = arith.index_cast %get3A_1423 : i32 to index
        %get3A_1426 = arith.index_cast %scan3A_1040 : i32 to index
        %get3A_1427 = arith.constant 16 : index
        %get3A_1428 = tpu.vector_load %arg14[%get3A_1424, %get3A_1425, %get3A_1426, %get3A_1427] {strides = array<i32>} : memref<2x20x16x128xf32, #tpu.memory_space<vmem>>, vector<1x1x1x16xf32>,
        %get3A_1429 = vector.shape_cast %get3A_1428 : vector<1x1x1x16xf32> to vector<16xf32>
        %add3A_1430 = arith.addf %add3A_1421, %get3A_1429 : vector<16xf32>
        %mul3A_1431 = arith.mulf %get3A_1243, %add3A_1430 : vector<16xf32>
        %add3A_1432 = arith.addf %add3A_1237, %mul3A_1431 : vector<16xf32>
        %get3A_1433 = arith.constant 0 : i32
        %get3A_1434 = arith.index_cast %get3A_1433 : i32 to index
        %get3A_1435 = arith.index_cast %scan3A_1040 : i32 to index
        %get3A_1436 = arith.constant 32 : index
        %get3A_1437 = tpu.vector_load %arg12[%get3A_1434, %get3A_1435, %get3A_1436] {strides = array<i32>} : memref<2x16x128xf32, #tpu.memory_space<vmem>>, vector<1x1x16xf32>,
        %get3A_1438 = vector.shape_cast %get3A_1437 : vector<1x1x16xf32> to vector<16xf32>
        %get3A_1439 = arith.constant 0 : i32
        %get3A_1440 = arith.index_cast %get3A_1439 : i32 to index
        %get3A_1441 = arith.index_cast %scan3A_1040 : i32 to index
        %get3A_1442 = arith.constant 32 : index
        %get3A_1443 = tpu.vector_load %arg13[%get3A_1440, %get3A_1441, %get3A_1442] {strides = array<i32>} : memref<2x16x128xf32, #tpu.memory_space<vmem>>, vector<1x1x16xf32>,
        %get3A_1444 = vector.shape_cast %get3A_1443 : vector<1x1x16xf32> to vector<16xf32>
        %mul3A_1445 = arith.mulf %get3A_1438, %get3A_1444 : vector<16xf32>
        %add3A_1446 = arith.addf %add3A_1251, %mul3A_1445 : vector<16xf32>
        %get3A_1447 = arith.constant 0 : i32
        %get3A_1448 = arith.constant 0 : i32
        %get3A_1449 = arith.index_cast %get3A_1447 : i32 to index
        %get3A_1450 = arith.index_cast %get3A_1448 : i32 to index
        %get3A_1451 = arith.index_cast %scan3A_1040 : i32 to index
        %get3A_1452 = arith.constant 32 : index
        %get3A_1453 = tpu.vector_load %arg14[%get3A_1449, %get3A_1450, %get3A_1451, %get3A_1452] {strides = array<i32>} : memref<2x20x16x128xf32, #tpu.memory_space<vmem>>, vector<1x1x1x16xf32>,
        %get3A_1454 = vector.shape_cast %get3A_1453 : vector<1x1x1x16xf32> to vector<16xf32>
        %get3A_1455 = arith.constant 0 : i32
        %get3A_1456 = arith.constant 1 : i32
        %get3A_1457 = arith.index_cast %get3A_1455 : i32 to index
        %get3A_1458 = arith.index_cast %get3A_1456 : i32 to index
        %get3A_1459 = arith.index_cast %scan3A_1040 : i32 to index
        %get3A_1460 = arith.constant 32 : index
        %get3A_1461 = tpu.vector_load %arg14[%get3A_1457, %get3A_1458, %get3A_1459, %get3A_1460] {strides = array<i32>} : memref<2x20x16x128xf32, #tpu.memory_space<vmem>>, vector<1x1x1x16xf32>,
        %get3A_1462 = vector.shape_cast %get3A_1461 : vector<1x1x1x16xf32> to vector<16xf32>
        %add3A_1463 = arith.addf %get3A_1454, %get3A_1462 : vector<16xf32>
        %get3A_1464 = arith.constant 0 : i32
        %get3A_1465 = arith.constant 2 : i32
        %get3A_1466 = arith.index_cast %get3A_1464 : i32 to index
        %get3A_1467 = arith.index_cast %get3A_1465 : i32 to index
        %get3A_1468 = arith.index_cast %scan3A_1040 : i32 to index
        %get3A_1469 = arith.constant 32 : index
        %get3A_1470 = tpu.vector_load %arg14[%get3A_1466, %get3A_1467, %get3A_1468, %get3A_1469] {strides = array<i32>} : memref<2x20x16x128xf32, #tpu.memory_space<vmem>>, vector<1x1x1x16xf32>,
        %get3A_1471 = vector.shape_cast %get3A_1470 : vector<1x1x1x16xf32> to vector<16xf32>
        %add3A_1472 = arith.addf %add3A_1463, %get3A_1471 : vector<16xf32>
        %get3A_1473 = arith.constant 0 : i32
        %get3A_1474 = arith.constant 3 : i32
        %get3A_1475 = arith.index_cast %get3A_1473 : i32 to index
        %get3A_1476 = arith.index_cast %get3A_1474 : i32 to index
        %get3A_1477 = arith.index_cast %scan3A_1040 : i32 to index
        %get3A_1478 = arith.constant 32 : index
        %get3A_1479 = tpu.vector_load %arg14[%get3A_1475, %get3A_1476, %get3A_1477, %get3A_1478] {strides = array<i32>} : memref<2x20x16x128xf32, #tpu.memory_space<vmem>>, vector<1x1x1x16xf32>,
        %get3A_1480 = vector.shape_cast %get3A_1479 : vector<1x1x1x16xf32> to vector<16xf32>
        %add3A_1481 = arith.addf %add3A_1472, %get3A_1480 : vector<16xf32>
        %get3A_1482 = arith.constant 0 : i32
        %get3A_1483 = arith.constant 4 : i32
        %get3A_1484 = arith.index_cast %get3A_1482 : i32 to index
        %get3A_1485 = arith.index_cast %get3A_1483 : i32 to index
        %get3A_1486 = arith.index_cast %scan3A_1040 : i32 to index
        %get3A_1487 = arith.constant 32 : index
        %get3A_1488 = tpu.vector_load %arg14[%get3A_1484, %get3A_1485, %get3A_1486, %get3A_1487] {strides = array<i32>} : memref<2x20x16x128xf32, #tpu.memory_space<vmem>>, vector<1x1x1x16xf32>,
        %get3A_1489 = vector.shape_cast %get3A_1488 : vector<1x1x1x16xf32> to vector<16xf32>
        %add3A_1490 = arith.addf %add3A_1481, %get3A_1489 : vector<16xf32>
        %get3A_1491 = arith.constant 0 : i32
        %get3A_1492 = arith.constant 5 : i32
        %get3A_1493 = arith.index_cast %get3A_1491 : i32 to index
        %get3A_1494 = arith.index_cast %get3A_1492 : i32 to index
        %get3A_1495 = arith.index_cast %scan3A_1040 : i32 to index
        %get3A_1496 = arith.constant 32 : index
        %get3A_1497 = tpu.vector_load %arg14[%get3A_1493, %get3A_1494, %get3A_1495, %get3A_1496] {strides = array<i32>} : memref<2x20x16x128xf32, #tpu.memory_space<vmem>>, vector<1x1x1x16xf32>,
        %get3A_1498 = vector.shape_cast %get3A_1497 : vector<1x1x1x16xf32> to vector<16xf32>
        %add3A_1499 = arith.addf %add3A_1490, %get3A_1498 : vector<16xf32>
        %get3A_1500 = arith.constant 0 : i32
        %get3A_1501 = arith.constant 6 : i32
        %get3A_1502 = arith.index_cast %get3A_1500 : i32 to index
        %get3A_1503 = arith.index_cast %get3A_1501 : i32 to index
        %get3A_1504 = arith.index_cast %scan3A_1040 : i32 to index
        %get3A_1505 = arith.constant 32 : index
        %get3A_1506 = tpu.vector_load %arg14[%get3A_1502, %get3A_1503, %get3A_1504, %get3A_1505] {strides = array<i32>} : memref<2x20x16x128xf32, #tpu.memory_space<vmem>>, vector<1x1x1x16xf32>,
        %get3A_1507 = vector.shape_cast %get3A_1506 : vector<1x1x1x16xf32> to vector<16xf32>
        %add3A_1508 = arith.addf %add3A_1499, %get3A_1507 : vector<16xf32>
        %get3A_1509 = arith.constant 0 : i32
        %get3A_1510 = arith.constant 7 : i32
        %get3A_1511 = arith.index_cast %get3A_1509 : i32 to index
        %get3A_1512 = arith.index_cast %get3A_1510 : i32 to index
        %get3A_1513 = arith.index_cast %scan3A_1040 : i32 to index
        %get3A_1514 = arith.constant 32 : index
        %get3A_1515 = tpu.vector_load %arg14[%get3A_1511, %get3A_1512, %get3A_1513, %get3A_1514] {strides = array<i32>} : memref<2x20x16x128xf32, #tpu.memory_space<vmem>>, vector<1x1x1x16xf32>,
        %get3A_1516 = vector.shape_cast %get3A_1515 : vector<1x1x1x16xf32> to vector<16xf32>
        %add3A_1517 = arith.addf %add3A_1508, %get3A_1516 : vector<16xf32>
        %get3A_1518 = arith.constant 0 : i32
        %get3A_1519 = arith.constant 8 : i32
        %get3A_1520 = arith.index_cast %get3A_1518 : i32 to index
        %get3A_1521 = arith.index_cast %get3A_1519 : i32 to index
        %get3A_1522 = arith.index_cast %scan3A_1040 : i32 to index
        %get3A_1523 = arith.constant 32 : index
        %get3A_1524 = tpu.vector_load %arg14[%get3A_1520, %get3A_1521, %get3A_1522, %get3A_1523] {strides = array<i32>} : memref<2x20x16x128xf32, #tpu.memory_space<vmem>>, vector<1x1x1x16xf32>,
        %get3A_1525 = vector.shape_cast %get3A_1524 : vector<1x1x1x16xf32> to vector<16xf32>
        %add3A_1526 = arith.addf %add3A_1517, %get3A_1525 : vector<16xf32>
        %get3A_1527 = arith.constant 0 : i32
        %get3A_1528 = arith.constant 9 : i32
        %get3A_1529 = arith.index_cast %get3A_1527 : i32 to index
        %get3A_1530 = arith.index_cast %get3A_1528 : i32 to index
        %get3A_1531 = arith.index_cast %scan3A_1040 : i32 to index
        %get3A_1532 = arith.constant 32 : index
        %get3A_1533 = tpu.vector_load %arg14[%get3A_1529, %get3A_1530, %get3A_1531, %get3A_1532] {strides = array<i32>} : memref<2x20x16x128xf32, #tpu.memory_space<vmem>>, vector<1x1x1x16xf32>,
        %get3A_1534 = vector.shape_cast %get3A_1533 : vector<1x1x1x16xf32> to vector<16xf32>
        %add3A_1535 = arith.addf %add3A_1526, %get3A_1534 : vector<16xf32>
        %get3A_1536 = arith.constant 0 : i32
        %get3A_1537 = arith.constant 10 : i32
        %get3A_1538 = arith.index_cast %get3A_1536 : i32 to index
        %get3A_1539 = arith.index_cast %get3A_1537 : i32 to index
        %get3A_1540 = arith.index_cast %scan3A_1040 : i32 to index
        %get3A_1541 = arith.constant 32 : index
        %get3A_1542 = tpu.vector_load %arg14[%get3A_1538, %get3A_1539, %get3A_1540, %get3A_1541] {strides = array<i32>} : memref<2x20x16x128xf32, #tpu.memory_space<vmem>>, vector<1x1x1x16xf32>,
        %get3A_1543 = vector.shape_cast %get3A_1542 : vector<1x1x1x16xf32> to vector<16xf32>
        %add3A_1544 = arith.addf %add3A_1535, %get3A_1543 : vector<16xf32>
        %get3A_1545 = arith.constant 0 : i32
        %get3A_1546 = arith.constant 11 : i32
        %get3A_1547 = arith.index_cast %get3A_1545 : i32 to index
        %get3A_1548 = arith.index_cast %get3A_1546 : i32 to index
        %get3A_1549 = arith.index_cast %scan3A_1040 : i32 to index
        %get3A_1550 = arith.constant 32 : index
        %get3A_1551 = tpu.vector_load %arg14[%get3A_1547, %get3A_1548, %get3A_1549, %get3A_1550] {strides = array<i32>} : memref<2x20x16x128xf32, #tpu.memory_space<vmem>>, vector<1x1x1x16xf32>,
        %get3A_1552 = vector.shape_cast %get3A_1551 : vector<1x1x1x16xf32> to vector<16xf32>
        %add3A_1553 = arith.addf %add3A_1544, %get3A_1552 : vector<16xf32>
        %get3A_1554 = arith.constant 0 : i32
        %get3A_1555 = arith.constant 12 : i32
        %get3A_1556 = arith.index_cast %get3A_1554 : i32 to index
        %get3A_1557 = arith.index_cast %get3A_1555 : i32 to index
        %get3A_1558 = arith.index_cast %scan3A_1040 : i32 to index
        %get3A_1559 = arith.constant 32 : index
        %get3A_1560 = tpu.vector_load %arg14[%get3A_1556, %get3A_1557, %get3A_1558, %get3A_1559] {strides = array<i32>} : memref<2x20x16x128xf32, #tpu.memory_space<vmem>>, vector<1x1x1x16xf32>,
        %get3A_1561 = vector.shape_cast %get3A_1560 : vector<1x1x1x16xf32> to vector<16xf32>
        %add3A_1562 = arith.addf %add3A_1553, %get3A_1561 : vector<16xf32>
        %get3A_1563 = arith.constant 0 : i32
        %get3A_1564 = arith.constant 13 : i32
        %get3A_1565 = arith.index_cast %get3A_1563 : i32 to index
        %get3A_1566 = arith.index_cast %get3A_1564 : i32 to index
        %get3A_1567 = arith.index_cast %scan3A_1040 : i32 to index
        %get3A_1568 = arith.constant 32 : index
        %get3A_1569 = tpu.vector_load %arg14[%get3A_1565, %get3A_1566, %get3A_1567, %get3A_1568] {strides = array<i32>} : memref<2x20x16x128xf32, #tpu.memory_space<vmem>>, vector<1x1x1x16xf32>,
        %get3A_1570 = vector.shape_cast %get3A_1569 : vector<1x1x1x16xf32> to vector<16xf32>
        %add3A_1571 = arith.addf %add3A_1562, %get3A_1570 : vector<16xf32>
        %get3A_1572 = arith.constant 0 : i32
        %get3A_1573 = arith.constant 14 : i32
        %get3A_1574 = arith.index_cast %get3A_1572 : i32 to index
        %get3A_1575 = arith.index_cast %get3A_1573 : i32 to index
        %get3A_1576 = arith.index_cast %scan3A_1040 : i32 to index
        %get3A_1577 = arith.constant 32 : index
        %get3A_1578 = tpu.vector_load %arg14[%get3A_1574, %get3A_1575, %get3A_1576, %get3A_1577] {strides = array<i32>} : memref<2x20x16x128xf32, #tpu.memory_space<vmem>>, vector<1x1x1x16xf32>,
        %get3A_1579 = vector.shape_cast %get3A_1578 : vector<1x1x1x16xf32> to vector<16xf32>
        %add3A_1580 = arith.addf %add3A_1571, %get3A_1579 : vector<16xf32>
        %get3A_1581 = arith.constant 0 : i32
        %get3A_1582 = arith.constant 15 : i32
        %get3A_1583 = arith.index_cast %get3A_1581 : i32 to index
        %get3A_1584 = arith.index_cast %get3A_1582 : i32 to index
        %get3A_1585 = arith.index_cast %scan3A_1040 : i32 to index
        %get3A_1586 = arith.constant 32 : index
        %get3A_1587 = tpu.vector_load %arg14[%get3A_1583, %get3A_1584, %get3A_1585, %get3A_1586] {strides = array<i32>} : memref<2x20x16x128xf32, #tpu.memory_space<vmem>>, vector<1x1x1x16xf32>,
        %get3A_1588 = vector.shape_cast %get3A_1587 : vector<1x1x1x16xf32> to vector<16xf32>
        %add3A_1589 = arith.addf %add3A_1580, %get3A_1588 : vector<16xf32>
        %get3A_1590 = arith.constant 0 : i32
        %get3A_1591 = arith.constant 16 : i32
        %get3A_1592 = arith.index_cast %get3A_1590 : i32 to index
        %get3A_1593 = arith.index_cast %get3A_1591 : i32 to index
        %get3A_1594 = arith.index_cast %scan3A_1040 : i32 to index
        %get3A_1595 = arith.constant 32 : index
        %get3A_1596 = tpu.vector_load %arg14[%get3A_1592, %get3A_1593, %get3A_1594, %get3A_1595] {strides = array<i32>} : memref<2x20x16x128xf32, #tpu.memory_space<vmem>>, vector<1x1x1x16xf32>,
        %get3A_1597 = vector.shape_cast %get3A_1596 : vector<1x1x1x16xf32> to vector<16xf32>
        %add3A_1598 = arith.addf %add3A_1589, %get3A_1597 : vector<16xf32>
        %get3A_1599 = arith.constant 0 : i32
        %get3A_1600 = arith.constant 17 : i32
        %get3A_1601 = arith.index_cast %get3A_1599 : i32 to index
        %get3A_1602 = arith.index_cast %get3A_1600 : i32 to index
        %get3A_1603 = arith.index_cast %scan3A_1040 : i32 to index
        %get3A_1604 = arith.constant 32 : index
        %get3A_1605 = tpu.vector_load %arg14[%get3A_1601, %get3A_1602, %get3A_1603, %get3A_1604] {strides = array<i32>} : memref<2x20x16x128xf32, #tpu.memory_space<vmem>>, vector<1x1x1x16xf32>,
        %get3A_1606 = vector.shape_cast %get3A_1605 : vector<1x1x1x16xf32> to vector<16xf32>
        %add3A_1607 = arith.addf %add3A_1598, %get3A_1606 : vector<16xf32>
        %get3A_1608 = arith.constant 0 : i32
        %get3A_1609 = arith.constant 18 : i32
        %get3A_1610 = arith.index_cast %get3A_1608 : i32 to index
        %get3A_1611 = arith.index_cast %get3A_1609 : i32 to index
        %get3A_1612 = arith.index_cast %scan3A_1040 : i32 to index
        %get3A_1613 = arith.constant 32 : index
        %get3A_1614 = tpu.vector_load %arg14[%get3A_1610, %get3A_1611, %get3A_1612, %get3A_1613] {strides = array<i32>} : memref<2x20x16x128xf32, #tpu.memory_space<vmem>>, vector<1x1x1x16xf32>,
        %get3A_1615 = vector.shape_cast %get3A_1614 : vector<1x1x1x16xf32> to vector<16xf32>
        %add3A_1616 = arith.addf %add3A_1607, %get3A_1615 : vector<16xf32>
        %get3A_1617 = arith.constant 0 : i32
        %get3A_1618 = arith.constant 19 : i32
        %get3A_1619 = arith.index_cast %get3A_1617 : i32 to index
        %get3A_1620 = arith.index_cast %get3A_1618 : i32 to index
        %get3A_1621 = arith.index_cast %scan3A_1040 : i32 to index
        %get3A_1622 = arith.constant 32 : index
        %get3A_1623 = tpu.vector_load %arg14[%get3A_1619, %get3A_1620, %get3A_1621, %get3A_1622] {strides = array<i32>} : memref<2x20x16x128xf32, #tpu.memory_space<vmem>>, vector<1x1x1x16xf32>,
        %get3A_1624 = vector.shape_cast %get3A_1623 : vector<1x1x1x16xf32> to vector<16xf32>
        %add3A_1625 = arith.addf %add3A_1616, %get3A_1624 : vector<16xf32>
        %mul3A_1626 = arith.mulf %get3A_1438, %add3A_1625 : vector<16xf32>
        %add3A_1627 = arith.addf %add3A_1432, %mul3A_1626 : vector<16xf32>
        %get3A_1628 = arith.constant 0 : i32
        %get3A_1629 = arith.index_cast %get3A_1628 : i32 to index
        %get3A_1630 = arith.index_cast %scan3A_1040 : i32 to index
        %get3A_1631 = arith.constant 48 : index
        %get3A_1632 = tpu.vector_load %arg12[%get3A_1629, %get3A_1630, %get3A_1631] {strides = array<i32>} : memref<2x16x128xf32, #tpu.memory_space<vmem>>, vector<1x1x16xf32>,
        %get3A_1633 = vector.shape_cast %get3A_1632 : vector<1x1x16xf32> to vector<16xf32>
        %get3A_1634 = arith.constant 0 : i32
        %get3A_1635 = arith.index_cast %get3A_1634 : i32 to index
        %get3A_1636 = arith.index_cast %scan3A_1040 : i32 to index
        %get3A_1637 = arith.constant 48 : index
        %get3A_1638 = tpu.vector_load %arg13[%get3A_1635, %get3A_1636, %get3A_1637] {strides = array<i32>} : memref<2x16x128xf32, #tpu.memory_space<vmem>>, vector<1x1x16xf32>,
        %get3A_1639 = vector.shape_cast %get3A_1638 : vector<1x1x16xf32> to vector<16xf32>
        %mul3A_1640 = arith.mulf %get3A_1633, %get3A_1639 : vector<16xf32>
        %add3A_1641 = arith.addf %add3A_1446, %mul3A_1640 : vector<16xf32>
        %get3A_1642 = arith.constant 0 : i32
        %get3A_1643 = arith.constant 0 : i32
        %get3A_1644 = arith.index_cast %get3A_1642 : i32 to index
        %get3A_1645 = arith.index_cast %get3A_1643 : i32 to index
        %get3A_1646 = arith.index_cast %scan3A_1040 : i32 to index
        %get3A_1647 = arith.constant 48 : index
        %get3A_1648 = tpu.vector_load %arg14[%get3A_1644, %get3A_1645, %get3A_1646, %get3A_1647] {strides = array<i32>} : memref<2x20x16x128xf32, #tpu.memory_space<vmem>>, vector<1x1x1x16xf32>,
        %get3A_1649 = vector.shape_cast %get3A_1648 : vector<1x1x1x16xf32> to vector<16xf32>
        %get3A_1650 = arith.constant 0 : i32
        %get3A_1651 = arith.constant 1 : i32
        %get3A_1652 = arith.index_cast %get3A_1650 : i32 to index
        %get3A_1653 = arith.index_cast %get3A_1651 : i32 to index
        %get3A_1654 = arith.index_cast %scan3A_1040 : i32 to index
        %get3A_1655 = arith.constant 48 : index
        %get3A_1656 = tpu.vector_load %arg14[%get3A_1652, %get3A_1653, %get3A_1654, %get3A_1655] {strides = array<i32>} : memref<2x20x16x128xf32, #tpu.memory_space<vmem>>, vector<1x1x1x16xf32>,
        %get3A_1657 = vector.shape_cast %get3A_1656 : vector<1x1x1x16xf32> to vector<16xf32>
        %add3A_1658 = arith.addf %get3A_1649, %get3A_1657 : vector<16xf32>
        %get3A_1659 = arith.constant 0 : i32
        %get3A_1660 = arith.constant 2 : i32
        %get3A_1661 = arith.index_cast %get3A_1659 : i32 to index
        %get3A_1662 = arith.index_cast %get3A_1660 : i32 to index
        %get3A_1663 = arith.index_cast %scan3A_1040 : i32 to index
        %get3A_1664 = arith.constant 48 : index
        %get3A_1665 = tpu.vector_load %arg14[%get3A_1661, %get3A_1662, %get3A_1663, %get3A_1664] {strides = array<i32>} : memref<2x20x16x128xf32, #tpu.memory_space<vmem>>, vector<1x1x1x16xf32>,
        %get3A_1666 = vector.shape_cast %get3A_1665 : vector<1x1x1x16xf32> to vector<16xf32>
        %add3A_1667 = arith.addf %add3A_1658, %get3A_1666 : vector<16xf32>
        %get3A_1668 = arith.constant 0 : i32
        %get3A_1669 = arith.constant 3 : i32
        %get3A_1670 = arith.index_cast %get3A_1668 : i32 to index
        %get3A_1671 = arith.index_cast %get3A_1669 : i32 to index
        %get3A_1672 = arith.index_cast %scan3A_1040 : i32 to index
        %get3A_1673 = arith.constant 48 : index
        %get3A_1674 = tpu.vector_load %arg14[%get3A_1670, %get3A_1671, %get3A_1672, %get3A_1673] {strides = array<i32>} : memref<2x20x16x128xf32, #tpu.memory_space<vmem>>, vector<1x1x1x16xf32>,
        %get3A_1675 = vector.shape_cast %get3A_1674 : vector<1x1x1x16xf32> to vector<16xf32>
        %add3A_1676 = arith.addf %add3A_1667, %get3A_1675 : vector<16xf32>
        %get3A_1677 = arith.constant 0 : i32
        %get3A_1678 = arith.constant 4 : i32
        %get3A_1679 = arith.index_cast %get3A_1677 : i32 to index
        %get3A_1680 = arith.index_cast %get3A_1678 : i32 to index
        %get3A_1681 = arith.index_cast %scan3A_1040 : i32 to index
        %get3A_1682 = arith.constant 48 : index
        %get3A_1683 = tpu.vector_load %arg14[%get3A_1679, %get3A_1680, %get3A_1681, %get3A_1682] {strides = array<i32>} : memref<2x20x16x128xf32, #tpu.memory_space<vmem>>, vector<1x1x1x16xf32>,
        %get3A_1684 = vector.shape_cast %get3A_1683 : vector<1x1x1x16xf32> to vector<16xf32>
        %add3A_1685 = arith.addf %add3A_1676, %get3A_1684 : vector<16xf32>
        %get3A_1686 = arith.constant 0 : i32
        %get3A_1687 = arith.constant 5 : i32
        %get3A_1688 = arith.index_cast %get3A_1686 : i32 to index
        %get3A_1689 = arith.index_cast %get3A_1687 : i32 to index
        %get3A_1690 = arith.index_cast %scan3A_1040 : i32 to index
        %get3A_1691 = arith.constant 48 : index
        %get3A_1692 = tpu.vector_load %arg14[%get3A_1688, %get3A_1689, %get3A_1690, %get3A_1691] {strides = array<i32>} : memref<2x20x16x128xf32, #tpu.memory_space<vmem>>, vector<1x1x1x16xf32>,
        %get3A_1693 = vector.shape_cast %get3A_1692 : vector<1x1x1x16xf32> to vector<16xf32>
        %add3A_1694 = arith.addf %add3A_1685, %get3A_1693 : vector<16xf32>
        %get3A_1695 = arith.constant 0 : i32
        %get3A_1696 = arith.constant 6 : i32
        %get3A_1697 = arith.index_cast %get3A_1695 : i32 to index
        %get3A_1698 = arith.index_cast %get3A_1696 : i32 to index
        %get3A_1699 = arith.index_cast %scan3A_1040 : i32 to index
        %get3A_1700 = arith.constant 48 : index
        %get3A_1701 = tpu.vector_load %arg14[%get3A_1697, %get3A_1698, %get3A_1699, %get3A_1700] {strides = array<i32>} : memref<2x20x16x128xf32, #tpu.memory_space<vmem>>, vector<1x1x1x16xf32>,
        %get3A_1702 = vector.shape_cast %get3A_1701 : vector<1x1x1x16xf32> to vector<16xf32>
        %add3A_1703 = arith.addf %add3A_1694, %get3A_1702 : vector<16xf32>
        %get3A_1704 = arith.constant 0 : i32
        %get3A_1705 = arith.constant 7 : i32
        %get3A_1706 = arith.index_cast %get3A_1704 : i32 to index
        %get3A_1707 = arith.index_cast %get3A_1705 : i32 to index
        %get3A_1708 = arith.index_cast %scan3A_1040 : i32 to index
        %get3A_1709 = arith.constant 48 : index
        %get3A_1710 = tpu.vector_load %arg14[%get3A_1706, %get3A_1707, %get3A_1708, %get3A_1709] {strides = array<i32>} : memref<2x20x16x128xf32, #tpu.memory_space<vmem>>, vector<1x1x1x16xf32>,
        %get3A_1711 = vector.shape_cast %get3A_1710 : vector<1x1x1x16xf32> to vector<16xf32>
        %add3A_1712 = arith.addf %add3A_1703, %get3A_1711 : vector<16xf32>
        %get3A_1713 = arith.constant 0 : i32
        %get3A_1714 = arith.constant 8 : i32
        %get3A_1715 = arith.index_cast %get3A_1713 : i32 to index
        %get3A_1716 = arith.index_cast %get3A_1714 : i32 to index
        %get3A_1717 = arith.index_cast %scan3A_1040 : i32 to index
        %get3A_1718 = arith.constant 48 : index
        %get3A_1719 = tpu.vector_load %arg14[%get3A_1715, %get3A_1716, %get3A_1717, %get3A_1718] {strides = array<i32>} : memref<2x20x16x128xf32, #tpu.memory_space<vmem>>, vector<1x1x1x16xf32>,
        %get3A_1720 = vector.shape_cast %get3A_1719 : vector<1x1x1x16xf32> to vector<16xf32>
        %add3A_1721 = arith.addf %add3A_1712, %get3A_1720 : vector<16xf32>
        %get3A_1722 = arith.constant 0 : i32
        %get3A_1723 = arith.constant 9 : i32
        %get3A_1724 = arith.index_cast %get3A_1722 : i32 to index
        %get3A_1725 = arith.index_cast %get3A_1723 : i32 to index
        %get3A_1726 = arith.index_cast %scan3A_1040 : i32 to index
        %get3A_1727 = arith.constant 48 : index
        %get3A_1728 = tpu.vector_load %arg14[%get3A_1724, %get3A_1725, %get3A_1726, %get3A_1727] {strides = array<i32>} : memref<2x20x16x128xf32, #tpu.memory_space<vmem>>, vector<1x1x1x16xf32>,
        %get3A_1729 = vector.shape_cast %get3A_1728 : vector<1x1x1x16xf32> to vector<16xf32>
        %add3A_1730 = arith.addf %add3A_1721, %get3A_1729 : vector<16xf32>
        %get3A_1731 = arith.constant 0 : i32
        %get3A_1732 = arith.constant 10 : i32
        %get3A_1733 = arith.index_cast %get3A_1731 : i32 to index
        %get3A_1734 = arith.index_cast %get3A_1732 : i32 to index
        %get3A_1735 = arith.index_cast %scan3A_1040 : i32 to index
        %get3A_1736 = arith.constant 48 : index
        %get3A_1737 = tpu.vector_load %arg14[%get3A_1733, %get3A_1734, %get3A_1735, %get3A_1736] {strides = array<i32>} : memref<2x20x16x128xf32, #tpu.memory_space<vmem>>, vector<1x1x1x16xf32>,
        %get3A_1738 = vector.shape_cast %get3A_1737 : vector<1x1x1x16xf32> to vector<16xf32>
        %add3A_1739 = arith.addf %add3A_1730, %get3A_1738 : vector<16xf32>
        %get3A_1740 = arith.constant 0 : i32
        %get3A_1741 = arith.constant 11 : i32
        %get3A_1742 = arith.index_cast %get3A_1740 : i32 to index
        %get3A_1743 = arith.index_cast %get3A_1741 : i32 to index
        %get3A_1744 = arith.index_cast %scan3A_1040 : i32 to index
        %get3A_1745 = arith.constant 48 : index
        %get3A_1746 = tpu.vector_load %arg14[%get3A_1742, %get3A_1743, %get3A_1744, %get3A_1745] {strides = array<i32>} : memref<2x20x16x128xf32, #tpu.memory_space<vmem>>, vector<1x1x1x16xf32>,
        %get3A_1747 = vector.shape_cast %get3A_1746 : vector<1x1x1x16xf32> to vector<16xf32>
        %add3A_1748 = arith.addf %add3A_1739, %get3A_1747 : vector<16xf32>
        %get3A_1749 = arith.constant 0 : i32
        %get3A_1750 = arith.constant 12 : i32
        %get3A_1751 = arith.index_cast %get3A_1749 : i32 to index
        %get3A_1752 = arith.index_cast %get3A_1750 : i32 to index
        %get3A_1753 = arith.index_cast %scan3A_1040 : i32 to index
        %get3A_1754 = arith.constant 48 : index
        %get3A_1755 = tpu.vector_load %arg14[%get3A_1751, %get3A_1752, %get3A_1753, %get3A_1754] {strides = array<i32>} : memref<2x20x16x128xf32, #tpu.memory_space<vmem>>, vector<1x1x1x16xf32>,
        %get3A_1756 = vector.shape_cast %get3A_1755 : vector<1x1x1x16xf32> to vector<16xf32>
        %add3A_1757 = arith.addf %add3A_1748, %get3A_1756 : vector<16xf32>
        %get3A_1758 = arith.constant 0 : i32
        %get3A_1759 = arith.constant 13 : i32
        %get3A_1760 = arith.index_cast %get3A_1758 : i32 to index
        %get3A_1761 = arith.index_cast %get3A_1759 : i32 to index
        %get3A_1762 = arith.index_cast %scan3A_1040 : i32 to index
        %get3A_1763 = arith.constant 48 : index
        %get3A_1764 = tpu.vector_load %arg14[%get3A_1760, %get3A_1761, %get3A_1762, %get3A_1763] {strides = array<i32>} : memref<2x20x16x128xf32, #tpu.memory_space<vmem>>, vector<1x1x1x16xf32>,
        %get3A_1765 = vector.shape_cast %get3A_1764 : vector<1x1x1x16xf32> to vector<16xf32>
        %add3A_1766 = arith.addf %add3A_1757, %get3A_1765 : vector<16xf32>
        %get3A_1767 = arith.constant 0 : i32
        %get3A_1768 = arith.constant 14 : i32
        %get3A_1769 = arith.index_cast %get3A_1767 : i32 to index
        %get3A_1770 = arith.index_cast %get3A_1768 : i32 to index
        %get3A_1771 = arith.index_cast %scan3A_1040 : i32 to index
        %get3A_1772 = arith.constant 48 : index
        %get3A_1773 = tpu.vector_load %arg14[%get3A_1769, %get3A_1770, %get3A_1771, %get3A_1772] {strides = array<i32>} : memref<2x20x16x128xf32, #tpu.memory_space<vmem>>, vector<1x1x1x16xf32>,
        %get3A_1774 = vector.shape_cast %get3A_1773 : vector<1x1x1x16xf32> to vector<16xf32>
        %add3A_1775 = arith.addf %add3A_1766, %get3A_1774 : vector<16xf32>
        %get3A_1776 = arith.constant 0 : i32
        %get3A_1777 = arith.constant 15 : i32
        %get3A_1778 = arith.index_cast %get3A_1776 : i32 to index
        %get3A_1779 = arith.index_cast %get3A_1777 : i32 to index
        %get3A_1780 = arith.index_cast %scan3A_1040 : i32 to index
        %get3A_1781 = arith.constant 48 : index
        %get3A_1782 = tpu.vector_load %arg14[%get3A_1778, %get3A_1779, %get3A_1780, %get3A_1781] {strides = array<i32>} : memref<2x20x16x128xf32, #tpu.memory_space<vmem>>, vector<1x1x1x16xf32>,
        %get3A_1783 = vector.shape_cast %get3A_1782 : vector<1x1x1x16xf32> to vector<16xf32>
        %add3A_1784 = arith.addf %add3A_1775, %get3A_1783 : vector<16xf32>
        %get3A_1785 = arith.constant 0 : i32
        %get3A_1786 = arith.constant 16 : i32
        %get3A_1787 = arith.index_cast %get3A_1785 : i32 to index
        %get3A_1788 = arith.index_cast %get3A_1786 : i32 to index
        %get3A_1789 = arith.index_cast %scan3A_1040 : i32 to index
        %get3A_1790 = arith.constant 48 : index
        %get3A_1791 = tpu.vector_load %arg14[%get3A_1787, %get3A_1788, %get3A_1789, %get3A_1790] {strides = array<i32>} : memref<2x20x16x128xf32, #tpu.memory_space<vmem>>, vector<1x1x1x16xf32>,
        %get3A_1792 = vector.shape_cast %get3A_1791 : vector<1x1x1x16xf32> to vector<16xf32>
        %add3A_1793 = arith.addf %add3A_1784, %get3A_1792 : vector<16xf32>
        %get3A_1794 = arith.constant 0 : i32
        %get3A_1795 = arith.constant 17 : i32
        %get3A_1796 = arith.index_cast %get3A_1794 : i32 to index
        %get3A_1797 = arith.index_cast %get3A_1795 : i32 to index
        %get3A_1798 = arith.index_cast %scan3A_1040 : i32 to index
        %get3A_1799 = arith.constant 48 : index
        %get3A_1800 = tpu.vector_load %arg14[%get3A_1796, %get3A_1797, %get3A_1798, %get3A_1799] {strides = array<i32>} : memref<2x20x16x128xf32, #tpu.memory_space<vmem>>, vector<1x1x1x16xf32>,
        %get3A_1801 = vector.shape_cast %get3A_1800 : vector<1x1x1x16xf32> to vector<16xf32>
        %add3A_1802 = arith.addf %add3A_1793, %get3A_1801 : vector<16xf32>
        %get3A_1803 = arith.constant 0 : i32
        %get3A_1804 = arith.constant 18 : i32
        %get3A_1805 = arith.index_cast %get3A_1803 : i32 to index
        %get3A_1806 = arith.index_cast %get3A_1804 : i32 to index
        %get3A_1807 = arith.index_cast %scan3A_1040 : i32 to index
        %get3A_1808 = arith.constant 48 : index
        %get3A_1809 = tpu.vector_load %arg14[%get3A_1805, %get3A_1806, %get3A_1807, %get3A_1808] {strides = array<i32>} : memref<2x20x16x128xf32, #tpu.memory_space<vmem>>, vector<1x1x1x16xf32>,
        %get3A_1810 = vector.shape_cast %get3A_1809 : vector<1x1x1x16xf32> to vector<16xf32>
        %add3A_1811 = arith.addf %add3A_1802, %get3A_1810 : vector<16xf32>
        %get3A_1812 = arith.constant 0 : i32
        %get3A_1813 = arith.constant 19 : i32
        %get3A_1814 = arith.index_cast %get3A_1812 : i32 to index
        %get3A_1815 = arith.index_cast %get3A_1813 : i32 to index
        %get3A_1816 = arith.index_cast %scan3A_1040 : i32 to index
        %get3A_1817 = arith.constant 48 : index
        %get3A_1818 = tpu.vector_load %arg14[%get3A_1814, %get3A_1815, %get3A_1816, %get3A_1817] {strides = array<i32>} : memref<2x20x16x128xf32, #tpu.memory_space<vmem>>, vector<1x1x1x16xf32>,
        %get3A_1819 = vector.shape_cast %get3A_1818 : vector<1x1x1x16xf32> to vector<16xf32>
        %add3A_1820 = arith.addf %add3A_1811, %get3A_1819 : vector<16xf32>
        %mul3A_1821 = arith.mulf %get3A_1633, %add3A_1820 : vector<16xf32>
        %add3A_1822 = arith.addf %add3A_1627, %mul3A_1821 : vector<16xf32>
        %mul3A_1823 = arith.constant 16 : i32
        %mul3A_1824 = arith.muli %add3A_313, %mul3A_1823 : i32
        %add3A_1825 = arith.addi %mul3A_1824, %scan3A_1040 : i32
        %jit3A = arith.constant 8 : i32
        %div3A = arith.divsi %add3A_1825, %jit3A : i32
        %sign3A = arith.constant 0 : i32
        %sign3A_1826 = arith.cmpi sgt, %add3A_1825, %sign3A : i32
        %sign3A_1827 = arith.extui %sign3A_1826 : i1 to i32
        %sign3A_1828 = arith.constant 0 : i32
        %sign3A_1829 = arith.cmpi slt, %add3A_1825, %sign3A_1828 : i32
        %sign3A_1830 = arith.extui %sign3A_1829 : i1 to i32
        %sign3A_1831 = arith.subi %sign3A_1827, %sign3A_1830 : i32
        %sign3A_1832 = arith.constant 0 : i32
        %sign3A_1833 = arith.cmpi sgt, %jit3A, %sign3A_1832 : i32
        %sign3A_1834 = arith.extui %sign3A_1833 : i1 to i32
        %sign3A_1835 = arith.constant 0 : i32
        %sign3A_1836 = arith.cmpi slt, %jit3A, %sign3A_1835 : i32
        %sign3A_1837 = arith.extui %sign3A_1836 : i1 to i32
        %sign3A_1838 = arith.subi %sign3A_1834, %sign3A_1837 : i32
        %ne3A = arith.cmpi ne, %sign3A_1831, %sign3A_1838 : i32
        %rem3A = arith.remsi %add3A_1825, %jit3A : i32
        %ne3A_1839 = arith.constant 0 : i32
        %ne3A_1840 = arith.cmpi ne, %rem3A, %ne3A_1839 : i32
        %and3A = arith.andi %ne3A, %ne3A_1840 : i1
        %sub3A = arith.constant 1 : i32
        %sub3A_1841 = arith.subi %div3A, %sub3A : i32
        %select_n3A = arith.select %and3A, %sub3A_1841, %div3A : i32
        %jit3A_1842 = arith.constant 8 : i32
        %eq3A = arith.constant 0 : i32
        %eq3A_1843 = arith.cmpi eq, %jit3A_1842, %eq3A : i32
        %jit3A_1844 = arith.constant 1 : i32
        %select_n3A_1845 = arith.select %eq3A_1843, %jit3A_1844, %jit3A_1842 : i32
        %rem3A_1846 = arith.remsi %add3A_1825, %select_n3A_1845 : i32
        %ne3A_1847 = arith.constant 0 : i32
        %ne3A_1848 = arith.cmpi ne, %rem3A_1846, %ne3A_1847 : i32
        %lt3A_1849 = arith.constant 0 : i32
        %lt3A_1850 = arith.cmpi slt, %rem3A_1846, %lt3A_1849 : i32
        %lt3A_1851 = arith.constant 0 : i32
        %lt3A_1852 = arith.cmpi slt, %select_n3A_1845, %lt3A_1851 : i32
        %ne3A_1853 = arith.xori %lt3A_1850, %lt3A_1852 : i1
        %and3A_1854 = arith.andi %ne3A_1853, %ne3A_1848 : i1
        %add3A_1855 = arith.addi %rem3A_1846, %select_n3A_1845 : i32
        %select_n3A_1856 = arith.select %and3A_1854, %add3A_1855, %rem3A_1846 : i32
        %mul3A_1857 = arith.constant 16 : i32
        %mul3A_1858 = arith.muli %select_n3A_1856, %mul3A_1857 : i32
        %swap3A = arith.index_cast %select_n3A : i32 to index
        %swap3A_1859 = arith.index_cast %mul3A_1858 : i32 to index
        %swap3A_1860 = tpu.vector_load %arg15[%swap3A, %swap3A_1859] {strides = array<i32>} : memref<64x128xf32, #tpu.memory_space<vmem>>, vector<1x16xf32>,
        %swap3A_1861 = vector.shape_cast %swap3A_1860 : vector<1x16xf32> to vector<16xf32>
        %swap3A_1862 = vector.shape_cast %add3A_1641 : vector<16xf32> to vector<1x16xf32>
        tpu.vector_store %arg15[%swap3A, %swap3A_1859], %swap3A_1862 {strides = array<i32>} : memref<64x128xf32, #tpu.memory_space<vmem>>, vector<1x16xf32>,
        %swap3A_1863 = arith.index_cast %select_n3A : i32 to index
        %swap3A_1864 = arith.index_cast %mul3A_1858 : i32 to index
        %swap3A_1865 = tpu.vector_load %arg16[%swap3A_1863, %swap3A_1864] {strides = array<i32>} : memref<64x128xf32, #tpu.memory_space<vmem>>, vector<1x16xf32>,
        %swap3A_1866 = vector.shape_cast %swap3A_1865 : vector<1x16xf32> to vector<16xf32>
        %swap3A_1867 = vector.shape_cast %add3A_1822 : vector<16xf32> to vector<1x16xf32>
        tpu.vector_store %arg16[%swap3A_1863, %swap3A_1864], %swap3A_1867 {strides = array<i32>} : memref<64x128xf32, #tpu.memory_space<vmem>>, vector<1x16xf32>,
      }
      %scan3A_672 = arith.constant 16 : i32
      %mul3A_673 = arith.constant 2 : i32
      %mul3A_674 = arith.muli %mul3A_673, %scan3A_309 : i32
      %add3A_675 = arith.constant 1 : i32
      %add3A_676 = arith.addi %mul3A_674, %add3A_675 : i32
      %add3A_677 = arith.constant 1 : i32
      %add3A_678 = arith.addi %add3A_676, %add3A_677 : i32
      %lt3A_679 = arith.constant 32 : i32
      %lt3A_680 = arith.cmpi slt, %add3A_678, %lt3A_679 : i32
      %convert_element_type3A_681 = arith.extui %lt3A_680 : i1 to i32
      %cond3A_682 = arith.constant 0 : i32
      %cond3A_683 = arith.cmpi ne, %convert_element_type3A_681, %cond3A_682 : i32
      scf.if %cond3A_683 {
        %add3A_1040 = arith.constant 1 : i32
        %add3A_1041 = arith.addi %add3A_676, %add3A_1040 : i32
        %jit3A = arith.constant 8 : i32
        %div3A = arith.divsi %add3A_1041, %jit3A : i32
        %sign3A = arith.constant 0 : i32
        %sign3A_1042 = arith.cmpi sgt, %add3A_1041, %sign3A : i32
        %sign3A_1043 = arith.extui %sign3A_1042 : i1 to i32
        %sign3A_1044 = arith.constant 0 : i32
        %sign3A_1045 = arith.cmpi slt, %add3A_1041, %sign3A_1044 : i32
        %sign3A_1046 = arith.extui %sign3A_1045 : i1 to i32
        %sign3A_1047 = arith.subi %sign3A_1043, %sign3A_1046 : i32
        %sign3A_1048 = arith.constant 0 : i32
        %sign3A_1049 = arith.cmpi sgt, %jit3A, %sign3A_1048 : i32
        %sign3A_1050 = arith.extui %sign3A_1049 : i1 to i32
        %sign3A_1051 = arith.constant 0 : i32
        %sign3A_1052 = arith.cmpi slt, %jit3A, %sign3A_1051 : i32
        %sign3A_1053 = arith.extui %sign3A_1052 : i1 to i32
        %sign3A_1054 = arith.subi %sign3A_1050, %sign3A_1053 : i32
        %ne3A = arith.cmpi ne, %sign3A_1047, %sign3A_1054 : i32
        %rem3A = arith.remsi %add3A_1041, %jit3A : i32
        %ne3A_1055 = arith.constant 0 : i32
        %ne3A_1056 = arith.cmpi ne, %rem3A, %ne3A_1055 : i32
        %and3A = arith.andi %ne3A, %ne3A_1056 : i1
        %sub3A = arith.constant 1 : i32
        %sub3A_1057 = arith.subi %div3A, %sub3A : i32
        %select_n3A = arith.select %and3A, %sub3A_1057, %div3A : i32
        %jit3A_1058 = arith.constant 8 : i32
        %eq3A = arith.constant 0 : i32
        %eq3A_1059 = arith.cmpi eq, %jit3A_1058, %eq3A : i32
        %jit3A_1060 = arith.constant 1 : i32
        %select_n3A_1061 = arith.select %eq3A_1059, %jit3A_1060, %jit3A_1058 : i32
        %rem3A_1062 = arith.remsi %add3A_1041, %select_n3A_1061 : i32
        %ne3A_1063 = arith.constant 0 : i32
        %ne3A_1064 = arith.cmpi ne, %rem3A_1062, %ne3A_1063 : i32
        %lt3A_1065 = arith.constant 0 : i32
        %lt3A_1066 = arith.cmpi slt, %rem3A_1062, %lt3A_1065 : i32
        %lt3A_1067 = arith.constant 0 : i32
        %lt3A_1068 = arith.cmpi slt, %select_n3A_1061, %lt3A_1067 : i32
        %ne3A_1069 = arith.xori %lt3A_1066, %lt3A_1068 : i1
        %and3A_1070 = arith.andi %ne3A_1069, %ne3A_1064 : i1
        %add3A_1071 = arith.addi %rem3A_1062, %select_n3A_1061 : i32
        %select_n3A_1072 = arith.select %and3A_1070, %add3A_1071, %rem3A_1062 : i32
        %mul3A_1073 = arith.constant 16 : i32
        %mul3A_1074 = arith.muli %select_n3A_1072, %mul3A_1073 : i32
        %dma_start3A_1075 = arith.constant 0 : i32
        %dma_start3A_1076 = arith.constant 0 : i32
        %dma_start3A_1077 = arith.constant 0 : i32
        %dma_start3A_1078 = tpu.memref_slice %arg12[%dma_start3A_1075, %dma_start3A_1076, %dma_start3A_1077] : memref<2x16x128xf32, #tpu.memory_space<vmem>> -> memref<1x16x128xf32, #tpu.memory_space<vmem>>
        %dma_start3A_1079 = tpu.memref_squeeze %dma_start3A_1078 : memref<1x16x128xf32, #tpu.memory_space<vmem>> -> memref<16x128xf32, #tpu.memory_space<vmem>>
        %dma_start3A_1080 = tpu.memref_slice %arg9[%select_n3A, %mul3A_1074] : memref<4x128xi32, #tpu.memory_space<vmem>> -> memref<1x16xi32, #tpu.memory_space<vmem>>
        %dma_start3A_1081 = tpu.memref_squeeze %dma_start3A_1080 : memref<1x16xi32, #tpu.memory_space<vmem>> -> memref<16xi32, #tpu.memory_space<vmem>>
        %dma_start3A_1082 = arith.constant 0 : i32
        %dma_start3A_1083 = arith.constant 0 : i32
        %dma_start3A_1084 = tpu.memref_slice %arg2[%dma_start3A_1082, %dma_start3A_1083] : memref<1000000x128xf32, #tpu.memory_space<hbm>> -> memref<1000000x128xf32, #tpu.memory_space<hbm>>
        tpu.enqueue_indirect_dma source(%dma_start3A_1084 : memref<1000000x128xf32, #tpu.memory_space<hbm>>) target(%dma_start3A_1079 : memref<16x128xf32, #tpu.memory_space<vmem>>) offsets(%dma_start3A_1081 : memref<16xi32, #tpu.memory_space<vmem>>) semaphore(%arg17 : memref<!tpu.dma_semaphore, #tpu.memory_space<semaphore_mem>>)
        %dma_start3A_1085 = arith.constant 0 : i32
        %dma_start3A_1086 = arith.constant 0 : i32
        %dma_start3A_1087 = arith.constant 0 : i32
        %dma_start3A_1088 = tpu.memref_slice %arg13[%dma_start3A_1085, %dma_start3A_1086, %dma_start3A_1087] : memref<2x16x128xf32, #tpu.memory_space<vmem>> -> memref<1x16x128xf32, #tpu.memory_space<vmem>>
        %dma_start3A_1089 = tpu.memref_squeeze %dma_start3A_1088 : memref<1x16x128xf32, #tpu.memory_space<vmem>> -> memref<16x128xf32, #tpu.memory_space<vmem>>
        %dma_start3A_1090 = tpu.memref_slice %arg10[%select_n3A, %mul3A_1074] : memref<4x128xi32, #tpu.memory_space<vmem>> -> memref<1x16xi32, #tpu.memory_space<vmem>>
        %dma_start3A_1091 = tpu.memref_squeeze %dma_start3A_1090 : memref<1x16xi32, #tpu.memory_space<vmem>> -> memref<16xi32, #tpu.memory_space<vmem>>
        %dma_start3A_1092 = arith.constant 0 : i32
        %dma_start3A_1093 = arith.constant 0 : i32
        %dma_start3A_1094 = tpu.memref_slice %arg3[%dma_start3A_1092, %dma_start3A_1093] : memref<1000000x128xf32, #tpu.memory_space<hbm>> -> memref<1000000x128xf32, #tpu.memory_space<hbm>>
        tpu.enqueue_indirect_dma source(%dma_start3A_1094 : memref<1000000x128xf32, #tpu.memory_space<hbm>>) target(%dma_start3A_1089 : memref<16x128xf32, #tpu.memory_space<vmem>>) offsets(%dma_start3A_1091 : memref<16xi32, #tpu.memory_space<vmem>>) semaphore(%arg17 : memref<!tpu.dma_semaphore, #tpu.memory_space<semaphore_mem>>)
        %dma_start3A_1095 = arith.constant 0 : i32
        %dma_start3A_1096 = arith.constant 0 : i32
        %dma_start3A_1097 = arith.constant 0 : i32
        %dma_start3A_1098 = arith.constant 0 : i32
        %dma_start3A_1099 = arith.constant 0 : i32
        %dma_start3A_1100 = tpu.memref_slice %arg14[%dma_start3A_1096, %dma_start3A_1097, %dma_start3A_1098, %dma_start3A_1099] : memref<2x20x16x128xf32, #tpu.memory_space<vmem>> -> memref<1x1x16x128xf32, #tpu.memory_space<vmem>>
        %dma_start3A_1101 = tpu.memref_squeeze %dma_start3A_1100 : memref<1x1x16x128xf32, #tpu.memory_space<vmem>> -> memref<16x128xf32, #tpu.memory_space<vmem>>
        %dma_start3A_1102 = tpu.memref_slice %arg11[%dma_start3A_1095, %select_n3A, %mul3A_1074] : memref<20x4x128xi32, #tpu.memory_space<vmem>> -> memref<1x1x16xi32, #tpu.memory_space<vmem>>
        %dma_start3A_1103 = tpu.memref_squeeze %dma_start3A_1102 : memref<1x1x16xi32, #tpu.memory_space<vmem>> -> memref<16xi32, #tpu.memory_space<vmem>>
        %dma_start3A_1104 = arith.constant 0 : i32
        %dma_start3A_1105 = arith.constant 0 : i32
        %dma_start3A_1106 = tpu.memref_slice %arg3[%dma_start3A_1104, %dma_start3A_1105] : memref<1000000x128xf32, #tpu.memory_space<hbm>> -> memref<1000000x128xf32, #tpu.memory_space<hbm>>
        tpu.enqueue_indirect_dma source(%dma_start3A_1106 : memref<1000000x128xf32, #tpu.memory_space<hbm>>) target(%dma_start3A_1101 : memref<16x128xf32, #tpu.memory_space<vmem>>) offsets(%dma_start3A_1103 : memref<16xi32, #tpu.memory_space<vmem>>) semaphore(%arg17 : memref<!tpu.dma_semaphore, #tpu.memory_space<semaphore_mem>>)
        %dma_start3A_1107 = arith.constant 1 : i32
        %dma_start3A_1108 = arith.constant 0 : i32
        %dma_start3A_1109 = arith.constant 1 : i32
        %dma_start3A_1110 = arith.constant 0 : i32
        %dma_start3A_1111 = arith.constant 0 : i32
        %dma_start3A_1112 = tpu.memref_slice %arg14[%dma_start3A_1108, %dma_start3A_1109, %dma_start3A_1110, %dma_start3A_1111] : memref<2x20x16x128xf32, #tpu.memory_space<vmem>> -> memref<1x1x16x128xf32, #tpu.memory_space<vmem>>
        %dma_start3A_1113 = tpu.memref_squeeze %dma_start3A_1112 : memref<1x1x16x128xf32, #tpu.memory_space<vmem>> -> memref<16x128xf32, #tpu.memory_space<vmem>>
        %dma_start3A_1114 = tpu.memref_slice %arg11[%dma_start3A_1107, %select_n3A, %mul3A_1074] : memref<20x4x128xi32, #tpu.memory_space<vmem>> -> memref<1x1x16xi32, #tpu.memory_space<vmem>>
        %dma_start3A_1115 = tpu.memref_squeeze %dma_start3A_1114 : memref<1x1x16xi32, #tpu.memory_space<vmem>> -> memref<16xi32, #tpu.memory_space<vmem>>
        %dma_start3A_1116 = arith.constant 0 : i32
        %dma_start3A_1117 = arith.constant 0 : i32
        %dma_start3A_1118 = tpu.memref_slice %arg3[%dma_start3A_1116, %dma_start3A_1117] : memref<1000000x128xf32, #tpu.memory_space<hbm>> -> memref<1000000x128xf32, #tpu.memory_space<hbm>>
        tpu.enqueue_indirect_dma source(%dma_start3A_1118 : memref<1000000x128xf32, #tpu.memory_space<hbm>>) target(%dma_start3A_1113 : memref<16x128xf32, #tpu.memory_space<vmem>>) offsets(%dma_start3A_1115 : memref<16xi32, #tpu.memory_space<vmem>>) semaphore(%arg17 : memref<!tpu.dma_semaphore, #tpu.memory_space<semaphore_mem>>)
        %dma_start3A_1119 = arith.constant 2 : i32
        %dma_start3A_1120 = arith.constant 0 : i32
        %dma_start3A_1121 = arith.constant 2 : i32
        %dma_start3A_1122 = arith.constant 0 : i32
        %dma_start3A_1123 = arith.constant 0 : i32
        %dma_start3A_1124 = tpu.memref_slice %arg14[%dma_start3A_1120, %dma_start3A_1121, %dma_start3A_1122, %dma_start3A_1123] : memref<2x20x16x128xf32, #tpu.memory_space<vmem>> -> memref<1x1x16x128xf32, #tpu.memory_space<vmem>>
        %dma_start3A_1125 = tpu.memref_squeeze %dma_start3A_1124 : memref<1x1x16x128xf32, #tpu.memory_space<vmem>> -> memref<16x128xf32, #tpu.memory_space<vmem>>
        %dma_start3A_1126 = tpu.memref_slice %arg11[%dma_start3A_1119, %select_n3A, %mul3A_1074] : memref<20x4x128xi32, #tpu.memory_space<vmem>> -> memref<1x1x16xi32, #tpu.memory_space<vmem>>
        %dma_start3A_1127 = tpu.memref_squeeze %dma_start3A_1126 : memref<1x1x16xi32, #tpu.memory_space<vmem>> -> memref<16xi32, #tpu.memory_space<vmem>>
        %dma_start3A_1128 = arith.constant 0 : i32
        %dma_start3A_1129 = arith.constant 0 : i32
        %dma_start3A_1130 = tpu.memref_slice %arg3[%dma_start3A_1128, %dma_start3A_1129] : memref<1000000x128xf32, #tpu.memory_space<hbm>> -> memref<1000000x128xf32, #tpu.memory_space<hbm>>
        tpu.enqueue_indirect_dma source(%dma_start3A_1130 : memref<1000000x128xf32, #tpu.memory_space<hbm>>) target(%dma_start3A_1125 : memref<16x128xf32, #tpu.memory_space<vmem>>) offsets(%dma_start3A_1127 : memref<16xi32, #tpu.memory_space<vmem>>) semaphore(%arg17 : memref<!tpu.dma_semaphore, #tpu.memory_space<semaphore_mem>>)
        %dma_start3A_1131 = arith.constant 3 : i32
        %dma_start3A_1132 = arith.constant 0 : i32
        %dma_start3A_1133 = arith.constant 3 : i32
        %dma_start3A_1134 = arith.constant 0 : i32
        %dma_start3A_1135 = arith.constant 0 : i32
        %dma_start3A_1136 = tpu.memref_slice %arg14[%dma_start3A_1132, %dma_start3A_1133, %dma_start3A_1134, %dma_start3A_1135] : memref<2x20x16x128xf32, #tpu.memory_space<vmem>> -> memref<1x1x16x128xf32, #tpu.memory_space<vmem>>
        %dma_start3A_1137 = tpu.memref_squeeze %dma_start3A_1136 : memref<1x1x16x128xf32, #tpu.memory_space<vmem>> -> memref<16x128xf32, #tpu.memory_space<vmem>>
        %dma_start3A_1138 = tpu.memref_slice %arg11[%dma_start3A_1131, %select_n3A, %mul3A_1074] : memref<20x4x128xi32, #tpu.memory_space<vmem>> -> memref<1x1x16xi32, #tpu.memory_space<vmem>>
        %dma_start3A_1139 = tpu.memref_squeeze %dma_start3A_1138 : memref<1x1x16xi32, #tpu.memory_space<vmem>> -> memref<16xi32, #tpu.memory_space<vmem>>
        %dma_start3A_1140 = arith.constant 0 : i32
        %dma_start3A_1141 = arith.constant 0 : i32
        %dma_start3A_1142 = tpu.memref_slice %arg3[%dma_start3A_1140, %dma_start3A_1141] : memref<1000000x128xf32, #tpu.memory_space<hbm>> -> memref<1000000x128xf32, #tpu.memory_space<hbm>>
        tpu.enqueue_indirect_dma source(%dma_start3A_1142 : memref<1000000x128xf32, #tpu.memory_space<hbm>>) target(%dma_start3A_1137 : memref<16x128xf32, #tpu.memory_space<vmem>>) offsets(%dma_start3A_1139 : memref<16xi32, #tpu.memory_space<vmem>>) semaphore(%arg17 : memref<!tpu.dma_semaphore, #tpu.memory_space<semaphore_mem>>)
        %dma_start3A_1143 = arith.constant 4 : i32
        %dma_start3A_1144 = arith.constant 0 : i32
        %dma_start3A_1145 = arith.constant 4 : i32
        %dma_start3A_1146 = arith.constant 0 : i32
        %dma_start3A_1147 = arith.constant 0 : i32
        %dma_start3A_1148 = tpu.memref_slice %arg14[%dma_start3A_1144, %dma_start3A_1145, %dma_start3A_1146, %dma_start3A_1147] : memref<2x20x16x128xf32, #tpu.memory_space<vmem>> -> memref<1x1x16x128xf32, #tpu.memory_space<vmem>>
        %dma_start3A_1149 = tpu.memref_squeeze %dma_start3A_1148 : memref<1x1x16x128xf32, #tpu.memory_space<vmem>> -> memref<16x128xf32, #tpu.memory_space<vmem>>
        %dma_start3A_1150 = tpu.memref_slice %arg11[%dma_start3A_1143, %select_n3A, %mul3A_1074] : memref<20x4x128xi32, #tpu.memory_space<vmem>> -> memref<1x1x16xi32, #tpu.memory_space<vmem>>
        %dma_start3A_1151 = tpu.memref_squeeze %dma_start3A_1150 : memref<1x1x16xi32, #tpu.memory_space<vmem>> -> memref<16xi32, #tpu.memory_space<vmem>>
        %dma_start3A_1152 = arith.constant 0 : i32
        %dma_start3A_1153 = arith.constant 0 : i32
        %dma_start3A_1154 = tpu.memref_slice %arg3[%dma_start3A_1152, %dma_start3A_1153] : memref<1000000x128xf32, #tpu.memory_space<hbm>> -> memref<1000000x128xf32, #tpu.memory_space<hbm>>
        tpu.enqueue_indirect_dma source(%dma_start3A_1154 : memref<1000000x128xf32, #tpu.memory_space<hbm>>) target(%dma_start3A_1149 : memref<16x128xf32, #tpu.memory_space<vmem>>) offsets(%dma_start3A_1151 : memref<16xi32, #tpu.memory_space<vmem>>) semaphore(%arg17 : memref<!tpu.dma_semaphore, #tpu.memory_space<semaphore_mem>>)
        %dma_start3A_1155 = arith.constant 5 : i32
        %dma_start3A_1156 = arith.constant 0 : i32
        %dma_start3A_1157 = arith.constant 5 : i32
        %dma_start3A_1158 = arith.constant 0 : i32
        %dma_start3A_1159 = arith.constant 0 : i32
        %dma_start3A_1160 = tpu.memref_slice %arg14[%dma_start3A_1156, %dma_start3A_1157, %dma_start3A_1158, %dma_start3A_1159] : memref<2x20x16x128xf32, #tpu.memory_space<vmem>> -> memref<1x1x16x128xf32, #tpu.memory_space<vmem>>
        %dma_start3A_1161 = tpu.memref_squeeze %dma_start3A_1160 : memref<1x1x16x128xf32, #tpu.memory_space<vmem>> -> memref<16x128xf32, #tpu.memory_space<vmem>>
        %dma_start3A_1162 = tpu.memref_slice %arg11[%dma_start3A_1155, %select_n3A, %mul3A_1074] : memref<20x4x128xi32, #tpu.memory_space<vmem>> -> memref<1x1x16xi32, #tpu.memory_space<vmem>>
        %dma_start3A_1163 = tpu.memref_squeeze %dma_start3A_1162 : memref<1x1x16xi32, #tpu.memory_space<vmem>> -> memref<16xi32, #tpu.memory_space<vmem>>
        %dma_start3A_1164 = arith.constant 0 : i32
        %dma_start3A_1165 = arith.constant 0 : i32
        %dma_start3A_1166 = tpu.memref_slice %arg3[%dma_start3A_1164, %dma_start3A_1165] : memref<1000000x128xf32, #tpu.memory_space<hbm>> -> memref<1000000x128xf32, #tpu.memory_space<hbm>>
        tpu.enqueue_indirect_dma source(%dma_start3A_1166 : memref<1000000x128xf32, #tpu.memory_space<hbm>>) target(%dma_start3A_1161 : memref<16x128xf32, #tpu.memory_space<vmem>>) offsets(%dma_start3A_1163 : memref<16xi32, #tpu.memory_space<vmem>>) semaphore(%arg17 : memref<!tpu.dma_semaphore, #tpu.memory_space<semaphore_mem>>)
        %dma_start3A_1167 = arith.constant 6 : i32
        %dma_start3A_1168 = arith.constant 0 : i32
        %dma_start3A_1169 = arith.constant 6 : i32
        %dma_start3A_1170 = arith.constant 0 : i32
        %dma_start3A_1171 = arith.constant 0 : i32
        %dma_start3A_1172 = tpu.memref_slice %arg14[%dma_start3A_1168, %dma_start3A_1169, %dma_start3A_1170, %dma_start3A_1171] : memref<2x20x16x128xf32, #tpu.memory_space<vmem>> -> memref<1x1x16x128xf32, #tpu.memory_space<vmem>>
        %dma_start3A_1173 = tpu.memref_squeeze %dma_start3A_1172 : memref<1x1x16x128xf32, #tpu.memory_space<vmem>> -> memref<16x128xf32, #tpu.memory_space<vmem>>
        %dma_start3A_1174 = tpu.memref_slice %arg11[%dma_start3A_1167, %select_n3A, %mul3A_1074] : memref<20x4x128xi32, #tpu.memory_space<vmem>> -> memref<1x1x16xi32, #tpu.memory_space<vmem>>
        %dma_start3A_1175 = tpu.memref_squeeze %dma_start3A_1174 : memref<1x1x16xi32, #tpu.memory_space<vmem>> -> memref<16xi32, #tpu.memory_space<vmem>>
        %dma_start3A_1176 = arith.constant 0 : i32
        %dma_start3A_1177 = arith.constant 0 : i32
        %dma_start3A_1178 = tpu.memref_slice %arg3[%dma_start3A_1176, %dma_start3A_1177] : memref<1000000x128xf32, #tpu.memory_space<hbm>> -> memref<1000000x128xf32, #tpu.memory_space<hbm>>
        tpu.enqueue_indirect_dma source(%dma_start3A_1178 : memref<1000000x128xf32, #tpu.memory_space<hbm>>) target(%dma_start3A_1173 : memref<16x128xf32, #tpu.memory_space<vmem>>) offsets(%dma_start3A_1175 : memref<16xi32, #tpu.memory_space<vmem>>) semaphore(%arg17 : memref<!tpu.dma_semaphore, #tpu.memory_space<semaphore_mem>>)
        %dma_start3A_1179 = arith.constant 7 : i32
        %dma_start3A_1180 = arith.constant 0 : i32
        %dma_start3A_1181 = arith.constant 7 : i32
        %dma_start3A_1182 = arith.constant 0 : i32
        %dma_start3A_1183 = arith.constant 0 : i32
        %dma_start3A_1184 = tpu.memref_slice %arg14[%dma_start3A_1180, %dma_start3A_1181, %dma_start3A_1182, %dma_start3A_1183] : memref<2x20x16x128xf32, #tpu.memory_space<vmem>> -> memref<1x1x16x128xf32, #tpu.memory_space<vmem>>
        %dma_start3A_1185 = tpu.memref_squeeze %dma_start3A_1184 : memref<1x1x16x128xf32, #tpu.memory_space<vmem>> -> memref<16x128xf32, #tpu.memory_space<vmem>>
        %dma_start3A_1186 = tpu.memref_slice %arg11[%dma_start3A_1179, %select_n3A, %mul3A_1074] : memref<20x4x128xi32, #tpu.memory_space<vmem>> -> memref<1x1x16xi32, #tpu.memory_space<vmem>>
        %dma_start3A_1187 = tpu.memref_squeeze %dma_start3A_1186 : memref<1x1x16xi32, #tpu.memory_space<vmem>> -> memref<16xi32, #tpu.memory_space<vmem>>
        %dma_start3A_1188 = arith.constant 0 : i32
        %dma_start3A_1189 = arith.constant 0 : i32
        %dma_start3A_1190 = tpu.memref_slice %arg3[%dma_start3A_1188, %dma_start3A_1189] : memref<1000000x128xf32, #tpu.memory_space<hbm>> -> memref<1000000x128xf32, #tpu.memory_space<hbm>>
        tpu.enqueue_indirect_dma source(%dma_start3A_1190 : memref<1000000x128xf32, #tpu.memory_space<hbm>>) target(%dma_start3A_1185 : memref<16x128xf32, #tpu.memory_space<vmem>>) offsets(%dma_start3A_1187 : memref<16xi32, #tpu.memory_space<vmem>>) semaphore(%arg17 : memref<!tpu.dma_semaphore, #tpu.memory_space<semaphore_mem>>)
        %dma_start3A_1191 = arith.constant 8 : i32
        %dma_start3A_1192 = arith.constant 0 : i32
        %dma_start3A_1193 = arith.constant 8 : i32
        %dma_start3A_1194 = arith.constant 0 : i32
        %dma_start3A_1195 = arith.constant 0 : i32
        %dma_start3A_1196 = tpu.memref_slice %arg14[%dma_start3A_1192, %dma_start3A_1193, %dma_start3A_1194, %dma_start3A_1195] : memref<2x20x16x128xf32, #tpu.memory_space<vmem>> -> memref<1x1x16x128xf32, #tpu.memory_space<vmem>>
        %dma_start3A_1197 = tpu.memref_squeeze %dma_start3A_1196 : memref<1x1x16x128xf32, #tpu.memory_space<vmem>> -> memref<16x128xf32, #tpu.memory_space<vmem>>
        %dma_start3A_1198 = tpu.memref_slice %arg11[%dma_start3A_1191, %select_n3A, %mul3A_1074] : memref<20x4x128xi32, #tpu.memory_space<vmem>> -> memref<1x1x16xi32, #tpu.memory_space<vmem>>
        %dma_start3A_1199 = tpu.memref_squeeze %dma_start3A_1198 : memref<1x1x16xi32, #tpu.memory_space<vmem>> -> memref<16xi32, #tpu.memory_space<vmem>>
        %dma_start3A_1200 = arith.constant 0 : i32
        %dma_start3A_1201 = arith.constant 0 : i32
        %dma_start3A_1202 = tpu.memref_slice %arg3[%dma_start3A_1200, %dma_start3A_1201] : memref<1000000x128xf32, #tpu.memory_space<hbm>> -> memref<1000000x128xf32, #tpu.memory_space<hbm>>
        tpu.enqueue_indirect_dma source(%dma_start3A_1202 : memref<1000000x128xf32, #tpu.memory_space<hbm>>) target(%dma_start3A_1197 : memref<16x128xf32, #tpu.memory_space<vmem>>) offsets(%dma_start3A_1199 : memref<16xi32, #tpu.memory_space<vmem>>) semaphore(%arg17 : memref<!tpu.dma_semaphore, #tpu.memory_space<semaphore_mem>>)
        %dma_start3A_1203 = arith.constant 9 : i32
        %dma_start3A_1204 = arith.constant 0 : i32
        %dma_start3A_1205 = arith.constant 9 : i32
        %dma_start3A_1206 = arith.constant 0 : i32
        %dma_start3A_1207 = arith.constant 0 : i32
        %dma_start3A_1208 = tpu.memref_slice %arg14[%dma_start3A_1204, %dma_start3A_1205, %dma_start3A_1206, %dma_start3A_1207] : memref<2x20x16x128xf32, #tpu.memory_space<vmem>> -> memref<1x1x16x128xf32, #tpu.memory_space<vmem>>
        %dma_start3A_1209 = tpu.memref_squeeze %dma_start3A_1208 : memref<1x1x16x128xf32, #tpu.memory_space<vmem>> -> memref<16x128xf32, #tpu.memory_space<vmem>>
        %dma_start3A_1210 = tpu.memref_slice %arg11[%dma_start3A_1203, %select_n3A, %mul3A_1074] : memref<20x4x128xi32, #tpu.memory_space<vmem>> -> memref<1x1x16xi32, #tpu.memory_space<vmem>>
        %dma_start3A_1211 = tpu.memref_squeeze %dma_start3A_1210 : memref<1x1x16xi32, #tpu.memory_space<vmem>> -> memref<16xi32, #tpu.memory_space<vmem>>
        %dma_start3A_1212 = arith.constant 0 : i32
        %dma_start3A_1213 = arith.constant 0 : i32
        %dma_start3A_1214 = tpu.memref_slice %arg3[%dma_start3A_1212, %dma_start3A_1213] : memref<1000000x128xf32, #tpu.memory_space<hbm>> -> memref<1000000x128xf32, #tpu.memory_space<hbm>>
        tpu.enqueue_indirect_dma source(%dma_start3A_1214 : memref<1000000x128xf32, #tpu.memory_space<hbm>>) target(%dma_start3A_1209 : memref<16x128xf32, #tpu.memory_space<vmem>>) offsets(%dma_start3A_1211 : memref<16xi32, #tpu.memory_space<vmem>>) semaphore(%arg17 : memref<!tpu.dma_semaphore, #tpu.memory_space<semaphore_mem>>)
        %dma_start3A_1215 = arith.constant 10 : i32
        %dma_start3A_1216 = arith.constant 0 : i32
        %dma_start3A_1217 = arith.constant 10 : i32
        %dma_start3A_1218 = arith.constant 0 : i32
        %dma_start3A_1219 = arith.constant 0 : i32
        %dma_start3A_1220 = tpu.memref_slice %arg14[%dma_start3A_1216, %dma_start3A_1217, %dma_start3A_1218, %dma_start3A_1219] : memref<2x20x16x128xf32, #tpu.memory_space<vmem>> -> memref<1x1x16x128xf32, #tpu.memory_space<vmem>>
        %dma_start3A_1221 = tpu.memref_squeeze %dma_start3A_1220 : memref<1x1x16x128xf32, #tpu.memory_space<vmem>> -> memref<16x128xf32, #tpu.memory_space<vmem>>
        %dma_start3A_1222 = tpu.memref_slice %arg11[%dma_start3A_1215, %select_n3A, %mul3A_1074] : memref<20x4x128xi32, #tpu.memory_space<vmem>> -> memref<1x1x16xi32, #tpu.memory_space<vmem>>
        %dma_start3A_1223 = tpu.memref_squeeze %dma_start3A_1222 : memref<1x1x16xi32, #tpu.memory_space<vmem>> -> memref<16xi32, #tpu.memory_space<vmem>>
        %dma_start3A_1224 = arith.constant 0 : i32
        %dma_start3A_1225 = arith.constant 0 : i32
        %dma_start3A_1226 = tpu.memref_slice %arg3[%dma_start3A_1224, %dma_start3A_1225] : memref<1000000x128xf32, #tpu.memory_space<hbm>> -> memref<1000000x128xf32, #tpu.memory_space<hbm>>
        tpu.enqueue_indirect_dma source(%dma_start3A_1226 : memref<1000000x128xf32, #tpu.memory_space<hbm>>) target(%dma_start3A_1221 : memref<16x128xf32, #tpu.memory_space<vmem>>) offsets(%dma_start3A_1223 : memref<16xi32, #tpu.memory_space<vmem>>) semaphore(%arg17 : memref<!tpu.dma_semaphore, #tpu.memory_space<semaphore_mem>>)
        %dma_start3A_1227 = arith.constant 11 : i32
        %dma_start3A_1228 = arith.constant 0 : i32
        %dma_start3A_1229 = arith.constant 11 : i32
        %dma_start3A_1230 = arith.constant 0 : i32
        %dma_start3A_1231 = arith.constant 0 : i32
        %dma_start3A_1232 = tpu.memref_slice %arg14[%dma_start3A_1228, %dma_start3A_1229, %dma_start3A_1230, %dma_start3A_1231] : memref<2x20x16x128xf32, #tpu.memory_space<vmem>> -> memref<1x1x16x128xf32, #tpu.memory_space<vmem>>
        %dma_start3A_1233 = tpu.memref_squeeze %dma_start3A_1232 : memref<1x1x16x128xf32, #tpu.memory_space<vmem>> -> memref<16x128xf32, #tpu.memory_space<vmem>>
        %dma_start3A_1234 = tpu.memref_slice %arg11[%dma_start3A_1227, %select_n3A, %mul3A_1074] : memref<20x4x128xi32, #tpu.memory_space<vmem>> -> memref<1x1x16xi32, #tpu.memory_space<vmem>>
        %dma_start3A_1235 = tpu.memref_squeeze %dma_start3A_1234 : memref<1x1x16xi32, #tpu.memory_space<vmem>> -> memref<16xi32, #tpu.memory_space<vmem>>
        %dma_start3A_1236 = arith.constant 0 : i32
        %dma_start3A_1237 = arith.constant 0 : i32
        %dma_start3A_1238 = tpu.memref_slice %arg3[%dma_start3A_1236, %dma_start3A_1237] : memref<1000000x128xf32, #tpu.memory_space<hbm>> -> memref<1000000x128xf32, #tpu.memory_space<hbm>>
        tpu.enqueue_indirect_dma source(%dma_start3A_1238 : memref<1000000x128xf32, #tpu.memory_space<hbm>>) target(%dma_start3A_1233 : memref<16x128xf32, #tpu.memory_space<vmem>>) offsets(%dma_start3A_1235 : memref<16xi32, #tpu.memory_space<vmem>>) semaphore(%arg17 : memref<!tpu.dma_semaphore, #tpu.memory_space<semaphore_mem>>)
        %dma_start3A_1239 = arith.constant 12 : i32
        %dma_start3A_1240 = arith.constant 0 : i32
        %dma_start3A_1241 = arith.constant 12 : i32
        %dma_start3A_1242 = arith.constant 0 : i32
        %dma_start3A_1243 = arith.constant 0 : i32
        %dma_start3A_1244 = tpu.memref_slice %arg14[%dma_start3A_1240, %dma_start3A_1241, %dma_start3A_1242, %dma_start3A_1243] : memref<2x20x16x128xf32, #tpu.memory_space<vmem>> -> memref<1x1x16x128xf32, #tpu.memory_space<vmem>>
        %dma_start3A_1245 = tpu.memref_squeeze %dma_start3A_1244 : memref<1x1x16x128xf32, #tpu.memory_space<vmem>> -> memref<16x128xf32, #tpu.memory_space<vmem>>
        %dma_start3A_1246 = tpu.memref_slice %arg11[%dma_start3A_1239, %select_n3A, %mul3A_1074] : memref<20x4x128xi32, #tpu.memory_space<vmem>> -> memref<1x1x16xi32, #tpu.memory_space<vmem>>
        %dma_start3A_1247 = tpu.memref_squeeze %dma_start3A_1246 : memref<1x1x16xi32, #tpu.memory_space<vmem>> -> memref<16xi32, #tpu.memory_space<vmem>>
        %dma_start3A_1248 = arith.constant 0 : i32
        %dma_start3A_1249 = arith.constant 0 : i32
        %dma_start3A_1250 = tpu.memref_slice %arg3[%dma_start3A_1248, %dma_start3A_1249] : memref<1000000x128xf32, #tpu.memory_space<hbm>> -> memref<1000000x128xf32, #tpu.memory_space<hbm>>
        tpu.enqueue_indirect_dma source(%dma_start3A_1250 : memref<1000000x128xf32, #tpu.memory_space<hbm>>) target(%dma_start3A_1245 : memref<16x128xf32, #tpu.memory_space<vmem>>) offsets(%dma_start3A_1247 : memref<16xi32, #tpu.memory_space<vmem>>) semaphore(%arg17 : memref<!tpu.dma_semaphore, #tpu.memory_space<semaphore_mem>>)
        %dma_start3A_1251 = arith.constant 13 : i32
        %dma_start3A_1252 = arith.constant 0 : i32
        %dma_start3A_1253 = arith.constant 13 : i32
        %dma_start3A_1254 = arith.constant 0 : i32
        %dma_start3A_1255 = arith.constant 0 : i32
        %dma_start3A_1256 = tpu.memref_slice %arg14[%dma_start3A_1252, %dma_start3A_1253, %dma_start3A_1254, %dma_start3A_1255] : memref<2x20x16x128xf32, #tpu.memory_space<vmem>> -> memref<1x1x16x128xf32, #tpu.memory_space<vmem>>
        %dma_start3A_1257 = tpu.memref_squeeze %dma_start3A_1256 : memref<1x1x16x128xf32, #tpu.memory_space<vmem>> -> memref<16x128xf32, #tpu.memory_space<vmem>>
        %dma_start3A_1258 = tpu.memref_slice %arg11[%dma_start3A_1251, %select_n3A, %mul3A_1074] : memref<20x4x128xi32, #tpu.memory_space<vmem>> -> memref<1x1x16xi32, #tpu.memory_space<vmem>>
        %dma_start3A_1259 = tpu.memref_squeeze %dma_start3A_1258 : memref<1x1x16xi32, #tpu.memory_space<vmem>> -> memref<16xi32, #tpu.memory_space<vmem>>
        %dma_start3A_1260 = arith.constant 0 : i32
        %dma_start3A_1261 = arith.constant 0 : i32
        %dma_start3A_1262 = tpu.memref_slice %arg3[%dma_start3A_1260, %dma_start3A_1261] : memref<1000000x128xf32, #tpu.memory_space<hbm>> -> memref<1000000x128xf32, #tpu.memory_space<hbm>>
        tpu.enqueue_indirect_dma source(%dma_start3A_1262 : memref<1000000x128xf32, #tpu.memory_space<hbm>>) target(%dma_start3A_1257 : memref<16x128xf32, #tpu.memory_space<vmem>>) offsets(%dma_start3A_1259 : memref<16xi32, #tpu.memory_space<vmem>>) semaphore(%arg17 : memref<!tpu.dma_semaphore, #tpu.memory_space<semaphore_mem>>)
        %dma_start3A_1263 = arith.constant 14 : i32
        %dma_start3A_1264 = arith.constant 0 : i32
        %dma_start3A_1265 = arith.constant 14 : i32
        %dma_start3A_1266 = arith.constant 0 : i32
        %dma_start3A_1267 = arith.constant 0 : i32
        %dma_start3A_1268 = tpu.memref_slice %arg14[%dma_start3A_1264, %dma_start3A_1265, %dma_start3A_1266, %dma_start3A_1267] : memref<2x20x16x128xf32, #tpu.memory_space<vmem>> -> memref<1x1x16x128xf32, #tpu.memory_space<vmem>>
        %dma_start3A_1269 = tpu.memref_squeeze %dma_start3A_1268 : memref<1x1x16x128xf32, #tpu.memory_space<vmem>> -> memref<16x128xf32, #tpu.memory_space<vmem>>
        %dma_start3A_1270 = tpu.memref_slice %arg11[%dma_start3A_1263, %select_n3A, %mul3A_1074] : memref<20x4x128xi32, #tpu.memory_space<vmem>> -> memref<1x1x16xi32, #tpu.memory_space<vmem>>
        %dma_start3A_1271 = tpu.memref_squeeze %dma_start3A_1270 : memref<1x1x16xi32, #tpu.memory_space<vmem>> -> memref<16xi32, #tpu.memory_space<vmem>>
        %dma_start3A_1272 = arith.constant 0 : i32
        %dma_start3A_1273 = arith.constant 0 : i32
        %dma_start3A_1274 = tpu.memref_slice %arg3[%dma_start3A_1272, %dma_start3A_1273] : memref<1000000x128xf32, #tpu.memory_space<hbm>> -> memref<1000000x128xf32, #tpu.memory_space<hbm>>
        tpu.enqueue_indirect_dma source(%dma_start3A_1274 : memref<1000000x128xf32, #tpu.memory_space<hbm>>) target(%dma_start3A_1269 : memref<16x128xf32, #tpu.memory_space<vmem>>) offsets(%dma_start3A_1271 : memref<16xi32, #tpu.memory_space<vmem>>) semaphore(%arg17 : memref<!tpu.dma_semaphore, #tpu.memory_space<semaphore_mem>>)
        %dma_start3A_1275 = arith.constant 15 : i32
        %dma_start3A_1276 = arith.constant 0 : i32
        %dma_start3A_1277 = arith.constant 15 : i32
        %dma_start3A_1278 = arith.constant 0 : i32
        %dma_start3A_1279 = arith.constant 0 : i32
        %dma_start3A_1280 = tpu.memref_slice %arg14[%dma_start3A_1276, %dma_start3A_1277, %dma_start3A_1278, %dma_start3A_1279] : memref<2x20x16x128xf32, #tpu.memory_space<vmem>> -> memref<1x1x16x128xf32, #tpu.memory_space<vmem>>
        %dma_start3A_1281 = tpu.memref_squeeze %dma_start3A_1280 : memref<1x1x16x128xf32, #tpu.memory_space<vmem>> -> memref<16x128xf32, #tpu.memory_space<vmem>>
        %dma_start3A_1282 = tpu.memref_slice %arg11[%dma_start3A_1275, %select_n3A, %mul3A_1074] : memref<20x4x128xi32, #tpu.memory_space<vmem>> -> memref<1x1x16xi32, #tpu.memory_space<vmem>>
        %dma_start3A_1283 = tpu.memref_squeeze %dma_start3A_1282 : memref<1x1x16xi32, #tpu.memory_space<vmem>> -> memref<16xi32, #tpu.memory_space<vmem>>
        %dma_start3A_1284 = arith.constant 0 : i32
        %dma_start3A_1285 = arith.constant 0 : i32
        %dma_start3A_1286 = tpu.memref_slice %arg3[%dma_start3A_1284, %dma_start3A_1285] : memref<1000000x128xf32, #tpu.memory_space<hbm>> -> memref<1000000x128xf32, #tpu.memory_space<hbm>>
        tpu.enqueue_indirect_dma source(%dma_start3A_1286 : memref<1000000x128xf32, #tpu.memory_space<hbm>>) target(%dma_start3A_1281 : memref<16x128xf32, #tpu.memory_space<vmem>>) offsets(%dma_start3A_1283 : memref<16xi32, #tpu.memory_space<vmem>>) semaphore(%arg17 : memref<!tpu.dma_semaphore, #tpu.memory_space<semaphore_mem>>)
        %dma_start3A_1287 = arith.constant 16 : i32
        %dma_start3A_1288 = arith.constant 0 : i32
        %dma_start3A_1289 = arith.constant 16 : i32
        %dma_start3A_1290 = arith.constant 0 : i32
        %dma_start3A_1291 = arith.constant 0 : i32
        %dma_start3A_1292 = tpu.memref_slice %arg14[%dma_start3A_1288, %dma_start3A_1289, %dma_start3A_1290, %dma_start3A_1291] : memref<2x20x16x128xf32, #tpu.memory_space<vmem>> -> memref<1x1x16x128xf32, #tpu.memory_space<vmem>>
        %dma_start3A_1293 = tpu.memref_squeeze %dma_start3A_1292 : memref<1x1x16x128xf32, #tpu.memory_space<vmem>> -> memref<16x128xf32, #tpu.memory_space<vmem>>
        %dma_start3A_1294 = tpu.memref_slice %arg11[%dma_start3A_1287, %select_n3A, %mul3A_1074] : memref<20x4x128xi32, #tpu.memory_space<vmem>> -> memref<1x1x16xi32, #tpu.memory_space<vmem>>
        %dma_start3A_1295 = tpu.memref_squeeze %dma_start3A_1294 : memref<1x1x16xi32, #tpu.memory_space<vmem>> -> memref<16xi32, #tpu.memory_space<vmem>>
        %dma_start3A_1296 = arith.constant 0 : i32
        %dma_start3A_1297 = arith.constant 0 : i32
        %dma_start3A_1298 = tpu.memref_slice %arg3[%dma_start3A_1296, %dma_start3A_1297] : memref<1000000x128xf32, #tpu.memory_space<hbm>> -> memref<1000000x128xf32, #tpu.memory_space<hbm>>
        tpu.enqueue_indirect_dma source(%dma_start3A_1298 : memref<1000000x128xf32, #tpu.memory_space<hbm>>) target(%dma_start3A_1293 : memref<16x128xf32, #tpu.memory_space<vmem>>) offsets(%dma_start3A_1295 : memref<16xi32, #tpu.memory_space<vmem>>) semaphore(%arg17 : memref<!tpu.dma_semaphore, #tpu.memory_space<semaphore_mem>>)
        %dma_start3A_1299 = arith.constant 17 : i32
        %dma_start3A_1300 = arith.constant 0 : i32
        %dma_start3A_1301 = arith.constant 17 : i32
        %dma_start3A_1302 = arith.constant 0 : i32
        %dma_start3A_1303 = arith.constant 0 : i32
        %dma_start3A_1304 = tpu.memref_slice %arg14[%dma_start3A_1300, %dma_start3A_1301, %dma_start3A_1302, %dma_start3A_1303] : memref<2x20x16x128xf32, #tpu.memory_space<vmem>> -> memref<1x1x16x128xf32, #tpu.memory_space<vmem>>
        %dma_start3A_1305 = tpu.memref_squeeze %dma_start3A_1304 : memref<1x1x16x128xf32, #tpu.memory_space<vmem>> -> memref<16x128xf32, #tpu.memory_space<vmem>>
        %dma_start3A_1306 = tpu.memref_slice %arg11[%dma_start3A_1299, %select_n3A, %mul3A_1074] : memref<20x4x128xi32, #tpu.memory_space<vmem>> -> memref<1x1x16xi32, #tpu.memory_space<vmem>>
        %dma_start3A_1307 = tpu.memref_squeeze %dma_start3A_1306 : memref<1x1x16xi32, #tpu.memory_space<vmem>> -> memref<16xi32, #tpu.memory_space<vmem>>
        %dma_start3A_1308 = arith.constant 0 : i32
        %dma_start3A_1309 = arith.constant 0 : i32
        %dma_start3A_1310 = tpu.memref_slice %arg3[%dma_start3A_1308, %dma_start3A_1309] : memref<1000000x128xf32, #tpu.memory_space<hbm>> -> memref<1000000x128xf32, #tpu.memory_space<hbm>>
        tpu.enqueue_indirect_dma source(%dma_start3A_1310 : memref<1000000x128xf32, #tpu.memory_space<hbm>>) target(%dma_start3A_1305 : memref<16x128xf32, #tpu.memory_space<vmem>>) offsets(%dma_start3A_1307 : memref<16xi32, #tpu.memory_space<vmem>>) semaphore(%arg17 : memref<!tpu.dma_semaphore, #tpu.memory_space<semaphore_mem>>)
        %dma_start3A_1311 = arith.constant 18 : i32
        %dma_start3A_1312 = arith.constant 0 : i32
        %dma_start3A_1313 = arith.constant 18 : i32
        %dma_start3A_1314 = arith.constant 0 : i32
        %dma_start3A_1315 = arith.constant 0 : i32
        %dma_start3A_1316 = tpu.memref_slice %arg14[%dma_start3A_1312, %dma_start3A_1313, %dma_start3A_1314, %dma_start3A_1315] : memref<2x20x16x128xf32, #tpu.memory_space<vmem>> -> memref<1x1x16x128xf32, #tpu.memory_space<vmem>>
        %dma_start3A_1317 = tpu.memref_squeeze %dma_start3A_1316 : memref<1x1x16x128xf32, #tpu.memory_space<vmem>> -> memref<16x128xf32, #tpu.memory_space<vmem>>
        %dma_start3A_1318 = tpu.memref_slice %arg11[%dma_start3A_1311, %select_n3A, %mul3A_1074] : memref<20x4x128xi32, #tpu.memory_space<vmem>> -> memref<1x1x16xi32, #tpu.memory_space<vmem>>
        %dma_start3A_1319 = tpu.memref_squeeze %dma_start3A_1318 : memref<1x1x16xi32, #tpu.memory_space<vmem>> -> memref<16xi32, #tpu.memory_space<vmem>>
        %dma_start3A_1320 = arith.constant 0 : i32
        %dma_start3A_1321 = arith.constant 0 : i32
        %dma_start3A_1322 = tpu.memref_slice %arg3[%dma_start3A_1320, %dma_start3A_1321] : memref<1000000x128xf32, #tpu.memory_space<hbm>> -> memref<1000000x128xf32, #tpu.memory_space<hbm>>
        tpu.enqueue_indirect_dma source(%dma_start3A_1322 : memref<1000000x128xf32, #tpu.memory_space<hbm>>) target(%dma_start3A_1317 : memref<16x128xf32, #tpu.memory_space<vmem>>) offsets(%dma_start3A_1319 : memref<16xi32, #tpu.memory_space<vmem>>) semaphore(%arg17 : memref<!tpu.dma_semaphore, #tpu.memory_space<semaphore_mem>>)
        %dma_start3A_1323 = arith.constant 19 : i32
        %dma_start3A_1324 = arith.constant 0 : i32
        %dma_start3A_1325 = arith.constant 19 : i32
        %dma_start3A_1326 = arith.constant 0 : i32
        %dma_start3A_1327 = arith.constant 0 : i32
        %dma_start3A_1328 = tpu.memref_slice %arg14[%dma_start3A_1324, %dma_start3A_1325, %dma_start3A_1326, %dma_start3A_1327] : memref<2x20x16x128xf32, #tpu.memory_space<vmem>> -> memref<1x1x16x128xf32, #tpu.memory_space<vmem>>
        %dma_start3A_1329 = tpu.memref_squeeze %dma_start3A_1328 : memref<1x1x16x128xf32, #tpu.memory_space<vmem>> -> memref<16x128xf32, #tpu.memory_space<vmem>>
        %dma_start3A_1330 = tpu.memref_slice %arg11[%dma_start3A_1323, %select_n3A, %mul3A_1074] : memref<20x4x128xi32, #tpu.memory_space<vmem>> -> memref<1x1x16xi32, #tpu.memory_space<vmem>>
        %dma_start3A_1331 = tpu.memref_squeeze %dma_start3A_1330 : memref<1x1x16xi32, #tpu.memory_space<vmem>> -> memref<16xi32, #tpu.memory_space<vmem>>
        %dma_start3A_1332 = arith.constant 0 : i32
        %dma_start3A_1333 = arith.constant 0 : i32
        %dma_start3A_1334 = tpu.memref_slice %arg3[%dma_start3A_1332, %dma_start3A_1333] : memref<1000000x128xf32, #tpu.memory_space<hbm>> -> memref<1000000x128xf32, #tpu.memory_space<hbm>>
        tpu.enqueue_indirect_dma source(%dma_start3A_1334 : memref<1000000x128xf32, #tpu.memory_space<hbm>>) target(%dma_start3A_1329 : memref<16x128xf32, #tpu.memory_space<vmem>>) offsets(%dma_start3A_1331 : memref<16xi32, #tpu.memory_space<vmem>>) semaphore(%arg17 : memref<!tpu.dma_semaphore, #tpu.memory_space<semaphore_mem>>)
      } else {
      }
      %dma_wait3A_684 = arith.constant 1 : i32
      %dma_wait3A_685 = arith.constant 0 : i32
      %dma_wait3A_686 = arith.constant 0 : i32
      %dma_wait3A_687 = tpu.memref_slice %arg12[%dma_wait3A_684, %dma_wait3A_685, %dma_wait3A_686] : memref<2x16x128xf32, #tpu.memory_space<vmem>> -> memref<1x16x128xf32, #tpu.memory_space<vmem>>
      %dma_wait3A_688 = tpu.memref_squeeze %dma_wait3A_687 : memref<1x16x128xf32, #tpu.memory_space<vmem>> -> memref<16x128xf32, #tpu.memory_space<vmem>>
      %dma_wait3A_689 = arith.constant 0 : i32
      %dma_wait3A_690 = arith.constant 0 : i32
      %dma_wait3A_691 = tpu.memref_slice %arg2[%dma_wait3A_689, %dma_wait3A_690] : memref<1000000x128xf32, #tpu.memory_space<hbm>> -> memref<16x128xf32, #tpu.memory_space<hbm>>
      %dma_wait3A_692 = arith.constant 0 : i32
      %dma_wait3A_693 = arith.constant 0 : i32
      %dma_wait3A_694 = tpu.memref_slice %arg12[%dma_wait3A_684, %dma_wait3A_692, %dma_wait3A_693] : memref<2x16x128xf32, #tpu.memory_space<vmem>> -> memref<1x16x128xf32, #tpu.memory_space<vmem>>
      %dma_wait3A_695 = tpu.memref_squeeze %dma_wait3A_694 : memref<1x16x128xf32, #tpu.memory_space<vmem>> -> memref<16x128xf32, #tpu.memory_space<vmem>>
      %dma_wait3A_696 = arith.constant 0 : i32
      %dma_wait3A_697 = arith.constant 0 : i32
      %dma_wait3A_698 = tpu.memref_slice %arg2[%dma_wait3A_696, %dma_wait3A_697] : memref<1000000x128xf32, #tpu.memory_space<hbm>> -> memref<16x128xf32, #tpu.memory_space<hbm>>
      tpu.wait_dma2 semaphore(%arg18 : memref<!tpu.dma_semaphore, #tpu.memory_space<semaphore_mem>>) src(%dma_wait3A_698 : memref<16x128xf32, #tpu.memory_space<hbm>>) dst(%dma_wait3A_695 : memref<16x128xf32, #tpu.memory_space<vmem>>)
      %dma_wait3A_699 = arith.constant 1 : i32
      %dma_wait3A_700 = arith.constant 0 : i32
      %dma_wait3A_701 = arith.constant 0 : i32
      %dma_wait3A_702 = tpu.memref_slice %arg13[%dma_wait3A_699, %dma_wait3A_700, %dma_wait3A_701] : memref<2x16x128xf32, #tpu.memory_space<vmem>> -> memref<1x16x128xf32, #tpu.memory_space<vmem>>
      %dma_wait3A_703 = tpu.memref_squeeze %dma_wait3A_702 : memref<1x16x128xf32, #tpu.memory_space<vmem>> -> memref<16x128xf32, #tpu.memory_space<vmem>>
      %dma_wait3A_704 = arith.constant 0 : i32
      %dma_wait3A_705 = arith.constant 0 : i32
      %dma_wait3A_706 = tpu.memref_slice %arg2[%dma_wait3A_704, %dma_wait3A_705] : memref<1000000x128xf32, #tpu.memory_space<hbm>> -> memref<16x128xf32, #tpu.memory_space<hbm>>
      %dma_wait3A_707 = arith.constant 0 : i32
      %dma_wait3A_708 = arith.constant 0 : i32
      %dma_wait3A_709 = tpu.memref_slice %arg13[%dma_wait3A_699, %dma_wait3A_707, %dma_wait3A_708] : memref<2x16x128xf32, #tpu.memory_space<vmem>> -> memref<1x16x128xf32, #tpu.memory_space<vmem>>
      %dma_wait3A_710 = tpu.memref_squeeze %dma_wait3A_709 : memref<1x16x128xf32, #tpu.memory_space<vmem>> -> memref<16x128xf32, #tpu.memory_space<vmem>>
      %dma_wait3A_711 = arith.constant 0 : i32
      %dma_wait3A_712 = arith.constant 0 : i32
      %dma_wait3A_713 = tpu.memref_slice %arg2[%dma_wait3A_711, %dma_wait3A_712] : memref<1000000x128xf32, #tpu.memory_space<hbm>> -> memref<16x128xf32, #tpu.memory_space<hbm>>
      tpu.wait_dma2 semaphore(%arg18 : memref<!tpu.dma_semaphore, #tpu.memory_space<semaphore_mem>>) src(%dma_wait3A_713 : memref<16x128xf32, #tpu.memory_space<hbm>>) dst(%dma_wait3A_710 : memref<16x128xf32, #tpu.memory_space<vmem>>)
      %dma_wait3A_714 = arith.constant 1 : i32
      %dma_wait3A_715 = arith.constant 0 : i32
      %dma_wait3A_716 = arith.constant 0 : i32
      %dma_wait3A_717 = arith.constant 0 : i32
      %dma_wait3A_718 = tpu.memref_slice %arg14[%dma_wait3A_714, %dma_wait3A_715, %dma_wait3A_716, %dma_wait3A_717] : memref<2x20x16x128xf32, #tpu.memory_space<vmem>> -> memref<1x1x16x128xf32, #tpu.memory_space<vmem>>
      %dma_wait3A_719 = tpu.memref_squeeze %dma_wait3A_718 : memref<1x1x16x128xf32, #tpu.memory_space<vmem>> -> memref<16x128xf32, #tpu.memory_space<vmem>>
      %dma_wait3A_720 = arith.constant 0 : i32
      %dma_wait3A_721 = arith.constant 0 : i32
      %dma_wait3A_722 = tpu.memref_slice %arg2[%dma_wait3A_720, %dma_wait3A_721] : memref<1000000x128xf32, #tpu.memory_space<hbm>> -> memref<16x128xf32, #tpu.memory_space<hbm>>
      %dma_wait3A_723 = arith.constant 0 : i32
      %dma_wait3A_724 = arith.constant 0 : i32
      %dma_wait3A_725 = tpu.memref_slice %arg14[%dma_wait3A_714, %dma_wait3A_715, %dma_wait3A_723, %dma_wait3A_724] : memref<2x20x16x128xf32, #tpu.memory_space<vmem>> -> memref<1x1x16x128xf32, #tpu.memory_space<vmem>>
      %dma_wait3A_726 = tpu.memref_squeeze %dma_wait3A_725 : memref<1x1x16x128xf32, #tpu.memory_space<vmem>> -> memref<16x128xf32, #tpu.memory_space<vmem>>
      %dma_wait3A_727 = arith.constant 0 : i32
      %dma_wait3A_728 = arith.constant 0 : i32
      %dma_wait3A_729 = tpu.memref_slice %arg2[%dma_wait3A_727, %dma_wait3A_728] : memref<1000000x128xf32, #tpu.memory_space<hbm>> -> memref<16x128xf32, #tpu.memory_space<hbm>>
      tpu.wait_dma2 semaphore(%arg18 : memref<!tpu.dma_semaphore, #tpu.memory_space<semaphore_mem>>) src(%dma_wait3A_729 : memref<16x128xf32, #tpu.memory_space<hbm>>) dst(%dma_wait3A_726 : memref<16x128xf32, #tpu.memory_space<vmem>>)
      %dma_wait3A_730 = arith.constant 1 : i32
      %dma_wait3A_731 = arith.constant 1 : i32
      %dma_wait3A_732 = arith.constant 0 : i32
      %dma_wait3A_733 = arith.constant 0 : i32
      %dma_wait3A_734 = tpu.memref_slice %arg14[%dma_wait3A_730, %dma_wait3A_731, %dma_wait3A_732, %dma_wait3A_733] : memref<2x20x16x128xf32, #tpu.memory_space<vmem>> -> memref<1x1x16x128xf32, #tpu.memory_space<vmem>>
      %dma_wait3A_735 = tpu.memref_squeeze %dma_wait3A_734 : memref<1x1x16x128xf32, #tpu.memory_space<vmem>> -> memref<16x128xf32, #tpu.memory_space<vmem>>
      %dma_wait3A_736 = arith.constant 0 : i32
      %dma_wait3A_737 = arith.constant 0 : i32
      %dma_wait3A_738 = tpu.memref_slice %arg2[%dma_wait3A_736, %dma_wait3A_737] : memref<1000000x128xf32, #tpu.memory_space<hbm>> -> memref<16x128xf32, #tpu.memory_space<hbm>>
      %dma_wait3A_739 = arith.constant 0 : i32
      %dma_wait3A_740 = arith.constant 0 : i32
      %dma_wait3A_741 = tpu.memref_slice %arg14[%dma_wait3A_730, %dma_wait3A_731, %dma_wait3A_739, %dma_wait3A_740] : memref<2x20x16x128xf32, #tpu.memory_space<vmem>> -> memref<1x1x16x128xf32, #tpu.memory_space<vmem>>
      %dma_wait3A_742 = tpu.memref_squeeze %dma_wait3A_741 : memref<1x1x16x128xf32, #tpu.memory_space<vmem>> -> memref<16x128xf32, #tpu.memory_space<vmem>>
      %dma_wait3A_743 = arith.constant 0 : i32
      %dma_wait3A_744 = arith.constant 0 : i32
      %dma_wait3A_745 = tpu.memref_slice %arg2[%dma_wait3A_743, %dma_wait3A_744] : memref<1000000x128xf32, #tpu.memory_space<hbm>> -> memref<16x128xf32, #tpu.memory_space<hbm>>
      tpu.wait_dma2 semaphore(%arg18 : memref<!tpu.dma_semaphore, #tpu.memory_space<semaphore_mem>>) src(%dma_wait3A_745 : memref<16x128xf32, #tpu.memory_space<hbm>>) dst(%dma_wait3A_742 : memref<16x128xf32, #tpu.memory_space<vmem>>)
      %dma_wait3A_746 = arith.constant 1 : i32
      %dma_wait3A_747 = arith.constant 2 : i32
      %dma_wait3A_748 = arith.constant 0 : i32
      %dma_wait3A_749 = arith.constant 0 : i32
      %dma_wait3A_750 = tpu.memref_slice %arg14[%dma_wait3A_746, %dma_wait3A_747, %dma_wait3A_748, %dma_wait3A_749] : memref<2x20x16x128xf32, #tpu.memory_space<vmem>> -> memref<1x1x16x128xf32, #tpu.memory_space<vmem>>
      %dma_wait3A_751 = tpu.memref_squeeze %dma_wait3A_750 : memref<1x1x16x128xf32, #tpu.memory_space<vmem>> -> memref<16x128xf32, #tpu.memory_space<vmem>>
      %dma_wait3A_752 = arith.constant 0 : i32
      %dma_wait3A_753 = arith.constant 0 : i32
      %dma_wait3A_754 = tpu.memref_slice %arg2[%dma_wait3A_752, %dma_wait3A_753] : memref<1000000x128xf32, #tpu.memory_space<hbm>> -> memref<16x128xf32, #tpu.memory_space<hbm>>
      %dma_wait3A_755 = arith.constant 0 : i32
      %dma_wait3A_756 = arith.constant 0 : i32
      %dma_wait3A_757 = tpu.memref_slice %arg14[%dma_wait3A_746, %dma_wait3A_747, %dma_wait3A_755, %dma_wait3A_756] : memref<2x20x16x128xf32, #tpu.memory_space<vmem>> -> memref<1x1x16x128xf32, #tpu.memory_space<vmem>>
      %dma_wait3A_758 = tpu.memref_squeeze %dma_wait3A_757 : memref<1x1x16x128xf32, #tpu.memory_space<vmem>> -> memref<16x128xf32, #tpu.memory_space<vmem>>
      %dma_wait3A_759 = arith.constant 0 : i32
      %dma_wait3A_760 = arith.constant 0 : i32
      %dma_wait3A_761 = tpu.memref_slice %arg2[%dma_wait3A_759, %dma_wait3A_760] : memref<1000000x128xf32, #tpu.memory_space<hbm>> -> memref<16x128xf32, #tpu.memory_space<hbm>>
      tpu.wait_dma2 semaphore(%arg18 : memref<!tpu.dma_semaphore, #tpu.memory_space<semaphore_mem>>) src(%dma_wait3A_761 : memref<16x128xf32, #tpu.memory_space<hbm>>) dst(%dma_wait3A_758 : memref<16x128xf32, #tpu.memory_space<vmem>>)
      %dma_wait3A_762 = arith.constant 1 : i32
      %dma_wait3A_763 = arith.constant 3 : i32
      %dma_wait3A_764 = arith.constant 0 : i32
      %dma_wait3A_765 = arith.constant 0 : i32
      %dma_wait3A_766 = tpu.memref_slice %arg14[%dma_wait3A_762, %dma_wait3A_763, %dma_wait3A_764, %dma_wait3A_765] : memref<2x20x16x128xf32, #tpu.memory_space<vmem>> -> memref<1x1x16x128xf32, #tpu.memory_space<vmem>>
      %dma_wait3A_767 = tpu.memref_squeeze %dma_wait3A_766 : memref<1x1x16x128xf32, #tpu.memory_space<vmem>> -> memref<16x128xf32, #tpu.memory_space<vmem>>
      %dma_wait3A_768 = arith.constant 0 : i32
      %dma_wait3A_769 = arith.constant 0 : i32
      %dma_wait3A_770 = tpu.memref_slice %arg2[%dma_wait3A_768, %dma_wait3A_769] : memref<1000000x128xf32, #tpu.memory_space<hbm>> -> memref<16x128xf32, #tpu.memory_space<hbm>>
      %dma_wait3A_771 = arith.constant 0 : i32
      %dma_wait3A_772 = arith.constant 0 : i32
      %dma_wait3A_773 = tpu.memref_slice %arg14[%dma_wait3A_762, %dma_wait3A_763, %dma_wait3A_771, %dma_wait3A_772] : memref<2x20x16x128xf32, #tpu.memory_space<vmem>> -> memref<1x1x16x128xf32, #tpu.memory_space<vmem>>
      %dma_wait3A_774 = tpu.memref_squeeze %dma_wait3A_773 : memref<1x1x16x128xf32, #tpu.memory_space<vmem>> -> memref<16x128xf32, #tpu.memory_space<vmem>>
      %dma_wait3A_775 = arith.constant 0 : i32
      %dma_wait3A_776 = arith.constant 0 : i32
      %dma_wait3A_777 = tpu.memref_slice %arg2[%dma_wait3A_775, %dma_wait3A_776] : memref<1000000x128xf32, #tpu.memory_space<hbm>> -> memref<16x128xf32, #tpu.memory_space<hbm>>
      tpu.wait_dma2 semaphore(%arg18 : memref<!tpu.dma_semaphore, #tpu.memory_space<semaphore_mem>>) src(%dma_wait3A_777 : memref<16x128xf32, #tpu.memory_space<hbm>>) dst(%dma_wait3A_774 : memref<16x128xf32, #tpu.memory_space<vmem>>)
      %dma_wait3A_778 = arith.constant 1 : i32
      %dma_wait3A_779 = arith.constant 4 : i32
      %dma_wait3A_780 = arith.constant 0 : i32
      %dma_wait3A_781 = arith.constant 0 : i32
      %dma_wait3A_782 = tpu.memref_slice %arg14[%dma_wait3A_778, %dma_wait3A_779, %dma_wait3A_780, %dma_wait3A_781] : memref<2x20x16x128xf32, #tpu.memory_space<vmem>> -> memref<1x1x16x128xf32, #tpu.memory_space<vmem>>
      %dma_wait3A_783 = tpu.memref_squeeze %dma_wait3A_782 : memref<1x1x16x128xf32, #tpu.memory_space<vmem>> -> memref<16x128xf32, #tpu.memory_space<vmem>>
      %dma_wait3A_784 = arith.constant 0 : i32
      %dma_wait3A_785 = arith.constant 0 : i32
      %dma_wait3A_786 = tpu.memref_slice %arg2[%dma_wait3A_784, %dma_wait3A_785] : memref<1000000x128xf32, #tpu.memory_space<hbm>> -> memref<16x128xf32, #tpu.memory_space<hbm>>
      %dma_wait3A_787 = arith.constant 0 : i32
      %dma_wait3A_788 = arith.constant 0 : i32
      %dma_wait3A_789 = tpu.memref_slice %arg14[%dma_wait3A_778, %dma_wait3A_779, %dma_wait3A_787, %dma_wait3A_788] : memref<2x20x16x128xf32, #tpu.memory_space<vmem>> -> memref<1x1x16x128xf32, #tpu.memory_space<vmem>>
      %dma_wait3A_790 = tpu.memref_squeeze %dma_wait3A_789 : memref<1x1x16x128xf32, #tpu.memory_space<vmem>> -> memref<16x128xf32, #tpu.memory_space<vmem>>
      %dma_wait3A_791 = arith.constant 0 : i32
      %dma_wait3A_792 = arith.constant 0 : i32
      %dma_wait3A_793 = tpu.memref_slice %arg2[%dma_wait3A_791, %dma_wait3A_792] : memref<1000000x128xf32, #tpu.memory_space<hbm>> -> memref<16x128xf32, #tpu.memory_space<hbm>>
      tpu.wait_dma2 semaphore(%arg18 : memref<!tpu.dma_semaphore, #tpu.memory_space<semaphore_mem>>) src(%dma_wait3A_793 : memref<16x128xf32, #tpu.memory_space<hbm>>) dst(%dma_wait3A_790 : memref<16x128xf32, #tpu.memory_space<vmem>>)
      %dma_wait3A_794 = arith.constant 1 : i32
      %dma_wait3A_795 = arith.constant 5 : i32
      %dma_wait3A_796 = arith.constant 0 : i32
      %dma_wait3A_797 = arith.constant 0 : i32
      %dma_wait3A_798 = tpu.memref_slice %arg14[%dma_wait3A_794, %dma_wait3A_795, %dma_wait3A_796, %dma_wait3A_797] : memref<2x20x16x128xf32, #tpu.memory_space<vmem>> -> memref<1x1x16x128xf32, #tpu.memory_space<vmem>>
      %dma_wait3A_799 = tpu.memref_squeeze %dma_wait3A_798 : memref<1x1x16x128xf32, #tpu.memory_space<vmem>> -> memref<16x128xf32, #tpu.memory_space<vmem>>
      %dma_wait3A_800 = arith.constant 0 : i32
      %dma_wait3A_801 = arith.constant 0 : i32
      %dma_wait3A_802 = tpu.memref_slice %arg2[%dma_wait3A_800, %dma_wait3A_801] : memref<1000000x128xf32, #tpu.memory_space<hbm>> -> memref<16x128xf32, #tpu.memory_space<hbm>>
      %dma_wait3A_803 = arith.constant 0 : i32
      %dma_wait3A_804 = arith.constant 0 : i32
      %dma_wait3A_805 = tpu.memref_slice %arg14[%dma_wait3A_794, %dma_wait3A_795, %dma_wait3A_803, %dma_wait3A_804] : memref<2x20x16x128xf32, #tpu.memory_space<vmem>> -> memref<1x1x16x128xf32, #tpu.memory_space<vmem>>
      %dma_wait3A_806 = tpu.memref_squeeze %dma_wait3A_805 : memref<1x1x16x128xf32, #tpu.memory_space<vmem>> -> memref<16x128xf32, #tpu.memory_space<vmem>>
      %dma_wait3A_807 = arith.constant 0 : i32
      %dma_wait3A_808 = arith.constant 0 : i32
      %dma_wait3A_809 = tpu.memref_slice %arg2[%dma_wait3A_807, %dma_wait3A_808] : memref<1000000x128xf32, #tpu.memory_space<hbm>> -> memref<16x128xf32, #tpu.memory_space<hbm>>
      tpu.wait_dma2 semaphore(%arg18 : memref<!tpu.dma_semaphore, #tpu.memory_space<semaphore_mem>>) src(%dma_wait3A_809 : memref<16x128xf32, #tpu.memory_space<hbm>>) dst(%dma_wait3A_806 : memref<16x128xf32, #tpu.memory_space<vmem>>)
      %dma_wait3A_810 = arith.constant 1 : i32
      %dma_wait3A_811 = arith.constant 6 : i32
      %dma_wait3A_812 = arith.constant 0 : i32
      %dma_wait3A_813 = arith.constant 0 : i32
      %dma_wait3A_814 = tpu.memref_slice %arg14[%dma_wait3A_810, %dma_wait3A_811, %dma_wait3A_812, %dma_wait3A_813] : memref<2x20x16x128xf32, #tpu.memory_space<vmem>> -> memref<1x1x16x128xf32, #tpu.memory_space<vmem>>
      %dma_wait3A_815 = tpu.memref_squeeze %dma_wait3A_814 : memref<1x1x16x128xf32, #tpu.memory_space<vmem>> -> memref<16x128xf32, #tpu.memory_space<vmem>>
      %dma_wait3A_816 = arith.constant 0 : i32
      %dma_wait3A_817 = arith.constant 0 : i32
      %dma_wait3A_818 = tpu.memref_slice %arg2[%dma_wait3A_816, %dma_wait3A_817] : memref<1000000x128xf32, #tpu.memory_space<hbm>> -> memref<16x128xf32, #tpu.memory_space<hbm>>
      %dma_wait3A_819 = arith.constant 0 : i32
      %dma_wait3A_820 = arith.constant 0 : i32
      %dma_wait3A_821 = tpu.memref_slice %arg14[%dma_wait3A_810, %dma_wait3A_811, %dma_wait3A_819, %dma_wait3A_820] : memref<2x20x16x128xf32, #tpu.memory_space<vmem>> -> memref<1x1x16x128xf32, #tpu.memory_space<vmem>>
      %dma_wait3A_822 = tpu.memref_squeeze %dma_wait3A_821 : memref<1x1x16x128xf32, #tpu.memory_space<vmem>> -> memref<16x128xf32, #tpu.memory_space<vmem>>
      %dma_wait3A_823 = arith.constant 0 : i32
      %dma_wait3A_824 = arith.constant 0 : i32
      %dma_wait3A_825 = tpu.memref_slice %arg2[%dma_wait3A_823, %dma_wait3A_824] : memref<1000000x128xf32, #tpu.memory_space<hbm>> -> memref<16x128xf32, #tpu.memory_space<hbm>>
      tpu.wait_dma2 semaphore(%arg18 : memref<!tpu.dma_semaphore, #tpu.memory_space<semaphore_mem>>) src(%dma_wait3A_825 : memref<16x128xf32, #tpu.memory_space<hbm>>) dst(%dma_wait3A_822 : memref<16x128xf32, #tpu.memory_space<vmem>>)
      %dma_wait3A_826 = arith.constant 1 : i32
      %dma_wait3A_827 = arith.constant 7 : i32
      %dma_wait3A_828 = arith.constant 0 : i32
      %dma_wait3A_829 = arith.constant 0 : i32
      %dma_wait3A_830 = tpu.memref_slice %arg14[%dma_wait3A_826, %dma_wait3A_827, %dma_wait3A_828, %dma_wait3A_829] : memref<2x20x16x128xf32, #tpu.memory_space<vmem>> -> memref<1x1x16x128xf32, #tpu.memory_space<vmem>>
      %dma_wait3A_831 = tpu.memref_squeeze %dma_wait3A_830 : memref<1x1x16x128xf32, #tpu.memory_space<vmem>> -> memref<16x128xf32, #tpu.memory_space<vmem>>
      %dma_wait3A_832 = arith.constant 0 : i32
      %dma_wait3A_833 = arith.constant 0 : i32
      %dma_wait3A_834 = tpu.memref_slice %arg2[%dma_wait3A_832, %dma_wait3A_833] : memref<1000000x128xf32, #tpu.memory_space<hbm>> -> memref<16x128xf32, #tpu.memory_space<hbm>>
      %dma_wait3A_835 = arith.constant 0 : i32
      %dma_wait3A_836 = arith.constant 0 : i32
      %dma_wait3A_837 = tpu.memref_slice %arg14[%dma_wait3A_826, %dma_wait3A_827, %dma_wait3A_835, %dma_wait3A_836] : memref<2x20x16x128xf32, #tpu.memory_space<vmem>> -> memref<1x1x16x128xf32, #tpu.memory_space<vmem>>
      %dma_wait3A_838 = tpu.memref_squeeze %dma_wait3A_837 : memref<1x1x16x128xf32, #tpu.memory_space<vmem>> -> memref<16x128xf32, #tpu.memory_space<vmem>>
      %dma_wait3A_839 = arith.constant 0 : i32
      %dma_wait3A_840 = arith.constant 0 : i32
      %dma_wait3A_841 = tpu.memref_slice %arg2[%dma_wait3A_839, %dma_wait3A_840] : memref<1000000x128xf32, #tpu.memory_space<hbm>> -> memref<16x128xf32, #tpu.memory_space<hbm>>
      tpu.wait_dma2 semaphore(%arg18 : memref<!tpu.dma_semaphore, #tpu.memory_space<semaphore_mem>>) src(%dma_wait3A_841 : memref<16x128xf32, #tpu.memory_space<hbm>>) dst(%dma_wait3A_838 : memref<16x128xf32, #tpu.memory_space<vmem>>)
      %dma_wait3A_842 = arith.constant 1 : i32
      %dma_wait3A_843 = arith.constant 8 : i32
      %dma_wait3A_844 = arith.constant 0 : i32
      %dma_wait3A_845 = arith.constant 0 : i32
      %dma_wait3A_846 = tpu.memref_slice %arg14[%dma_wait3A_842, %dma_wait3A_843, %dma_wait3A_844, %dma_wait3A_845] : memref<2x20x16x128xf32, #tpu.memory_space<vmem>> -> memref<1x1x16x128xf32, #tpu.memory_space<vmem>>
      %dma_wait3A_847 = tpu.memref_squeeze %dma_wait3A_846 : memref<1x1x16x128xf32, #tpu.memory_space<vmem>> -> memref<16x128xf32, #tpu.memory_space<vmem>>
      %dma_wait3A_848 = arith.constant 0 : i32
      %dma_wait3A_849 = arith.constant 0 : i32
      %dma_wait3A_850 = tpu.memref_slice %arg2[%dma_wait3A_848, %dma_wait3A_849] : memref<1000000x128xf32, #tpu.memory_space<hbm>> -> memref<16x128xf32, #tpu.memory_space<hbm>>
      %dma_wait3A_851 = arith.constant 0 : i32
      %dma_wait3A_852 = arith.constant 0 : i32
      %dma_wait3A_853 = tpu.memref_slice %arg14[%dma_wait3A_842, %dma_wait3A_843, %dma_wait3A_851, %dma_wait3A_852] : memref<2x20x16x128xf32, #tpu.memory_space<vmem>> -> memref<1x1x16x128xf32, #tpu.memory_space<vmem>>
      %dma_wait3A_854 = tpu.memref_squeeze %dma_wait3A_853 : memref<1x1x16x128xf32, #tpu.memory_space<vmem>> -> memref<16x128xf32, #tpu.memory_space<vmem>>
      %dma_wait3A_855 = arith.constant 0 : i32
      %dma_wait3A_856 = arith.constant 0 : i32
      %dma_wait3A_857 = tpu.memref_slice %arg2[%dma_wait3A_855, %dma_wait3A_856] : memref<1000000x128xf32, #tpu.memory_space<hbm>> -> memref<16x128xf32, #tpu.memory_space<hbm>>
      tpu.wait_dma2 semaphore(%arg18 : memref<!tpu.dma_semaphore, #tpu.memory_space<semaphore_mem>>) src(%dma_wait3A_857 : memref<16x128xf32, #tpu.memory_space<hbm>>) dst(%dma_wait3A_854 : memref<16x128xf32, #tpu.memory_space<vmem>>)
      %dma_wait3A_858 = arith.constant 1 : i32
      %dma_wait3A_859 = arith.constant 9 : i32
      %dma_wait3A_860 = arith.constant 0 : i32
      %dma_wait3A_861 = arith.constant 0 : i32
      %dma_wait3A_862 = tpu.memref_slice %arg14[%dma_wait3A_858, %dma_wait3A_859, %dma_wait3A_860, %dma_wait3A_861] : memref<2x20x16x128xf32, #tpu.memory_space<vmem>> -> memref<1x1x16x128xf32, #tpu.memory_space<vmem>>
      %dma_wait3A_863 = tpu.memref_squeeze %dma_wait3A_862 : memref<1x1x16x128xf32, #tpu.memory_space<vmem>> -> memref<16x128xf32, #tpu.memory_space<vmem>>
      %dma_wait3A_864 = arith.constant 0 : i32
      %dma_wait3A_865 = arith.constant 0 : i32
      %dma_wait3A_866 = tpu.memref_slice %arg2[%dma_wait3A_864, %dma_wait3A_865] : memref<1000000x128xf32, #tpu.memory_space<hbm>> -> memref<16x128xf32, #tpu.memory_space<hbm>>
      %dma_wait3A_867 = arith.constant 0 : i32
      %dma_wait3A_868 = arith.constant 0 : i32
      %dma_wait3A_869 = tpu.memref_slice %arg14[%dma_wait3A_858, %dma_wait3A_859, %dma_wait3A_867, %dma_wait3A_868] : memref<2x20x16x128xf32, #tpu.memory_space<vmem>> -> memref<1x1x16x128xf32, #tpu.memory_space<vmem>>
      %dma_wait3A_870 = tpu.memref_squeeze %dma_wait3A_869 : memref<1x1x16x128xf32, #tpu.memory_space<vmem>> -> memref<16x128xf32, #tpu.memory_space<vmem>>
      %dma_wait3A_871 = arith.constant 0 : i32
      %dma_wait3A_872 = arith.constant 0 : i32
      %dma_wait3A_873 = tpu.memref_slice %arg2[%dma_wait3A_871, %dma_wait3A_872] : memref<1000000x128xf32, #tpu.memory_space<hbm>> -> memref<16x128xf32, #tpu.memory_space<hbm>>
      tpu.wait_dma2 semaphore(%arg18 : memref<!tpu.dma_semaphore, #tpu.memory_space<semaphore_mem>>) src(%dma_wait3A_873 : memref<16x128xf32, #tpu.memory_space<hbm>>) dst(%dma_wait3A_870 : memref<16x128xf32, #tpu.memory_space<vmem>>)
      %dma_wait3A_874 = arith.constant 1 : i32
      %dma_wait3A_875 = arith.constant 10 : i32
      %dma_wait3A_876 = arith.constant 0 : i32
      %dma_wait3A_877 = arith.constant 0 : i32
      %dma_wait3A_878 = tpu.memref_slice %arg14[%dma_wait3A_874, %dma_wait3A_875, %dma_wait3A_876, %dma_wait3A_877] : memref<2x20x16x128xf32, #tpu.memory_space<vmem>> -> memref<1x1x16x128xf32, #tpu.memory_space<vmem>>
      %dma_wait3A_879 = tpu.memref_squeeze %dma_wait3A_878 : memref<1x1x16x128xf32, #tpu.memory_space<vmem>> -> memref<16x128xf32, #tpu.memory_space<vmem>>
      %dma_wait3A_880 = arith.constant 0 : i32
      %dma_wait3A_881 = arith.constant 0 : i32
      %dma_wait3A_882 = tpu.memref_slice %arg2[%dma_wait3A_880, %dma_wait3A_881] : memref<1000000x128xf32, #tpu.memory_space<hbm>> -> memref<16x128xf32, #tpu.memory_space<hbm>>
      %dma_wait3A_883 = arith.constant 0 : i32
      %dma_wait3A_884 = arith.constant 0 : i32
      %dma_wait3A_885 = tpu.memref_slice %arg14[%dma_wait3A_874, %dma_wait3A_875, %dma_wait3A_883, %dma_wait3A_884] : memref<2x20x16x128xf32, #tpu.memory_space<vmem>> -> memref<1x1x16x128xf32, #tpu.memory_space<vmem>>
      %dma_wait3A_886 = tpu.memref_squeeze %dma_wait3A_885 : memref<1x1x16x128xf32, #tpu.memory_space<vmem>> -> memref<16x128xf32, #tpu.memory_space<vmem>>
      %dma_wait3A_887 = arith.constant 0 : i32
      %dma_wait3A_888 = arith.constant 0 : i32
      %dma_wait3A_889 = tpu.memref_slice %arg2[%dma_wait3A_887, %dma_wait3A_888] : memref<1000000x128xf32, #tpu.memory_space<hbm>> -> memref<16x128xf32, #tpu.memory_space<hbm>>
      tpu.wait_dma2 semaphore(%arg18 : memref<!tpu.dma_semaphore, #tpu.memory_space<semaphore_mem>>) src(%dma_wait3A_889 : memref<16x128xf32, #tpu.memory_space<hbm>>) dst(%dma_wait3A_886 : memref<16x128xf32, #tpu.memory_space<vmem>>)
      %dma_wait3A_890 = arith.constant 1 : i32
      %dma_wait3A_891 = arith.constant 11 : i32
      %dma_wait3A_892 = arith.constant 0 : i32
      %dma_wait3A_893 = arith.constant 0 : i32
      %dma_wait3A_894 = tpu.memref_slice %arg14[%dma_wait3A_890, %dma_wait3A_891, %dma_wait3A_892, %dma_wait3A_893] : memref<2x20x16x128xf32, #tpu.memory_space<vmem>> -> memref<1x1x16x128xf32, #tpu.memory_space<vmem>>
      %dma_wait3A_895 = tpu.memref_squeeze %dma_wait3A_894 : memref<1x1x16x128xf32, #tpu.memory_space<vmem>> -> memref<16x128xf32, #tpu.memory_space<vmem>>
      %dma_wait3A_896 = arith.constant 0 : i32
      %dma_wait3A_897 = arith.constant 0 : i32
      %dma_wait3A_898 = tpu.memref_slice %arg2[%dma_wait3A_896, %dma_wait3A_897] : memref<1000000x128xf32, #tpu.memory_space<hbm>> -> memref<16x128xf32, #tpu.memory_space<hbm>>
      %dma_wait3A_899 = arith.constant 0 : i32
      %dma_wait3A_900 = arith.constant 0 : i32
      %dma_wait3A_901 = tpu.memref_slice %arg14[%dma_wait3A_890, %dma_wait3A_891, %dma_wait3A_899, %dma_wait3A_900] : memref<2x20x16x128xf32, #tpu.memory_space<vmem>> -> memref<1x1x16x128xf32, #tpu.memory_space<vmem>>
      %dma_wait3A_902 = tpu.memref_squeeze %dma_wait3A_901 : memref<1x1x16x128xf32, #tpu.memory_space<vmem>> -> memref<16x128xf32, #tpu.memory_space<vmem>>
      %dma_wait3A_903 = arith.constant 0 : i32
      %dma_wait3A_904 = arith.constant 0 : i32
      %dma_wait3A_905 = tpu.memref_slice %arg2[%dma_wait3A_903, %dma_wait3A_904] : memref<1000000x128xf32, #tpu.memory_space<hbm>> -> memref<16x128xf32, #tpu.memory_space<hbm>>
      tpu.wait_dma2 semaphore(%arg18 : memref<!tpu.dma_semaphore, #tpu.memory_space<semaphore_mem>>) src(%dma_wait3A_905 : memref<16x128xf32, #tpu.memory_space<hbm>>) dst(%dma_wait3A_902 : memref<16x128xf32, #tpu.memory_space<vmem>>)
      %dma_wait3A_906 = arith.constant 1 : i32
      %dma_wait3A_907 = arith.constant 12 : i32
      %dma_wait3A_908 = arith.constant 0 : i32
      %dma_wait3A_909 = arith.constant 0 : i32
      %dma_wait3A_910 = tpu.memref_slice %arg14[%dma_wait3A_906, %dma_wait3A_907, %dma_wait3A_908, %dma_wait3A_909] : memref<2x20x16x128xf32, #tpu.memory_space<vmem>> -> memref<1x1x16x128xf32, #tpu.memory_space<vmem>>
      %dma_wait3A_911 = tpu.memref_squeeze %dma_wait3A_910 : memref<1x1x16x128xf32, #tpu.memory_space<vmem>> -> memref<16x128xf32, #tpu.memory_space<vmem>>
      %dma_wait3A_912 = arith.constant 0 : i32
      %dma_wait3A_913 = arith.constant 0 : i32
      %dma_wait3A_914 = tpu.memref_slice %arg2[%dma_wait3A_912, %dma_wait3A_913] : memref<1000000x128xf32, #tpu.memory_space<hbm>> -> memref<16x128xf32, #tpu.memory_space<hbm>>
      %dma_wait3A_915 = arith.constant 0 : i32
      %dma_wait3A_916 = arith.constant 0 : i32
      %dma_wait3A_917 = tpu.memref_slice %arg14[%dma_wait3A_906, %dma_wait3A_907, %dma_wait3A_915, %dma_wait3A_916] : memref<2x20x16x128xf32, #tpu.memory_space<vmem>> -> memref<1x1x16x128xf32, #tpu.memory_space<vmem>>
      %dma_wait3A_918 = tpu.memref_squeeze %dma_wait3A_917 : memref<1x1x16x128xf32, #tpu.memory_space<vmem>> -> memref<16x128xf32, #tpu.memory_space<vmem>>
      %dma_wait3A_919 = arith.constant 0 : i32
      %dma_wait3A_920 = arith.constant 0 : i32
      %dma_wait3A_921 = tpu.memref_slice %arg2[%dma_wait3A_919, %dma_wait3A_920] : memref<1000000x128xf32, #tpu.memory_space<hbm>> -> memref<16x128xf32, #tpu.memory_space<hbm>>
      tpu.wait_dma2 semaphore(%arg18 : memref<!tpu.dma_semaphore, #tpu.memory_space<semaphore_mem>>) src(%dma_wait3A_921 : memref<16x128xf32, #tpu.memory_space<hbm>>) dst(%dma_wait3A_918 : memref<16x128xf32, #tpu.memory_space<vmem>>)
      %dma_wait3A_922 = arith.constant 1 : i32
      %dma_wait3A_923 = arith.constant 13 : i32
      %dma_wait3A_924 = arith.constant 0 : i32
      %dma_wait3A_925 = arith.constant 0 : i32
      %dma_wait3A_926 = tpu.memref_slice %arg14[%dma_wait3A_922, %dma_wait3A_923, %dma_wait3A_924, %dma_wait3A_925] : memref<2x20x16x128xf32, #tpu.memory_space<vmem>> -> memref<1x1x16x128xf32, #tpu.memory_space<vmem>>
      %dma_wait3A_927 = tpu.memref_squeeze %dma_wait3A_926 : memref<1x1x16x128xf32, #tpu.memory_space<vmem>> -> memref<16x128xf32, #tpu.memory_space<vmem>>
      %dma_wait3A_928 = arith.constant 0 : i32
      %dma_wait3A_929 = arith.constant 0 : i32
      %dma_wait3A_930 = tpu.memref_slice %arg2[%dma_wait3A_928, %dma_wait3A_929] : memref<1000000x128xf32, #tpu.memory_space<hbm>> -> memref<16x128xf32, #tpu.memory_space<hbm>>
      %dma_wait3A_931 = arith.constant 0 : i32
      %dma_wait3A_932 = arith.constant 0 : i32
      %dma_wait3A_933 = tpu.memref_slice %arg14[%dma_wait3A_922, %dma_wait3A_923, %dma_wait3A_931, %dma_wait3A_932] : memref<2x20x16x128xf32, #tpu.memory_space<vmem>> -> memref<1x1x16x128xf32, #tpu.memory_space<vmem>>
      %dma_wait3A_934 = tpu.memref_squeeze %dma_wait3A_933 : memref<1x1x16x128xf32, #tpu.memory_space<vmem>> -> memref<16x128xf32, #tpu.memory_space<vmem>>
      %dma_wait3A_935 = arith.constant 0 : i32
      %dma_wait3A_936 = arith.constant 0 : i32
      %dma_wait3A_937 = tpu.memref_slice %arg2[%dma_wait3A_935, %dma_wait3A_936] : memref<1000000x128xf32, #tpu.memory_space<hbm>> -> memref<16x128xf32, #tpu.memory_space<hbm>>
      tpu.wait_dma2 semaphore(%arg18 : memref<!tpu.dma_semaphore, #tpu.memory_space<semaphore_mem>>) src(%dma_wait3A_937 : memref<16x128xf32, #tpu.memory_space<hbm>>) dst(%dma_wait3A_934 : memref<16x128xf32, #tpu.memory_space<vmem>>)
      %dma_wait3A_938 = arith.constant 1 : i32
      %dma_wait3A_939 = arith.constant 14 : i32
      %dma_wait3A_940 = arith.constant 0 : i32
      %dma_wait3A_941 = arith.constant 0 : i32
      %dma_wait3A_942 = tpu.memref_slice %arg14[%dma_wait3A_938, %dma_wait3A_939, %dma_wait3A_940, %dma_wait3A_941] : memref<2x20x16x128xf32, #tpu.memory_space<vmem>> -> memref<1x1x16x128xf32, #tpu.memory_space<vmem>>
      %dma_wait3A_943 = tpu.memref_squeeze %dma_wait3A_942 : memref<1x1x16x128xf32, #tpu.memory_space<vmem>> -> memref<16x128xf32, #tpu.memory_space<vmem>>
      %dma_wait3A_944 = arith.constant 0 : i32
      %dma_wait3A_945 = arith.constant 0 : i32
      %dma_wait3A_946 = tpu.memref_slice %arg2[%dma_wait3A_944, %dma_wait3A_945] : memref<1000000x128xf32, #tpu.memory_space<hbm>> -> memref<16x128xf32, #tpu.memory_space<hbm>>
      %dma_wait3A_947 = arith.constant 0 : i32
      %dma_wait3A_948 = arith.constant 0 : i32
      %dma_wait3A_949 = tpu.memref_slice %arg14[%dma_wait3A_938, %dma_wait3A_939, %dma_wait3A_947, %dma_wait3A_948] : memref<2x20x16x128xf32, #tpu.memory_space<vmem>> -> memref<1x1x16x128xf32, #tpu.memory_space<vmem>>
      %dma_wait3A_950 = tpu.memref_squeeze %dma_wait3A_949 : memref<1x1x16x128xf32, #tpu.memory_space<vmem>> -> memref<16x128xf32, #tpu.memory_space<vmem>>
      %dma_wait3A_951 = arith.constant 0 : i32
      %dma_wait3A_952 = arith.constant 0 : i32
      %dma_wait3A_953 = tpu.memref_slice %arg2[%dma_wait3A_951, %dma_wait3A_952] : memref<1000000x128xf32, #tpu.memory_space<hbm>> -> memref<16x128xf32, #tpu.memory_space<hbm>>
      tpu.wait_dma2 semaphore(%arg18 : memref<!tpu.dma_semaphore, #tpu.memory_space<semaphore_mem>>) src(%dma_wait3A_953 : memref<16x128xf32, #tpu.memory_space<hbm>>) dst(%dma_wait3A_950 : memref<16x128xf32, #tpu.memory_space<vmem>>)
      %dma_wait3A_954 = arith.constant 1 : i32
      %dma_wait3A_955 = arith.constant 15 : i32
      %dma_wait3A_956 = arith.constant 0 : i32
      %dma_wait3A_957 = arith.constant 0 : i32
      %dma_wait3A_958 = tpu.memref_slice %arg14[%dma_wait3A_954, %dma_wait3A_955, %dma_wait3A_956, %dma_wait3A_957] : memref<2x20x16x128xf32, #tpu.memory_space<vmem>> -> memref<1x1x16x128xf32, #tpu.memory_space<vmem>>
      %dma_wait3A_959 = tpu.memref_squeeze %dma_wait3A_958 : memref<1x1x16x128xf32, #tpu.memory_space<vmem>> -> memref<16x128xf32, #tpu.memory_space<vmem>>
      %dma_wait3A_960 = arith.constant 0 : i32
      %dma_wait3A_961 = arith.constant 0 : i32
      %dma_wait3A_962 = tpu.memref_slice %arg2[%dma_wait3A_960, %dma_wait3A_961] : memref<1000000x128xf32, #tpu.memory_space<hbm>> -> memref<16x128xf32, #tpu.memory_space<hbm>>
      %dma_wait3A_963 = arith.constant 0 : i32
      %dma_wait3A_964 = arith.constant 0 : i32
      %dma_wait3A_965 = tpu.memref_slice %arg14[%dma_wait3A_954, %dma_wait3A_955, %dma_wait3A_963, %dma_wait3A_964] : memref<2x20x16x128xf32, #tpu.memory_space<vmem>> -> memref<1x1x16x128xf32, #tpu.memory_space<vmem>>
      %dma_wait3A_966 = tpu.memref_squeeze %dma_wait3A_965 : memref<1x1x16x128xf32, #tpu.memory_space<vmem>> -> memref<16x128xf32, #tpu.memory_space<vmem>>
      %dma_wait3A_967 = arith.constant 0 : i32
      %dma_wait3A_968 = arith.constant 0 : i32
      %dma_wait3A_969 = tpu.memref_slice %arg2[%dma_wait3A_967, %dma_wait3A_968] : memref<1000000x128xf32, #tpu.memory_space<hbm>> -> memref<16x128xf32, #tpu.memory_space<hbm>>
      tpu.wait_dma2 semaphore(%arg18 : memref<!tpu.dma_semaphore, #tpu.memory_space<semaphore_mem>>) src(%dma_wait3A_969 : memref<16x128xf32, #tpu.memory_space<hbm>>) dst(%dma_wait3A_966 : memref<16x128xf32, #tpu.memory_space<vmem>>)
      %dma_wait3A_970 = arith.constant 1 : i32
      %dma_wait3A_971 = arith.constant 16 : i32
      %dma_wait3A_972 = arith.constant 0 : i32
      %dma_wait3A_973 = arith.constant 0 : i32
      %dma_wait3A_974 = tpu.memref_slice %arg14[%dma_wait3A_970, %dma_wait3A_971, %dma_wait3A_972, %dma_wait3A_973] : memref<2x20x16x128xf32, #tpu.memory_space<vmem>> -> memref<1x1x16x128xf32, #tpu.memory_space<vmem>>
      %dma_wait3A_975 = tpu.memref_squeeze %dma_wait3A_974 : memref<1x1x16x128xf32, #tpu.memory_space<vmem>> -> memref<16x128xf32, #tpu.memory_space<vmem>>
      %dma_wait3A_976 = arith.constant 0 : i32
      %dma_wait3A_977 = arith.constant 0 : i32
      %dma_wait3A_978 = tpu.memref_slice %arg2[%dma_wait3A_976, %dma_wait3A_977] : memref<1000000x128xf32, #tpu.memory_space<hbm>> -> memref<16x128xf32, #tpu.memory_space<hbm>>
      %dma_wait3A_979 = arith.constant 0 : i32
      %dma_wait3A_980 = arith.constant 0 : i32
      %dma_wait3A_981 = tpu.memref_slice %arg14[%dma_wait3A_970, %dma_wait3A_971, %dma_wait3A_979, %dma_wait3A_980] : memref<2x20x16x128xf32, #tpu.memory_space<vmem>> -> memref<1x1x16x128xf32, #tpu.memory_space<vmem>>
      %dma_wait3A_982 = tpu.memref_squeeze %dma_wait3A_981 : memref<1x1x16x128xf32, #tpu.memory_space<vmem>> -> memref<16x128xf32, #tpu.memory_space<vmem>>
      %dma_wait3A_983 = arith.constant 0 : i32
      %dma_wait3A_984 = arith.constant 0 : i32
      %dma_wait3A_985 = tpu.memref_slice %arg2[%dma_wait3A_983, %dma_wait3A_984] : memref<1000000x128xf32, #tpu.memory_space<hbm>> -> memref<16x128xf32, #tpu.memory_space<hbm>>
      tpu.wait_dma2 semaphore(%arg18 : memref<!tpu.dma_semaphore, #tpu.memory_space<semaphore_mem>>) src(%dma_wait3A_985 : memref<16x128xf32, #tpu.memory_space<hbm>>) dst(%dma_wait3A_982 : memref<16x128xf32, #tpu.memory_space<vmem>>)
      %dma_wait3A_986 = arith.constant 1 : i32
      %dma_wait3A_987 = arith.constant 17 : i32
      %dma_wait3A_988 = arith.constant 0 : i32
      %dma_wait3A_989 = arith.constant 0 : i32
      %dma_wait3A_990 = tpu.memref_slice %arg14[%dma_wait3A_986, %dma_wait3A_987, %dma_wait3A_988, %dma_wait3A_989] : memref<2x20x16x128xf32, #tpu.memory_space<vmem>> -> memref<1x1x16x128xf32, #tpu.memory_space<vmem>>
      %dma_wait3A_991 = tpu.memref_squeeze %dma_wait3A_990 : memref<1x1x16x128xf32, #tpu.memory_space<vmem>> -> memref<16x128xf32, #tpu.memory_space<vmem>>
      %dma_wait3A_992 = arith.constant 0 : i32
      %dma_wait3A_993 = arith.constant 0 : i32
      %dma_wait3A_994 = tpu.memref_slice %arg2[%dma_wait3A_992, %dma_wait3A_993] : memref<1000000x128xf32, #tpu.memory_space<hbm>> -> memref<16x128xf32, #tpu.memory_space<hbm>>
      %dma_wait3A_995 = arith.constant 0 : i32
      %dma_wait3A_996 = arith.constant 0 : i32
      %dma_wait3A_997 = tpu.memref_slice %arg14[%dma_wait3A_986, %dma_wait3A_987, %dma_wait3A_995, %dma_wait3A_996] : memref<2x20x16x128xf32, #tpu.memory_space<vmem>> -> memref<1x1x16x128xf32, #tpu.memory_space<vmem>>
      %dma_wait3A_998 = tpu.memref_squeeze %dma_wait3A_997 : memref<1x1x16x128xf32, #tpu.memory_space<vmem>> -> memref<16x128xf32, #tpu.memory_space<vmem>>
      %dma_wait3A_999 = arith.constant 0 : i32
      %dma_wait3A_1000 = arith.constant 0 : i32
      %dma_wait3A_1001 = tpu.memref_slice %arg2[%dma_wait3A_999, %dma_wait3A_1000] : memref<1000000x128xf32, #tpu.memory_space<hbm>> -> memref<16x128xf32, #tpu.memory_space<hbm>>
      tpu.wait_dma2 semaphore(%arg18 : memref<!tpu.dma_semaphore, #tpu.memory_space<semaphore_mem>>) src(%dma_wait3A_1001 : memref<16x128xf32, #tpu.memory_space<hbm>>) dst(%dma_wait3A_998 : memref<16x128xf32, #tpu.memory_space<vmem>>)
      %dma_wait3A_1002 = arith.constant 1 : i32
      %dma_wait3A_1003 = arith.constant 18 : i32
      %dma_wait3A_1004 = arith.constant 0 : i32
      %dma_wait3A_1005 = arith.constant 0 : i32
      %dma_wait3A_1006 = tpu.memref_slice %arg14[%dma_wait3A_1002, %dma_wait3A_1003, %dma_wait3A_1004, %dma_wait3A_1005] : memref<2x20x16x128xf32, #tpu.memory_space<vmem>> -> memref<1x1x16x128xf32, #tpu.memory_space<vmem>>
      %dma_wait3A_1007 = tpu.memref_squeeze %dma_wait3A_1006 : memref<1x1x16x128xf32, #tpu.memory_space<vmem>> -> memref<16x128xf32, #tpu.memory_space<vmem>>
      %dma_wait3A_1008 = arith.constant 0 : i32
      %dma_wait3A_1009 = arith.constant 0 : i32
      %dma_wait3A_1010 = tpu.memref_slice %arg2[%dma_wait3A_1008, %dma_wait3A_1009] : memref<1000000x128xf32, #tpu.memory_space<hbm>> -> memref<16x128xf32, #tpu.memory_space<hbm>>
      %dma_wait3A_1011 = arith.constant 0 : i32
      %dma_wait3A_1012 = arith.constant 0 : i32
      %dma_wait3A_1013 = tpu.memref_slice %arg14[%dma_wait3A_1002, %dma_wait3A_1003, %dma_wait3A_1011, %dma_wait3A_1012] : memref<2x20x16x128xf32, #tpu.memory_space<vmem>> -> memref<1x1x16x128xf32, #tpu.memory_space<vmem>>
      %dma_wait3A_1014 = tpu.memref_squeeze %dma_wait3A_1013 : memref<1x1x16x128xf32, #tpu.memory_space<vmem>> -> memref<16x128xf32, #tpu.memory_space<vmem>>
      %dma_wait3A_1015 = arith.constant 0 : i32
      %dma_wait3A_1016 = arith.constant 0 : i32
      %dma_wait3A_1017 = tpu.memref_slice %arg2[%dma_wait3A_1015, %dma_wait3A_1016] : memref<1000000x128xf32, #tpu.memory_space<hbm>> -> memref<16x128xf32, #tpu.memory_space<hbm>>
      tpu.wait_dma2 semaphore(%arg18 : memref<!tpu.dma_semaphore, #tpu.memory_space<semaphore_mem>>) src(%dma_wait3A_1017 : memref<16x128xf32, #tpu.memory_space<hbm>>) dst(%dma_wait3A_1014 : memref<16x128xf32, #tpu.memory_space<vmem>>)
      %dma_wait3A_1018 = arith.constant 1 : i32
      %dma_wait3A_1019 = arith.constant 19 : i32
      %dma_wait3A_1020 = arith.constant 0 : i32
      %dma_wait3A_1021 = arith.constant 0 : i32
      %dma_wait3A_1022 = tpu.memref_slice %arg14[%dma_wait3A_1018, %dma_wait3A_1019, %dma_wait3A_1020, %dma_wait3A_1021] : memref<2x20x16x128xf32, #tpu.memory_space<vmem>> -> memref<1x1x16x128xf32, #tpu.memory_space<vmem>>
      %dma_wait3A_1023 = tpu.memref_squeeze %dma_wait3A_1022 : memref<1x1x16x128xf32, #tpu.memory_space<vmem>> -> memref<16x128xf32, #tpu.memory_space<vmem>>
      %dma_wait3A_1024 = arith.constant 0 : i32
      %dma_wait3A_1025 = arith.constant 0 : i32
      %dma_wait3A_1026 = tpu.memref_slice %arg2[%dma_wait3A_1024, %dma_wait3A_1025] : memref<1000000x128xf32, #tpu.memory_space<hbm>> -> memref<16x128xf32, #tpu.memory_space<hbm>>
      %dma_wait3A_1027 = arith.constant 0 : i32
      %dma_wait3A_1028 = arith.constant 0 : i32
      %dma_wait3A_1029 = tpu.memref_slice %arg14[%dma_wait3A_1018, %dma_wait3A_1019, %dma_wait3A_1027, %dma_wait3A_1028] : memref<2x20x16x128xf32, #tpu.memory_space<vmem>> -> memref<1x1x16x128xf32, #tpu.memory_space<vmem>>
      %dma_wait3A_1030 = tpu.memref_squeeze %dma_wait3A_1029 : memref<1x1x16x128xf32, #tpu.memory_space<vmem>> -> memref<16x128xf32, #tpu.memory_space<vmem>>
      %dma_wait3A_1031 = arith.constant 0 : i32
      %dma_wait3A_1032 = arith.constant 0 : i32
      %dma_wait3A_1033 = tpu.memref_slice %arg2[%dma_wait3A_1031, %dma_wait3A_1032] : memref<1000000x128xf32, #tpu.memory_space<hbm>> -> memref<16x128xf32, #tpu.memory_space<hbm>>
      tpu.wait_dma2 semaphore(%arg18 : memref<!tpu.dma_semaphore, #tpu.memory_space<semaphore_mem>>) src(%dma_wait3A_1033 : memref<16x128xf32, #tpu.memory_space<hbm>>) dst(%dma_wait3A_1030 : memref<16x128xf32, #tpu.memory_space<vmem>>)
      %scan3A_1034 = arith.constant 0 : i32
      %scan3A_1035 = arith.constant 0 : i32
      %scan3A_1036 = arith.constant 16 : i32
      %scan3A_1037 = arith.addi %scan3A_1035, %scan3A_1036 : i32
      %scan3A_1038 = arith.constant 1 : i32
      scf.for %scan3A_1040 = %scan3A_1035 to %scan3A_1037 step %scan3A_1038  : i32 {
        %broadcast_in_dim3A = arith.constant 0.000000e+00 : f32
        %broadcast_in_dim3A_1041 = vector.broadcast %broadcast_in_dim3A : f32 to vector<16xf32>
        %broadcast_in_dim3A_1042 = arith.constant 0.000000e+00 : f32
        %broadcast_in_dim3A_1043 = vector.broadcast %broadcast_in_dim3A_1042 : f32 to vector<16xf32>
        %get3A = arith.constant 1 : i32
        %get3A_1044 = arith.index_cast %get3A : i32 to index
        %get3A_1045 = arith.index_cast %scan3A_1040 : i32 to index
        %get3A_1046 = arith.constant 0 : index
        %get3A_1047 = tpu.vector_load %arg12[%get3A_1044, %get3A_1045, %get3A_1046] {strides = array<i32>} : memref<2x16x128xf32, #tpu.memory_space<vmem>>, vector<1x1x16xf32>,
        %get3A_1048 = vector.shape_cast %get3A_1047 : vector<1x1x16xf32> to vector<16xf32>
        %get3A_1049 = arith.constant 1 : i32
        %get3A_1050 = arith.index_cast %get3A_1049 : i32 to index
        %get3A_1051 = arith.index_cast %scan3A_1040 : i32 to index
        %get3A_1052 = arith.constant 0 : index
        %get3A_1053 = tpu.vector_load %arg13[%get3A_1050, %get3A_1051, %get3A_1052] {strides = array<i32>} : memref<2x16x128xf32, #tpu.memory_space<vmem>>, vector<1x1x16xf32>,
        %get3A_1054 = vector.shape_cast %get3A_1053 : vector<1x1x16xf32> to vector<16xf32>
        %mul3A_1055 = arith.mulf %get3A_1048, %get3A_1054 : vector<16xf32>
        %add3A_1056 = arith.addf %broadcast_in_dim3A_1041, %mul3A_1055 : vector<16xf32>
        %get3A_1057 = arith.constant 1 : i32
        %get3A_1058 = arith.constant 0 : i32
        %get3A_1059 = arith.index_cast %get3A_1057 : i32 to index
        %get3A_1060 = arith.index_cast %get3A_1058 : i32 to index
        %get3A_1061 = arith.index_cast %scan3A_1040 : i32 to index
        %get3A_1062 = arith.constant 0 : index
        %get3A_1063 = tpu.vector_load %arg14[%get3A_1059, %get3A_1060, %get3A_1061, %get3A_1062] {strides = array<i32>} : memref<2x20x16x128xf32, #tpu.memory_space<vmem>>, vector<1x1x1x16xf32>,
        %get3A_1064 = vector.shape_cast %get3A_1063 : vector<1x1x1x16xf32> to vector<16xf32>
        %get3A_1065 = arith.constant 1 : i32
        %get3A_1066 = arith.constant 1 : i32
        %get3A_1067 = arith.index_cast %get3A_1065 : i32 to index
        %get3A_1068 = arith.index_cast %get3A_1066 : i32 to index
        %get3A_1069 = arith.index_cast %scan3A_1040 : i32 to index
        %get3A_1070 = arith.constant 0 : index
        %get3A_1071 = tpu.vector_load %arg14[%get3A_1067, %get3A_1068, %get3A_1069, %get3A_1070] {strides = array<i32>} : memref<2x20x16x128xf32, #tpu.memory_space<vmem>>, vector<1x1x1x16xf32>,
        %get3A_1072 = vector.shape_cast %get3A_1071 : vector<1x1x1x16xf32> to vector<16xf32>
        %add3A_1073 = arith.addf %get3A_1064, %get3A_1072 : vector<16xf32>
        %get3A_1074 = arith.constant 1 : i32
        %get3A_1075 = arith.constant 2 : i32
        %get3A_1076 = arith.index_cast %get3A_1074 : i32 to index
        %get3A_1077 = arith.index_cast %get3A_1075 : i32 to index
        %get3A_1078 = arith.index_cast %scan3A_1040 : i32 to index
        %get3A_1079 = arith.constant 0 : index
        %get3A_1080 = tpu.vector_load %arg14[%get3A_1076, %get3A_1077, %get3A_1078, %get3A_1079] {strides = array<i32>} : memref<2x20x16x128xf32, #tpu.memory_space<vmem>>, vector<1x1x1x16xf32>,
        %get3A_1081 = vector.shape_cast %get3A_1080 : vector<1x1x1x16xf32> to vector<16xf32>
        %add3A_1082 = arith.addf %add3A_1073, %get3A_1081 : vector<16xf32>
        %get3A_1083 = arith.constant 1 : i32
        %get3A_1084 = arith.constant 3 : i32
        %get3A_1085 = arith.index_cast %get3A_1083 : i32 to index
        %get3A_1086 = arith.index_cast %get3A_1084 : i32 to index
        %get3A_1087 = arith.index_cast %scan3A_1040 : i32 to index
        %get3A_1088 = arith.constant 0 : index
        %get3A_1089 = tpu.vector_load %arg14[%get3A_1085, %get3A_1086, %get3A_1087, %get3A_1088] {strides = array<i32>} : memref<2x20x16x128xf32, #tpu.memory_space<vmem>>, vector<1x1x1x16xf32>,
        %get3A_1090 = vector.shape_cast %get3A_1089 : vector<1x1x1x16xf32> to vector<16xf32>
        %add3A_1091 = arith.addf %add3A_1082, %get3A_1090 : vector<16xf32>
        %get3A_1092 = arith.constant 1 : i32
        %get3A_1093 = arith.constant 4 : i32
        %get3A_1094 = arith.index_cast %get3A_1092 : i32 to index
        %get3A_1095 = arith.index_cast %get3A_1093 : i32 to index
        %get3A_1096 = arith.index_cast %scan3A_1040 : i32 to index
        %get3A_1097 = arith.constant 0 : index
        %get3A_1098 = tpu.vector_load %arg14[%get3A_1094, %get3A_1095, %get3A_1096, %get3A_1097] {strides = array<i32>} : memref<2x20x16x128xf32, #tpu.memory_space<vmem>>, vector<1x1x1x16xf32>,
        %get3A_1099 = vector.shape_cast %get3A_1098 : vector<1x1x1x16xf32> to vector<16xf32>
        %add3A_1100 = arith.addf %add3A_1091, %get3A_1099 : vector<16xf32>
        %get3A_1101 = arith.constant 1 : i32
        %get3A_1102 = arith.constant 5 : i32
        %get3A_1103 = arith.index_cast %get3A_1101 : i32 to index
        %get3A_1104 = arith.index_cast %get3A_1102 : i32 to index
        %get3A_1105 = arith.index_cast %scan3A_1040 : i32 to index
        %get3A_1106 = arith.constant 0 : index
        %get3A_1107 = tpu.vector_load %arg14[%get3A_1103, %get3A_1104, %get3A_1105, %get3A_1106] {strides = array<i32>} : memref<2x20x16x128xf32, #tpu.memory_space<vmem>>, vector<1x1x1x16xf32>,
        %get3A_1108 = vector.shape_cast %get3A_1107 : vector<1x1x1x16xf32> to vector<16xf32>
        %add3A_1109 = arith.addf %add3A_1100, %get3A_1108 : vector<16xf32>
        %get3A_1110 = arith.constant 1 : i32
        %get3A_1111 = arith.constant 6 : i32
        %get3A_1112 = arith.index_cast %get3A_1110 : i32 to index
        %get3A_1113 = arith.index_cast %get3A_1111 : i32 to index
        %get3A_1114 = arith.index_cast %scan3A_1040 : i32 to index
        %get3A_1115 = arith.constant 0 : index
        %get3A_1116 = tpu.vector_load %arg14[%get3A_1112, %get3A_1113, %get3A_1114, %get3A_1115] {strides = array<i32>} : memref<2x20x16x128xf32, #tpu.memory_space<vmem>>, vector<1x1x1x16xf32>,
        %get3A_1117 = vector.shape_cast %get3A_1116 : vector<1x1x1x16xf32> to vector<16xf32>
        %add3A_1118 = arith.addf %add3A_1109, %get3A_1117 : vector<16xf32>
        %get3A_1119 = arith.constant 1 : i32
        %get3A_1120 = arith.constant 7 : i32
        %get3A_1121 = arith.index_cast %get3A_1119 : i32 to index
        %get3A_1122 = arith.index_cast %get3A_1120 : i32 to index
        %get3A_1123 = arith.index_cast %scan3A_1040 : i32 to index
        %get3A_1124 = arith.constant 0 : index
        %get3A_1125 = tpu.vector_load %arg14[%get3A_1121, %get3A_1122, %get3A_1123, %get3A_1124] {strides = array<i32>} : memref<2x20x16x128xf32, #tpu.memory_space<vmem>>, vector<1x1x1x16xf32>,
        %get3A_1126 = vector.shape_cast %get3A_1125 : vector<1x1x1x16xf32> to vector<16xf32>
        %add3A_1127 = arith.addf %add3A_1118, %get3A_1126 : vector<16xf32>
        %get3A_1128 = arith.constant 1 : i32
        %get3A_1129 = arith.constant 8 : i32
        %get3A_1130 = arith.index_cast %get3A_1128 : i32 to index
        %get3A_1131 = arith.index_cast %get3A_1129 : i32 to index
        %get3A_1132 = arith.index_cast %scan3A_1040 : i32 to index
        %get3A_1133 = arith.constant 0 : index
        %get3A_1134 = tpu.vector_load %arg14[%get3A_1130, %get3A_1131, %get3A_1132, %get3A_1133] {strides = array<i32>} : memref<2x20x16x128xf32, #tpu.memory_space<vmem>>, vector<1x1x1x16xf32>,
        %get3A_1135 = vector.shape_cast %get3A_1134 : vector<1x1x1x16xf32> to vector<16xf32>
        %add3A_1136 = arith.addf %add3A_1127, %get3A_1135 : vector<16xf32>
        %get3A_1137 = arith.constant 1 : i32
        %get3A_1138 = arith.constant 9 : i32
        %get3A_1139 = arith.index_cast %get3A_1137 : i32 to index
        %get3A_1140 = arith.index_cast %get3A_1138 : i32 to index
        %get3A_1141 = arith.index_cast %scan3A_1040 : i32 to index
        %get3A_1142 = arith.constant 0 : index
        %get3A_1143 = tpu.vector_load %arg14[%get3A_1139, %get3A_1140, %get3A_1141, %get3A_1142] {strides = array<i32>} : memref<2x20x16x128xf32, #tpu.memory_space<vmem>>, vector<1x1x1x16xf32>,
        %get3A_1144 = vector.shape_cast %get3A_1143 : vector<1x1x1x16xf32> to vector<16xf32>
        %add3A_1145 = arith.addf %add3A_1136, %get3A_1144 : vector<16xf32>
        %get3A_1146 = arith.constant 1 : i32
        %get3A_1147 = arith.constant 10 : i32
        %get3A_1148 = arith.index_cast %get3A_1146 : i32 to index
        %get3A_1149 = arith.index_cast %get3A_1147 : i32 to index
        %get3A_1150 = arith.index_cast %scan3A_1040 : i32 to index
        %get3A_1151 = arith.constant 0 : index
        %get3A_1152 = tpu.vector_load %arg14[%get3A_1148, %get3A_1149, %get3A_1150, %get3A_1151] {strides = array<i32>} : memref<2x20x16x128xf32, #tpu.memory_space<vmem>>, vector<1x1x1x16xf32>,
        %get3A_1153 = vector.shape_cast %get3A_1152 : vector<1x1x1x16xf32> to vector<16xf32>
        %add3A_1154 = arith.addf %add3A_1145, %get3A_1153 : vector<16xf32>
        %get3A_1155 = arith.constant 1 : i32
        %get3A_1156 = arith.constant 11 : i32
        %get3A_1157 = arith.index_cast %get3A_1155 : i32 to index
        %get3A_1158 = arith.index_cast %get3A_1156 : i32 to index
        %get3A_1159 = arith.index_cast %scan3A_1040 : i32 to index
        %get3A_1160 = arith.constant 0 : index
        %get3A_1161 = tpu.vector_load %arg14[%get3A_1157, %get3A_1158, %get3A_1159, %get3A_1160] {strides = array<i32>} : memref<2x20x16x128xf32, #tpu.memory_space<vmem>>, vector<1x1x1x16xf32>,
        %get3A_1162 = vector.shape_cast %get3A_1161 : vector<1x1x1x16xf32> to vector<16xf32>
        %add3A_1163 = arith.addf %add3A_1154, %get3A_1162 : vector<16xf32>
        %get3A_1164 = arith.constant 1 : i32
        %get3A_1165 = arith.constant 12 : i32
        %get3A_1166 = arith.index_cast %get3A_1164 : i32 to index
        %get3A_1167 = arith.index_cast %get3A_1165 : i32 to index
        %get3A_1168 = arith.index_cast %scan3A_1040 : i32 to index
        %get3A_1169 = arith.constant 0 : index
        %get3A_1170 = tpu.vector_load %arg14[%get3A_1166, %get3A_1167, %get3A_1168, %get3A_1169] {strides = array<i32>} : memref<2x20x16x128xf32, #tpu.memory_space<vmem>>, vector<1x1x1x16xf32>,
        %get3A_1171 = vector.shape_cast %get3A_1170 : vector<1x1x1x16xf32> to vector<16xf32>
        %add3A_1172 = arith.addf %add3A_1163, %get3A_1171 : vector<16xf32>
        %get3A_1173 = arith.constant 1 : i32
        %get3A_1174 = arith.constant 13 : i32
        %get3A_1175 = arith.index_cast %get3A_1173 : i32 to index
        %get3A_1176 = arith.index_cast %get3A_1174 : i32 to index
        %get3A_1177 = arith.index_cast %scan3A_1040 : i32 to index
        %get3A_1178 = arith.constant 0 : index
        %get3A_1179 = tpu.vector_load %arg14[%get3A_1175, %get3A_1176, %get3A_1177, %get3A_1178] {strides = array<i32>} : memref<2x20x16x128xf32, #tpu.memory_space<vmem>>, vector<1x1x1x16xf32>,
        %get3A_1180 = vector.shape_cast %get3A_1179 : vector<1x1x1x16xf32> to vector<16xf32>
        %add3A_1181 = arith.addf %add3A_1172, %get3A_1180 : vector<16xf32>
        %get3A_1182 = arith.constant 1 : i32
        %get3A_1183 = arith.constant 14 : i32
        %get3A_1184 = arith.index_cast %get3A_1182 : i32 to index
        %get3A_1185 = arith.index_cast %get3A_1183 : i32 to index
        %get3A_1186 = arith.index_cast %scan3A_1040 : i32 to index
        %get3A_1187 = arith.constant 0 : index
        %get3A_1188 = tpu.vector_load %arg14[%get3A_1184, %get3A_1185, %get3A_1186, %get3A_1187] {strides = array<i32>} : memref<2x20x16x128xf32, #tpu.memory_space<vmem>>, vector<1x1x1x16xf32>,
        %get3A_1189 = vector.shape_cast %get3A_1188 : vector<1x1x1x16xf32> to vector<16xf32>
        %add3A_1190 = arith.addf %add3A_1181, %get3A_1189 : vector<16xf32>
        %get3A_1191 = arith.constant 1 : i32
        %get3A_1192 = arith.constant 15 : i32
        %get3A_1193 = arith.index_cast %get3A_1191 : i32 to index
        %get3A_1194 = arith.index_cast %get3A_1192 : i32 to index
        %get3A_1195 = arith.index_cast %scan3A_1040 : i32 to index
        %get3A_1196 = arith.constant 0 : index
        %get3A_1197 = tpu.vector_load %arg14[%get3A_1193, %get3A_1194, %get3A_1195, %get3A_1196] {strides = array<i32>} : memref<2x20x16x128xf32, #tpu.memory_space<vmem>>, vector<1x1x1x16xf32>,
        %get3A_1198 = vector.shape_cast %get3A_1197 : vector<1x1x1x16xf32> to vector<16xf32>
        %add3A_1199 = arith.addf %add3A_1190, %get3A_1198 : vector<16xf32>
        %get3A_1200 = arith.constant 1 : i32
        %get3A_1201 = arith.constant 16 : i32
        %get3A_1202 = arith.index_cast %get3A_1200 : i32 to index
        %get3A_1203 = arith.index_cast %get3A_1201 : i32 to index
        %get3A_1204 = arith.index_cast %scan3A_1040 : i32 to index
        %get3A_1205 = arith.constant 0 : index
        %get3A_1206 = tpu.vector_load %arg14[%get3A_1202, %get3A_1203, %get3A_1204, %get3A_1205] {strides = array<i32>} : memref<2x20x16x128xf32, #tpu.memory_space<vmem>>, vector<1x1x1x16xf32>,
        %get3A_1207 = vector.shape_cast %get3A_1206 : vector<1x1x1x16xf32> to vector<16xf32>
        %add3A_1208 = arith.addf %add3A_1199, %get3A_1207 : vector<16xf32>
        %get3A_1209 = arith.constant 1 : i32
        %get3A_1210 = arith.constant 17 : i32
        %get3A_1211 = arith.index_cast %get3A_1209 : i32 to index
        %get3A_1212 = arith.index_cast %get3A_1210 : i32 to index
        %get3A_1213 = arith.index_cast %scan3A_1040 : i32 to index
        %get3A_1214 = arith.constant 0 : index
        %get3A_1215 = tpu.vector_load %arg14[%get3A_1211, %get3A_1212, %get3A_1213, %get3A_1214] {strides = array<i32>} : memref<2x20x16x128xf32, #tpu.memory_space<vmem>>, vector<1x1x1x16xf32>,
        %get3A_1216 = vector.shape_cast %get3A_1215 : vector<1x1x1x16xf32> to vector<16xf32>
        %add3A_1217 = arith.addf %add3A_1208, %get3A_1216 : vector<16xf32>
        %get3A_1218 = arith.constant 1 : i32
        %get3A_1219 = arith.constant 18 : i32
        %get3A_1220 = arith.index_cast %get3A_1218 : i32 to index
        %get3A_1221 = arith.index_cast %get3A_1219 : i32 to index
        %get3A_1222 = arith.index_cast %scan3A_1040 : i32 to index
        %get3A_1223 = arith.constant 0 : index
        %get3A_1224 = tpu.vector_load %arg14[%get3A_1220, %get3A_1221, %get3A_1222, %get3A_1223] {strides = array<i32>} : memref<2x20x16x128xf32, #tpu.memory_space<vmem>>, vector<1x1x1x16xf32>,
        %get3A_1225 = vector.shape_cast %get3A_1224 : vector<1x1x1x16xf32> to vector<16xf32>
        %add3A_1226 = arith.addf %add3A_1217, %get3A_1225 : vector<16xf32>
        %get3A_1227 = arith.constant 1 : i32
        %get3A_1228 = arith.constant 19 : i32
        %get3A_1229 = arith.index_cast %get3A_1227 : i32 to index
        %get3A_1230 = arith.index_cast %get3A_1228 : i32 to index
        %get3A_1231 = arith.index_cast %scan3A_1040 : i32 to index
        %get3A_1232 = arith.constant 0 : index
        %get3A_1233 = tpu.vector_load %arg14[%get3A_1229, %get3A_1230, %get3A_1231, %get3A_1232] {strides = array<i32>} : memref<2x20x16x128xf32, #tpu.memory_space<vmem>>, vector<1x1x1x16xf32>,
        %get3A_1234 = vector.shape_cast %get3A_1233 : vector<1x1x1x16xf32> to vector<16xf32>
        %add3A_1235 = arith.addf %add3A_1226, %get3A_1234 : vector<16xf32>
        %mul3A_1236 = arith.mulf %get3A_1048, %add3A_1235 : vector<16xf32>
        %add3A_1237 = arith.addf %broadcast_in_dim3A_1043, %mul3A_1236 : vector<16xf32>
        %get3A_1238 = arith.constant 1 : i32
        %get3A_1239 = arith.index_cast %get3A_1238 : i32 to index
        %get3A_1240 = arith.index_cast %scan3A_1040 : i32 to index
        %get3A_1241 = arith.constant 16 : index
        %get3A_1242 = tpu.vector_load %arg12[%get3A_1239, %get3A_1240, %get3A_1241] {strides = array<i32>} : memref<2x16x128xf32, #tpu.memory_space<vmem>>, vector<1x1x16xf32>,
        %get3A_1243 = vector.shape_cast %get3A_1242 : vector<1x1x16xf32> to vector<16xf32>
        %get3A_1244 = arith.constant 1 : i32
        %get3A_1245 = arith.index_cast %get3A_1244 : i32 to index
        %get3A_1246 = arith.index_cast %scan3A_1040 : i32 to index
        %get3A_1247 = arith.constant 16 : index
        %get3A_1248 = tpu.vector_load %arg13[%get3A_1245, %get3A_1246, %get3A_1247] {strides = array<i32>} : memref<2x16x128xf32, #tpu.memory_space<vmem>>, vector<1x1x16xf32>,
        %get3A_1249 = vector.shape_cast %get3A_1248 : vector<1x1x16xf32> to vector<16xf32>
        %mul3A_1250 = arith.mulf %get3A_1243, %get3A_1249 : vector<16xf32>
        %add3A_1251 = arith.addf %add3A_1056, %mul3A_1250 : vector<16xf32>
        %get3A_1252 = arith.constant 1 : i32
        %get3A_1253 = arith.constant 0 : i32
        %get3A_1254 = arith.index_cast %get3A_1252 : i32 to index
        %get3A_1255 = arith.index_cast %get3A_1253 : i32 to index
        %get3A_1256 = arith.index_cast %scan3A_1040 : i32 to index
        %get3A_1257 = arith.constant 16 : index
        %get3A_1258 = tpu.vector_load %arg14[%get3A_1254, %get3A_1255, %get3A_1256, %get3A_1257] {strides = array<i32>} : memref<2x20x16x128xf32, #tpu.memory_space<vmem>>, vector<1x1x1x16xf32>,
        %get3A_1259 = vector.shape_cast %get3A_1258 : vector<1x1x1x16xf32> to vector<16xf32>
        %get3A_1260 = arith.constant 1 : i32
        %get3A_1261 = arith.constant 1 : i32
        %get3A_1262 = arith.index_cast %get3A_1260 : i32 to index
        %get3A_1263 = arith.index_cast %get3A_1261 : i32 to index
        %get3A_1264 = arith.index_cast %scan3A_1040 : i32 to index
        %get3A_1265 = arith.constant 16 : index
        %get3A_1266 = tpu.vector_load %arg14[%get3A_1262, %get3A_1263, %get3A_1264, %get3A_1265] {strides = array<i32>} : memref<2x20x16x128xf32, #tpu.memory_space<vmem>>, vector<1x1x1x16xf32>,
        %get3A_1267 = vector.shape_cast %get3A_1266 : vector<1x1x1x16xf32> to vector<16xf32>
        %add3A_1268 = arith.addf %get3A_1259, %get3A_1267 : vector<16xf32>
        %get3A_1269 = arith.constant 1 : i32
        %get3A_1270 = arith.constant 2 : i32
        %get3A_1271 = arith.index_cast %get3A_1269 : i32 to index
        %get3A_1272 = arith.index_cast %get3A_1270 : i32 to index
        %get3A_1273 = arith.index_cast %scan3A_1040 : i32 to index
        %get3A_1274 = arith.constant 16 : index
        %get3A_1275 = tpu.vector_load %arg14[%get3A_1271, %get3A_1272, %get3A_1273, %get3A_1274] {strides = array<i32>} : memref<2x20x16x128xf32, #tpu.memory_space<vmem>>, vector<1x1x1x16xf32>,
        %get3A_1276 = vector.shape_cast %get3A_1275 : vector<1x1x1x16xf32> to vector<16xf32>
        %add3A_1277 = arith.addf %add3A_1268, %get3A_1276 : vector<16xf32>
        %get3A_1278 = arith.constant 1 : i32
        %get3A_1279 = arith.constant 3 : i32
        %get3A_1280 = arith.index_cast %get3A_1278 : i32 to index
        %get3A_1281 = arith.index_cast %get3A_1279 : i32 to index
        %get3A_1282 = arith.index_cast %scan3A_1040 : i32 to index
        %get3A_1283 = arith.constant 16 : index
        %get3A_1284 = tpu.vector_load %arg14[%get3A_1280, %get3A_1281, %get3A_1282, %get3A_1283] {strides = array<i32>} : memref<2x20x16x128xf32, #tpu.memory_space<vmem>>, vector<1x1x1x16xf32>,
        %get3A_1285 = vector.shape_cast %get3A_1284 : vector<1x1x1x16xf32> to vector<16xf32>
        %add3A_1286 = arith.addf %add3A_1277, %get3A_1285 : vector<16xf32>
        %get3A_1287 = arith.constant 1 : i32
        %get3A_1288 = arith.constant 4 : i32
        %get3A_1289 = arith.index_cast %get3A_1287 : i32 to index
        %get3A_1290 = arith.index_cast %get3A_1288 : i32 to index
        %get3A_1291 = arith.index_cast %scan3A_1040 : i32 to index
        %get3A_1292 = arith.constant 16 : index
        %get3A_1293 = tpu.vector_load %arg14[%get3A_1289, %get3A_1290, %get3A_1291, %get3A_1292] {strides = array<i32>} : memref<2x20x16x128xf32, #tpu.memory_space<vmem>>, vector<1x1x1x16xf32>,
        %get3A_1294 = vector.shape_cast %get3A_1293 : vector<1x1x1x16xf32> to vector<16xf32>
        %add3A_1295 = arith.addf %add3A_1286, %get3A_1294 : vector<16xf32>
        %get3A_1296 = arith.constant 1 : i32
        %get3A_1297 = arith.constant 5 : i32
        %get3A_1298 = arith.index_cast %get3A_1296 : i32 to index
        %get3A_1299 = arith.index_cast %get3A_1297 : i32 to index
        %get3A_1300 = arith.index_cast %scan3A_1040 : i32 to index
        %get3A_1301 = arith.constant 16 : index
        %get3A_1302 = tpu.vector_load %arg14[%get3A_1298, %get3A_1299, %get3A_1300, %get3A_1301] {strides = array<i32>} : memref<2x20x16x128xf32, #tpu.memory_space<vmem>>, vector<1x1x1x16xf32>,
        %get3A_1303 = vector.shape_cast %get3A_1302 : vector<1x1x1x16xf32> to vector<16xf32>
        %add3A_1304 = arith.addf %add3A_1295, %get3A_1303 : vector<16xf32>
        %get3A_1305 = arith.constant 1 : i32
        %get3A_1306 = arith.constant 6 : i32
        %get3A_1307 = arith.index_cast %get3A_1305 : i32 to index
        %get3A_1308 = arith.index_cast %get3A_1306 : i32 to index
        %get3A_1309 = arith.index_cast %scan3A_1040 : i32 to index
        %get3A_1310 = arith.constant 16 : index
        %get3A_1311 = tpu.vector_load %arg14[%get3A_1307, %get3A_1308, %get3A_1309, %get3A_1310] {strides = array<i32>} : memref<2x20x16x128xf32, #tpu.memory_space<vmem>>, vector<1x1x1x16xf32>,
        %get3A_1312 = vector.shape_cast %get3A_1311 : vector<1x1x1x16xf32> to vector<16xf32>
        %add3A_1313 = arith.addf %add3A_1304, %get3A_1312 : vector<16xf32>
        %get3A_1314 = arith.constant 1 : i32
        %get3A_1315 = arith.constant 7 : i32
        %get3A_1316 = arith.index_cast %get3A_1314 : i32 to index
        %get3A_1317 = arith.index_cast %get3A_1315 : i32 to index
        %get3A_1318 = arith.index_cast %scan3A_1040 : i32 to index
        %get3A_1319 = arith.constant 16 : index
        %get3A_1320 = tpu.vector_load %arg14[%get3A_1316, %get3A_1317, %get3A_1318, %get3A_1319] {strides = array<i32>} : memref<2x20x16x128xf32, #tpu.memory_space<vmem>>, vector<1x1x1x16xf32>,
        %get3A_1321 = vector.shape_cast %get3A_1320 : vector<1x1x1x16xf32> to vector<16xf32>
        %add3A_1322 = arith.addf %add3A_1313, %get3A_1321 : vector<16xf32>
        %get3A_1323 = arith.constant 1 : i32
        %get3A_1324 = arith.constant 8 : i32
        %get3A_1325 = arith.index_cast %get3A_1323 : i32 to index
        %get3A_1326 = arith.index_cast %get3A_1324 : i32 to index
        %get3A_1327 = arith.index_cast %scan3A_1040 : i32 to index
        %get3A_1328 = arith.constant 16 : index
        %get3A_1329 = tpu.vector_load %arg14[%get3A_1325, %get3A_1326, %get3A_1327, %get3A_1328] {strides = array<i32>} : memref<2x20x16x128xf32, #tpu.memory_space<vmem>>, vector<1x1x1x16xf32>,
        %get3A_1330 = vector.shape_cast %get3A_1329 : vector<1x1x1x16xf32> to vector<16xf32>
        %add3A_1331 = arith.addf %add3A_1322, %get3A_1330 : vector<16xf32>
        %get3A_1332 = arith.constant 1 : i32
        %get3A_1333 = arith.constant 9 : i32
        %get3A_1334 = arith.index_cast %get3A_1332 : i32 to index
        %get3A_1335 = arith.index_cast %get3A_1333 : i32 to index
        %get3A_1336 = arith.index_cast %scan3A_1040 : i32 to index
        %get3A_1337 = arith.constant 16 : index
        %get3A_1338 = tpu.vector_load %arg14[%get3A_1334, %get3A_1335, %get3A_1336, %get3A_1337] {strides = array<i32>} : memref<2x20x16x128xf32, #tpu.memory_space<vmem>>, vector<1x1x1x16xf32>,
        %get3A_1339 = vector.shape_cast %get3A_1338 : vector<1x1x1x16xf32> to vector<16xf32>
        %add3A_1340 = arith.addf %add3A_1331, %get3A_1339 : vector<16xf32>
        %get3A_1341 = arith.constant 1 : i32
        %get3A_1342 = arith.constant 10 : i32
        %get3A_1343 = arith.index_cast %get3A_1341 : i32 to index
        %get3A_1344 = arith.index_cast %get3A_1342 : i32 to index
        %get3A_1345 = arith.index_cast %scan3A_1040 : i32 to index
        %get3A_1346 = arith.constant 16 : index
        %get3A_1347 = tpu.vector_load %arg14[%get3A_1343, %get3A_1344, %get3A_1345, %get3A_1346] {strides = array<i32>} : memref<2x20x16x128xf32, #tpu.memory_space<vmem>>, vector<1x1x1x16xf32>,
        %get3A_1348 = vector.shape_cast %get3A_1347 : vector<1x1x1x16xf32> to vector<16xf32>
        %add3A_1349 = arith.addf %add3A_1340, %get3A_1348 : vector<16xf32>
        %get3A_1350 = arith.constant 1 : i32
        %get3A_1351 = arith.constant 11 : i32
        %get3A_1352 = arith.index_cast %get3A_1350 : i32 to index
        %get3A_1353 = arith.index_cast %get3A_1351 : i32 to index
        %get3A_1354 = arith.index_cast %scan3A_1040 : i32 to index
        %get3A_1355 = arith.constant 16 : index
        %get3A_1356 = tpu.vector_load %arg14[%get3A_1352, %get3A_1353, %get3A_1354, %get3A_1355] {strides = array<i32>} : memref<2x20x16x128xf32, #tpu.memory_space<vmem>>, vector<1x1x1x16xf32>,
        %get3A_1357 = vector.shape_cast %get3A_1356 : vector<1x1x1x16xf32> to vector<16xf32>
        %add3A_1358 = arith.addf %add3A_1349, %get3A_1357 : vector<16xf32>
        %get3A_1359 = arith.constant 1 : i32
        %get3A_1360 = arith.constant 12 : i32
        %get3A_1361 = arith.index_cast %get3A_1359 : i32 to index
        %get3A_1362 = arith.index_cast %get3A_1360 : i32 to index
        %get3A_1363 = arith.index_cast %scan3A_1040 : i32 to index
        %get3A_1364 = arith.constant 16 : index
        %get3A_1365 = tpu.vector_load %arg14[%get3A_1361, %get3A_1362, %get3A_1363, %get3A_1364] {strides = array<i32>} : memref<2x20x16x128xf32, #tpu.memory_space<vmem>>, vector<1x1x1x16xf32>,
        %get3A_1366 = vector.shape_cast %get3A_1365 : vector<1x1x1x16xf32> to vector<16xf32>
        %add3A_1367 = arith.addf %add3A_1358, %get3A_1366 : vector<16xf32>
        %get3A_1368 = arith.constant 1 : i32
        %get3A_1369 = arith.constant 13 : i32
        %get3A_1370 = arith.index_cast %get3A_1368 : i32 to index
        %get3A_1371 = arith.index_cast %get3A_1369 : i32 to index
        %get3A_1372 = arith.index_cast %scan3A_1040 : i32 to index
        %get3A_1373 = arith.constant 16 : index
        %get3A_1374 = tpu.vector_load %arg14[%get3A_1370, %get3A_1371, %get3A_1372, %get3A_1373] {strides = array<i32>} : memref<2x20x16x128xf32, #tpu.memory_space<vmem>>, vector<1x1x1x16xf32>,
        %get3A_1375 = vector.shape_cast %get3A_1374 : vector<1x1x1x16xf32> to vector<16xf32>
        %add3A_1376 = arith.addf %add3A_1367, %get3A_1375 : vector<16xf32>
        %get3A_1377 = arith.constant 1 : i32
        %get3A_1378 = arith.constant 14 : i32
        %get3A_1379 = arith.index_cast %get3A_1377 : i32 to index
        %get3A_1380 = arith.index_cast %get3A_1378 : i32 to index
        %get3A_1381 = arith.index_cast %scan3A_1040 : i32 to index
        %get3A_1382 = arith.constant 16 : index
        %get3A_1383 = tpu.vector_load %arg14[%get3A_1379, %get3A_1380, %get3A_1381, %get3A_1382] {strides = array<i32>} : memref<2x20x16x128xf32, #tpu.memory_space<vmem>>, vector<1x1x1x16xf32>,
        %get3A_1384 = vector.shape_cast %get3A_1383 : vector<1x1x1x16xf32> to vector<16xf32>
        %add3A_1385 = arith.addf %add3A_1376, %get3A_1384 : vector<16xf32>
        %get3A_1386 = arith.constant 1 : i32
        %get3A_1387 = arith.constant 15 : i32
        %get3A_1388 = arith.index_cast %get3A_1386 : i32 to index
        %get3A_1389 = arith.index_cast %get3A_1387 : i32 to index
        %get3A_1390 = arith.index_cast %scan3A_1040 : i32 to index
        %get3A_1391 = arith.constant 16 : index
        %get3A_1392 = tpu.vector_load %arg14[%get3A_1388, %get3A_1389, %get3A_1390, %get3A_1391] {strides = array<i32>} : memref<2x20x16x128xf32, #tpu.memory_space<vmem>>, vector<1x1x1x16xf32>,
        %get3A_1393 = vector.shape_cast %get3A_1392 : vector<1x1x1x16xf32> to vector<16xf32>
        %add3A_1394 = arith.addf %add3A_1385, %get3A_1393 : vector<16xf32>
        %get3A_1395 = arith.constant 1 : i32
        %get3A_1396 = arith.constant 16 : i32
        %get3A_1397 = arith.index_cast %get3A_1395 : i32 to index
        %get3A_1398 = arith.index_cast %get3A_1396 : i32 to index
        %get3A_1399 = arith.index_cast %scan3A_1040 : i32 to index
        %get3A_1400 = arith.constant 16 : index
        %get3A_1401 = tpu.vector_load %arg14[%get3A_1397, %get3A_1398, %get3A_1399, %get3A_1400] {strides = array<i32>} : memref<2x20x16x128xf32, #tpu.memory_space<vmem>>, vector<1x1x1x16xf32>,
        %get3A_1402 = vector.shape_cast %get3A_1401 : vector<1x1x1x16xf32> to vector<16xf32>
        %add3A_1403 = arith.addf %add3A_1394, %get3A_1402 : vector<16xf32>
        %get3A_1404 = arith.constant 1 : i32
        %get3A_1405 = arith.constant 17 : i32
        %get3A_1406 = arith.index_cast %get3A_1404 : i32 to index
        %get3A_1407 = arith.index_cast %get3A_1405 : i32 to index
        %get3A_1408 = arith.index_cast %scan3A_1040 : i32 to index
        %get3A_1409 = arith.constant 16 : index
        %get3A_1410 = tpu.vector_load %arg14[%get3A_1406, %get3A_1407, %get3A_1408, %get3A_1409] {strides = array<i32>} : memref<2x20x16x128xf32, #tpu.memory_space<vmem>>, vector<1x1x1x16xf32>,
        %get3A_1411 = vector.shape_cast %get3A_1410 : vector<1x1x1x16xf32> to vector<16xf32>
        %add3A_1412 = arith.addf %add3A_1403, %get3A_1411 : vector<16xf32>
        %get3A_1413 = arith.constant 1 : i32
        %get3A_1414 = arith.constant 18 : i32
        %get3A_1415 = arith.index_cast %get3A_1413 : i32 to index
        %get3A_1416 = arith.index_cast %get3A_1414 : i32 to index
        %get3A_1417 = arith.index_cast %scan3A_1040 : i32 to index
        %get3A_1418 = arith.constant 16 : index
        %get3A_1419 = tpu.vector_load %arg14[%get3A_1415, %get3A_1416, %get3A_1417, %get3A_1418] {strides = array<i32>} : memref<2x20x16x128xf32, #tpu.memory_space<vmem>>, vector<1x1x1x16xf32>,
        %get3A_1420 = vector.shape_cast %get3A_1419 : vector<1x1x1x16xf32> to vector<16xf32>
        %add3A_1421 = arith.addf %add3A_1412, %get3A_1420 : vector<16xf32>
        %get3A_1422 = arith.constant 1 : i32
        %get3A_1423 = arith.constant 19 : i32
        %get3A_1424 = arith.index_cast %get3A_1422 : i32 to index
        %get3A_1425 = arith.index_cast %get3A_1423 : i32 to index
        %get3A_1426 = arith.index_cast %scan3A_1040 : i32 to index
        %get3A_1427 = arith.constant 16 : index
        %get3A_1428 = tpu.vector_load %arg14[%get3A_1424, %get3A_1425, %get3A_1426, %get3A_1427] {strides = array<i32>} : memref<2x20x16x128xf32, #tpu.memory_space<vmem>>, vector<1x1x1x16xf32>,
        %get3A_1429 = vector.shape_cast %get3A_1428 : vector<1x1x1x16xf32> to vector<16xf32>
        %add3A_1430 = arith.addf %add3A_1421, %get3A_1429 : vector<16xf32>
        %mul3A_1431 = arith.mulf %get3A_1243, %add3A_1430 : vector<16xf32>
        %add3A_1432 = arith.addf %add3A_1237, %mul3A_1431 : vector<16xf32>
        %get3A_1433 = arith.constant 1 : i32
        %get3A_1434 = arith.index_cast %get3A_1433 : i32 to index
        %get3A_1435 = arith.index_cast %scan3A_1040 : i32 to index
        %get3A_1436 = arith.constant 32 : index
        %get3A_1437 = tpu.vector_load %arg12[%get3A_1434, %get3A_1435, %get3A_1436] {strides = array<i32>} : memref<2x16x128xf32, #tpu.memory_space<vmem>>, vector<1x1x16xf32>,
        %get3A_1438 = vector.shape_cast %get3A_1437 : vector<1x1x16xf32> to vector<16xf32>
        %get3A_1439 = arith.constant 1 : i32
        %get3A_1440 = arith.index_cast %get3A_1439 : i32 to index
        %get3A_1441 = arith.index_cast %scan3A_1040 : i32 to index
        %get3A_1442 = arith.constant 32 : index
        %get3A_1443 = tpu.vector_load %arg13[%get3A_1440, %get3A_1441, %get3A_1442] {strides = array<i32>} : memref<2x16x128xf32, #tpu.memory_space<vmem>>, vector<1x1x16xf32>,
        %get3A_1444 = vector.shape_cast %get3A_1443 : vector<1x1x16xf32> to vector<16xf32>
        %mul3A_1445 = arith.mulf %get3A_1438, %get3A_1444 : vector<16xf32>
        %add3A_1446 = arith.addf %add3A_1251, %mul3A_1445 : vector<16xf32>
        %get3A_1447 = arith.constant 1 : i32
        %get3A_1448 = arith.constant 0 : i32
        %get3A_1449 = arith.index_cast %get3A_1447 : i32 to index
        %get3A_1450 = arith.index_cast %get3A_1448 : i32 to index
        %get3A_1451 = arith.index_cast %scan3A_1040 : i32 to index
        %get3A_1452 = arith.constant 32 : index
        %get3A_1453 = tpu.vector_load %arg14[%get3A_1449, %get3A_1450, %get3A_1451, %get3A_1452] {strides = array<i32>} : memref<2x20x16x128xf32, #tpu.memory_space<vmem>>, vector<1x1x1x16xf32>,
        %get3A_1454 = vector.shape_cast %get3A_1453 : vector<1x1x1x16xf32> to vector<16xf32>
        %get3A_1455 = arith.constant 1 : i32
        %get3A_1456 = arith.constant 1 : i32
        %get3A_1457 = arith.index_cast %get3A_1455 : i32 to index
        %get3A_1458 = arith.index_cast %get3A_1456 : i32 to index
        %get3A_1459 = arith.index_cast %scan3A_1040 : i32 to index
        %get3A_1460 = arith.constant 32 : index
        %get3A_1461 = tpu.vector_load %arg14[%get3A_1457, %get3A_1458, %get3A_1459, %get3A_1460] {strides = array<i32>} : memref<2x20x16x128xf32, #tpu.memory_space<vmem>>, vector<1x1x1x16xf32>,
        %get3A_1462 = vector.shape_cast %get3A_1461 : vector<1x1x1x16xf32> to vector<16xf32>
        %add3A_1463 = arith.addf %get3A_1454, %get3A_1462 : vector<16xf32>
        %get3A_1464 = arith.constant 1 : i32
        %get3A_1465 = arith.constant 2 : i32
        %get3A_1466 = arith.index_cast %get3A_1464 : i32 to index
        %get3A_1467 = arith.index_cast %get3A_1465 : i32 to index
        %get3A_1468 = arith.index_cast %scan3A_1040 : i32 to index
        %get3A_1469 = arith.constant 32 : index
        %get3A_1470 = tpu.vector_load %arg14[%get3A_1466, %get3A_1467, %get3A_1468, %get3A_1469] {strides = array<i32>} : memref<2x20x16x128xf32, #tpu.memory_space<vmem>>, vector<1x1x1x16xf32>,
        %get3A_1471 = vector.shape_cast %get3A_1470 : vector<1x1x1x16xf32> to vector<16xf32>
        %add3A_1472 = arith.addf %add3A_1463, %get3A_1471 : vector<16xf32>
        %get3A_1473 = arith.constant 1 : i32
        %get3A_1474 = arith.constant 3 : i32
        %get3A_1475 = arith.index_cast %get3A_1473 : i32 to index
        %get3A_1476 = arith.index_cast %get3A_1474 : i32 to index
        %get3A_1477 = arith.index_cast %scan3A_1040 : i32 to index
        %get3A_1478 = arith.constant 32 : index
        %get3A_1479 = tpu.vector_load %arg14[%get3A_1475, %get3A_1476, %get3A_1477, %get3A_1478] {strides = array<i32>} : memref<2x20x16x128xf32, #tpu.memory_space<vmem>>, vector<1x1x1x16xf32>,
        %get3A_1480 = vector.shape_cast %get3A_1479 : vector<1x1x1x16xf32> to vector<16xf32>
        %add3A_1481 = arith.addf %add3A_1472, %get3A_1480 : vector<16xf32>
        %get3A_1482 = arith.constant 1 : i32
        %get3A_1483 = arith.constant 4 : i32
        %get3A_1484 = arith.index_cast %get3A_1482 : i32 to index
        %get3A_1485 = arith.index_cast %get3A_1483 : i32 to index
        %get3A_1486 = arith.index_cast %scan3A_1040 : i32 to index
        %get3A_1487 = arith.constant 32 : index
        %get3A_1488 = tpu.vector_load %arg14[%get3A_1484, %get3A_1485, %get3A_1486, %get3A_1487] {strides = array<i32>} : memref<2x20x16x128xf32, #tpu.memory_space<vmem>>, vector<1x1x1x16xf32>,
        %get3A_1489 = vector.shape_cast %get3A_1488 : vector<1x1x1x16xf32> to vector<16xf32>
        %add3A_1490 = arith.addf %add3A_1481, %get3A_1489 : vector<16xf32>
        %get3A_1491 = arith.constant 1 : i32
        %get3A_1492 = arith.constant 5 : i32
        %get3A_1493 = arith.index_cast %get3A_1491 : i32 to index
        %get3A_1494 = arith.index_cast %get3A_1492 : i32 to index
        %get3A_1495 = arith.index_cast %scan3A_1040 : i32 to index
        %get3A_1496 = arith.constant 32 : index
        %get3A_1497 = tpu.vector_load %arg14[%get3A_1493, %get3A_1494, %get3A_1495, %get3A_1496] {strides = array<i32>} : memref<2x20x16x128xf32, #tpu.memory_space<vmem>>, vector<1x1x1x16xf32>,
        %get3A_1498 = vector.shape_cast %get3A_1497 : vector<1x1x1x16xf32> to vector<16xf32>
        %add3A_1499 = arith.addf %add3A_1490, %get3A_1498 : vector<16xf32>
        %get3A_1500 = arith.constant 1 : i32
        %get3A_1501 = arith.constant 6 : i32
        %get3A_1502 = arith.index_cast %get3A_1500 : i32 to index
        %get3A_1503 = arith.index_cast %get3A_1501 : i32 to index
        %get3A_1504 = arith.index_cast %scan3A_1040 : i32 to index
        %get3A_1505 = arith.constant 32 : index
        %get3A_1506 = tpu.vector_load %arg14[%get3A_1502, %get3A_1503, %get3A_1504, %get3A_1505] {strides = array<i32>} : memref<2x20x16x128xf32, #tpu.memory_space<vmem>>, vector<1x1x1x16xf32>,
        %get3A_1507 = vector.shape_cast %get3A_1506 : vector<1x1x1x16xf32> to vector<16xf32>
        %add3A_1508 = arith.addf %add3A_1499, %get3A_1507 : vector<16xf32>
        %get3A_1509 = arith.constant 1 : i32
        %get3A_1510 = arith.constant 7 : i32
        %get3A_1511 = arith.index_cast %get3A_1509 : i32 to index
        %get3A_1512 = arith.index_cast %get3A_1510 : i32 to index
        %get3A_1513 = arith.index_cast %scan3A_1040 : i32 to index
        %get3A_1514 = arith.constant 32 : index
        %get3A_1515 = tpu.vector_load %arg14[%get3A_1511, %get3A_1512, %get3A_1513, %get3A_1514] {strides = array<i32>} : memref<2x20x16x128xf32, #tpu.memory_space<vmem>>, vector<1x1x1x16xf32>,
        %get3A_1516 = vector.shape_cast %get3A_1515 : vector<1x1x1x16xf32> to vector<16xf32>
        %add3A_1517 = arith.addf %add3A_1508, %get3A_1516 : vector<16xf32>
        %get3A_1518 = arith.constant 1 : i32
        %get3A_1519 = arith.constant 8 : i32
        %get3A_1520 = arith.index_cast %get3A_1518 : i32 to index
        %get3A_1521 = arith.index_cast %get3A_1519 : i32 to index
        %get3A_1522 = arith.index_cast %scan3A_1040 : i32 to index
        %get3A_1523 = arith.constant 32 : index
        %get3A_1524 = tpu.vector_load %arg14[%get3A_1520, %get3A_1521, %get3A_1522, %get3A_1523] {strides = array<i32>} : memref<2x20x16x128xf32, #tpu.memory_space<vmem>>, vector<1x1x1x16xf32>,
        %get3A_1525 = vector.shape_cast %get3A_1524 : vector<1x1x1x16xf32> to vector<16xf32>
        %add3A_1526 = arith.addf %add3A_1517, %get3A_1525 : vector<16xf32>
        %get3A_1527 = arith.constant 1 : i32
        %get3A_1528 = arith.constant 9 : i32
        %get3A_1529 = arith.index_cast %get3A_1527 : i32 to index
        %get3A_1530 = arith.index_cast %get3A_1528 : i32 to index
        %get3A_1531 = arith.index_cast %scan3A_1040 : i32 to index
        %get3A_1532 = arith.constant 32 : index
        %get3A_1533 = tpu.vector_load %arg14[%get3A_1529, %get3A_1530, %get3A_1531, %get3A_1532] {strides = array<i32>} : memref<2x20x16x128xf32, #tpu.memory_space<vmem>>, vector<1x1x1x16xf32>,
        %get3A_1534 = vector.shape_cast %get3A_1533 : vector<1x1x1x16xf32> to vector<16xf32>
        %add3A_1535 = arith.addf %add3A_1526, %get3A_1534 : vector<16xf32>
        %get3A_1536 = arith.constant 1 : i32
        %get3A_1537 = arith.constant 10 : i32
        %get3A_1538 = arith.index_cast %get3A_1536 : i32 to index
        %get3A_1539 = arith.index_cast %get3A_1537 : i32 to index
        %get3A_1540 = arith.index_cast %scan3A_1040 : i32 to index
        %get3A_1541 = arith.constant 32 : index
        %get3A_1542 = tpu.vector_load %arg14[%get3A_1538, %get3A_1539, %get3A_1540, %get3A_1541] {strides = array<i32>} : memref<2x20x16x128xf32, #tpu.memory_space<vmem>>, vector<1x1x1x16xf32>,
        %get3A_1543 = vector.shape_cast %get3A_1542 : vector<1x1x1x16xf32> to vector<16xf32>
        %add3A_1544 = arith.addf %add3A_1535, %get3A_1543 : vector<16xf32>
        %get3A_1545 = arith.constant 1 : i32
        %get3A_1546 = arith.constant 11 : i32
        %get3A_1547 = arith.index_cast %get3A_1545 : i32 to index
        %get3A_1548 = arith.index_cast %get3A_1546 : i32 to index
        %get3A_1549 = arith.index_cast %scan3A_1040 : i32 to index
        %get3A_1550 = arith.constant 32 : index
        %get3A_1551 = tpu.vector_load %arg14[%get3A_1547, %get3A_1548, %get3A_1549, %get3A_1550] {strides = array<i32>} : memref<2x20x16x128xf32, #tpu.memory_space<vmem>>, vector<1x1x1x16xf32>,
        %get3A_1552 = vector.shape_cast %get3A_1551 : vector<1x1x1x16xf32> to vector<16xf32>
        %add3A_1553 = arith.addf %add3A_1544, %get3A_1552 : vector<16xf32>
        %get3A_1554 = arith.constant 1 : i32
        %get3A_1555 = arith.constant 12 : i32
        %get3A_1556 = arith.index_cast %get3A_1554 : i32 to index
        %get3A_1557 = arith.index_cast %get3A_1555 : i32 to index
        %get3A_1558 = arith.index_cast %scan3A_1040 : i32 to index
        %get3A_1559 = arith.constant 32 : index
        %get3A_1560 = tpu.vector_load %arg14[%get3A_1556, %get3A_1557, %get3A_1558, %get3A_1559] {strides = array<i32>} : memref<2x20x16x128xf32, #tpu.memory_space<vmem>>, vector<1x1x1x16xf32>,
        %get3A_1561 = vector.shape_cast %get3A_1560 : vector<1x1x1x16xf32> to vector<16xf32>
        %add3A_1562 = arith.addf %add3A_1553, %get3A_1561 : vector<16xf32>
        %get3A_1563 = arith.constant 1 : i32
        %get3A_1564 = arith.constant 13 : i32
        %get3A_1565 = arith.index_cast %get3A_1563 : i32 to index
        %get3A_1566 = arith.index_cast %get3A_1564 : i32 to index
        %get3A_1567 = arith.index_cast %scan3A_1040 : i32 to index
        %get3A_1568 = arith.constant 32 : index
        %get3A_1569 = tpu.vector_load %arg14[%get3A_1565, %get3A_1566, %get3A_1567, %get3A_1568] {strides = array<i32>} : memref<2x20x16x128xf32, #tpu.memory_space<vmem>>, vector<1x1x1x16xf32>,
        %get3A_1570 = vector.shape_cast %get3A_1569 : vector<1x1x1x16xf32> to vector<16xf32>
        %add3A_1571 = arith.addf %add3A_1562, %get3A_1570 : vector<16xf32>
        %get3A_1572 = arith.constant 1 : i32
        %get3A_1573 = arith.constant 14 : i32
        %get3A_1574 = arith.index_cast %get3A_1572 : i32 to index
        %get3A_1575 = arith.index_cast %get3A_1573 : i32 to index
        %get3A_1576 = arith.index_cast %scan3A_1040 : i32 to index
        %get3A_1577 = arith.constant 32 : index
        %get3A_1578 = tpu.vector_load %arg14[%get3A_1574, %get3A_1575, %get3A_1576, %get3A_1577] {strides = array<i32>} : memref<2x20x16x128xf32, #tpu.memory_space<vmem>>, vector<1x1x1x16xf32>,
        %get3A_1579 = vector.shape_cast %get3A_1578 : vector<1x1x1x16xf32> to vector<16xf32>
        %add3A_1580 = arith.addf %add3A_1571, %get3A_1579 : vector<16xf32>
        %get3A_1581 = arith.constant 1 : i32
        %get3A_1582 = arith.constant 15 : i32
        %get3A_1583 = arith.index_cast %get3A_1581 : i32 to index
        %get3A_1584 = arith.index_cast %get3A_1582 : i32 to index
        %get3A_1585 = arith.index_cast %scan3A_1040 : i32 to index
        %get3A_1586 = arith.constant 32 : index
        %get3A_1587 = tpu.vector_load %arg14[%get3A_1583, %get3A_1584, %get3A_1585, %get3A_1586] {strides = array<i32>} : memref<2x20x16x128xf32, #tpu.memory_space<vmem>>, vector<1x1x1x16xf32>,
        %get3A_1588 = vector.shape_cast %get3A_1587 : vector<1x1x1x16xf32> to vector<16xf32>
        %add3A_1589 = arith.addf %add3A_1580, %get3A_1588 : vector<16xf32>
        %get3A_1590 = arith.constant 1 : i32
        %get3A_1591 = arith.constant 16 : i32
        %get3A_1592 = arith.index_cast %get3A_1590 : i32 to index
        %get3A_1593 = arith.index_cast %get3A_1591 : i32 to index
        %get3A_1594 = arith.index_cast %scan3A_1040 : i32 to index
        %get3A_1595 = arith.constant 32 : index
        %get3A_1596 = tpu.vector_load %arg14[%get3A_1592, %get3A_1593, %get3A_1594, %get3A_1595] {strides = array<i32>} : memref<2x20x16x128xf32, #tpu.memory_space<vmem>>, vector<1x1x1x16xf32>,
        %get3A_1597 = vector.shape_cast %get3A_1596 : vector<1x1x1x16xf32> to vector<16xf32>
        %add3A_1598 = arith.addf %add3A_1589, %get3A_1597 : vector<16xf32>
        %get3A_1599 = arith.constant 1 : i32
        %get3A_1600 = arith.constant 17 : i32
        %get3A_1601 = arith.index_cast %get3A_1599 : i32 to index
        %get3A_1602 = arith.index_cast %get3A_1600 : i32 to index
        %get3A_1603 = arith.index_cast %scan3A_1040 : i32 to index
        %get3A_1604 = arith.constant 32 : index
        %get3A_1605 = tpu.vector_load %arg14[%get3A_1601, %get3A_1602, %get3A_1603, %get3A_1604] {strides = array<i32>} : memref<2x20x16x128xf32, #tpu.memory_space<vmem>>, vector<1x1x1x16xf32>,
        %get3A_1606 = vector.shape_cast %get3A_1605 : vector<1x1x1x16xf32> to vector<16xf32>
        %add3A_1607 = arith.addf %add3A_1598, %get3A_1606 : vector<16xf32>
        %get3A_1608 = arith.constant 1 : i32
        %get3A_1609 = arith.constant 18 : i32
        %get3A_1610 = arith.index_cast %get3A_1608 : i32 to index
        %get3A_1611 = arith.index_cast %get3A_1609 : i32 to index
        %get3A_1612 = arith.index_cast %scan3A_1040 : i32 to index
        %get3A_1613 = arith.constant 32 : index
        %get3A_1614 = tpu.vector_load %arg14[%get3A_1610, %get3A_1611, %get3A_1612, %get3A_1613] {strides = array<i32>} : memref<2x20x16x128xf32, #tpu.memory_space<vmem>>, vector<1x1x1x16xf32>,
        %get3A_1615 = vector.shape_cast %get3A_1614 : vector<1x1x1x16xf32> to vector<16xf32>
        %add3A_1616 = arith.addf %add3A_1607, %get3A_1615 : vector<16xf32>
        %get3A_1617 = arith.constant 1 : i32
        %get3A_1618 = arith.constant 19 : i32
        %get3A_1619 = arith.index_cast %get3A_1617 : i32 to index
        %get3A_1620 = arith.index_cast %get3A_1618 : i32 to index
        %get3A_1621 = arith.index_cast %scan3A_1040 : i32 to index
        %get3A_1622 = arith.constant 32 : index
        %get3A_1623 = tpu.vector_load %arg14[%get3A_1619, %get3A_1620, %get3A_1621, %get3A_1622] {strides = array<i32>} : memref<2x20x16x128xf32, #tpu.memory_space<vmem>>, vector<1x1x1x16xf32>,
        %get3A_1624 = vector.shape_cast %get3A_1623 : vector<1x1x1x16xf32> to vector<16xf32>
        %add3A_1625 = arith.addf %add3A_1616, %get3A_1624 : vector<16xf32>
        %mul3A_1626 = arith.mulf %get3A_1438, %add3A_1625 : vector<16xf32>
        %add3A_1627 = arith.addf %add3A_1432, %mul3A_1626 : vector<16xf32>
        %get3A_1628 = arith.constant 1 : i32
        %get3A_1629 = arith.index_cast %get3A_1628 : i32 to index
        %get3A_1630 = arith.index_cast %scan3A_1040 : i32 to index
        %get3A_1631 = arith.constant 48 : index
        %get3A_1632 = tpu.vector_load %arg12[%get3A_1629, %get3A_1630, %get3A_1631] {strides = array<i32>} : memref<2x16x128xf32, #tpu.memory_space<vmem>>, vector<1x1x16xf32>,
        %get3A_1633 = vector.shape_cast %get3A_1632 : vector<1x1x16xf32> to vector<16xf32>
        %get3A_1634 = arith.constant 1 : i32
        %get3A_1635 = arith.index_cast %get3A_1634 : i32 to index
        %get3A_1636 = arith.index_cast %scan3A_1040 : i32 to index
        %get3A_1637 = arith.constant 48 : index
        %get3A_1638 = tpu.vector_load %arg13[%get3A_1635, %get3A_1636, %get3A_1637] {strides = array<i32>} : memref<2x16x128xf32, #tpu.memory_space<vmem>>, vector<1x1x16xf32>,
        %get3A_1639 = vector.shape_cast %get3A_1638 : vector<1x1x16xf32> to vector<16xf32>
        %mul3A_1640 = arith.mulf %get3A_1633, %get3A_1639 : vector<16xf32>
        %add3A_1641 = arith.addf %add3A_1446, %mul3A_1640 : vector<16xf32>
        %get3A_1642 = arith.constant 1 : i32
        %get3A_1643 = arith.constant 0 : i32
        %get3A_1644 = arith.index_cast %get3A_1642 : i32 to index
        %get3A_1645 = arith.index_cast %get3A_1643 : i32 to index
        %get3A_1646 = arith.index_cast %scan3A_1040 : i32 to index
        %get3A_1647 = arith.constant 48 : index
        %get3A_1648 = tpu.vector_load %arg14[%get3A_1644, %get3A_1645, %get3A_1646, %get3A_1647] {strides = array<i32>} : memref<2x20x16x128xf32, #tpu.memory_space<vmem>>, vector<1x1x1x16xf32>,
        %get3A_1649 = vector.shape_cast %get3A_1648 : vector<1x1x1x16xf32> to vector<16xf32>
        %get3A_1650 = arith.constant 1 : i32
        %get3A_1651 = arith.constant 1 : i32
        %get3A_1652 = arith.index_cast %get3A_1650 : i32 to index
        %get3A_1653 = arith.index_cast %get3A_1651 : i32 to index
        %get3A_1654 = arith.index_cast %scan3A_1040 : i32 to index
        %get3A_1655 = arith.constant 48 : index
        %get3A_1656 = tpu.vector_load %arg14[%get3A_1652, %get3A_1653, %get3A_1654, %get3A_1655] {strides = array<i32>} : memref<2x20x16x128xf32, #tpu.memory_space<vmem>>, vector<1x1x1x16xf32>,
        %get3A_1657 = vector.shape_cast %get3A_1656 : vector<1x1x1x16xf32> to vector<16xf32>
        %add3A_1658 = arith.addf %get3A_1649, %get3A_1657 : vector<16xf32>
        %get3A_1659 = arith.constant 1 : i32
        %get3A_1660 = arith.constant 2 : i32
        %get3A_1661 = arith.index_cast %get3A_1659 : i32 to index
        %get3A_1662 = arith.index_cast %get3A_1660 : i32 to index
        %get3A_1663 = arith.index_cast %scan3A_1040 : i32 to index
        %get3A_1664 = arith.constant 48 : index
        %get3A_1665 = tpu.vector_load %arg14[%get3A_1661, %get3A_1662, %get3A_1663, %get3A_1664] {strides = array<i32>} : memref<2x20x16x128xf32, #tpu.memory_space<vmem>>, vector<1x1x1x16xf32>,
        %get3A_1666 = vector.shape_cast %get3A_1665 : vector<1x1x1x16xf32> to vector<16xf32>
        %add3A_1667 = arith.addf %add3A_1658, %get3A_1666 : vector<16xf32>
        %get3A_1668 = arith.constant 1 : i32
        %get3A_1669 = arith.constant 3 : i32
        %get3A_1670 = arith.index_cast %get3A_1668 : i32 to index
        %get3A_1671 = arith.index_cast %get3A_1669 : i32 to index
        %get3A_1672 = arith.index_cast %scan3A_1040 : i32 to index
        %get3A_1673 = arith.constant 48 : index
        %get3A_1674 = tpu.vector_load %arg14[%get3A_1670, %get3A_1671, %get3A_1672, %get3A_1673] {strides = array<i32>} : memref<2x20x16x128xf32, #tpu.memory_space<vmem>>, vector<1x1x1x16xf32>,
        %get3A_1675 = vector.shape_cast %get3A_1674 : vector<1x1x1x16xf32> to vector<16xf32>
        %add3A_1676 = arith.addf %add3A_1667, %get3A_1675 : vector<16xf32>
        %get3A_1677 = arith.constant 1 : i32
        %get3A_1678 = arith.constant 4 : i32
        %get3A_1679 = arith.index_cast %get3A_1677 : i32 to index
        %get3A_1680 = arith.index_cast %get3A_1678 : i32 to index
        %get3A_1681 = arith.index_cast %scan3A_1040 : i32 to index
        %get3A_1682 = arith.constant 48 : index
        %get3A_1683 = tpu.vector_load %arg14[%get3A_1679, %get3A_1680, %get3A_1681, %get3A_1682] {strides = array<i32>} : memref<2x20x16x128xf32, #tpu.memory_space<vmem>>, vector<1x1x1x16xf32>,
        %get3A_1684 = vector.shape_cast %get3A_1683 : vector<1x1x1x16xf32> to vector<16xf32>
        %add3A_1685 = arith.addf %add3A_1676, %get3A_1684 : vector<16xf32>
        %get3A_1686 = arith.constant 1 : i32
        %get3A_1687 = arith.constant 5 : i32
        %get3A_1688 = arith.index_cast %get3A_1686 : i32 to index
        %get3A_1689 = arith.index_cast %get3A_1687 : i32 to index
        %get3A_1690 = arith.index_cast %scan3A_1040 : i32 to index
        %get3A_1691 = arith.constant 48 : index
        %get3A_1692 = tpu.vector_load %arg14[%get3A_1688, %get3A_1689, %get3A_1690, %get3A_1691] {strides = array<i32>} : memref<2x20x16x128xf32, #tpu.memory_space<vmem>>, vector<1x1x1x16xf32>,
        %get3A_1693 = vector.shape_cast %get3A_1692 : vector<1x1x1x16xf32> to vector<16xf32>
        %add3A_1694 = arith.addf %add3A_1685, %get3A_1693 : vector<16xf32>
        %get3A_1695 = arith.constant 1 : i32
        %get3A_1696 = arith.constant 6 : i32
        %get3A_1697 = arith.index_cast %get3A_1695 : i32 to index
        %get3A_1698 = arith.index_cast %get3A_1696 : i32 to index
        %get3A_1699 = arith.index_cast %scan3A_1040 : i32 to index
        %get3A_1700 = arith.constant 48 : index
        %get3A_1701 = tpu.vector_load %arg14[%get3A_1697, %get3A_1698, %get3A_1699, %get3A_1700] {strides = array<i32>} : memref<2x20x16x128xf32, #tpu.memory_space<vmem>>, vector<1x1x1x16xf32>,
        %get3A_1702 = vector.shape_cast %get3A_1701 : vector<1x1x1x16xf32> to vector<16xf32>
        %add3A_1703 = arith.addf %add3A_1694, %get3A_1702 : vector<16xf32>
        %get3A_1704 = arith.constant 1 : i32
        %get3A_1705 = arith.constant 7 : i32
        %get3A_1706 = arith.index_cast %get3A_1704 : i32 to index
        %get3A_1707 = arith.index_cast %get3A_1705 : i32 to index
        %get3A_1708 = arith.index_cast %scan3A_1040 : i32 to index
        %get3A_1709 = arith.constant 48 : index
        %get3A_1710 = tpu.vector_load %arg14[%get3A_1706, %get3A_1707, %get3A_1708, %get3A_1709] {strides = array<i32>} : memref<2x20x16x128xf32, #tpu.memory_space<vmem>>, vector<1x1x1x16xf32>,
        %get3A_1711 = vector.shape_cast %get3A_1710 : vector<1x1x1x16xf32> to vector<16xf32>
        %add3A_1712 = arith.addf %add3A_1703, %get3A_1711 : vector<16xf32>
        %get3A_1713 = arith.constant 1 : i32
        %get3A_1714 = arith.constant 8 : i32
        %get3A_1715 = arith.index_cast %get3A_1713 : i32 to index
        %get3A_1716 = arith.index_cast %get3A_1714 : i32 to index
        %get3A_1717 = arith.index_cast %scan3A_1040 : i32 to index
        %get3A_1718 = arith.constant 48 : index
        %get3A_1719 = tpu.vector_load %arg14[%get3A_1715, %get3A_1716, %get3A_1717, %get3A_1718] {strides = array<i32>} : memref<2x20x16x128xf32, #tpu.memory_space<vmem>>, vector<1x1x1x16xf32>,
        %get3A_1720 = vector.shape_cast %get3A_1719 : vector<1x1x1x16xf32> to vector<16xf32>
        %add3A_1721 = arith.addf %add3A_1712, %get3A_1720 : vector<16xf32>
        %get3A_1722 = arith.constant 1 : i32
        %get3A_1723 = arith.constant 9 : i32
        %get3A_1724 = arith.index_cast %get3A_1722 : i32 to index
        %get3A_1725 = arith.index_cast %get3A_1723 : i32 to index
        %get3A_1726 = arith.index_cast %scan3A_1040 : i32 to index
        %get3A_1727 = arith.constant 48 : index
        %get3A_1728 = tpu.vector_load %arg14[%get3A_1724, %get3A_1725, %get3A_1726, %get3A_1727] {strides = array<i32>} : memref<2x20x16x128xf32, #tpu.memory_space<vmem>>, vector<1x1x1x16xf32>,
        %get3A_1729 = vector.shape_cast %get3A_1728 : vector<1x1x1x16xf32> to vector<16xf32>
        %add3A_1730 = arith.addf %add3A_1721, %get3A_1729 : vector<16xf32>
        %get3A_1731 = arith.constant 1 : i32
        %get3A_1732 = arith.constant 10 : i32
        %get3A_1733 = arith.index_cast %get3A_1731 : i32 to index
        %get3A_1734 = arith.index_cast %get3A_1732 : i32 to index
        %get3A_1735 = arith.index_cast %scan3A_1040 : i32 to index
        %get3A_1736 = arith.constant 48 : index
        %get3A_1737 = tpu.vector_load %arg14[%get3A_1733, %get3A_1734, %get3A_1735, %get3A_1736] {strides = array<i32>} : memref<2x20x16x128xf32, #tpu.memory_space<vmem>>, vector<1x1x1x16xf32>,
        %get3A_1738 = vector.shape_cast %get3A_1737 : vector<1x1x1x16xf32> to vector<16xf32>
        %add3A_1739 = arith.addf %add3A_1730, %get3A_1738 : vector<16xf32>
        %get3A_1740 = arith.constant 1 : i32
        %get3A_1741 = arith.constant 11 : i32
        %get3A_1742 = arith.index_cast %get3A_1740 : i32 to index
        %get3A_1743 = arith.index_cast %get3A_1741 : i32 to index
        %get3A_1744 = arith.index_cast %scan3A_1040 : i32 to index
        %get3A_1745 = arith.constant 48 : index
        %get3A_1746 = tpu.vector_load %arg14[%get3A_1742, %get3A_1743, %get3A_1744, %get3A_1745] {strides = array<i32>} : memref<2x20x16x128xf32, #tpu.memory_space<vmem>>, vector<1x1x1x16xf32>,
        %get3A_1747 = vector.shape_cast %get3A_1746 : vector<1x1x1x16xf32> to vector<16xf32>
        %add3A_1748 = arith.addf %add3A_1739, %get3A_1747 : vector<16xf32>
        %get3A_1749 = arith.constant 1 : i32
        %get3A_1750 = arith.constant 12 : i32
        %get3A_1751 = arith.index_cast %get3A_1749 : i32 to index
        %get3A_1752 = arith.index_cast %get3A_1750 : i32 to index
        %get3A_1753 = arith.index_cast %scan3A_1040 : i32 to index
        %get3A_1754 = arith.constant 48 : index
        %get3A_1755 = tpu.vector_load %arg14[%get3A_1751, %get3A_1752, %get3A_1753, %get3A_1754] {strides = array<i32>} : memref<2x20x16x128xf32, #tpu.memory_space<vmem>>, vector<1x1x1x16xf32>,
        %get3A_1756 = vector.shape_cast %get3A_1755 : vector<1x1x1x16xf32> to vector<16xf32>
        %add3A_1757 = arith.addf %add3A_1748, %get3A_1756 : vector<16xf32>
        %get3A_1758 = arith.constant 1 : i32
        %get3A_1759 = arith.constant 13 : i32
        %get3A_1760 = arith.index_cast %get3A_1758 : i32 to index
        %get3A_1761 = arith.index_cast %get3A_1759 : i32 to index
        %get3A_1762 = arith.index_cast %scan3A_1040 : i32 to index
        %get3A_1763 = arith.constant 48 : index
        %get3A_1764 = tpu.vector_load %arg14[%get3A_1760, %get3A_1761, %get3A_1762, %get3A_1763] {strides = array<i32>} : memref<2x20x16x128xf32, #tpu.memory_space<vmem>>, vector<1x1x1x16xf32>,
        %get3A_1765 = vector.shape_cast %get3A_1764 : vector<1x1x1x16xf32> to vector<16xf32>
        %add3A_1766 = arith.addf %add3A_1757, %get3A_1765 : vector<16xf32>
        %get3A_1767 = arith.constant 1 : i32
        %get3A_1768 = arith.constant 14 : i32
        %get3A_1769 = arith.index_cast %get3A_1767 : i32 to index
        %get3A_1770 = arith.index_cast %get3A_1768 : i32 to index
        %get3A_1771 = arith.index_cast %scan3A_1040 : i32 to index
        %get3A_1772 = arith.constant 48 : index
        %get3A_1773 = tpu.vector_load %arg14[%get3A_1769, %get3A_1770, %get3A_1771, %get3A_1772] {strides = array<i32>} : memref<2x20x16x128xf32, #tpu.memory_space<vmem>>, vector<1x1x1x16xf32>,
        %get3A_1774 = vector.shape_cast %get3A_1773 : vector<1x1x1x16xf32> to vector<16xf32>
        %add3A_1775 = arith.addf %add3A_1766, %get3A_1774 : vector<16xf32>
        %get3A_1776 = arith.constant 1 : i32
        %get3A_1777 = arith.constant 15 : i32
        %get3A_1778 = arith.index_cast %get3A_1776 : i32 to index
        %get3A_1779 = arith.index_cast %get3A_1777 : i32 to index
        %get3A_1780 = arith.index_cast %scan3A_1040 : i32 to index
        %get3A_1781 = arith.constant 48 : index
        %get3A_1782 = tpu.vector_load %arg14[%get3A_1778, %get3A_1779, %get3A_1780, %get3A_1781] {strides = array<i32>} : memref<2x20x16x128xf32, #tpu.memory_space<vmem>>, vector<1x1x1x16xf32>,
        %get3A_1783 = vector.shape_cast %get3A_1782 : vector<1x1x1x16xf32> to vector<16xf32>
        %add3A_1784 = arith.addf %add3A_1775, %get3A_1783 : vector<16xf32>
        %get3A_1785 = arith.constant 1 : i32
        %get3A_1786 = arith.constant 16 : i32
        %get3A_1787 = arith.index_cast %get3A_1785 : i32 to index
        %get3A_1788 = arith.index_cast %get3A_1786 : i32 to index
        %get3A_1789 = arith.index_cast %scan3A_1040 : i32 to index
        %get3A_1790 = arith.constant 48 : index
        %get3A_1791 = tpu.vector_load %arg14[%get3A_1787, %get3A_1788, %get3A_1789, %get3A_1790] {strides = array<i32>} : memref<2x20x16x128xf32, #tpu.memory_space<vmem>>, vector<1x1x1x16xf32>,
        %get3A_1792 = vector.shape_cast %get3A_1791 : vector<1x1x1x16xf32> to vector<16xf32>
        %add3A_1793 = arith.addf %add3A_1784, %get3A_1792 : vector<16xf32>
        %get3A_1794 = arith.constant 1 : i32
        %get3A_1795 = arith.constant 17 : i32
        %get3A_1796 = arith.index_cast %get3A_1794 : i32 to index
        %get3A_1797 = arith.index_cast %get3A_1795 : i32 to index
        %get3A_1798 = arith.index_cast %scan3A_1040 : i32 to index
        %get3A_1799 = arith.constant 48 : index
        %get3A_1800 = tpu.vector_load %arg14[%get3A_1796, %get3A_1797, %get3A_1798, %get3A_1799] {strides = array<i32>} : memref<2x20x16x128xf32, #tpu.memory_space<vmem>>, vector<1x1x1x16xf32>,
        %get3A_1801 = vector.shape_cast %get3A_1800 : vector<1x1x1x16xf32> to vector<16xf32>
        %add3A_1802 = arith.addf %add3A_1793, %get3A_1801 : vector<16xf32>
        %get3A_1803 = arith.constant 1 : i32
        %get3A_1804 = arith.constant 18 : i32
        %get3A_1805 = arith.index_cast %get3A_1803 : i32 to index
        %get3A_1806 = arith.index_cast %get3A_1804 : i32 to index
        %get3A_1807 = arith.index_cast %scan3A_1040 : i32 to index
        %get3A_1808 = arith.constant 48 : index
        %get3A_1809 = tpu.vector_load %arg14[%get3A_1805, %get3A_1806, %get3A_1807, %get3A_1808] {strides = array<i32>} : memref<2x20x16x128xf32, #tpu.memory_space<vmem>>, vector<1x1x1x16xf32>,
        %get3A_1810 = vector.shape_cast %get3A_1809 : vector<1x1x1x16xf32> to vector<16xf32>
        %add3A_1811 = arith.addf %add3A_1802, %get3A_1810 : vector<16xf32>
        %get3A_1812 = arith.constant 1 : i32
        %get3A_1813 = arith.constant 19 : i32
        %get3A_1814 = arith.index_cast %get3A_1812 : i32 to index
        %get3A_1815 = arith.index_cast %get3A_1813 : i32 to index
        %get3A_1816 = arith.index_cast %scan3A_1040 : i32 to index
        %get3A_1817 = arith.constant 48 : index
        %get3A_1818 = tpu.vector_load %arg14[%get3A_1814, %get3A_1815, %get3A_1816, %get3A_1817] {strides = array<i32>} : memref<2x20x16x128xf32, #tpu.memory_space<vmem>>, vector<1x1x1x16xf32>,
        %get3A_1819 = vector.shape_cast %get3A_1818 : vector<1x1x1x16xf32> to vector<16xf32>
        %add3A_1820 = arith.addf %add3A_1811, %get3A_1819 : vector<16xf32>
        %mul3A_1821 = arith.mulf %get3A_1633, %add3A_1820 : vector<16xf32>
        %add3A_1822 = arith.addf %add3A_1627, %mul3A_1821 : vector<16xf32>
        %mul3A_1823 = arith.constant 16 : i32
        %mul3A_1824 = arith.muli %add3A_676, %mul3A_1823 : i32
        %add3A_1825 = arith.addi %mul3A_1824, %scan3A_1040 : i32
        %jit3A = arith.constant 8 : i32
        %div3A = arith.divsi %add3A_1825, %jit3A : i32
        %sign3A = arith.constant 0 : i32
        %sign3A_1826 = arith.cmpi sgt, %add3A_1825, %sign3A : i32
        %sign3A_1827 = arith.extui %sign3A_1826 : i1 to i32
        %sign3A_1828 = arith.constant 0 : i32
        %sign3A_1829 = arith.cmpi slt, %add3A_1825, %sign3A_1828 : i32
        %sign3A_1830 = arith.extui %sign3A_1829 : i1 to i32
        %sign3A_1831 = arith.subi %sign3A_1827, %sign3A_1830 : i32
        %sign3A_1832 = arith.constant 0 : i32
        %sign3A_1833 = arith.cmpi sgt, %jit3A, %sign3A_1832 : i32
        %sign3A_1834 = arith.extui %sign3A_1833 : i1 to i32
        %sign3A_1835 = arith.constant 0 : i32
        %sign3A_1836 = arith.cmpi slt, %jit3A, %sign3A_1835 : i32
        %sign3A_1837 = arith.extui %sign3A_1836 : i1 to i32
        %sign3A_1838 = arith.subi %sign3A_1834, %sign3A_1837 : i32
        %ne3A = arith.cmpi ne, %sign3A_1831, %sign3A_1838 : i32
        %rem3A = arith.remsi %add3A_1825, %jit3A : i32
        %ne3A_1839 = arith.constant 0 : i32
        %ne3A_1840 = arith.cmpi ne, %rem3A, %ne3A_1839 : i32
        %and3A = arith.andi %ne3A, %ne3A_1840 : i1
        %sub3A = arith.constant 1 : i32
        %sub3A_1841 = arith.subi %div3A, %sub3A : i32
        %select_n3A = arith.select %and3A, %sub3A_1841, %div3A : i32
        %jit3A_1842 = arith.constant 8 : i32
        %eq3A = arith.constant 0 : i32
        %eq3A_1843 = arith.cmpi eq, %jit3A_1842, %eq3A : i32
        %jit3A_1844 = arith.constant 1 : i32
        %select_n3A_1845 = arith.select %eq3A_1843, %jit3A_1844, %jit3A_1842 : i32
        %rem3A_1846 = arith.remsi %add3A_1825, %select_n3A_1845 : i32
        %ne3A_1847 = arith.constant 0 : i32
        %ne3A_1848 = arith.cmpi ne, %rem3A_1846, %ne3A_1847 : i32
        %lt3A_1849 = arith.constant 0 : i32
        %lt3A_1850 = arith.cmpi slt, %rem3A_1846, %lt3A_1849 : i32
        %lt3A_1851 = arith.constant 0 : i32
        %lt3A_1852 = arith.cmpi slt, %select_n3A_1845, %lt3A_1851 : i32
        %ne3A_1853 = arith.xori %lt3A_1850, %lt3A_1852 : i1
        %and3A_1854 = arith.andi %ne3A_1853, %ne3A_1848 : i1
        %add3A_1855 = arith.addi %rem3A_1846, %select_n3A_1845 : i32
        %select_n3A_1856 = arith.select %and3A_1854, %add3A_1855, %rem3A_1846 : i32
        %mul3A_1857 = arith.constant 16 : i32
        %mul3A_1858 = arith.muli %select_n3A_1856, %mul3A_1857 : i32
        %swap3A = arith.index_cast %select_n3A : i32 to index
        %swap3A_1859 = arith.index_cast %mul3A_1858 : i32 to index
        %swap3A_1860 = tpu.vector_load %arg15[%swap3A, %swap3A_1859] {strides = array<i32>} : memref<64x128xf32, #tpu.memory_space<vmem>>, vector<1x16xf32>,
        %swap3A_1861 = vector.shape_cast %swap3A_1860 : vector<1x16xf32> to vector<16xf32>
        %swap3A_1862 = vector.shape_cast %add3A_1641 : vector<16xf32> to vector<1x16xf32>
        tpu.vector_store %arg15[%swap3A, %swap3A_1859], %swap3A_1862 {strides = array<i32>} : memref<64x128xf32, #tpu.memory_space<vmem>>, vector<1x16xf32>,
        %swap3A_1863 = arith.index_cast %select_n3A : i32 to index
        %swap3A_1864 = arith.index_cast %mul3A_1858 : i32 to index
        %swap3A_1865 = tpu.vector_load %arg16[%swap3A_1863, %swap3A_1864] {strides = array<i32>} : memref<64x128xf32, #tpu.memory_space<vmem>>, vector<1x16xf32>,
        %swap3A_1866 = vector.shape_cast %swap3A_1865 : vector<1x16xf32> to vector<16xf32>
        %swap3A_1867 = vector.shape_cast %add3A_1822 : vector<16xf32> to vector<1x16xf32>
        tpu.vector_store %arg16[%swap3A_1863, %swap3A_1864], %swap3A_1867 {strides = array<i32>} : memref<64x128xf32, #tpu.memory_space<vmem>>, vector<1x16xf32>,
      }
      %scan3A_1039 = arith.constant 16 : i32
    }
    %scan3A_308 = arith.constant 16 : i32
    "tpu.region"() ({
      %run_scoped3A = tpu.sem_alloc : memref<!tpu.dma_semaphore, #tpu.memory_space<semaphore_mem>>
      %dma_start3A_309 = arith.constant 0 : i32
      %dma_start3A_310 = arith.constant 0 : i32
      %dma_start3A_311 = tpu.memref_slice %arg7[%add3A, %dma_start3A_309, %dma_start3A_310] : memref<32x64x128xf32, #tpu.memory_space<hbm>> -> memref<1x64x128xf32, #tpu.memory_space<hbm>>
      %dma_start3A_312 = tpu.memref_squeeze %dma_start3A_311 : memref<1x64x128xf32, #tpu.memory_space<hbm>> -> memref<64x128xf32, #tpu.memory_space<hbm>>
      %dma_start3A_313 = arith.constant 0 : i32
      %dma_start3A_314 = arith.constant 0 : i32
      %dma_start3A_315 = tpu.memref_slice %arg7[%add3A, %dma_start3A_313, %dma_start3A_314] : memref<32x64x128xf32, #tpu.memory_space<hbm>> -> memref<1x64x128xf32, #tpu.memory_space<hbm>>
      %dma_start3A_316 = tpu.memref_squeeze %dma_start3A_315 : memref<1x64x128xf32, #tpu.memory_space<hbm>> -> memref<64x128xf32, #tpu.memory_space<hbm>>
      tpu.enqueue_dma source(%arg15 : memref<64x128xf32, #tpu.memory_space<vmem>>) target(%dma_start3A_316 : memref<64x128xf32, #tpu.memory_space<hbm>>) target_semaphore(%run_scoped3A : memref<!tpu.dma_semaphore, #tpu.memory_space<semaphore_mem>>)
      %dma_wait3A = arith.constant 0 : i32
      %dma_wait3A_317 = arith.constant 0 : i32
      %dma_wait3A_318 = tpu.memref_slice %arg7[%add3A, %dma_wait3A, %dma_wait3A_317] : memref<32x64x128xf32, #tpu.memory_space<hbm>> -> memref<1x64x128xf32, #tpu.memory_space<hbm>>
      %dma_wait3A_319 = tpu.memref_squeeze %dma_wait3A_318 : memref<1x64x128xf32, #tpu.memory_space<hbm>> -> memref<64x128xf32, #tpu.memory_space<hbm>>
      %dma_wait3A_320 = arith.constant 0 : i32
      %dma_wait3A_321 = arith.constant 0 : i32
      %dma_wait3A_322 = tpu.memref_slice %arg7[%add3A, %dma_wait3A_320, %dma_wait3A_321] : memref<32x64x128xf32, #tpu.memory_space<hbm>> -> memref<1x64x128xf32, #tpu.memory_space<hbm>>
      %dma_wait3A_323 = tpu.memref_squeeze %dma_wait3A_322 : memref<1x64x128xf32, #tpu.memory_space<hbm>> -> memref<64x128xf32, #tpu.memory_space<hbm>>
      tpu.wait_dma2 semaphore(%run_scoped3A : memref<!tpu.dma_semaphore, #tpu.memory_space<semaphore_mem>>) src(%arg15 : memref<64x128xf32, #tpu.memory_space<vmem>>) dst(%dma_wait3A_323 : memref<64x128xf32, #tpu.memory_space<hbm>>)
      tpu.yield
    }) : () -> ()
    "tpu.region"() ({
      %run_scoped3A = tpu.sem_alloc : memref<!tpu.dma_semaphore, #tpu.memory_space<semaphore_mem>>
      %dma_start3A_309 = arith.constant 0 : i32
      %dma_start3A_310 = arith.constant 0 : i32
      %dma_start3A_311 = tpu.memref_slice %arg8[%add3A, %dma_start3A_309, %dma_start3A_310] : memref<32x64x128xf32, #tpu.memory_space<hbm>> -> memref<1x64x128xf32, #tpu.memory_space<hbm>>
      %dma_start3A_312 = tpu.memref_squeeze %dma_start3A_311 : memref<1x64x128xf32, #tpu.memory_space<hbm>> -> memref<64x128xf32, #tpu.memory_space<hbm>>
      %dma_start3A_313 = arith.constant 0 : i32
      %dma_start3A_314 = arith.constant 0 : i32
      %dma_start3A_315 = tpu.memref_slice %arg8[%add3A, %dma_start3A_313, %dma_start3A_314] : memref<32x64x128xf32, #tpu.memory_space<hbm>> -> memref<1x64x128xf32, #tpu.memory_space<hbm>>
      %dma_start3A_316 = tpu.memref_squeeze %dma_start3A_315 : memref<1x64x128xf32, #tpu.memory_space<hbm>> -> memref<64x128xf32, #tpu.memory_space<hbm>>
      tpu.enqueue_dma source(%arg16 : memref<64x128xf32, #tpu.memory_space<vmem>>) target(%dma_start3A_316 : memref<64x128xf32, #tpu.memory_space<hbm>>) target_semaphore(%run_scoped3A : memref<!tpu.dma_semaphore, #tpu.memory_space<semaphore_mem>>)
      %dma_wait3A = arith.constant 0 : i32
      %dma_wait3A_317 = arith.constant 0 : i32
      %dma_wait3A_318 = tpu.memref_slice %arg8[%add3A, %dma_wait3A, %dma_wait3A_317] : memref<32x64x128xf32, #tpu.memory_space<hbm>> -> memref<1x64x128xf32, #tpu.memory_space<hbm>>
      %dma_wait3A_319 = tpu.memref_squeeze %dma_wait3A_318 : memref<1x64x128xf32, #tpu.memory_space<hbm>> -> memref<64x128xf32, #tpu.memory_space<hbm>>
      %dma_wait3A_320 = arith.constant 0 : i32
      %dma_wait3A_321 = arith.constant 0 : i32
      %dma_wait3A_322 = tpu.memref_slice %arg8[%add3A, %dma_wait3A_320, %dma_wait3A_321] : memref<32x64x128xf32, #tpu.memory_space<hbm>> -> memref<1x64x128xf32, #tpu.memory_space<hbm>>
      %dma_wait3A_323 = tpu.memref_squeeze %dma_wait3A_322 : memref<1x64x128xf32, #tpu.memory_space<hbm>> -> memref<64x128xf32, #tpu.memory_space<hbm>>
      tpu.wait_dma2 semaphore(%run_scoped3A : memref<!tpu.dma_semaphore, #tpu.memory_space<semaphore_mem>>) src(%arg16 : memref<64x128xf32, #tpu.memory_space<vmem>>) dst(%dma_wait3A_323 : memref<64x128xf32, #tpu.memory_space<hbm>>)
      tpu.yield
    }) : () -> ()
    return
  }
}

module attributes {stable_mosaic.version = 14 : i64} {
  func.func @_tc_body(%arg0: memref<16384x16xf32, #tpu.memory_space<vmem>>, %arg1: memref<16384x16xf32, #tpu.memory_space<vmem>>, %arg2: memref<1x1xf32, #tpu.memory_space<smem>>) attributes {dimension_semantics = [], scalar_prefetch = 0 : i64, scratch_operands = 0 : i64, tpu.core_type = #tpu.core_type<tc>} {
    %get3A = arith.constant 0 : index
    %get3A_0 = arith.constant 0 : index
    %get3A_1 = vector.load %arg0[%get3A, %get3A_0] : memref<16384x16xf32, #tpu.memory_space<vmem>>, vector<16384x16xf32>
    %reduce_sum3A = arith.constant dense<0.000000e+00> : vector<16384xf32>
    %reduce_sum3A_2 = vector.multi_reduction <add>, %get3A_1, %reduce_sum3A [1] : vector<16384x16xf32> to vector<16384xf32>
    %broadcast_in_dim3A = vector.shape_cast %reduce_sum3A_2 : vector<16384xf32> to vector<16384x1xf32>
    %get3A_3 = arith.constant 0 : index
    %get3A_4 = arith.constant 0 : index
    %get3A_5 = vector.load %arg1[%get3A_3, %get3A_4] : memref<16384x16xf32, #tpu.memory_space<vmem>>, vector<16384x16xf32>
    %reduce_sum3A_6 = arith.constant dense<0.000000e+00> : vector<16384xf32>
    %reduce_sum3A_7 = vector.multi_reduction <add>, %get3A_5, %reduce_sum3A_6 [1] : vector<16384x16xf32> to vector<16384xf32>
    %broadcast_in_dim3A_8 = vector.shape_cast %reduce_sum3A_7 : vector<16384xf32> to vector<16384x1xf32>
    %min3A = arith.constant 0.000000e+00 : f32
    %min3A_9 = vector.broadcast %min3A : f32 to vector<16384x1xf32>
    %min3A_10 = arith.minimumf %broadcast_in_dim3A, %min3A_9 : vector<16384x1xf32>
    %abs3A = math.absf %broadcast_in_dim3A : vector<16384x1xf32>
    %neg3A = arith.constant 0.000000e+00 : f32
    %neg3A_11 = vector.broadcast %neg3A : f32 to vector<16384x1xf32>
    %neg3A_12 = arith.subf %neg3A_11, %abs3A : vector<16384x1xf32>
    %exp3A = math.exp %neg3A_12 : vector<16384x1xf32>
    %log1p3A = math.log1p %exp3A : vector<16384x1xf32>
    %sub3A = arith.subf %min3A_10, %log1p3A : vector<16384x1xf32>
    %neg3A_13 = arith.constant 0.000000e+00 : f32
    %neg3A_14 = vector.broadcast %neg3A_13 : f32 to vector<16384x1xf32>
    %neg3A_15 = arith.subf %neg3A_14, %broadcast_in_dim3A_8 : vector<16384x1xf32>
    %min3A_16 = arith.constant 0.000000e+00 : f32
    %min3A_17 = vector.broadcast %min3A_16 : f32 to vector<16384x1xf32>
    %min3A_18 = arith.minimumf %neg3A_15, %min3A_17 : vector<16384x1xf32>
    %abs3A_19 = math.absf %neg3A_15 : vector<16384x1xf32>
    %neg3A_20 = arith.constant 0.000000e+00 : f32
    %neg3A_21 = vector.broadcast %neg3A_20 : f32 to vector<16384x1xf32>
    %neg3A_22 = arith.subf %neg3A_21, %abs3A_19 : vector<16384x1xf32>
    %exp3A_23 = math.exp %neg3A_22 : vector<16384x1xf32>
    %log1p3A_24 = math.log1p %exp3A_23 : vector<16384x1xf32>
    %sub3A_25 = arith.subf %min3A_18, %log1p3A_24 : vector<16384x1xf32>
    %add3A = arith.addf %sub3A, %sub3A_25 : vector<16384x1xf32>
    %reduce_sum3A_26 = vector.shape_cast %add3A : vector<16384x1xf32> to vector<1x16384x1xf32>
    %reduce_sum3A_27 = arith.constant dense<0.000000e+00> : vector<1xf32>
    %reduce_sum3A_28 = vector.multi_reduction <add>, %reduce_sum3A_26, %reduce_sum3A_27 [1, 2] : vector<1x16384x1xf32> to vector<1xf32>
    %reduce_sum3A_29 = vector.shape_cast %reduce_sum3A_28 : vector<1xf32> to vector<1x1x1xf32>
    %reduce_sum3A_30 = vector.extract %reduce_sum3A_29[0, 0, 0] : f32 from vector<1x1x1xf32>
    %neg3A_31 = arith.constant 0.000000e+00 : f32
    %neg3A_32 = arith.subf %neg3A_31, %reduce_sum3A_30 : f32
    %div3A = arith.constant 1.638400e+04 : f32
    %div3A_33 = arith.divf %neg3A_32, %div3A : f32
    %swap3A = arith.constant 0 : index
    %swap3A_34 = arith.constant 0 : index
    %swap3A_35 = memref.load %arg2[%swap3A, %swap3A_34] : memref<1x1xf32, #tpu.memory_space<smem>>
    memref.store %div3A_33, %arg2[%swap3A, %swap3A_34] : memref<1x1xf32, #tpu.memory_space<smem>>
    return
  }
}

</mosaic_0001>

<sc_bundles>
// kernel: kernel.4.cloned.1.call-start
scs
__scs_entry_jumppad:
0x0: {  	(pc) =	sbr.rel $0x88, $3  }
0x1: {  	(tag) =	ssettag $0x0;
	lr =	simm.s32 $0x1  }
0x2: {  	[smem:$0x3F9C] =	sst lr;
	_ =	strace $0xD0000000  }
0x3: {  	_ = 	snop  }
0x4: {  	_ = 	snop  }
0x5: {  	_ = 	snop  }
0x6: {  	_ = 	snop  }
0x7: {  	_ = 	snop  }
__scs_overlays_trampoline_lowered:
0x8: {  	[smem:$0x3FAB] =	sst s0  }
0x9: {  	[smem:$0x3FAC] =	sst s1  }
0xa: {  	[smem:$0x3FAD] =	sst s2  }
0xb: {  	[smem:$0x3FAE] =	sst s3  }
0xc: {  	[smem:$0x3FAF] =	sst s4  }
0xd: {  	[smem:$0x3FB0] =	sst s5  }
0xe: {  	[smem:$0x3FB1] =	sst s6  }
0xf: {  	[smem:$0x3FB2] =	sst s7  }
0x10: {  	[smem:$0x3FB3] =	sst s8  }
0x11: {  	[smem:$0x3FB4] =	sst s9;
	s0 =	simm.s32 @!p0 $0x0  }
0x12: {  	s1 =	sld [smem:$0x3F9A];
	s0 =	simm.s32 @p0 $0x1  }
0x13: {  	[smem:$0x3FB5] =	sst s0;
	s0 =	simm.s32 @!p1 $0x0  }
0x14: {  	s2 =	sld [smem:$0x3F99];
	s0 =	simm.s32 @p1 $0x1  }
0x15: {  	[smem:$0x3FB6] =	sst s0;
	s0 =	simm.s32 @!p2 $0x0  }
0x16: {  	s3 =	sld [smem:$0x3FDB];
	s0 =	simm.s32 @p2 $0x1  }
0x17: {  	s4 =	simm.s32 $0x1BF5;
	[smem:$0x3FB8] =	sst s0  }
0x18: {  	s0 =	sld [smem:$0x3F9B];
	_ =	swait.ge [sflag:s4], $0x0  }
0x19: {  	s7 =	sld [smem:$0x3F9C]  }
0x1a: {  	s8 =	sadd.s32 $0xFFFFE003, lr  }
0x1b: {  	s9 =	sadd.s32 $0xFFFFFEF7, lr;
	s5 =	simm.s32 $0xFFFFFFFF;
	p2 =	slt.u32 s8, $0xFFFFF086  }
0x1c: {  	p1 =	slt.u32 s9, $0xF7A;
	s5 =	simm.s32 @!p2 $0x0  }
0x1d: {  	s5 =	simm.s32 @p1 $0x1;
	p0 =	seq.s32 s7, s2  }
0x1e: {  	s7 =	smul.u32 @!p0 $0xF7A, s2;
	p2 =	seq.s32 @!p0 s5, $0x0  }
0x1f: {  	s9 =	smul.u32 $0xF7A, s1;
	s8 =	simm.s32 @!p0 $0x1BF5;
	p2 =	por !p2, p0  }
0x20: {  	[sflag:s8] =	ssyncset.s32 @!p0 $0xFFFFF086;
	s6 =	sadd.s32 @!p0 s3, s7;
	s7 =	simm.s32 @!p0 $0x108  }
0x21: {  	s3 =	sadd.s32 s3, s9;
	s6 =	sadd.s32 @!p0 $0x88, s6;
	s7 =	simm.s32 @p2 $0x1082  }
0x22: {  	[simem:s7], [sflag:s8] =	dma.local @!p0 [hbm:s6], $0xF7A  }
0x23: {  	s9 =	sor.u32 $0xD0000000, s2;
	s6 =	simm.s32 $0x108;
	_ =	swait.ge @!p0 [sflag:s8], $0x0  }
0x24: {  	s3 =	sadd.s32 $0x88, s3;
	s6 =	simm.s32 @!p1 $0x1082;
	[sflag:s4] =	ssyncset.s32 $0xFFFFF086  }
0x25: {  	[simem:s6], [sflag:s4] =	dma.local [hbm:s3], $0xF7A  }
0x26: {  	[smem:$0x3F9C] =	sst s1;
	(tag) =	ssettag s2;
	_ =	strace s9  }
0x27: {  	s1 =	sld [smem:$0x3FAC]  }
0x28: {  	s2 =	sld [smem:$0x3FAD]  }
0x29: {  	s4 =	sld [smem:$0x3FAF]  }
0x2a: {  	p0 =	seq.s32 s5, $0x0;
	s5 =	sld [smem:$0x3FB0]  }
0x2b: {  	s6 =	sld [smem:$0x3FB1]  }
0x2c: {  	s7 =	sld [smem:$0x3FB2]  }
0x2d: {  	s3 =	simm.s32 $0x108;
	s8 =	sld [smem:$0x3FB3]  }
0x2e: {  	s3 =	simm.s32 @!p0 $0x1082;
	s9 =	sld [smem:$0x3FB4]  }
0x2f: {  	lr =	sadd.s32 s0, s3;
	s0 =	sld [smem:$0x3FAB]  }
0x30: {  	s3 =	sld [smem:$0x3FAE]  }
0x31: {  	[smem:$0x3FB7] =	sst s10  }
0x32: {  	s10 =	sld [smem:$0x3FB5];
	_ =	sdelay $0x3  }
0x33: {  	p0 =	seq.s32 s10, $0x1;
	s10 =	sld [smem:$0x3FB7];
	_ =	sdelay $0x3  }
0x34: {  	[smem:$0x3FB7] =	sst s10  }
0x35: {  	s10 =	sld [smem:$0x3FB6];
	_ =	sdelay $0x3  }
0x36: {  	p1 =	seq.s32 s10, $0x1;
	s10 =	sld [smem:$0x3FB7];
	_ =	sdelay $0x3  }
0x37: {  	[smem:$0x3FB7] =	sst s10  }
0x38: {  	s10 =	sld [smem:$0x3FB8]  }
0x39: {  	_ = 	snop;
	(pc) =	sbr.ind lr, $3  }
0x3a: {  	_ = 	snop  }
0x3b: {  	_ = 	snop  }
0x3c: {  	p2 =	seq.s32 s10, $0x1;
	s10 =	sld [smem:$0x3FB7]  }
0x3d: {  	_ =	shalt  }
0x3e: {  	_ =	shalt  }
0x3f: {  	_ =	shalt  }
0x40: {  	_ =	shalt  }
0x41: {  	_ =	shalt  }
0x42: {  	_ =	shalt  }
0x43: {  	_ =	shalt  }
0x44: {  	_ =	shalt  }
0x45: {  	_ =	shalt  }
0x46: {  	_ =	shalt  }
0x47: {  	_ =	shalt  }
0x48: {  	_ =	shalt  }
0x49: {  	_ =	shalt  }
0x4a: {  	_ =	shalt  }
0x4b: {  	_ =	shalt  }
0x4c: {  	_ =	shalt  }
0x4d: {  	_ =	shalt  }
0x4e: {  	_ =	shalt  }
0x4f: {  	_ =	shalt  }
0x50: {  	_ =	shalt  }
0x51: {  	_ =	shalt  }
0x52: {  	_ =	shalt  }
0x53: {  	_ =	shalt  }
0x54: {  	_ =	shalt  }
0x55: {  	_ =	shalt  }
0x56: {  	_ =	shalt  }
0x57: {  	_ =	shalt  }
0x58: {  	_ =	shalt  }
0x59: {  	_ =	shalt  }
0x5a: {  	_ =	shalt  }
0x5b: {  	_ =	shalt  }
0x5c: {  	_ =	shalt  }
0x5d: {  	_ =	shalt  }
0x5e: {  	_ =	shalt  }
0x5f: {  	_ =	shalt  }
0x60: {  	_ =	shalt  }
0x61: {  	_ =	shalt  }
0x62: {  	_ =	shalt  }
0x63: {  	_ =	shalt  }
0x64: {  	_ =	shalt  }
0x65: {  	_ =	shalt  }
0x66: {  	_ =	shalt  }
0x67: {  	_ =	shalt  }
0x68: {  	_ =	shalt  }
0x69: {  	_ =	shalt  }
0x6a: {  	_ =	shalt  }
0x6b: {  	_ =	shalt  }
0x6c: {  	_ =	shalt  }
0x6d: {  	_ =	shalt  }
0x6e: {  	_ =	shalt  }
0x6f: {  	_ =	shalt  }
0x70: {  	_ =	shalt  }
0x71: {  	_ =	shalt  }
0x72: {  	_ =	shalt  }
0x73: {  	_ =	shalt  }
0x74: {  	_ =	shalt  }
0x75: {  	_ =	shalt  }
0x76: {  	_ =	shalt  }
0x77: {  	_ =	shalt  }
0x78: {  	_ =	shalt  }
0x79: {  	_ =	shalt  }
0x7a: {  	_ =	shalt  }
0x7b: {  	_ =	shalt  }
0x7c: {  	_ =	shalt  }
0x7d: {  	_ =	shalt  }
0x7e: {  	_ =	shalt  }
0x7f: {  	_ =	shalt  }
0x80: {  	_ =	shalt  }
0x81: {  	_ =	shalt  }
0x82: {  	_ =	shalt  }
0x83: {  	_ =	shalt  }
0x84: {  	_ =	shalt  }
0x85: {  	_ =	shalt  }
0x86: {  	_ =	shalt  }
0x87: {  	_ =	shalt  }
.Lfunc_end0:
.L_simem_size_0:
called_computation_lowered:
.L_overlay_start_0:
0x88: {  	s2 =	sld [smem:$0x3FD9]  }
0x89: {  	s3 =	sld [smem:$0x3FFE];
	_ =	sdelay $0x1  }
0x8a: {  	s1 =	srdreg.scid  }
0x8b: {  	s0 =	sand.u32 $0x1, s1  }
0x8c: {  	s17 =	sshll.u32 s0, $0xA;
	s2 =	sadd.s32 s3, s2  }
0x8d: {  	s2 =	sadd.s32 s2, s17  }
0x8e: {  	[smem:$0x3FC3] =	sst s2  }
0x8f: {  	_ = 	snop  }
0x90: {  	s2 =	sld [smem:$0x3FC9]  }
0x91: {  	s18 =	sld [smem:$0x3FC8];
	(tm) =	ssettm $0x1  }
0x92: {  	s4 =	sld [smem:$0x3FFB];
	_ =	sdelay $0x3  }
0x93: {  	_ =	strace s4  }
0x94: {  	s4 =	sld [smem:$0x3FFC];
	_ =	sdelay $0x3  }
0x95: {  	_ =	strace s4  }
0x96: {  	s4 =	sld [smem:$0x3FFD];
	_ =	sdelay $0x3  }
0x97: {  	_ =	strace s4  }
0x98: {  	_ =	strace $0x8FFFFFFF  }
0x99: {  	s19 =	sld [smem:$0x3FDB];
	_ =	sdelay $0x1  }
0x9a: {  	s5 =	simm.s32 $_scs_section_size  }
0x9b: {  	s6 =	simm.s32 $_size__tile_overlayer_lowered;
	s7 =	simm.s32 $_tile_overlayer_lowered  }
0x9c: {  	s22 =	simm.s32 $0x1BFF;
	s21 =	sshll.u32 s7, $0x1;
	s4 =	sadd.s32 s5, s19  }
0x9d: {  	s8 =	simm.s32 $0x0;
	s20 =	sshll.u32 s6, $0x1;
	s6 =	sadd.s32 s21, s4  }
0x9e: {  	[timem:s8], [sflag:s22] =	dma.local [hbm:s6], s20  }
0x9f: {  	_ =	swait.ge [sflag:s22], s20  }
0xa0: {  	s5 =	ssub.s32 $0x0, s20;
	[sflag:s22] =	ssyncset.done $0x0  }
0xa1: {  	[sflag:s22] =	ssyncadd.s32 s5;
	_ =	sdelay $0x1  }
0xa2: {  	s23 =	simm.s32 $0x1B8B  }
0xa3: {  	_ =	swait.ge [sflag:s23], $0x1  }
0xa4: {  	[sflag:s23] =	ssyncset.done $0x0  }
0xa5: {  	s25 =	simm.s32 $0x1B8E;
	s24 =	sld [smem:$0x3FFE];
	[sflag:s23] =	ssyncadd.s32 $0xFFFFFFFF  }
0xa6: {  	s26 =	simm.s32 $execute0_lowered;
	[smem:$0x3FD2] =	sst s25  }
0xa7: {  	s6 =	sshll.u32 s26, $0x1;
	_ =	strace $0x80000046;
	[dreg:$0x1] =	wrdreg $0xFFFFFFFF  }
0xa8: {  	s28 =	simm.s32 $_size_execute0_lowered;
	s4 =	sadd.s32 s4, s6;
	[dreg:$0x0] =	wrdreg $0x0  }
0xa9: {  	s6 =	sshll.u32 s28, $0x1;
	[dreg:$0x2] =	wrdreg s4  }
0xaa: {  	[dreg:$0x3] =	wrdreg s6  }
0xab: {  	[dreg:$0x4] =	wrdreg $0xC0  }
0xac: {  	_ =	task [dreg:s8], $0x5FFFF  }
0xad: {  	[dreg:$0x1] =	wrdreg $0xFFFFFFFF  }
0xae: {  	[dreg:$0x0] =	wrdreg $0x60  }
0xaf: {  	[dreg:$0x2] =	wrdreg s24  }
0xb0: {  	[dreg:$0x3] =	wrdreg s2  }
0xb1: {  	[dreg:$0x4] =	wrdreg s18  }
0xb2: {  	[dreg:$0x5] =	wrdreg $0x9  }
0xb3: {  	_ =	task.clear_ibuf [dreg:s8], $0x6FFFF;
	_ =	strace $0x90000046  }
0xb4: {  	s29 =	simm.s32 $0x9;
	_ =	strace $0x80000048  }
0xb5: {  	_ =	swait.ge [sflag:s29], $0x1  }
0xb6: {  	[sflag:s29] =	ssyncadd.s32 $0xFFFFFFFF  }
0xb7: {  	_ =	strace $0x90000048  }
0xb8: {  	_ =	sfence  }
0xb9: {  	s30 =	sld [smem:$0x0];
	_ =	sdelay $0x2  }
0xba: {  	s31 =	sshll.u32 s1, $0xD;
	s1 =	sshrl.u32 s1, $0x2  }
0xbb: {  	s3 =	sand.u32 $0x4000, s31;
	s1 =	sadd.s32 s1, s30  }
0xbc: {  	s0 =	sor.u32 s3, s0;
	s1 =	sshll.u32 s1, $0x11  }
0xbd: {  	s0 =	sor.u32 s1, s0  }
0xbe: {  	s0 =	sadd.s32 $0x8F2B, s0  }
0xbf: {  	[sflag:s0] =	ssyncadd.remote.s32 $0x1  }
0xc0: {  	_ =	sfence.sel $0xFFFF  }
0xc1: {  	[dreg:$0x0] =	wrdreg $0xFFFFFFFF;
	(pc) =	sbr.abs _section_cstart, $3  }
0xc2: {  	[dreg:$0x1] =	wrdreg $0xFFFFFFFF  }
0xc3: {  	_ =	task.clear_ibuf [dreg:s8], $0x2FFFF;
	_ =	strace $0x9FFFFFFF  }
0xc4: {  	(tm) =	ssettm $0x7FFFFFFF  }
0xc5: {  	_ =	shalt  }
tec
execute0_lowered:
.L_overlay_start_1:
0x0: {  	(tag) =	ssettag $0x1  }
0x1: {  	s0 =	rddreg [dreg:$0x0]  }
0x2: {  	s1 =	rddreg [dreg:$0x1]  }
0x3: {  	s2 =	rddreg [dreg:$0x2]  }
0x4: {  	s3 =	srdreg.scid;
	s4 =	stileid.u32  }
0x5: {  	s10 =	simm.s32 $0x0;
	s14 =	simm.s32 $0x10;
	s16 =	simm.s32 $0x11400  }
0x6: {  	s17 =	simm.s32 $0x11C00;
	s19 =	simm.s32 $0x12400;
	s21 =	simm.s32 $0x12C00  }
0x7: {  	s28 =	simm.s32 $0x14400;
	s30 =	simm.s32 $0x14C00;
	s18 =	simm.s32 $0x15C00  }
0x8: {  	s31 =	simm.s32 $0x17400;
	s20 =	simm.s32 $0x17C00;
	s29 =	simm.s32 $0x18400  }
0x9: {  	s5 =	sand.u32 $0x1, s3;
	s22 =	sshll.u32 s4, $0x1;
	[smem:$0x7FF] =	sst s10  }
0xa: {  	s3 =	sadd.s32 $0x1E85200, s0;
	s4 =	sadd.s32 $0xA00, s0;
	s6 =	sor.u32 s5, s22  }
0xb: {  	_ =	strace $0x80000047;
	s5 =	ssub.s32 $0x2, s5;
	s7 =	smul.u32 $0x500, s6  }
0xc: {  	s8 =	sshll.u32 s6, $0xA;
	s9 =	sshrl.u32 s5, $0x1;
	s6 =	sshll.u32 s6, $0x6  }
0xd: {  	s22 =	simm.s32 $0x16400;
	s5 =	ssub.s32 s5, s9;
	s1 =	sadd.s32 s1, s6  }
0xe: {  	s23 =	sadd.s32 s2, s6;
	s6 =	simm.s32 $0x0;
	[dreg:$0x4] =	wrdreg s1  }
0xf: {  	s7 =	sadd.s32 s7, s0;
	[dreg:$0x5] =	wrdreg s23;
	s26 =	smax.u32 s5, $0x1  }
0x10: {  	s0 =	sadd.s32 s8, s0;
	s24 =	sadd.s32 $0xF42E00, s7;
	[dreg:$0x9] =	wrdreg s26  }
0x11: {  	s5 =	simm.s32 $0x3;
	s25 =	sadd.s32 $0xF4CE00, s0;
	[dreg:$0x6] =	wrdreg s24  }
0x12: {  	s23 =	simm.s32 $0x13400;
	s0 =	sadd.s32 $0xF54E00, s0;
	[dreg:$0x7] =	wrdreg s25  }
0x13: {  	s1 =	simm.s32 $0x2;
	s26 =	simm.s32 $0x16C00;
	[dreg:$0x8] =	wrdreg s0  }
0x14: {  	s25 =	simm.s32 $0x13C00;
	s0 =	simm.s32 $0x15400;
	s24 =	simm.s32 $0x1  }
.LBB2_1:
0x15: {  	[dreg:$0xa] =	wrdreg s6  }
0x16: {  	s2 =	rddreg [dreg:$0x4]  }
0x17: {  	[tilespmem:s10], [sflag:$0x3] =	stream.linear.gather [hbm4b:s2+s10], $0x200, $0x38;
	[tilespmem:$0x1CC00] =	vst v63  }
0x18: {  	_ =	swait.ge [sflag:s5], $0x200  }
0x19: {  	[sflag:s5] =	ssyncset.done $0x0  }
0x1a: {  	s12 =	simm.s32 $0x200;
	s11 =	rddreg [dreg:$0x5];
	[sflag:s5] =	ssyncadd.s32 $0xFFFFFE00  }
0x1b: {  	[tilespmem:s12], [sflag:$0x3] =	stream.linear.gather [hbm4b:s11+s10], $0x200, $0x38;
	[tilespmem:$0x1CC00] =	vst v63  }
0x1c: {  	_ =	swait.ge [sflag:s5], $0x200  }
0x1d: {  	[sflag:s5] =	ssyncset.done $0x0  }
0x1e: {  	s7 =	simm.s32 $0x400;
	s13 =	rddreg [dreg:$0x6];
	[sflag:s5] =	ssyncadd.s32 $0xFFFFFE00  }
0x1f: {  	[tilespmem:s7], [sflag:$0x3] =	stream.linear.gather [hbm4b:s13+s10], $0x2800, $0x38;
	[tilespmem:$0x1CC00] =	vst v63  }
0x20: {  	_ =	swait.ge [sflag:s5], $0x2800  }
0x21: {  	[sflag:s5] =	ssyncset.done $0x0  }
0x22: {  	s15 =	simm.s32 $0x2C00;
	[sflag:s5] =	ssyncadd.s32 $0xFFFFD800  }
0x23: {  	[tilespmem:s15], [sflag:$0x1] =	stream.indirect.gather [hbm4b:s3+s14], $0x80, s10, s14, $0xb8;
	[tilespmem:$0x1CC00] =	vst v63  }
0x24: {  	s5 =	simm.s32 $0x3C00  }
0x25: {  	[tilespmem:s5], [sflag:$0x1] =	stream.indirect.gather [hbm4b:s4+s14], $0x80, s12, s14, $0xb8;
	[tilespmem:$0x1CC00] =	vst v63  }
0x26: {  	s6 =	simm.s32 $0x4C00  }
0x27: {  	[tilespmem:s6], [sflag:$0x1] =	stream.indirect.gather [hbm4b:s4+s14], $0x80, s7, s14, $0xb8;
	[tilespmem:$0x1CC00] =	vst v63  }
0x28: {  	s8 =	simm.s32 $0x5400;
	s7 =	simm.s32 $0x600  }
0x29: {  	[tilespmem:s8], [sflag:$0x1] =	stream.indirect.gather [hbm4b:s4+s14], $0x80, s7, s14, $0xb8;
	[tilespmem:$0x1CC00] =	vst v63  }
0x2a: {  	s9 =	simm.s32 $0x800;
	s10 =	simm.s32 $0x5C00  }
0x2b: {  	[tilespmem:s10], [sflag:$0x1] =	stream.indirect.gather [hbm4b:s4+s14], $0x80, s9, s14, $0xb8;
	[tilespmem:$0x1CC00] =	vst v63  }
0x2c: {  	s11 =	simm.s32 $0xA00;
	s12 =	simm.s32 $0x6400  }
0x2d: {  	[tilespmem:s12], [sflag:$0x1] =	stream.indirect.gather [hbm4b:s4+s14], $0x80, s11, s14, $0xb8;
	[tilespmem:$0x1CC00] =	vst v63  }
0x2e: {  	s13 =	simm.s32 $0xC00;
	s15 =	simm.s32 $0x6C00  }
0x2f: {  	[tilespmem:s15], [sflag:$0x1] =	stream.indirect.gather [hbm4b:s4+s14], $0x80, s13, s14, $0xb8;
	[tilespmem:$0x1CC00] =	vst v63  }
0x30: {  	s5 =	simm.s32 $0xE00;
	s6 =	simm.s32 $0x7400  }
0x31: {  	[tilespmem:s6], [sflag:$0x1] =	stream.indirect.gather [hbm4b:s4+s14], $0x80, s5, s14, $0xb8;
	[tilespmem:$0x1CC00] =	vst v63  }
0x32: {  	s7 =	simm.s32 $0x1000;
	s8 =	simm.s32 $0x7C00  }
0x33: {  	[tilespmem:s8], [sflag:$0x1] =	stream.indirect.gather [hbm4b:s4+s14], $0x80, s7, s14, $0xb8;
	[tilespmem:$0x1CC00] =	vst v63  }
0x34: {  	s9 =	simm.s32 $0x1200;
	s10 =	simm.s32 $0x8400  }
0x35: {  	[tilespmem:s10], [sflag:$0x1] =	stream.indirect.gather [hbm4b:s4+s14], $0x80, s9, s14, $0xb8;
	[tilespmem:$0x1CC00] =	vst v63  }
0x36: {  	s11 =	simm.s32 $0x1400;
	s12 =	simm.s32 $0x8C00  }
0x37: {  	[tilespmem:s12], [sflag:$0x1] =	stream.indirect.gather [hbm4b:s4+s14], $0x80, s11, s14, $0xb8;
	[tilespmem:$0x1CC00] =	vst v63  }
0x38: {  	s13 =	simm.s32 $0x1600;
	s15 =	simm.s32 $0x9400  }
0x39: {  	[tilespmem:s15], [sflag:$0x1] =	stream.indirect.gather [hbm4b:s4+s14], $0x80, s13, s14, $0xb8;
	[tilespmem:$0x1CC00] =	vst v63  }
0x3a: {  	s5 =	simm.s32 $0x1800;
	s6 =	simm.s32 $0x9C00  }
0x3b: {  	[tilespmem:s6], [sflag:$0x1] =	stream.indirect.gather [hbm4b:s4+s14], $0x80, s5, s14, $0xb8;
	[tilespmem:$0x1CC00] =	vst v63  }
0x3c: {  	s7 =	simm.s32 $0x1A00;
	s8 =	simm.s32 $0xA400  }
0x3d: {  	[tilespmem:s8], [sflag:$0x1] =	stream.indirect.gather [hbm4b:s4+s14], $0x80, s7, s14, $0xb8;
	[tilespmem:$0x1CC00] =	vst v63  }
0x3e: {  	s9 =	simm.s32 $0x1C00;
	s10 =	simm.s32 $0xAC00  }
0x3f: {  	[tilespmem:s10], [sflag:$0x1] =	stream.indirect.gather [hbm4b:s4+s14], $0x80, s9, s14, $0xb8;
	[tilespmem:$0x1CC00] =	vst v63  }
0x40: {  	s11 =	simm.s32 $0x1E00;
	s12 =	simm.s32 $0xB400  }
0x41: {  	[tilespmem:s12], [sflag:$0x1] =	stream.indirect.gather [hbm4b:s4+s14], $0x80, s11, s14, $0xb8;
	[tilespmem:$0x1CC00] =	vst v63  }
0x42: {  	s13 =	simm.s32 $0x2000;
	s15 =	simm.s32 $0xBC00  }
0x43: {  	[tilespmem:s15], [sflag:$0x1] =	stream.indirect.gather [hbm4b:s4+s14], $0x80, s13, s14, $0xb8;
	[tilespmem:$0x1CC00] =	vst v63  }
0x44: {  	s5 =	simm.s32 $0x2200;
	s6 =	simm.s32 $0xC400;
	s7 =	simm.s32 $0x2400  }
0x45: {  	[tilespmem:s6], [sflag:$0x1] =	stream.indirect.gather [hbm4b:s4+s14], $0x80, s5, s14, $0xb8;
	[tilespmem:$0x1CC00] =	vst v63  }
0x46: {  	s8 =	simm.s32 $0xCC00;
	s9 =	simm.s32 $0x2600;
	s10 =	simm.s32 $0xD400  }
0x47: {  	[tilespmem:s8], [sflag:$0x1] =	stream.indirect.gather [hbm4b:s4+s14], $0x80, s7, s14, $0xb8;
	[tilespmem:$0x1CC00] =	vst v63  }
0x48: {  	s11 =	simm.s32 $0x2800;
	s12 =	simm.s32 $0xDC00;
	s13 =	simm.s32 $0x2A00  }
0x49: {  	[tilespmem:s10], [sflag:$0x1] =	stream.indirect.gather [hbm4b:s4+s14], $0x80, s9, s14, $0xb8;
	[tilespmem:$0x1CC00] =	vst v63  }
0x4a: {  	s15 =	simm.s32 $0xE400;
	s5 =	simm.s32 $0x0;
	s6 =	simm.s32 $0x0  }
0x4b: {  	[tilespmem:s12], [sflag:$0x1] =	stream.indirect.gather [hbm4b:s4+s14], $0x80, s11, s14, $0xb8;
	[tilespmem:$0x1CC00] =	vst v63  }
0x4c: {  	s8 =	simm.s32 $0x1AD00;
	s7 =	simm.s32 $0x0;
	s9 =	simm.s32 $0x18D00  }
0x4d: {  	[tilespmem:s15], [sflag:$0x1] =	stream.indirect.gather [hbm4b:s4+s14], $0x80, s13, s14, $0xb8;
	[tilespmem:$0x1CC00] =	vst v63  }
.LBB2_2:
0x4e: {  	s10 =	sshll.u32 s7, $0x5  }
0x4f: {  	s2 =	sor.u32 $0x10, s10  }
0x50: {  	s11 =	simm.s32 $0x3400;
	s2 =	sand.u32 $0x1F0, s2  }
0x51: {  	[tilespmem:s11], [sflag:$0x2] =	stream.indirect.gather [hbm4b:s3+s14], $0x80, s2, s14, $0xb8;
	[tilespmem:$0x1CC00] =	vst v63  }
0x52: {  	s12 =	simm.s32 $0x4400;
	s15 =	sor.u32 $0x200, s2  }
0x53: {  	[tilespmem:s12], [sflag:$0x2] =	stream.indirect.gather [hbm4b:s4+s14], $0x80, s15, s14, $0xb8;
	[tilespmem:$0x1CC00] =	vst v63  }
0x54: {  	s13 =	sor.u32 $0x400, s2;
	s15 =	simm.s32 $0xEC00  }
0x55: {  	[tilespmem:s15], [sflag:$0x2] =	stream.indirect.gather [hbm4b:s4+s14], $0x80, s13, s14, $0xb8;
	[tilespmem:$0x1CC00] =	vst v63  }
0x56: {  	s13 =	sor.u32 $0x600, s2;
	s15 =	simm.s32 $0xF400  }
0x57: {  	[tilespmem:s15], [sflag:$0x2] =	stream.indirect.gather [hbm4b:s4+s14], $0x80, s13, s14, $0xb8;
	[tilespmem:$0x1CC00] =	vst v63  }
0x58: {  	s13 =	sor.u32 $0x800, s2;
	s15 =	simm.s32 $0xFC00  }
0x59: {  	[tilespmem:s15], [sflag:$0x2] =	stream.indirect.gather [hbm4b:s4+s14], $0x80, s13, s14, $0xb8;
	[tilespmem:$0x1CC00] =	vst v63  }
0x5a: {  	s13 =	sor.u32 $0xA00, s2;
	s15 =	simm.s32 $0x10400  }
0x5b: {  	[tilespmem:s15], [sflag:$0x2] =	stream.indirect.gather [hbm4b:s4+s14], $0x80, s13, s14, $0xb8;
	[tilespmem:$0x1CC00] =	vst v63  }
0x5c: {  	s13 =	sor.u32 $0xC00, s2;
	s15 =	simm.s32 $0x10C00  }
0x5d: {  	[tilespmem:s15], [sflag:$0x2] =	stream.indirect.gather [hbm4b:s4+s14], $0x80, s13, s14, $0xb8;
	[tilespmem:$0x1CC00] =	vst v63  }
0x5e: {  	s13 =	sor.u32 $0xE00, s2  }
0x5f: {  	[tilespmem:s16], [sflag:$0x2] =	stream.indirect.gather [hbm4b:s4+s14], $0x80, s13, s14, $0xb8;
	[tilespmem:$0x1CC00] =	vst v63  }
0x60: {  	s15 =	sor.u32 $0x1000, s2  }
0x61: {  	[tilespmem:s17], [sflag:$0x2] =	stream.indirect.gather [hbm4b:s4+s14], $0x80, s15, s14, $0xb8;
	[tilespmem:$0x1CC00] =	vst v63  }
0x62: {  	s12 =	sor.u32 $0x1200, s2  }
0x63: {  	[tilespmem:s19], [sflag:$0x2] =	stream.indirect.gather [hbm4b:s4+s14], $0x80, s12, s14, $0xb8;
	[tilespmem:$0x1CC00] =	vst v63  }
0x64: {  	s13 =	sor.u32 $0x1400, s2  }
0x65: {  	[tilespmem:s21], [sflag:$0x2] =	stream.indirect.gather [hbm4b:s4+s14], $0x80, s13, s14, $0xb8;
	[tilespmem:$0x1CC00] =	vst v63  }
0x66: {  	s15 =	sor.u32 $0x1600, s2  }
0x67: {  	[tilespmem:s23], [sflag:$0x2] =	stream.indirect.gather [hbm4b:s4+s14], $0x80, s15, s14, $0xb8;
	[tilespmem:$0x1CC00] =	vst v63  }
0x68: {  	s12 =	sor.u32 $0x1800, s2  }
0x69: {  	[tilespmem:s25], [sflag:$0x2] =	stream.indirect.gather [hbm4b:s4+s14], $0x80, s12, s14, $0xb8;
	[tilespmem:$0x1CC00] =	vst v63  }
0x6a: {  	s13 =	sor.u32 $0x1A00, s2  }
0x6b: {  	[tilespmem:s28], [sflag:$0x2] =	stream.indirect.gather [hbm4b:s4+s14], $0x80, s13, s14, $0xb8;
	[tilespmem:$0x1CC00] =	vst v63  }
0x6c: {  	s15 =	sor.u32 $0x1C00, s2  }
0x6d: {  	[tilespmem:s30], [sflag:$0x2] =	stream.indirect.gather [hbm4b:s4+s14], $0x80, s15, s14, $0xb8;
	[tilespmem:$0x1CC00] =	vst v63  }
0x6e: {  	s12 =	sor.u32 $0x1E00, s2  }
0x6f: {  	[tilespmem:s0], [sflag:$0x2] =	stream.indirect.gather [hbm4b:s4+s14], $0x80, s12, s14, $0xb8;
	[tilespmem:$0x1CC00] =	vst v63  }
0x70: {  	s13 =	sor.u32 $0x2000, s2  }
0x71: {  	[tilespmem:s18], [sflag:$0x2] =	stream.indirect.gather [hbm4b:s4+s14], $0x80, s13, s14, $0xb8;
	[tilespmem:$0x1CC00] =	vst v63  }
0x72: {  	s15 =	sor.u32 $0x2200, s2  }
0x73: {  	[tilespmem:s22], [sflag:$0x2] =	stream.indirect.gather [hbm4b:s4+s14], $0x80, s15, s14, $0xb8;
	[tilespmem:$0x1CC00] =	vst v63  }
0x74: {  	s12 =	sor.u32 $0x2400, s2  }
0x75: {  	[tilespmem:s26], [sflag:$0x2] =	stream.indirect.gather [hbm4b:s4+s14], $0x80, s12, s14, $0xb8;
	[tilespmem:$0x1CC00] =	vst v63  }
0x76: {  	s13 =	sor.u32 $0x2600, s2  }
0x77: {  	[tilespmem:s31], [sflag:$0x2] =	stream.indirect.gather [hbm4b:s4+s14], $0x80, s13, s14, $0xb8;
	[tilespmem:$0x1CC00] =	vst v63  }
0x78: {  	s15 =	sor.u32 $0x2800, s2  }
0x79: {  	[tilespmem:s20], [sflag:$0x2] =	stream.indirect.gather [hbm4b:s4+s14], $0x80, s15, s14, $0xb8;
	[tilespmem:$0x1CC00] =	vst v63  }
0x7a: {  	s2 =	sor.u32 $0x2A00, s2  }
0x7b: {  	[tilespmem:s29], [sflag:$0x2] =	stream.indirect.gather [hbm4b:s4+s14], $0x80, s2, s14, $0xb8;
	[tilespmem:$0x1CC00] =	vst v63  }
0x7c: {  	_ =	swait.ge [sflag:s24], $0x800  }
0x7d: {  	[sflag:s24] =	ssyncset.done $0x0  }
0x7e: {  	[sflag:s24] =	ssyncadd.s32 $0xFFFFF800  }
0x7f: {  	_ =	swait.ge [sflag:s24], $0x800  }
0x80: {  	[sflag:s24] =	ssyncset.done $0x0  }
0x81: {  	[sflag:s24] =	ssyncadd.s32 $0xFFFFF800  }
0x82: {  	_ =	swait.ge [sflag:s24], $0x800  }
0x83: {  	[sflag:s24] =	ssyncset.done $0x0  }
0x84: {  	[sflag:s24] =	ssyncadd.s32 $0xFFFFF800  }
0x85: {  	_ =	swait.ge [sflag:s24], $0x800  }
0x86: {  	[sflag:s24] =	ssyncset.done $0x0  }
0x87: {  	[sflag:s24] =	ssyncadd.s32 $0xFFFFF800  }
0x88: {  	_ =	swait.ge [sflag:s24], $0x800  }
0x89: {  	[sflag:s24] =	ssyncset.done $0x0  }
0x8a: {  	[sflag:s24] =	ssyncadd.s32 $0xFFFFF800  }
0x8b: {  	_ =	swait.ge [sflag:s24], $0x800  }
0x8c: {  	[sflag:s24] =	ssyncset.done $0x0  }
0x8d: {  	[sflag:s24] =	ssyncadd.s32 $0xFFFFF800  }
0x8e: {  	_ =	swait.ge [sflag:s24], $0x800  }
0x8f: {  	[sflag:s24] =	ssyncset.done $0x0  }
0x90: {  	[sflag:s24] =	ssyncadd.s32 $0xFFFFF800  }
0x91: {  	_ =	swait.ge [sflag:s24], $0x800  }
0x92: {  	[sflag:s24] =	ssyncset.done $0x0  }
0x93: {  	[sflag:s24] =	ssyncadd.s32 $0xFFFFF800  }
0x94: {  	_ =	swait.ge [sflag:s24], $0x800  }
0x95: {  	[sflag:s24] =	ssyncset.done $0x0  }
0x96: {  	[sflag:s24] =	ssyncadd.s32 $0xFFFFF800  }
0x97: {  	_ =	swait.ge [sflag:s24], $0x800  }
0x98: {  	[sflag:s24] =	ssyncset.done $0x0  }
0x99: {  	[sflag:s24] =	ssyncadd.s32 $0xFFFFF800  }
0x9a: {  	_ =	swait.ge [sflag:s24], $0x800  }
0x9b: {  	[sflag:s24] =	ssyncset.done $0x0  }
0x9c: {  	[sflag:s24] =	ssyncadd.s32 $0xFFFFF800  }
0x9d: {  	_ =	swait.ge [sflag:s24], $0x800  }
0x9e: {  	[sflag:s24] =	ssyncset.done $0x0  }
0x9f: {  	[sflag:s24] =	ssyncadd.s32 $0xFFFFF800  }
0xa0: {  	_ =	swait.ge [sflag:s24], $0x800  }
0xa1: {  	[sflag:s24] =	ssyncset.done $0x0  }
0xa2: {  	[sflag:s24] =	ssyncadd.s32 $0xFFFFF800  }
0xa3: {  	_ =	swait.ge [sflag:s24], $0x800  }
0xa4: {  	[sflag:s24] =	ssyncset.done $0x0  }
0xa5: {  	[sflag:s24] =	ssyncadd.s32 $0xFFFFF800  }
0xa6: {  	_ =	swait.ge [sflag:s24], $0x800  }
0xa7: {  	[sflag:s24] =	ssyncset.done $0x0  }
0xa8: {  	[sflag:s24] =	ssyncadd.s32 $0xFFFFF800  }
0xa9: {  	_ =	swait.ge [sflag:s24], $0x800  }
0xaa: {  	[sflag:s24] =	ssyncset.done $0x0  }
0xab: {  	[sflag:s24] =	ssyncadd.s32 $0xFFFFF800  }
0xac: {  	_ =	swait.ge [sflag:s24], $0x800  }
0xad: {  	[sflag:s24] =	ssyncset.done $0x0  }
0xae: {  	[sflag:s24] =	ssyncadd.s32 $0xFFFFF800  }
0xaf: {  	_ =	swait.ge [sflag:s24], $0x800  }
0xb0: {  	[sflag:s24] =	ssyncset.done $0x0  }
0xb1: {  	[sflag:s24] =	ssyncadd.s32 $0xFFFFF800  }
0xb2: {  	_ =	swait.ge [sflag:s24], $0x800  }
0xb3: {  	[sflag:s24] =	ssyncset.done $0x0  }
0xb4: {  	[sflag:s24] =	ssyncadd.s32 $0xFFFFF800  }
0xb5: {  	_ =	swait.ge [sflag:s24], $0x800  }
0xb6: {  	[sflag:s24] =	ssyncset.done $0x0  }
0xb7: {  	[sflag:s24] =	ssyncadd.s32 $0xFFFFF800  }
0xb8: {  	_ =	swait.ge [sflag:s24], $0x800  }
0xb9: {  	[sflag:s24] =	ssyncset.done $0x0  }
0xba: {  	[sflag:s24] =	ssyncadd.s32 $0xFFFFF800  }
0xbb: {  	_ =	swait.ge [sflag:s24], $0x800  }
0xbc: {  	s12 =	simm.s32 $0x0;
	[sflag:s24] =	ssyncset.done $0x0  }
0xbd: {  	s13 =	simm.s32 $0x0;
	s2 =	simm.s32 $0x0;
	[sflag:s24] =	ssyncadd.s32 $0xFFFFF800  }
.LBB2_3:
0xbe: {  	s11 =	sshra.s32 s12, $0x2  }
0xbf: {  	v0 =	vld [tilespmem:s11+$0x2C00]  }
0xc0: {  	v1 =	vld [tilespmem:s11+$0x3C00]  }
0xc1: {  	v6 =	vld [tilespmem:s11+$0x4C00]  }
0xc2: {  	v7 =	vld [tilespmem:s11+$0x5400]  }
0xc3: {  	v8 =	vld [tilespmem:s11+$0x5C00]  }
0xc4: {  	v9 =	vld [tilespmem:s11+$0x6400]  }
0xc5: {  	v10 =	vld [tilespmem:s11+$0x6C00]  }
0xc6: {  	v11 =	vld [tilespmem:s11+$0x7400]  }
0xc7: {  	v12 =	vld [tilespmem:s11+$0x7C00]  }
0xc8: {  	v13 =	vld [tilespmem:s11+$0x8400]  }
0xc9: {  	v14 =	vld [tilespmem:s11+$0x8C00]  }
0xca: {  	v15 =	vld [tilespmem:s11+$0x9400]  }
0xcb: {  	v16 =	vld [tilespmem:s11+$0x9C00]  }
0xcc: {  	v17 =	vld [tilespmem:s11+$0xA400]  }
0xcd: {  	v18 =	vld [tilespmem:s11+$0xAC00]  }
0xce: {  	v19 =	vld [tilespmem:s11+$0xB400]  }
0xcf: {  	v20 =	vld [tilespmem:s11+$0xBC00]  }
0xd0: {  	v21 =	vld [tilespmem:s11+$0xC400]  }
0xd1: {  	v22 =	vld [tilespmem:s11+$0xCC00]  }
0xd2: {  	v23 =	vld [tilespmem:s11+$0xD400]  }
0xd3: {  	v24 =	vld [tilespmem:s11+$0xDC00]  }
0xd4: {  	v5 =	vld [tilespmem:s11+$0xE400]  }
0xd5: {  	v2 =	vld [tilespmem:s11+$0x2C10]  }
0xd6: {  	v3 =	vld [tilespmem:s11+$0x3C10]  }
0xd7: {  	v25 =	vld [tilespmem:s11+$0x4C10]  }
0xd8: {  	v26 =	vld [tilespmem:s11+$0x5410]  }
0xd9: {  	v27 =	vld [tilespmem:s11+$0x5C10]  }
0xda: {  	v28 =	vld [tilespmem:s11+$0x6410]  }
0xdb: {  	v29 =	vld [tilespmem:s11+$0x6C10]  }
0xdc: {  	v30 =	vld [tilespmem:s11+$0x7410]  }
0xdd: {  	v31 =	vld [tilespmem:s11+$0x7C10]  }
0xde: {  	v32 =	vld [tilespmem:s11+$0x8410]  }
0xdf: {  	v33 =	vld [tilespmem:s11+$0x8C10]  }
0xe0: {  	v34 =	vld [tilespmem:s11+$0x9410]  }
0xe1: {  	v35 =	vld [tilespmem:s11+$0x9C10]  }
0xe2: {  	v36 =	vld [tilespmem:s11+$0xA410]  }
0xe3: {  	v37 =	vld [tilespmem:s11+$0xAC10]  }
0xe4: {  	v38 =	vld [tilespmem:s11+$0xB410]  }
0xe5: {  	v39 =	vld [tilespmem:s11+$0xBC10]  }
0xe6: {  	v40 =	vld [tilespmem:s11+$0xC410]  }
0xe7: {  	v41 =	vld [tilespmem:s11+$0xCC10]  }
0xe8: {  	v42 =	vld [tilespmem:s11+$0xD410]  }
0xe9: {  	v43 =	vld [tilespmem:s11+$0xDC10]  }
0xea: {  	v44 =	vld [tilespmem:s11+$0xE410]  }
0xeb: {  	v4 =	vld [tilespmem:s11+$0x2C20]  }
0xec: {  	v46 =	vld [tilespmem:s11+$0x4C20]  }
0xed: {  	v47 =	vld [tilespmem:s11+$0x5420]  }
0xee: {  	v62 =	vld [tilespmem:s11+$0x5C20]  }
0xef: {  	v48 =	vld [tilespmem:s11+$0x4C30]  }
0xf0: {  	v63 =	vld [tilespmem:s11+$0x5430];
	v6 =	vadd.f32 v7, v6  }
0xf1: {  	v49 =	vld [tilespmem:s11+$0x6420]  }
0xf2: {  	v51 =	vld [tilespmem:s11+$0x5C30];
	v25 =	vadd.f32 v26, v25;
	v6 =	vadd.f32 v8, v6  }
0xf3: {  	v52 =	vld [tilespmem:s11+$0x6C20];
	v50 =	vadd.f32 v47, v46  }
0xf4: {  	v53 =	vld [tilespmem:s11+$0x6430];
	v25 =	vadd.f32 v27, v25;
	v6 =	vadd.f32 v9, v6  }
0xf5: {  	v55 =	vld [tilespmem:s11+$0x7420];
	v7 =	vadd.f32 v62, v50;
	v8 =	vadd.f32 v63, v48  }
0xf6: {  	v56 =	vld [tilespmem:s11+$0x6C30];
	v54 =	vadd.f32 v28, v25;
	v6 =	vadd.f32 v10, v6  }
0xf7: {  	v57 =	vld [tilespmem:s11+$0x7C20];
	v7 =	vadd.f32 v49, v7;
	v8 =	vadd.f32 v51, v8  }
0xf8: {  	v58 =	vld [tilespmem:s11+$0x7430];
	v10 =	vadd.f32 v29, v54;
	v6 =	vadd.f32 v11, v6  }
0xf9: {  	v59 =	vld [tilespmem:s11+$0x8420];
	v7 =	vadd.f32 v52, v7;
	v8 =	vadd.f32 v53, v8  }
0xfa: {  	v60 =	vld [tilespmem:s11+$0x7C30];
	v10 =	vadd.f32 v30, v10;
	v6 =	vadd.f32 v12, v6  }
0xfb: {  	v61 =	vld [tilespmem:s11+$0x8C20];
	v7 =	vadd.f32 v55, v7;
	v8 =	vadd.f32 v56, v8  }
0xfc: {  	v62 =	vld [tilespmem:s11+$0x8430];
	v10 =	vadd.f32 v31, v10;
	v6 =	vadd.f32 v13, v6  }
0xfd: {  	v63 =	vld [tilespmem:s11+$0x9420];
	v7 =	vadd.f32 v57, v7;
	v8 =	vadd.f32 v58, v8  }
0xfe: {  	v25 =	vld [tilespmem:s11+$0x8C30];
	v10 =	vadd.f32 v32, v10;
	v6 =	vadd.f32 v14, v6  }
0xff: {  	v26 =	vld [tilespmem:s11+$0x9C20];
	v7 =	vadd.f32 v59, v7;
	v8 =	vadd.f32 v60, v8  }
0x100: {  	v27 =	vld [tilespmem:s11+$0x9430];
	v10 =	vadd.f32 v33, v10;
	v6 =	vadd.f32 v15, v6  }
0x101: {  	v28 =	vld [tilespmem:s11+$0xA420];
	v7 =	vadd.f32 v61, v7;
	v8 =	vadd.f32 v62, v8  }
0x102: {  	v29 =	vld [tilespmem:s11+$0x9C30];
	v10 =	vadd.f32 v34, v10;
	v6 =	vadd.f32 v16, v6  }
0x103: {  	v30 =	vld [tilespmem:s11+$0xAC20];
	v7 =	vadd.f32 v63, v7;
	v8 =	vadd.f32 v25, v8  }
0x104: {  	v31 =	vld [tilespmem:s11+$0xA430];
	v10 =	vadd.f32 v35, v10;
	v6 =	vadd.f32 v17, v6  }
0x105: {  	v32 =	vld [tilespmem:s11+$0xB420];
	v7 =	vadd.f32 v26, v7;
	v8 =	vadd.f32 v27, v8  }
0x106: {  	v33 =	vld [tilespmem:s11+$0xAC30];
	v10 =	vadd.f32 v36, v10;
	v6 =	vadd.f32 v18, v6  }
0x107: {  	v34 =	vld [tilespmem:s11+$0xBC20];
	v7 =	vadd.f32 v28, v7;
	v8 =	vadd.f32 v29, v8  }
0x108: {  	v35 =	vld [tilespmem:s11+$0xB430];
	v10 =	vadd.f32 v37, v10;
	v6 =	vadd.f32 v19, v6  }
0x109: {  	v36 =	vld [tilespmem:s11+$0xC420];
	v7 =	vadd.f32 v30, v7;
	v8 =	vadd.f32 v31, v8  }
0x10a: {  	v37 =	vld [tilespmem:s11+$0xBC30];
	v10 =	vadd.f32 v38, v10;
	v6 =	vadd.f32 v20, v6  }
0x10b: {  	v7 =	vadd.f32 v32, v7;
	v8 =	vadd.f32 v33, v8;
	v38 =	vld [tilespmem:s11+$0xCC20]  }
0x10c: {  	v10 =	vadd.f32 v39, v10;
	v39 =	vld [tilespmem:s11+$0xC430];
	v6 =	vadd.f32 v21, v6  }
0x10d: {  	v46 =	vld [tilespmem:s11+$0xD420];
	v7 =	vadd.f32 v34, v7;
	v8 =	vadd.f32 v35, v8  }
0x10e: {  	v47 =	vld [tilespmem:s11+$0xCC30];
	v10 =	vadd.f32 v40, v10;
	v6 =	vadd.f32 v22, v6  }
0x10f: {  	v45 =	vld [tilespmem:s11+$0x3C20];
	v7 =	vadd.f32 v36, v7;
	v8 =	vadd.f32 v37, v8  }
0x110: {  	v49 =	vld [tilespmem:s11+$0xD430];
	v10 =	vadd.f32 v41, v10;
	v6 =	vadd.f32 v23, v6  }
0x111: {  	v48 =	vld [tilespmem:s11+$0xDC20];
	v7 =	vadd.f32 v38, v7;
	v8 =	vadd.f32 v39, v8  }
0x112: {  	v52 =	vld [tilespmem:s11+$0xDC30];
	v10 =	vadd.f32 v42, v10;
	v6 =	vadd.f32 v24, v6  }
0x113: {  	v50 =	vld [tilespmem:s11+$0xE420];
	v51 =	vadd.f32 v46, v7;
	v8 =	vadd.f32 v47, v8  }
0x114: {  	v54 =	vld [tilespmem:s11+$0x2C30];
	v53 =	vadd.f32 v43, v10;
	v5 =	vadd.f32 v5, v6  }
0x115: {  	v1 =	vmul.f32 v1, v0;
	v55 =	vld [tilespmem:s11+$0xE430];
	v8 =	vadd.f32 v49, v8  }
0x116: {  	v57 =	vld [tilespmem:s11+$0x3C30];
	v6 =	vadd.f32 v48, v51;
	v56 =	vadd.f32 v44, v53;
	v0 =	vmul.f32 v5, v0  }
0x117: {  	s15 =	sand.u32 $0x7, s13;
	v3 =	vmul.f32 v3, v2;
	v1 =	vadd.f32 $0.0e+00, v1;
	v58 =	vadd.f32 v52, v8  }
0x118: {  	p0 =	seq.s32 s5, s12;
	p1 =	sne.s32 s15, $0x0;
	v6 =	vadd.f32 v50, v6;
	v2 =	vmul.f32 v56, v2;
	v0 =	vadd.f32 $0.0e+00, v0  }
0x119: {  	p0 =	por !p0, !p1;
	v1 =	vadd.f32 v3, v1;
	v59 =	vmul.f32 v45, v4  }
0x11a: {  	s15 =	simm.s32 $0x1;
	p0 =	por !p0, !p0;
	s11 =	sadd.s32 s13, s6;
	v61 =	vadd.f32 v55, v58;
	v60 =	vmul.f32 v6, v4;
	v0 =	vadd.f32 v2, v0  }
0x11b: {  	s15 =	simm.s32 @!p0 $0x0;
	p0 =	sne.s32 s12, $0x1E00;
	v1 =	vadd.f32 v59, v1;
	v62 =	vmul.f32 v57, v54;
	s11 =	sshrl.u32 s11, $0x3  }
.Ltmp0:
0x11c: {  	s11 =	ssub.s32 s11, s15;
	v63 =	vmul.f32 v61, v54;
	v0 =	vadd.f32 v60, v0;
	(pc) =	sbr.rel @p0 .LBB2_3-.Ltmp0, $4  }
0x11d: {  	v1 =	vadd.f32 v62, v1;
	s15 =	sand.u32 $0x70, s2;
	s11 =	sshll.u32 s11, $0x7  }
0x11e: {  	s11 =	sor.u32 s15, s11;
	v0 =	vadd.f32 v63, v0  }
0x11f: {  	[tilespmem:s11+$0x18C00] =	vst v1  }
0x120: {  	s12 =	sadd.s32 $0x200, s12;
	s13 =	sadd.s32 $0x1, s13;
	s2 =	sadd.s32 $0x10, s2;
	[tilespmem:s11+$0x1AC00] =	vst v0  }
0x121: {  	p0 =	seq.s32 s7, $0xF  }
.Ltmp1:
0x122: {  	_ = 	snop;
	(pc) =	sbr.rel @p0 .LBB2_6-.Ltmp1, $1  }
0x123: {  	_ =	sdelay $0x3  }
0x124: {  	s2 =	sadd.s32 $0x20, s10;
	s11 =	simm.s32 $0x2C00  }
0x125: {  	[tilespmem:s11], [sflag:$0x1] =	stream.indirect.gather [hbm4b:s3+s14], $0x80, s2, s14, $0xb8;
	[tilespmem:$0x1CC00] =	vst v63  }
0x126: {  	s15 =	sadd.s32 $0x220, s10;
	s12 =	simm.s32 $0x3C00  }
0x127: {  	[tilespmem:s12], [sflag:$0x1] =	stream.indirect.gather [hbm4b:s4+s14], $0x80, s15, s14, $0xb8;
	[tilespmem:$0x1CC00] =	vst v63  }
0x128: {  	s11 =	sadd.s32 $0x420, s10;
	s2 =	sand.u32 $0x3E0, s2;
	s12 =	simm.s32 $0x4C00  }
0x129: {  	[tilespmem:s12], [sflag:$0x1] =	stream.indirect.gather [hbm4b:s4+s14], $0x80, s11, s14, $0xb8;
	[tilespmem:$0x1CC00] =	vst v63  }
0x12a: {  	s13 =	sadd.s32 $0x600, s2;
	s15 =	simm.s32 $0x5400  }
0x12b: {  	[tilespmem:s15], [sflag:$0x1] =	stream.indirect.gather [hbm4b:s4+s14], $0x80, s13, s14, $0xb8;
	[tilespmem:$0x1CC00] =	vst v63  }
0x12c: {  	s11 =	sor.u32 $0x800, s2;
	s12 =	simm.s32 $0x5C00  }
0x12d: {  	[tilespmem:s12], [sflag:$0x1] =	stream.indirect.gather [hbm4b:s4+s14], $0x80, s11, s14, $0xb8;
	[tilespmem:$0x1CC00] =	vst v63  }
0x12e: {  	s13 =	sadd.s32 $0xA00, s2;
	s15 =	simm.s32 $0x6400  }
0x12f: {  	[tilespmem:s15], [sflag:$0x1] =	stream.indirect.gather [hbm4b:s4+s14], $0x80, s13, s14, $0xb8;
	[tilespmem:$0x1CC00] =	vst v63  }
0x130: {  	s11 =	sor.u32 $0xC00, s2;
	s12 =	simm.s32 $0x6C00  }
0x131: {  	[tilespmem:s12], [sflag:$0x1] =	stream.indirect.gather [hbm4b:s4+s14], $0x80, s11, s14, $0xb8;
	[tilespmem:$0x1CC00] =	vst v63  }
0x132: {  	s13 =	sadd.s32 $0xE00, s2;
	s15 =	simm.s32 $0x7400  }
0x133: {  	[tilespmem:s15], [sflag:$0x1] =	stream.indirect.gather [hbm4b:s4+s14], $0x80, s13, s14, $0xb8;
	[tilespmem:$0x1CC00] =	vst v63  }
0x134: {  	s11 =	sor.u32 $0x1000, s2;
	s12 =	simm.s32 $0x7C00  }
0x135: {  	[tilespmem:s12], [sflag:$0x1] =	stream.indirect.gather [hbm4b:s4+s14], $0x80, s11, s14, $0xb8;
	[tilespmem:$0x1CC00] =	vst v63  }
0x136: {  	s13 =	sadd.s32 $0x1200, s2;
	s15 =	simm.s32 $0x8400  }
0x137: {  	[tilespmem:s15], [sflag:$0x1] =	stream.indirect.gather [hbm4b:s4+s14], $0x80, s13, s14, $0xb8;
	[tilespmem:$0x1CC00] =	vst v63  }
0x138: {  	s11 =	sor.u32 $0x1400, s2;
	s12 =	simm.s32 $0x8C00  }
0x139: {  	[tilespmem:s12], [sflag:$0x1] =	stream.indirect.gather [hbm4b:s4+s14], $0x80, s11, s14, $0xb8;
	[tilespmem:$0x1CC00] =	vst v63  }
0x13a: {  	s13 =	sadd.s32 $0x1600, s2;
	s15 =	simm.s32 $0x9400  }
0x13b: {  	[tilespmem:s15], [sflag:$0x1] =	stream.indirect.gather [hbm4b:s4+s14], $0x80, s13, s14, $0xb8;
	[tilespmem:$0x1CC00] =	vst v63  }
0x13c: {  	s11 =	sor.u32 $0x1800, s2;
	s12 =	simm.s32 $0x9C00  }
0x13d: {  	[tilespmem:s12], [sflag:$0x1] =	stream.indirect.gather [hbm4b:s4+s14], $0x80, s11, s14, $0xb8;
	[tilespmem:$0x1CC00] =	vst v63  }
0x13e: {  	s13 =	sadd.s32 $0x1A00, s2;
	s15 =	simm.s32 $0xA400  }
0x13f: {  	[tilespmem:s15], [sflag:$0x1] =	stream.indirect.gather [hbm4b:s4+s14], $0x80, s13, s14, $0xb8;
	[tilespmem:$0x1CC00] =	vst v63  }
0x140: {  	s11 =	sor.u32 $0x1C00, s2;
	s12 =	simm.s32 $0xAC00  }
0x141: {  	[tilespmem:s12], [sflag:$0x1] =	stream.indirect.gather [hbm4b:s4+s14], $0x80, s11, s14, $0xb8;
	[tilespmem:$0x1CC00] =	vst v63  }
0x142: {  	s13 =	sadd.s32 $0x1E00, s2;
	s15 =	simm.s32 $0xB400  }
0x143: {  	[tilespmem:s15], [sflag:$0x1] =	stream.indirect.gather [hbm4b:s4+s14], $0x80, s13, s14, $0xb8;
	[tilespmem:$0x1CC00] =	vst v63  }
0x144: {  	s11 =	sor.u32 $0x2000, s2;
	s12 =	simm.s32 $0xBC00  }
0x145: {  	[tilespmem:s12], [sflag:$0x1] =	stream.indirect.gather [hbm4b:s4+s14], $0x80, s11, s14, $0xb8;
	[tilespmem:$0x1CC00] =	vst v63  }
0x146: {  	s13 =	sadd.s32 $0x2200, s2;
	s15 =	simm.s32 $0xC400  }
0x147: {  	[tilespmem:s15], [sflag:$0x1] =	stream.indirect.gather [hbm4b:s4+s14], $0x80, s13, s14, $0xb8;
	[tilespmem:$0x1CC00] =	vst v63  }
0x148: {  	s11 =	sor.u32 $0x2400, s2;
	s12 =	simm.s32 $0xCC00  }
0x149: {  	[tilespmem:s12], [sflag:$0x1] =	stream.indirect.gather [hbm4b:s4+s14], $0x80, s11, s14, $0xb8;
	[tilespmem:$0x1CC00] =	vst v63  }
0x14a: {  	s13 =	sadd.s32 $0x2600, s2;
	s15 =	simm.s32 $0xD400  }
0x14b: {  	[tilespmem:s15], [sflag:$0x1] =	stream.indirect.gather [hbm4b:s4+s14], $0x80, s13, s14, $0xb8;
	[tilespmem:$0x1CC00] =	vst v63  }
0x14c: {  	s12 =	sor.u32 $0x2800, s2;
	s13 =	simm.s32 $0xDC00  }
0x14d: {  	[tilespmem:s13], [sflag:$0x1] =	stream.indirect.gather [hbm4b:s4+s14], $0x80, s12, s14, $0xb8;
	[tilespmem:$0x1CC00] =	vst v63  }
0x14e: {  	s2 =	sadd.s32 $0x2A00, s2;
	s15 =	simm.s32 $0xE400  }
0x14f: {  	[tilespmem:s15], [sflag:$0x1] =	stream.indirect.gather [hbm4b:s4+s14], $0x80, s2, s14, $0xb8;
	[tilespmem:$0x1CC00] =	vst v63  }
.LBB2_6:
0x150: {  	_ =	swait.ge [sflag:s1], $0x800  }
0x151: {  	[sflag:s1] =	ssyncset.done $0x0  }
0x152: {  	[sflag:s1] =	ssyncadd.s32 $0xFFFFF800  }
0x153: {  	_ =	swait.ge [sflag:s1], $0x800  }
0x154: {  	[sflag:s1] =	ssyncset.done $0x0  }
0x155: {  	[sflag:s1] =	ssyncadd.s32 $0xFFFFF800  }
0x156: {  	_ =	swait.ge [sflag:s1], $0x800  }
0x157: {  	[sflag:s1] =	ssyncset.done $0x0  }
0x158: {  	[sflag:s1] =	ssyncadd.s32 $0xFFFFF800  }
0x159: {  	_ =	swait.ge [sflag:s1], $0x800  }
0x15a: {  	[sflag:s1] =	ssyncset.done $0x0  }
0x15b: {  	[sflag:s1] =	ssyncadd.s32 $0xFFFFF800  }
0x15c: {  	_ =	swait.ge [sflag:s1], $0x800  }
0x15d: {  	[sflag:s1] =	ssyncset.done $0x0  }
0x15e: {  	[sflag:s1] =	ssyncadd.s32 $0xFFFFF800  }
0x15f: {  	_ =	swait.ge [sflag:s1], $0x800  }
0x160: {  	[sflag:s1] =	ssyncset.done $0x0  }
0x161: {  	[sflag:s1] =	ssyncadd.s32 $0xFFFFF800  }
0x162: {  	_ =	swait.ge [sflag:s1], $0x800  }
0x163: {  	[sflag:s1] =	ssyncset.done $0x0  }
0x164: {  	[sflag:s1] =	ssyncadd.s32 $0xFFFFF800  }
0x165: {  	_ =	swait.ge [sflag:s1], $0x800  }
0x166: {  	[sflag:s1] =	ssyncset.done $0x0  }
0x167: {  	[sflag:s1] =	ssyncadd.s32 $0xFFFFF800  }
0x168: {  	_ =	swait.ge [sflag:s1], $0x800  }
0x169: {  	[sflag:s1] =	ssyncset.done $0x0  }
0x16a: {  	[sflag:s1] =	ssyncadd.s32 $0xFFFFF800  }
0x16b: {  	_ =	swait.ge [sflag:s1], $0x800  }
0x16c: {  	[sflag:s1] =	ssyncset.done $0x0  }
0x16d: {  	[sflag:s1] =	ssyncadd.s32 $0xFFFFF800  }
0x16e: {  	_ =	swait.ge [sflag:s1], $0x800  }
0x16f: {  	[sflag:s1] =	ssyncset.done $0x0  }
0x170: {  	[sflag:s1] =	ssyncadd.s32 $0xFFFFF800  }
0x171: {  	_ =	swait.ge [sflag:s1], $0x800  }
0x172: {  	[sflag:s1] =	ssyncset.done $0x0  }
0x173: {  	[sflag:s1] =	ssyncadd.s32 $0xFFFFF800  }
0x174: {  	_ =	swait.ge [sflag:s1], $0x800  }
0x175: {  	[sflag:s1] =	ssyncset.done $0x0  }
0x176: {  	[sflag:s1] =	ssyncadd.s32 $0xFFFFF800  }
0x177: {  	_ =	swait.ge [sflag:s1], $0x800  }
0x178: {  	[sflag:s1] =	ssyncset.done $0x0  }
0x179: {  	[sflag:s1] =	ssyncadd.s32 $0xFFFFF800  }
0x17a: {  	_ =	swait.ge [sflag:s1], $0x800  }
0x17b: {  	[sflag:s1] =	ssyncset.done $0x0  }
0x17c: {  	[sflag:s1] =	ssyncadd.s32 $0xFFFFF800  }
0x17d: {  	_ =	swait.ge [sflag:s1], $0x800  }
0x17e: {  	[sflag:s1] =	ssyncset.done $0x0  }
0x17f: {  	[sflag:s1] =	ssyncadd.s32 $0xFFFFF800  }
0x180: {  	_ =	swait.ge [sflag:s1], $0x800  }
0x181: {  	[sflag:s1] =	ssyncset.done $0x0  }
0x182: {  	[sflag:s1] =	ssyncadd.s32 $0xFFFFF800  }
0x183: {  	_ =	swait.ge [sflag:s1], $0x800  }
0x184: {  	[sflag:s1] =	ssyncset.done $0x0  }
0x185: {  	[sflag:s1] =	ssyncadd.s32 $0xFFFFF800  }
0x186: {  	_ =	swait.ge [sflag:s1], $0x800  }
0x187: {  	[sflag:s1] =	ssyncset.done $0x0  }
0x188: {  	[sflag:s1] =	ssyncadd.s32 $0xFFFFF800  }
0x189: {  	_ =	swait.ge [sflag:s1], $0x800  }
0x18a: {  	[sflag:s1] =	ssyncset.done $0x0  }
0x18b: {  	[sflag:s1] =	ssyncadd.s32 $0xFFFFF800  }
0x18c: {  	_ =	swait.ge [sflag:s1], $0x800  }
0x18d: {  	[sflag:s1] =	ssyncset.done $0x0  }
0x18e: {  	[sflag:s1] =	ssyncadd.s32 $0xFFFFF800  }
0x18f: {  	_ =	swait.ge [sflag:s1], $0x800  }
0x190: {  	[sflag:s1] =	ssyncset.done $0x0  }
0x191: {  	s2 =	simm.s32 $0x0;
	[sflag:s1] =	ssyncadd.s32 $0xFFFFF800  }
0x192: {  	v0 =	vld [tilespmem:s2+$0x4430]  }
0x193: {  	v1 =	vld [tilespmem:s2+$0x4420]  }
0x194: {  	v2 =	vld [tilespmem:s2+$0x17C30]  }
0x195: {  	v3 =	vld [tilespmem:s2+$0x4410]  }
0x196: {  	v4 =	vld [tilespmem:s2+$0x18410]  }
0x197: {  	v5 =	vld [tilespmem:s2+$0x17430]  }
0x198: {  	v6 =	vld [tilespmem:s2+$0x4400]  }
0x199: {  	v7 =	vld [tilespmem:s2+$0x18400]  }
0x19a: {  	v8 =	vld [tilespmem:s2+$0x17420]  }
0x19b: {  	v9 =	vld [tilespmem:s2+$0x17C00]  }
0x19c: {  	v10 =	vld [tilespmem:s2+$0x16C20]  }
0x19d: {  	v11 =	vld [tilespmem:s2+$0x17400]  }
0x19e: {  	v12 =	vld [tilespmem:s2+$0x16420]  }
0x19f: {  	v13 =	vld [tilespmem:s2+$0x16C00]  }
0x1a0: {  	v14 =	vld [tilespmem:s2+$0x15C20]  }
0x1a1: {  	v15 =	vld [tilespmem:s2+$0x16400]  }
0x1a2: {  	v16 =	vld [tilespmem:s2+$0x15420]  }
0x1a3: {  	v17 =	vld [tilespmem:s2+$0x15C00]  }
0x1a4: {  	v18 =	vld [tilespmem:s2+$0x14C20]  }
0x1a5: {  	v19 =	vld [tilespmem:s2+$0x15400]  }
0x1a6: {  	v20 =	vld [tilespmem:s2+$0x14420]  }
0x1a7: {  	v21 =	vld [tilespmem:s2+$0x14C00]  }
0x1a8: {  	v22 =	vld [tilespmem:s2+$0x13C20]  }
0x1a9: {  	v23 =	vld [tilespmem:s2+$0x14400]  }
0x1aa: {  	v24 =	vld [tilespmem:s2+$0x13420]  }
0x1ab: {  	v25 =	vld [tilespmem:s2+$0x13C00]  }
0x1ac: {  	v26 =	vld [tilespmem:s2+$0x12C20]  }
0x1ad: {  	v27 =	vld [tilespmem:s2+$0x13400]  }
0x1ae: {  	v28 =	vld [tilespmem:s2+$0x12420]  }
0x1af: {  	v29 =	vld [tilespmem:s2+$0x12C00]  }
0x1b0: {  	v30 =	vld [tilespmem:s2+$0x11C20]  }
0x1b1: {  	v31 =	vld [tilespmem:s2+$0x12400]  }
0x1b2: {  	v32 =	vld [tilespmem:s2+$0x11420]  }
0x1b3: {  	v33 =	vld [tilespmem:s2+$0x11C00]  }
0x1b4: {  	v34 =	vld [tilespmem:s2+$0x10C20]  }
0x1b5: {  	v35 =	vld [tilespmem:s2+$0x11400]  }
0x1b6: {  	v36 =	vld [tilespmem:s2+$0x10420]  }
0x1b7: {  	v37 =	vld [tilespmem:s2+$0x10C00]  }
0x1b8: {  	v38 =	vld [tilespmem:s2+$0xFC20]  }
0x1b9: {  	v39 =	vld [tilespmem:s2+$0xF430]  }
0x1ba: {  	v40 =	vld [tilespmem:s2+$0x10400]  }
0x1bb: {  	v41 =	vld [tilespmem:s2+$0xF420]  }
0x1bc: {  	v42 =	vld [tilespmem:s2+$0xFC00]  }
0x1bd: {  	v43 =	vld [tilespmem:s2+$0xF400]  }
0x1be: {  	v44 =	vld [tilespmem:s2+$0xEC00]  }
0x1bf: {  	v45 =	vld [tilespmem:s2+$0xF410]  }
0x1c0: {  	v46 =	vld [tilespmem:s2+$0xEC10]  }
0x1c1: {  	v47 =	vld [tilespmem:s2+$0xEC20]  }
0x1c2: {  	v48 =	vld [tilespmem:s2+$0xFC10]  }
0x1c3: {  	v54 =	vld [tilespmem:s2+$0xEC30];
	v43 =	vadd.f32 v43, v44  }
0x1c4: {  	v49 =	vld [tilespmem:s2+$0x10410]  }
0x1c5: {  	v56 =	vld [tilespmem:s2+$0xFC30];
	v55 =	vadd.f32 v45, v46;
	v42 =	vadd.f32 v42, v43  }
0x1c6: {  	v57 =	vld [tilespmem:s2+$0x10C10];
	v41 =	vadd.f32 v41, v47  }
0x1c7: {  	v59 =	vld [tilespmem:s2+$0x10430];
	v58 =	vadd.f32 v48, v55;
	v40 =	vadd.f32 v40, v42  }
0x1c8: {  	v60 =	vld [tilespmem:s2+$0x11410];
	v39 =	vadd.f32 v39, v54;
	v38 =	vadd.f32 v38, v41  }
0x1c9: {  	v62 =	vld [tilespmem:s2+$0x10C30];
	v61 =	vadd.f32 v49, v58;
	v37 =	vadd.f32 v37, v40  }
0x1ca: {  	v63 =	vld [tilespmem:s2+$0x11C10];
	v48 =	vadd.f32 v56, v39;
	v36 =	vadd.f32 v36, v38  }
0x1cb: {  	v50 =	vld [tilespmem:s2+$0x11430];
	v49 =	vadd.f32 v57, v61;
	v35 =	vadd.f32 v35, v37  }
0x1cc: {  	v51 =	vld [tilespmem:s2+$0x12410];
	v52 =	vadd.f32 v59, v48;
	v34 =	vadd.f32 v34, v36  }
0x1cd: {  	v54 =	vld [tilespmem:s2+$0x11C30];
	v53 =	vadd.f32 v60, v49;
	v33 =	vadd.f32 v33, v35  }
0x1ce: {  	v55 =	vld [tilespmem:s2+$0x12C10];
	v56 =	vadd.f32 v62, v52;
	v32 =	vadd.f32 v32, v34  }
0x1cf: {  	v58 =	vld [tilespmem:s2+$0x12430];
	v57 =	vadd.f32 v63, v53;
	v31 =	vadd.f32 v31, v33  }
0x1d0: {  	v59 =	vld [tilespmem:s2+$0x13410];
	v60 =	vadd.f32 v50, v56;
	v30 =	vadd.f32 v30, v32  }
0x1d1: {  	v61 =	vld [tilespmem:s2+$0x12C30];
	v29 =	vadd.f32 v29, v31;
	v31 =	vadd.f32 v51, v57  }
0x1d2: {  	v62 =	vld [tilespmem:s2+$0x13C10];
	v28 =	vadd.f32 v28, v30;
	v30 =	vadd.f32 v54, v60  }
0x1d3: {  	v27 =	vadd.f32 v27, v29;
	v29 =	vadd.f32 v55, v31;
	v31 =	vld [tilespmem:s2+$0x13430]  }
0x1d4: {  	v63 =	vld [tilespmem:s2+$0x14410];
	v26 =	vadd.f32 v26, v28;
	v28 =	vadd.f32 v58, v30  }
0x1d5: {  	v25 =	vadd.f32 v25, v27;
	v27 =	vadd.f32 v59, v29;
	v29 =	vld [tilespmem:s2+$0x13C30]  }
0x1d6: {  	v30 =	vld [tilespmem:s2+$0x14C10];
	v24 =	vadd.f32 v24, v26;
	v26 =	vadd.f32 v61, v28  }
0x1d7: {  	v23 =	vadd.f32 v23, v25;
	v25 =	vadd.f32 v62, v27;
	v27 =	vld [tilespmem:s2+$0x14430]  }
0x1d8: {  	v28 =	vld [tilespmem:s2+$0x15410];
	v22 =	vadd.f32 v22, v24;
	v24 =	vadd.f32 v31, v26  }
0x1d9: {  	v21 =	vadd.f32 v21, v23;
	v23 =	vadd.f32 v63, v25;
	v25 =	vld [tilespmem:s2+$0x14C30]  }
0x1da: {  	v20 =	vadd.f32 v20, v22;
	v26 =	vld [tilespmem:s2+$0x15C10];
	v22 =	vadd.f32 v29, v24  }
0x1db: {  	v19 =	vadd.f32 v19, v21;
	v21 =	vadd.f32 v30, v23;
	v23 =	vld [tilespmem:s2+$0x15430]  }
0x1dc: {  	v18 =	vadd.f32 v18, v20;
	v24 =	vld [tilespmem:s2+$0x16410];
	v20 =	vadd.f32 v27, v22  }
0x1dd: {  	v17 =	vadd.f32 v17, v19;
	v19 =	vadd.f32 v28, v21;
	v21 =	vld [tilespmem:s2+$0x15C30]  }
0x1de: {  	v16 =	vadd.f32 v16, v18;
	v22 =	vld [tilespmem:s2+$0x16C10];
	v18 =	vadd.f32 v25, v20  }
0x1df: {  	v15 =	vadd.f32 v15, v17;
	v17 =	vadd.f32 v26, v19;
	v19 =	vld [tilespmem:s2+$0x16430]  }
0x1e0: {  	v14 =	vadd.f32 v14, v16;
	v20 =	vld [tilespmem:s2+$0x17410];
	v16 =	vadd.f32 v23, v18  }
0x1e1: {  	v13 =	vadd.f32 v13, v15;
	v15 =	vadd.f32 v24, v17;
	v17 =	vld [tilespmem:s2+$0x16C30]  }
0x1e2: {  	v12 =	vadd.f32 v12, v14;
	v18 =	vld [tilespmem:s2+$0x17C10];
	v14 =	vadd.f32 v21, v16  }
0x1e3: {  	v16 =	vld [tilespmem:s2+$0x3400];
	v11 =	vadd.f32 v11, v13;
	v13 =	vadd.f32 v22, v15  }
0x1e4: {  	v10 =	vadd.f32 v10, v12;
	v12 =	vld [tilespmem:s2+$0x17C20];
	v14 =	vadd.f32 v19, v14  }
0x1e5: {  	v9 =	vadd.f32 v9, v11;
	v11 =	vld [tilespmem:s2+$0x3410];
	v13 =	vadd.f32 v20, v13  }
0x1e6: {  	v8 =	vadd.f32 v8, v10;
	v10 =	vld [tilespmem:s2+$0x18420];
	v14 =	vadd.f32 v17, v14  }
0x1e7: {  	v7 =	vadd.f32 v7, v9;
	v9 =	vadd.f32 v18, v13;
	v13 =	vld [tilespmem:s2+$0x3420]  }
0x1e8: {  	v6 =	vmul.f32 v6, v16;
	v5 =	vadd.f32 v5, v14;
	v14 =	vld [tilespmem:s2+$0x18430]  }
0x1e9: {  	v8 =	vadd.f32 v12, v8;
	v7 =	vmul.f32 v7, v16;
	v4 =	vadd.f32 v4, v9;
	v9 =	vld [tilespmem:s2+$0x3430]  }
0x1ea: {  	v6 =	vadd.f32 $0.0e+00, v6;
	v3 =	vmul.f32 v3, v11;
	v2 =	vadd.f32 v2, v5  }
0x1eb: {  	v5 =	vadd.f32 $0.0e+00, v7;
	v4 =	vmul.f32 v4, v11;
	v7 =	vadd.f32 v10, v8  }
0x1ec: {  	v3 =	vadd.f32 v3, v6;
	v1 =	vmul.f32 v1, v13  }
0x1ed: {  	v4 =	vadd.f32 v4, v5;
	v5 =	vmul.f32 v7, v13;
	v2 =	vadd.f32 v14, v2  }
0x1ee: {  	v1 =	vadd.f32 v1, v3;
	v0 =	vmul.f32 v0, v9  }
0x1ef: {  	v3 =	vadd.f32 v5, v4;
	v2 =	vmul.f32 v2, v9  }
0x1f0: {  	v0 =	vadd.f32 v0, v1  }
0x1f1: {  	v1 =	vadd.f32 v2, v3  }
0x1f2: {  	[tilespmem:s9+$0x0] =	vst v0  }
0x1f3: {  	s10 =	simm.s32 $0x80;
	[tilespmem:s8+$0x0] =	vst v1  }
0x1f4: {  	v0 =	vld [tilespmem:s10+$0x4430]  }
0x1f5: {  	v1 =	vld [tilespmem:s10+$0x4420]  }
0x1f6: {  	v2 =	vld [tilespmem:s10+$0x17C30]  }
0x1f7: {  	v3 =	vld [tilespmem:s10+$0x4410]  }
0x1f8: {  	v4 =	vld [tilespmem:s10+$0x18410]  }
0x1f9: {  	v5 =	vld [tilespmem:s10+$0x17430]  }
0x1fa: {  	v6 =	vld [tilespmem:s10+$0x4400]  }
0x1fb: {  	v7 =	vld [tilespmem:s10+$0x18400]  }
0x1fc: {  	v8 =	vld [tilespmem:s10+$0x17420]  }
0x1fd: {  	v9 =	vld [tilespmem:s10+$0x17C00]  }
0x1fe: {  	v10 =	vld [tilespmem:s10+$0x16C20]  }
0x1ff: {  	v11 =	vld [tilespmem:s10+$0x17400]  }
0x200: {  	v12 =	vld [tilespmem:s10+$0x16420]  }
0x201: {  	v13 =	vld [tilespmem:s10+$0x16C00]  }
0x202: {  	v14 =	vld [tilespmem:s10+$0x15C20]  }
0x203: {  	v15 =	vld [tilespmem:s10+$0x16400]  }
0x204: {  	v16 =	vld [tilespmem:s10+$0x15420]  }
0x205: {  	v17 =	vld [tilespmem:s10+$0x15C00]  }
0x206: {  	v18 =	vld [tilespmem:s10+$0x14C20]  }
0x207: {  	v19 =	vld [tilespmem:s10+$0x15400]  }
0x208: {  	v20 =	vld [tilespmem:s10+$0x14420]  }
0x209: {  	v21 =	vld [tilespmem:s10+$0x14C00]  }
0x20a: {  	v22 =	vld [tilespmem:s10+$0x13C20]  }
0x20b: {  	v23 =	vld [tilespmem:s10+$0x14400]  }
0x20c: {  	v24 =	vld [tilespmem:s10+$0x13420]  }
0x20d: {  	v25 =	vld [tilespmem:s10+$0x13C00]  }
0x20e: {  	v26 =	vld [tilespmem:s10+$0x12C20]  }
0x20f: {  	v27 =	vld [tilespmem:s10+$0x13400]  }
0x210: {  	v28 =	vld [tilespmem:s10+$0x12420]  }
0x211: {  	v29 =	vld [tilespmem:s10+$0x12C00]  }
0x212: {  	v30 =	vld [tilespmem:s10+$0x11C20]  }
0x213: {  	v31 =	vld [tilespmem:s10+$0x12400]  }
0x214: {  	v32 =	vld [tilespmem:s10+$0x11420]  }
0x215: {  	v33 =	vld [tilespmem:s10+$0x11C00]  }
0x216: {  	v34 =	vld [tilespmem:s10+$0x10C20]  }
0x217: {  	v35 =	vld [tilespmem:s10+$0x11400]  }
0x218: {  	v36 =	vld [tilespmem:s10+$0x10420]  }
0x219: {  	v37 =	vld [tilespmem:s10+$0x10C00]  }
0x21a: {  	v38 =	vld [tilespmem:s10+$0xFC20]  }
0x21b: {  	v39 =	vld [tilespmem:s10+$0xF430]  }
0x21c: {  	v40 =	vld [tilespmem:s10+$0x10400]  }
0x21d: {  	v41 =	vld [tilespmem:s10+$0xF420]  }
0x21e: {  	v42 =	vld [tilespmem:s10+$0xFC00]  }
0x21f: {  	s13 =	smov.u32 s9;
	s12 =	smov.u32 s8;
	s2 =	simm.s32 $0x400;
	v43 =	vld [tilespmem:s10+$0xF400]  }
.LBB2_7:
0x220: {  	p0 =	sne.s32 s2, $0x1E00;
	v44 =	vld [tilespmem:s10+$0xEC00]  }
0x221: {  	v45 =	vld [tilespmem:s10+$0xF410]  }
0x222: {  	v46 =	vld [tilespmem:s10+$0xEC10]  }
0x223: {  	v47 =	vld [tilespmem:s10+$0xEC20]  }
0x224: {  	v48 =	vld [tilespmem:s10+$0xFC10]  }
0x225: {  	v43 =	vadd.f32 v43, v44;
	v44 =	vld [tilespmem:s10+$0xEC30]  }
0x226: {  	v49 =	vld [tilespmem:s10+$0x10410]  }
0x227: {  	v42 =	vadd.f32 v42, v43;
	v43 =	vadd.f32 v45, v46;
	v45 =	vld [tilespmem:s10+$0xFC30]  }
0x228: {  	v46 =	vld [tilespmem:s10+$0x10C10];
	v41 =	vadd.f32 v41, v47  }
0x229: {  	v40 =	vadd.f32 v40, v42;
	v42 =	vadd.f32 v48, v43;
	v43 =	vld [tilespmem:s10+$0x10430]  }
0x22a: {  	v47 =	vld [tilespmem:s10+$0x11410];
	v38 =	vadd.f32 v38, v41;
	v39 =	vadd.f32 v39, v44  }
0x22b: {  	v37 =	vadd.f32 v37, v40;
	v40 =	vadd.f32 v49, v42;
	v41 =	vld [tilespmem:s10+$0x10C30]  }
0x22c: {  	v42 =	vld [tilespmem:s10+$0x11C10];
	v36 =	vadd.f32 v36, v38;
	v38 =	vadd.f32 v45, v39  }
0x22d: {  	v35 =	vadd.f32 v35, v37;
	v37 =	vadd.f32 v46, v40;
	v39 =	vld [tilespmem:s10+$0x11430]  }
0x22e: {  	v40 =	vld [tilespmem:s10+$0x12410];
	v34 =	vadd.f32 v34, v36;
	v36 =	vadd.f32 v43, v38  }
0x22f: {  	v33 =	vadd.f32 v33, v35;
	v35 =	vadd.f32 v47, v37;
	v37 =	vld [tilespmem:s10+$0x11C30]  }
0x230: {  	v38 =	vld [tilespmem:s10+$0x12C10];
	v32 =	vadd.f32 v32, v34;
	v34 =	vadd.f32 v41, v36  }
0x231: {  	v31 =	vadd.f32 v31, v33;
	v33 =	vadd.f32 v42, v35;
	v35 =	vld [tilespmem:s10+$0x12430]  }
0x232: {  	v36 =	vld [tilespmem:s10+$0x13410];
	v30 =	vadd.f32 v30, v32;
	v32 =	vadd.f32 v39, v34  }
0x233: {  	v29 =	vadd.f32 v29, v31;
	v31 =	vadd.f32 v40, v33;
	v33 =	vld [tilespmem:s10+$0x12C30]  }
0x234: {  	v34 =	vld [tilespmem:s10+$0x13C10];
	v28 =	vadd.f32 v28, v30;
	v30 =	vadd.f32 v37, v32  }
0x235: {  	v27 =	vadd.f32 v27, v29;
	v29 =	vadd.f32 v38, v31;
	v31 =	vld [tilespmem:s10+$0x13430]  }
0x236: {  	v32 =	vld [tilespmem:s10+$0x14410];
	v26 =	vadd.f32 v26, v28;
	v28 =	vadd.f32 v35, v30  }
0x237: {  	v25 =	vadd.f32 v25, v27;
	v27 =	vadd.f32 v36, v29;
	v29 =	vld [tilespmem:s10+$0x13C30]  }
0x238: {  	v30 =	vld [tilespmem:s10+$0x14C10];
	v24 =	vadd.f32 v24, v26;
	v26 =	vadd.f32 v33, v28  }
0x239: {  	v23 =	vadd.f32 v23, v25;
	v25 =	vadd.f32 v34, v27;
	v27 =	vld [tilespmem:s10+$0x14430]  }
0x23a: {  	v28 =	vld [tilespmem:s10+$0x15410];
	v22 =	vadd.f32 v22, v24;
	v24 =	vadd.f32 v31, v26  }
0x23b: {  	v21 =	vadd.f32 v21, v23;
	v23 =	vadd.f32 v32, v25;
	v25 =	vld [tilespmem:s10+$0x14C30]  }
0x23c: {  	v26 =	vld [tilespmem:s10+$0x15C10];
	v20 =	vadd.f32 v20, v22;
	v22 =	vadd.f32 v29, v24  }
0x23d: {  	v19 =	vadd.f32 v19, v21;
	v21 =	vadd.f32 v30, v23;
	v23 =	vld [tilespmem:s10+$0x15430]  }
0x23e: {  	v24 =	vld [tilespmem:s10+$0x16410];
	v18 =	vadd.f32 v18, v20;
	v20 =	vadd.f32 v27, v22  }
0x23f: {  	v17 =	vadd.f32 v17, v19;
	v19 =	vadd.f32 v28, v21;
	v21 =	vld [tilespmem:s10+$0x15C30]  }
0x240: {  	v22 =	vld [tilespmem:s10+$0x16C10];
	v16 =	vadd.f32 v16, v18;
	v18 =	vadd.f32 v25, v20  }
0x241: {  	v15 =	vadd.f32 v15, v17;
	v17 =	vadd.f32 v26, v19;
	v19 =	vld [tilespmem:s10+$0x16430]  }
0x242: {  	v20 =	vld [tilespmem:s10+$0x17410];
	v14 =	vadd.f32 v14, v16;
	v16 =	vadd.f32 v23, v18  }
0x243: {  	v13 =	vadd.f32 v13, v15;
	v15 =	vadd.f32 v24, v17;
	v17 =	vld [tilespmem:s10+$0x16C30]  }
0x244: {  	v18 =	vld [tilespmem:s10+$0x17C10];
	v12 =	vadd.f32 v12, v14;
	v14 =	vadd.f32 v21, v16  }
0x245: {  	v16 =	vld [tilespmem:s10+$0x3400];
	v11 =	vadd.f32 v11, v13;
	v13 =	vadd.f32 v22, v15  }
0x246: {  	v10 =	vadd.f32 v10, v12;
	v12 =	vld [tilespmem:s10+$0x17C20];
	v14 =	vadd.f32 v19, v14  }
0x247: {  	v9 =	vadd.f32 v9, v11;
	v11 =	vld [tilespmem:s10+$0x3410];
	v13 =	vadd.f32 v20, v13  }
0x248: {  	v8 =	vadd.f32 v8, v10;
	v10 =	vld [tilespmem:s10+$0x18420];
	v14 =	vadd.f32 v17, v14  }
0x249: {  	v7 =	vadd.f32 v7, v9;
	v9 =	vadd.f32 v18, v13;
	v13 =	vld [tilespmem:s10+$0x3420]  }
0x24a: {  	v6 =	vmul.f32 v6, v16;
	v5 =	vadd.f32 v5, v14;
	v14 =	vld [tilespmem:s10+$0x18430]  }
0x24b: {  	v7 =	vmul.f32 v7, v16;
	v4 =	vadd.f32 v4, v9;
	v8 =	vadd.f32 v12, v8;
	v9 =	vld [tilespmem:s10+$0x3430]  }
0x24c: {  	v6 =	vadd.f32 $0.0e+00, v6;
	v3 =	vmul.f32 v3, v11;
	v2 =	vadd.f32 v2, v5  }
0x24d: {  	v5 =	vadd.f32 $0.0e+00, v7;
	v4 =	vmul.f32 v4, v11;
	v7 =	vadd.f32 v10, v8  }
0x24e: {  	v3 =	vadd.f32 v3, v6;
	v1 =	vmul.f32 v1, v13  }
0x24f: {  	v4 =	vadd.f32 v4, v5;
	v5 =	vmul.f32 v7, v13;
	v2 =	vadd.f32 v14, v2  }
0x250: {  	v1 =	vadd.f32 v1, v3;
	v0 =	vmul.f32 v0, v9  }
0x251: {  	v3 =	vadd.f32 v5, v4;
	v2 =	vmul.f32 v2, v9  }
0x252: {  	v0 =	vadd.f32 v0, v1  }
0x253: {  	s13 =	sadd.s32 $0x10, s13;
	v1 =	vadd.f32 v2, v3  }
0x254: {  	s12 =	sadd.s32 $0x10, s12;
	[tilespmem:s13+$0x0] =	vst v0  }
0x255: {  	s10 =	sshra.s32 s2, $0x2;
	[tilespmem:s12+$0x0] =	vst v1  }
0x256: {  	v0 =	vld [tilespmem:s10+$0x4430]  }
0x257: {  	v1 =	vld [tilespmem:s10+$0x4420]  }
0x258: {  	v2 =	vld [tilespmem:s10+$0x17C30]  }
0x259: {  	v3 =	vld [tilespmem:s10+$0x4410]  }
0x25a: {  	v4 =	vld [tilespmem:s10+$0x18410]  }
0x25b: {  	v5 =	vld [tilespmem:s10+$0x17430]  }
0x25c: {  	v6 =	vld [tilespmem:s10+$0x4400]  }
0x25d: {  	v7 =	vld [tilespmem:s10+$0x18400]  }
0x25e: {  	v8 =	vld [tilespmem:s10+$0x17420]  }
0x25f: {  	v9 =	vld [tilespmem:s10+$0x17C00]  }
0x260: {  	v10 =	vld [tilespmem:s10+$0x16C20]  }
0x261: {  	v11 =	vld [tilespmem:s10+$0x17400]  }
0x262: {  	v12 =	vld [tilespmem:s10+$0x16420]  }
0x263: {  	v13 =	vld [tilespmem:s10+$0x16C00]  }
0x264: {  	v14 =	vld [tilespmem:s10+$0x15C20]  }
0x265: {  	v15 =	vld [tilespmem:s10+$0x16400]  }
0x266: {  	v16 =	vld [tilespmem:s10+$0x15420]  }
0x267: {  	v17 =	vld [tilespmem:s10+$0x15C00]  }
0x268: {  	v18 =	vld [tilespmem:s10+$0x14C20]  }
0x269: {  	v19 =	vld [tilespmem:s10+$0x15400]  }
0x26a: {  	v20 =	vld [tilespmem:s10+$0x14420]  }
0x26b: {  	v21 =	vld [tilespmem:s10+$0x14C00]  }
0x26c: {  	v22 =	vld [tilespmem:s10+$0x13C20]  }
0x26d: {  	v23 =	vld [tilespmem:s10+$0x14400]  }
0x26e: {  	v24 =	vld [tilespmem:s10+$0x13420]  }
0x26f: {  	v25 =	vld [tilespmem:s10+$0x13C00]  }
0x270: {  	v26 =	vld [tilespmem:s10+$0x12C20]  }
0x271: {  	v27 =	vld [tilespmem:s10+$0x13400]  }
0x272: {  	v28 =	vld [tilespmem:s10+$0x12420]  }
0x273: {  	v29 =	vld [tilespmem:s10+$0x12C00]  }
0x274: {  	v30 =	vld [tilespmem:s10+$0x11C20]  }
0x275: {  	v31 =	vld [tilespmem:s10+$0x12400]  }
0x276: {  	v32 =	vld [tilespmem:s10+$0x11420]  }
0x277: {  	v33 =	vld [tilespmem:s10+$0x11C00]  }
0x278: {  	v34 =	vld [tilespmem:s10+$0x10C20]  }
0x279: {  	v35 =	vld [tilespmem:s10+$0x11400]  }
0x27a: {  	v36 =	vld [tilespmem:s10+$0x10420]  }
0x27b: {  	v37 =	vld [tilespmem:s10+$0x10C00]  }
0x27c: {  	v38 =	vld [tilespmem:s10+$0xFC20]  }
.Ltmp2:
0x27d: {  	v39 =	vld [tilespmem:s10+$0xF430];
	(pc) =	sbr.rel @p0 .LBB2_7-.Ltmp2, $4  }
0x27e: {  	v40 =	vld [tilespmem:s10+$0x10400]  }
0x27f: {  	v41 =	vld [tilespmem:s10+$0xF420]  }
0x280: {  	v42 =	vld [tilespmem:s10+$0xFC00]  }
0x281: {  	s2 =	sadd.s32 $0x200, s2;
	v43 =	vld [tilespmem:s10+$0xF400]  }
0x282: {  	v44 =	vld [tilespmem:s10+$0xEC00]  }
0x283: {  	v45 =	vld [tilespmem:s10+$0xF410]  }
0x284: {  	v46 =	vld [tilespmem:s10+$0xEC10]  }
0x285: {  	v47 =	vld [tilespmem:s10+$0xEC20]  }
0x286: {  	v48 =	vld [tilespmem:s10+$0xFC10]  }
0x287: {  	v60 =	vld [tilespmem:s10+$0xEC30];
	v43 =	vadd.f32 v43, v44  }
0x288: {  	v49 =	vld [tilespmem:s10+$0x10410]  }
0x289: {  	v62 =	vld [tilespmem:s10+$0xFC30];
	v61 =	vadd.f32 v45, v46;
	v42 =	vadd.f32 v42, v43  }
0x28a: {  	v63 =	vld [tilespmem:s10+$0x10C10];
	v41 =	vadd.f32 v41, v47  }
0x28b: {  	v51 =	vld [tilespmem:s10+$0x10430];
	v50 =	vadd.f32 v48, v61;
	v40 =	vadd.f32 v40, v42  }
0x28c: {  	v52 =	vld [tilespmem:s10+$0x11410];
	v39 =	vadd.f32 v39, v60;
	v38 =	vadd.f32 v38, v41  }
0x28d: {  	v54 =	vld [tilespmem:s10+$0x10C30];
	v53 =	vadd.f32 v49, v50;
	v37 =	vadd.f32 v37, v40  }
0x28e: {  	v55 =	vld [tilespmem:s10+$0x11C10];
	v56 =	vadd.f32 v62, v39;
	v36 =	vadd.f32 v36, v38  }
0x28f: {  	v58 =	vld [tilespmem:s10+$0x11430];
	v57 =	vadd.f32 v63, v53;
	v35 =	vadd.f32 v35, v37  }
0x290: {  	v59 =	vld [tilespmem:s10+$0x12410];
	v60 =	vadd.f32 v51, v56;
	v34 =	vadd.f32 v34, v36  }
0x291: {  	v62 =	vld [tilespmem:s10+$0x11C30];
	v61 =	vadd.f32 v52, v57;
	v33 =	vadd.f32 v33, v35  }
0x292: {  	v63 =	vld [tilespmem:s10+$0x12C10];
	v41 =	vadd.f32 v54, v60;
	v32 =	vadd.f32 v32, v34  }
0x293: {  	v44 =	vld [tilespmem:s10+$0x12430];
	v43 =	vadd.f32 v55, v61;
	v31 =	vadd.f32 v31, v33  }
0x294: {  	v45 =	vld [tilespmem:s10+$0x13410];
	v46 =	vadd.f32 v58, v41;
	v30 =	vadd.f32 v30, v32  }
0x295: {  	v48 =	vld [tilespmem:s10+$0x12C30];
	v47 =	vadd.f32 v59, v43;
	v29 =	vadd.f32 v29, v31  }
0x296: {  	v49 =	vld [tilespmem:s10+$0x13C10];
	v50 =	vadd.f32 v62, v46;
	v28 =	vadd.f32 v28, v30  }
0x297: {  	v52 =	vld [tilespmem:s10+$0x13430];
	v51 =	vadd.f32 v63, v47;
	v27 =	vadd.f32 v27, v29  }
0x298: {  	v53 =	vld [tilespmem:s10+$0x14410];
	v54 =	vadd.f32 v44, v50;
	v26 =	vadd.f32 v26, v28  }
0x299: {  	v56 =	vld [tilespmem:s10+$0x13C30];
	v55 =	vadd.f32 v45, v51;
	v25 =	vadd.f32 v25, v27  }
0x29a: {  	v57 =	vld [tilespmem:s10+$0x14C10];
	v58 =	vadd.f32 v48, v54;
	v24 =	vadd.f32 v24, v26  }
0x29b: {  	v60 =	vld [tilespmem:s10+$0x14430];
	v59 =	vadd.f32 v49, v55;
	v23 =	vadd.f32 v23, v25  }
0x29c: {  	v61 =	vld [tilespmem:s10+$0x15410];
	v62 =	vadd.f32 v52, v58;
	v22 =	vadd.f32 v22, v24  }
0x29d: {  	v31 =	vld [tilespmem:s10+$0x14C30];
	v63 =	vadd.f32 v53, v59;
	v21 =	vadd.f32 v21, v23  }
0x29e: {  	v32 =	vld [tilespmem:s10+$0x15C10];
	v33 =	vadd.f32 v56, v62;
	v20 =	vadd.f32 v20, v22  }
0x29f: {  	v35 =	vld [tilespmem:s10+$0x15430];
	v34 =	vadd.f32 v57, v63;
	v19 =	vadd.f32 v19, v21  }
0x2a0: {  	v36 =	vld [tilespmem:s10+$0x16410];
	v37 =	vadd.f32 v60, v33;
	v18 =	vadd.f32 v18, v20  }
0x2a1: {  	v39 =	vld [tilespmem:s10+$0x15C30];
	v38 =	vadd.f32 v61, v34;
	v17 =	vadd.f32 v17, v19  }
0x2a2: {  	v40 =	vld [tilespmem:s10+$0x16C10];
	v41 =	vadd.f32 v31, v37;
	v16 =	vadd.f32 v16, v18  }
0x2a3: {  	v43 =	vld [tilespmem:s10+$0x16430];
	v42 =	vadd.f32 v32, v38;
	v15 =	vadd.f32 v15, v17  }
0x2a4: {  	v44 =	vld [tilespmem:s10+$0x17410];
	v45 =	vadd.f32 v35, v41;
	v14 =	vadd.f32 v14, v16  }
0x2a5: {  	v47 =	vld [tilespmem:s10+$0x16C30];
	v46 =	vadd.f32 v36, v42;
	v13 =	vadd.f32 v13, v15  }
0x2a6: {  	v48 =	vld [tilespmem:s10+$0x17C10];
	v49 =	vadd.f32 v39, v45;
	v12 =	vadd.f32 v12, v14  }
0x2a7: {  	v50 =	vld [tilespmem:s10+$0x3400];
	v51 =	vadd.f32 v40, v46;
	v11 =	vadd.f32 v11, v13  }
0x2a8: {  	v52 =	vld [tilespmem:s10+$0x17C20];
	v14 =	vadd.f32 v43, v49;
	v10 =	vadd.f32 v10, v12  }
0x2a9: {  	v53 =	vld [tilespmem:s10+$0x3410];
	v13 =	vadd.f32 v44, v51;
	v9 =	vadd.f32 v9, v11  }
0x2aa: {  	v54 =	vld [tilespmem:s10+$0x18420];
	v14 =	vadd.f32 v47, v14;
	v8 =	vadd.f32 v8, v10  }
0x2ab: {  	v56 =	vld [tilespmem:s10+$0x3420];
	v55 =	vadd.f32 v48, v13;
	v7 =	vadd.f32 v7, v9  }
0x2ac: {  	v6 =	vmul.f32 v6, v50;
	v57 =	vld [tilespmem:s10+$0x18430];
	v5 =	vadd.f32 v5, v14  }
0x2ad: {  	v58 =	vld [tilespmem:s10+$0x3430];
	v8 =	vadd.f32 v52, v8;
	v4 =	vadd.f32 v4, v55;
	v7 =	vmul.f32 v7, v50  }
0x2ae: {  	v6 =	vadd.f32 $0.0e+00, v6;
	v3 =	vmul.f32 v3, v53;
	v2 =	vadd.f32 v2, v5  }
0x2af: {  	v60 =	vadd.f32 v54, v8;
	v4 =	vmul.f32 v4, v53;
	v59 =	vadd.f32 $0.0e+00, v7  }
0x2b0: {  	v1 =	vmul.f32 v1, v56;
	v3 =	vadd.f32 v3, v6  }
0x2b1: {  	s7 =	sadd.s32 $0x1, s7;
	v2 =	vadd.f32 v57, v2;
	v61 =	vmul.f32 v60, v56;
	v4 =	vadd.f32 v4, v59  }
0x2b2: {  	p0 =	sne.s32 s7, $0x10;
	v0 =	vmul.f32 v0, v58;
	v1 =	vadd.f32 v1, v3  }
.Ltmp3:
0x2b3: {  	v2 =	vmul.f32 v2, v58;
	v62 =	vadd.f32 v61, v4;
	(pc) =	sbr.rel @p0 .LBB2_2-.Ltmp3, $4  }
0x2b4: {  	v0 =	vadd.f32 v0, v1  }
0x2b5: {  	s2 =	sadd.s32 $0x10, s13;
	v63 =	vadd.f32 v2, v62  }
0x2b6: {  	s15 =	sadd.s32 $0x10, s12;
	s6 =	sadd.s32 $0x20, s6;
	[tilespmem:s2+$0x0] =	vst v0  }
0x2b7: {  	s5 =	sadd.s32 $0xFFFFC000, s5;
	s8 =	sadd.s32 $0x200, s8;
	s9 =	sadd.s32 $0x200, s9;
	[tilespmem:s15+$0x0] =	vst v63  }
0x2b8: {  	s10 =	simm.s32 $0x0;
	s2 =	rddreg [dreg:$0x7];
	s5 =	simm.s32 $0x18C00  }
0x2b9: {  	[hbm4b:s2+s10] =	stream.linear.scatter [tilespmem:s5], [sflag:$0x3], $0x2000, $0x38;
	[tilespmem:$0x1CC00] =	vst v63  }
0x2ba: {  	s5 =	simm.s32 $0x3  }
0x2bb: {  	_ =	swait.ge [sflag:s5], $0x2000  }
0x2bc: {  	[sflag:s5] =	ssyncset.done $0x0  }
0x2bd: {  	s6 =	simm.s32 $0x1AC00;
	s12 =	rddreg [dreg:$0x8];
	[sflag:s5] =	ssyncadd.s32 $0xFFFFE000  }
0x2be: {  	[hbm4b:s12+s10] =	stream.linear.scatter [tilespmem:s6], [sflag:$0x3], $0x2000, $0x38;
	[tilespmem:$0x1CC00] =	vst v63  }
0x2bf: {  	_ =	swait.ge [sflag:s5], $0x2000  }
0x2c0: {  	s13 =	rddreg [dreg:$0xa]  }
0x2c1: {  	s15 =	rddreg [dreg:$0x9];
	s6 =	sadd.s32 $0x1, s13  }
0x2c2: {  	p0 =	sne.s32 s6, s15  }
.Ltmp4:
0x2c3: {  	_ = 	snop;
	(pc) =	sbr.rel @p0 .LBB2_1-.Ltmp4, $3  }
0x2c4: {  	_ =	sdelay $0x1  }
0x2c5: {  	[sflag:s5] =	ssyncset.done $0x0  }
0x2c6: {  	[sflag:s5] =	ssyncadd.s32 $0xFFFFE000  }
0x2c7: {  	_ =	sfence.sel $0x180000  }
0x2c8: {  	[bflag:$0x0] =	sbarrier.arrive $0xFFFF  }
0x2c9: {  	_ =	strace $0x90000047  }
0x2ca: {  	s0 =	stileid.u32;
	[bflag:$0x2] =	sbarrier.arrive $0xFFFF  }
0x2cb: {  	p0 =	sne.s32 s0, $0x0;
	s0 =	rddreg [dreg:$0x3]  }
0x2cc: {  	s0 =	sadd.s32 @!p0 $0x100000, s0  }
0x2cd: {  	[sflag:s0] =	ssyncadd.tile.s32 @!p0 $0x1;
	_ =	shalt  }
.Lfunc_end2:
_tile_overlayer_lowered:
.L_overlay_start_2:
0x2ce: {  	(tag) =	ssettag $0x2  }
0x2cf: {  	s0 =	rddreg [dreg:$0x0];
	s2 =	stileid.u32  }
0x2d0: {  	s1 =	rddreg [dreg:$0x1];
	p0 =	sne.s32 s2, $0x0  }
0x2d1: {  	s3 =	rddreg [dreg:$0x2];
	[bflag:$0x3] =	sbarrier.arrive $0xFFFF;
	s2 =	simm.s32 @!p0 $0x1C03  }
0x2d2: {  	[timem:s3], [sflag:s2] =	dma.local @!p0 [hbm:s0], s1  }
0x2d3: {  	s0 =	simm.s32 @!p0 $0x3  }
0x2d4: {  	_ =	swait.ge @!p0 [sflag:s0], s1  }
0x2d5: {  	s1 =	ssub.s32 @!p0 $0x0, s1;
	[sflag:s0] =	ssyncset.done @!p0 $0x0  }
0x2d6: {  	[sflag:s0] =	ssyncadd.s32 @!p0 s1  }
0x2d7: {  	[bflag:$0x3] =	sbarrier.arrive $0xFFFF  }
0x2d8: {  	_ =	shalt  }

</sc_bundles>
